<compile_context>
chip_gen: v7x
topology: tpu7x:2x2x1
jax: 0.10.2.dev20260603
libtpu: 0.0.44.dev20260713+nightly
codegen_flags: <defaults>
</compile_context>

<pallas_src>
import functools

import jax
import jax.numpy as jnp
from jax import lax
from jax.experimental import pallas as pl
from jax.experimental.pallas import tpu as pltpu
from jax.experimental.pallas import tpu_sc as plsc

D = 128
NC = 2
NS = 16
NW = NC * NS
CHUNK = 80
NBUF = 4
IB = 40


@functools.partial(jax.jit, static_argnames=("n_blocks",))
def _sc_gather(idx4, weights, n_blocks):
    B = NW * n_blocks * IB * CHUNK
    total = n_blocks * IB
    mesh = plsc.VectorSubcoreMesh(core_axis_name="c", subcore_axis_name="s")

    @functools.partial(
        pl.kernel,
        out_type=jax.ShapeDtypeStruct((B, D), jnp.float32),
        mesh=mesh,
        scratch_types=[
            pltpu.VMEM((2, IB, CHUNK), jnp.int32),
            pltpu.VMEM((NBUF, CHUNK, D), jnp.float32),
            pltpu.VMEM_SHARED((8192, D), jnp.float32),
            pltpu.SemaphoreType.DMA((NBUF,)),
            pltpu.SemaphoreType.DMA((NBUF,)),
            pltpu.SemaphoreType.DMA((2,)),
            pltpu.SemaphoreType.DMA,
        ],
    )
    def k(idx_hbm, table_hbm, out_hbm, idx_v, rows_v, table_sh, gsem, ssem, isem, stsem):
        wid = lax.axis_index("s") * NC + lax.axis_index("c")
        base = wid * (total * CHUNK)

        sid = lax.axis_index("s")
        rows_per_tile = 8192 // NS
        staging = pltpu.make_async_copy(
            table_hbm.at[pl.ds(sid * rows_per_tile, rows_per_tile)],
            table_sh.at[pl.ds(sid * rows_per_tile, rows_per_tile)],
            stsem,
        )
        staging.start()
        pltpu.async_copy(idx_hbm.at[wid, 0], idx_v.at[0], isem.at[0])
        staging.wait()
        plsc.subcore_barrier()
        pltpu.make_async_copy(idx_hbm.at[wid, 0], idx_v.at[0], isem.at[0]).wait()

        def load_idx(blk, p):
            return pltpu.make_async_copy(
                idx_hbm.at[wid, blk], idx_v.at[p], isem.at[p]
            )

        def gather(p, j, s):
            return pltpu.make_async_copy(
                table_sh.at[idx_v.at[p].at[j]], rows_v.at[s], gsem.at[s]
            )

        def store(g, s):
            off = base + g * CHUNK
            return pltpu.make_async_copy(
                rows_v.at[s], out_hbm.at[pl.ds(off, CHUNK)], ssem.at[s]
            )

        for j in range(NBUF):
            gather(0, j, j).start()

        def body(k_, _):
            b = lax.rem(k_, 2)

            @pl.when(k_ + 1 < n_blocks)
            def _():
                load_idx(k_ + 1, 1 - b).start()

            for j in range(IB):
                g = k_ * IB + j
                s = j % NBUF
                gather(b, j, s).wait()
                store(g, s).start()

                if j == IB - NBUF:
                    @pl.when(k_ + 1 < n_blocks)
                    def _():
                        load_idx(k_ + 1, 1 - b).wait()

                @pl.when(g + NBUF < total)
                def _():
                    store(g, s).wait()
                    if j < IB - NBUF:
                        gather(b, j + NBUF, s).start()
                    else:
                        gather(1 - b, j + NBUF - IB, s).start()

            return 0

        lax.fori_loop(0, n_blocks, body, 0)

        for s in range(NBUF):
            store(total - NBUF + s, s).wait()

    return k(idx4, weights)


def kernel(detail_pos, weights):
    shape = detail_pos.shape
    flat = detail_pos.reshape(-1).astype(jnp.int32)
    n_blocks = flat.shape[0] // (NW * IB * CHUNK)
    idx4 = flat.reshape(NW, n_blocks, IB, CHUNK)
    out = _sc_gather(idx4, weights.astype(jnp.float32), n_blocks)
    return out.reshape(shape + (weights.shape[-1],))

# --- scband reference (transcript-rebuilt; emitter-appended) ---
"""Pipeline reference for scband-sinusoidal-positional-embedding-73151882985749 (READ-ONLY COPY).

The authoritative reference and input builder live on the scoring server;
editing this copy changes nothing except your own understanding.
"""

import math
import jax, jax.numpy as jnp
import numpy as np

NUM_EMBEDDINGS = 8192
EMBEDDING_DIM = 128


def get_embedding(num_embeddings, embedding_dim):
    assert embedding_dim % 2 == 0
    half_dim = embedding_dim // 2
    emb = math.log(10000) / (half_dim - 1)
    emb = jnp.exp(jnp.arange(half_dim, dtype=jnp.float32) * -emb)
    emb = jnp.arange(num_embeddings, dtype=jnp.float32)[:, None] * emb[None, :]
    emb = jnp.concatenate([jnp.sin(emb), jnp.cos(emb)], axis=1).reshape(num_embeddings, -1)
    return emb


def setup_inputs(seed: int = 0) -> dict:
    key = jax.random.key(seed)
    detail_pos = jax.random.randint(key, (4096, 200), 0, NUM_EMBEDDINGS, dtype=jnp.int64 if jax.config.read('jax_enable_x64') else jnp.int32)
    weights = get_embedding(NUM_EMBEDDINGS, EMBEDDING_DIM)
    return {"detail_pos": detail_pos, "weights": weights}


def reference(detail_pos, weights):
    # detail_pos path of SinusoidalPositionalEmbedding.forward:
    # emb = weights[detail_pos.view(-1)].view(*detail_pos.size(), -1)
    flat = jnp.take(weights, detail_pos.reshape(-1), axis=0)
    return flat.reshape(detail_pos.shape + (weights.shape[-1],))

if __name__ == "__main__":
    import jax
    _d = setup_inputs()
    print(jax.jit(kernel)(*tuple(_d.values())))

</pallas_src>

<mosaic_0001>
#map = affine_map<(d0, d1) -> (0, 0, 0, 0)>
#map1 = affine_map<(d0, d1) -> (0, 0)>
module attributes {stable_mosaic.version = 14 : i64} {
  func.func @k(%arg0: i32, %arg1: i32, %arg2: memref<32x8x40x80xi32, #tpu.memory_space<hbm>>, %arg3: memref<8192x128xf32, #tpu.memory_space<hbm>>, %arg4: memref<819200x128xf32, #tpu.memory_space<hbm>>, %arg5: memref<2x40x80xi32, #tpu.memory_space<vmem>>, %arg6: memref<4x80x128xf32, #tpu.memory_space<vmem>>, %arg7: memref<8192x128xf32, #tpu.memory_space<vmem_shared>>, %arg8: memref<4x!tpu.dma_semaphore, #tpu.memory_space<semaphore_mem>>, %arg9: memref<4x!tpu.dma_semaphore, #tpu.memory_space<semaphore_mem>>, %arg10: memref<2x!tpu.dma_semaphore, #tpu.memory_space<semaphore_mem>>, %arg11: memref<!tpu.dma_semaphore, #tpu.memory_space<semaphore_mem>>) attributes {dimension_semantics = [#tpu.dimension_semantics<core_parallel>, #tpu.dimension_semantics<subcore_parallel>], iteration_bounds = array<i64: 2, 16>, scalar_prefetch = 0 : i64, scratch_operands = 7 : i64, tpu.core_type = #tpu.core_type<sc_vector_subcore>, window_params = [{transform_indices = #map}, {transform_indices = #map1}, {transform_indices = #map1}]} {
    %mul3A = arith.constant 2 : i32
    %mul3A_0 = arith.muli %arg1, %mul3A : i32
    %add3A = arith.addi %mul3A_0, %arg0 : i32
    %mul3A_1 = arith.constant 25600 : i32
    %mul3A_2 = arith.muli %add3A, %mul3A_1 : i32
    %mul3A_3 = arith.constant 512 : i32
    %mul3A_4 = arith.muli %arg1, %mul3A_3 : i32
    %mul3A_5 = arith.constant 512 : i32
    %mul3A_6 = arith.muli %arg1, %mul3A_5 : i32
    %dma_start3A = arith.constant 0 : i32
    %dma_start3A_7 = tpu.memref_slice %arg7[%mul3A_6, %dma_start3A] : memref<8192x128xf32, #tpu.memory_space<vmem_shared>> -> memref<512x128xf32, #tpu.memory_space<vmem_shared>>
    %dma_start3A_8 = arith.constant 0 : i32
    %dma_start3A_9 = tpu.memref_slice %arg3[%mul3A_4, %dma_start3A_8] : memref<8192x128xf32, #tpu.memory_space<hbm>> -> memref<512x128xf32, #tpu.memory_space<hbm>>
    tpu.enqueue_dma source(%dma_start3A_9 : memref<512x128xf32, #tpu.memory_space<hbm>>) target(%dma_start3A_7 : memref<512x128xf32, #tpu.memory_space<vmem_shared>>) target_semaphore(%arg11 : memref<!tpu.dma_semaphore, #tpu.memory_space<semaphore_mem>>)
    %dma_start3A_10 = arith.constant 0 : i32
    %dma_start3A_11 = arith.constant 0 : i32
    %dma_start3A_12 = arith.constant 0 : i32
    %dma_start3A_13 = arith.constant 0 : i32
    %dma_start3A_14 = arith.constant 0 : i32
    %dma_start3A_15 = tpu.memref_slice %arg5[%dma_start3A_11, %dma_start3A_13, %dma_start3A_14] : memref<2x40x80xi32, #tpu.memory_space<vmem>> -> memref<1x40x80xi32, #tpu.memory_space<vmem>>
    %dma_start3A_16 = tpu.memref_squeeze %dma_start3A_15 : memref<1x40x80xi32, #tpu.memory_space<vmem>> -> memref<40x80xi32, #tpu.memory_space<vmem>>
    %dma_start3A_17 = arith.constant 0 : i32
    %dma_start3A_18 = arith.constant 0 : i32
    %dma_start3A_19 = tpu.memref_slice %arg2[%add3A, %dma_start3A_10, %dma_start3A_17, %dma_start3A_18] : memref<32x8x40x80xi32, #tpu.memory_space<hbm>> -> memref<1x1x40x80xi32, #tpu.memory_space<hbm>>
    %dma_start3A_20 = tpu.memref_squeeze %dma_start3A_19 : memref<1x1x40x80xi32, #tpu.memory_space<hbm>> -> memref<40x80xi32, #tpu.memory_space<hbm>>
    %dma_start3A_21 = tpu.memref_slice %arg10[%dma_start3A_12] : memref<2x!tpu.dma_semaphore, #tpu.memory_space<semaphore_mem>> -> memref<1x!tpu.dma_semaphore, #tpu.memory_space<semaphore_mem>>
    %dma_start3A_22 = tpu.memref_squeeze %dma_start3A_21 : memref<1x!tpu.dma_semaphore, #tpu.memory_space<semaphore_mem>> -> memref<!tpu.dma_semaphore, #tpu.memory_space<semaphore_mem>>
    %dma_start3A_23 = arith.constant 0 : i32
    %dma_start3A_24 = arith.constant 0 : i32
    %dma_start3A_25 = tpu.memref_slice %arg5[%dma_start3A_11, %dma_start3A_23, %dma_start3A_24] : memref<2x40x80xi32, #tpu.memory_space<vmem>> -> memref<1x40x80xi32, #tpu.memory_space<vmem>>
    %dma_start3A_26 = tpu.memref_squeeze %dma_start3A_25 : memref<1x40x80xi32, #tpu.memory_space<vmem>> -> memref<40x80xi32, #tpu.memory_space<vmem>>
    %dma_start3A_27 = arith.constant 0 : i32
    %dma_start3A_28 = arith.constant 0 : i32
    %dma_start3A_29 = tpu.memref_slice %arg2[%add3A, %dma_start3A_10, %dma_start3A_27, %dma_start3A_28] : memref<32x8x40x80xi32, #tpu.memory_space<hbm>> -> memref<1x1x40x80xi32, #tpu.memory_space<hbm>>
    %dma_start3A_30 = tpu.memref_squeeze %dma_start3A_29 : memref<1x1x40x80xi32, #tpu.memory_space<hbm>> -> memref<40x80xi32, #tpu.memory_space<hbm>>
    tpu.enqueue_dma source(%dma_start3A_30 : memref<40x80xi32, #tpu.memory_space<hbm>>) target(%dma_start3A_26 : memref<40x80xi32, #tpu.memory_space<vmem>>) target_semaphore(%dma_start3A_22 : memref<!tpu.dma_semaphore, #tpu.memory_space<semaphore_mem>>)
    %dma_wait3A = arith.constant 0 : i32
    %dma_wait3A_31 = tpu.memref_slice %arg7[%mul3A_6, %dma_wait3A] : memref<8192x128xf32, #tpu.memory_space<vmem_shared>> -> memref<512x128xf32, #tpu.memory_space<vmem_shared>>
    %dma_wait3A_32 = arith.constant 0 : i32
    %dma_wait3A_33 = tpu.memref_slice %arg3[%mul3A_4, %dma_wait3A_32] : memref<8192x128xf32, #tpu.memory_space<hbm>> -> memref<512x128xf32, #tpu.memory_space<hbm>>
    tpu.wait_dma2 semaphore(%arg11 : memref<!tpu.dma_semaphore, #tpu.memory_space<semaphore_mem>>) src(%dma_wait3A_33 : memref<512x128xf32, #tpu.memory_space<hbm>>) dst(%dma_wait3A_31 : memref<512x128xf32, #tpu.memory_space<vmem_shared>>)
    %barrier3A = arith.constant 0 : index
    tpu.barrier barrier_id(%barrier3A)
    %dma_wait3A_34 = arith.constant 0 : i32
    %dma_wait3A_35 = arith.constant 0 : i32
    %dma_wait3A_36 = arith.constant 0 : i32
    %dma_wait3A_37 = arith.constant 0 : i32
    %dma_wait3A_38 = arith.constant 0 : i32
    %dma_wait3A_39 = tpu.memref_slice %arg5[%dma_wait3A_35, %dma_wait3A_37, %dma_wait3A_38] : memref<2x40x80xi32, #tpu.memory_space<vmem>> -> memref<1x40x80xi32, #tpu.memory_space<vmem>>
    %dma_wait3A_40 = tpu.memref_squeeze %dma_wait3A_39 : memref<1x40x80xi32, #tpu.memory_space<vmem>> -> memref<40x80xi32, #tpu.memory_space<vmem>>
    %dma_wait3A_41 = arith.constant 0 : i32
    %dma_wait3A_42 = arith.constant 0 : i32
    %dma_wait3A_43 = tpu.memref_slice %arg2[%add3A, %dma_wait3A_34, %dma_wait3A_41, %dma_wait3A_42] : memref<32x8x40x80xi32, #tpu.memory_space<hbm>> -> memref<1x1x40x80xi32, #tpu.memory_space<hbm>>
    %dma_wait3A_44 = tpu.memref_squeeze %dma_wait3A_43 : memref<1x1x40x80xi32, #tpu.memory_space<hbm>> -> memref<40x80xi32, #tpu.memory_space<hbm>>
    %dma_wait3A_45 = tpu.memref_slice %arg10[%dma_wait3A_36] : memref<2x!tpu.dma_semaphore, #tpu.memory_space<semaphore_mem>> -> memref<1x!tpu.dma_semaphore, #tpu.memory_space<semaphore_mem>>
    %dma_wait3A_46 = tpu.memref_squeeze %dma_wait3A_45 : memref<1x!tpu.dma_semaphore, #tpu.memory_space<semaphore_mem>> -> memref<!tpu.dma_semaphore, #tpu.memory_space<semaphore_mem>>
    %dma_wait3A_47 = arith.constant 0 : i32
    %dma_wait3A_48 = arith.constant 0 : i32
    %dma_wait3A_49 = tpu.memref_slice %arg5[%dma_wait3A_35, %dma_wait3A_47, %dma_wait3A_48] : memref<2x40x80xi32, #tpu.memory_space<vmem>> -> memref<1x40x80xi32, #tpu.memory_space<vmem>>
    %dma_wait3A_50 = tpu.memref_squeeze %dma_wait3A_49 : memref<1x40x80xi32, #tpu.memory_space<vmem>> -> memref<40x80xi32, #tpu.memory_space<vmem>>
    %dma_wait3A_51 = arith.constant 0 : i32
    %dma_wait3A_52 = arith.constant 0 : i32
    %dma_wait3A_53 = tpu.memref_slice %arg2[%add3A, %dma_wait3A_34, %dma_wait3A_51, %dma_wait3A_52] : memref<32x8x40x80xi32, #tpu.memory_space<hbm>> -> memref<1x1x40x80xi32, #tpu.memory_space<hbm>>
    %dma_wait3A_54 = tpu.memref_squeeze %dma_wait3A_53 : memref<1x1x40x80xi32, #tpu.memory_space<hbm>> -> memref<40x80xi32, #tpu.memory_space<hbm>>
    tpu.wait_dma2 semaphore(%dma_wait3A_46 : memref<!tpu.dma_semaphore, #tpu.memory_space<semaphore_mem>>) src(%dma_wait3A_54 : memref<40x80xi32, #tpu.memory_space<hbm>>) dst(%dma_wait3A_50 : memref<40x80xi32, #tpu.memory_space<vmem>>)
    %dma_start3A_55 = arith.constant 0 : i32
    %dma_start3A_56 = arith.constant 0 : i32
    %dma_start3A_57 = arith.constant 0 : i32
    %dma_start3A_58 = arith.constant 0 : i32
    %dma_start3A_59 = arith.constant 0 : i32
    %dma_start3A_60 = arith.constant 0 : i32
    %dma_start3A_61 = tpu.memref_slice %arg6[%dma_start3A_57, %dma_start3A_59, %dma_start3A_60] : memref<4x80x128xf32, #tpu.memory_space<vmem>> -> memref<1x80x128xf32, #tpu.memory_space<vmem>>
    %dma_start3A_62 = tpu.memref_squeeze %dma_start3A_61 : memref<1x80x128xf32, #tpu.memory_space<vmem>> -> memref<80x128xf32, #tpu.memory_space<vmem>>
    %dma_start3A_63 = arith.constant 0 : i32
    %dma_start3A_64 = arith.constant 0 : i32
    %dma_start3A_65 = tpu.memref_slice %arg5[%dma_start3A_55, %dma_start3A_63, %dma_start3A_64] : memref<2x40x80xi32, #tpu.memory_space<vmem>> -> memref<1x40x80xi32, #tpu.memory_space<vmem>>
    %dma_start3A_66 = tpu.memref_squeeze %dma_start3A_65 : memref<1x40x80xi32, #tpu.memory_space<vmem>> -> memref<40x80xi32, #tpu.memory_space<vmem>>
    %dma_start3A_67 = arith.constant 0 : i32
    %dma_start3A_68 = tpu.memref_slice %dma_start3A_66[%dma_start3A_56, %dma_start3A_67] : memref<40x80xi32, #tpu.memory_space<vmem>> -> memref<1x80xi32, #tpu.memory_space<vmem>>
    %dma_start3A_69 = tpu.memref_squeeze %dma_start3A_68 : memref<1x80xi32, #tpu.memory_space<vmem>> -> memref<80xi32, #tpu.memory_space<vmem>>
    %dma_start3A_70 = arith.constant 0 : i32
    %dma_start3A_71 = arith.constant 0 : i32
    %dma_start3A_72 = tpu.memref_slice %arg7[%dma_start3A_70, %dma_start3A_71] : memref<8192x128xf32, #tpu.memory_space<vmem_shared>> -> memref<8192x128xf32, #tpu.memory_space<vmem_shared>>
    %dma_start3A_73 = tpu.memref_slice %arg8[%dma_start3A_58] : memref<4x!tpu.dma_semaphore, #tpu.memory_space<semaphore_mem>> -> memref<1x!tpu.dma_semaphore, #tpu.memory_space<semaphore_mem>>
    %dma_start3A_74 = tpu.memref_squeeze %dma_start3A_73 : memref<1x!tpu.dma_semaphore, #tpu.memory_space<semaphore_mem>> -> memref<!tpu.dma_semaphore, #tpu.memory_space<semaphore_mem>>
    tpu.enqueue_indirect_dma source(%dma_start3A_72 : memref<8192x128xf32, #tpu.memory_space<vmem_shared>>) target(%dma_start3A_62 : memref<80x128xf32, #tpu.memory_space<vmem>>) offsets(%dma_start3A_69 : memref<80xi32, #tpu.memory_space<vmem>>) semaphore(%dma_start3A_74 : memref<!tpu.dma_semaphore, #tpu.memory_space<semaphore_mem>>)
    %dma_start3A_75 = arith.constant 0 : i32
    %dma_start3A_76 = arith.constant 1 : i32
    %dma_start3A_77 = arith.constant 1 : i32
    %dma_start3A_78 = arith.constant 1 : i32
    %dma_start3A_79 = arith.constant 0 : i32
    %dma_start3A_80 = arith.constant 0 : i32
    %dma_start3A_81 = tpu.memref_slice %arg6[%dma_start3A_77, %dma_start3A_79, %dma_start3A_80] : memref<4x80x128xf32, #tpu.memory_space<vmem>> -> memref<1x80x128xf32, #tpu.memory_space<vmem>>
    %dma_start3A_82 = tpu.memref_squeeze %dma_start3A_81 : memref<1x80x128xf32, #tpu.memory_space<vmem>> -> memref<80x128xf32, #tpu.memory_space<vmem>>
    %dma_start3A_83 = arith.constant 0 : i32
    %dma_start3A_84 = arith.constant 0 : i32
    %dma_start3A_85 = tpu.memref_slice %arg5[%dma_start3A_75, %dma_start3A_83, %dma_start3A_84] : memref<2x40x80xi32, #tpu.memory_space<vmem>> -> memref<1x40x80xi32, #tpu.memory_space<vmem>>
    %dma_start3A_86 = tpu.memref_squeeze %dma_start3A_85 : memref<1x40x80xi32, #tpu.memory_space<vmem>> -> memref<40x80xi32, #tpu.memory_space<vmem>>
    %dma_start3A_87 = arith.constant 0 : i32
    %dma_start3A_88 = tpu.memref_slice %dma_start3A_86[%dma_start3A_76, %dma_start3A_87] : memref<40x80xi32, #tpu.memory_space<vmem>> -> memref<1x80xi32, #tpu.memory_space<vmem>>
    %dma_start3A_89 = tpu.memref_squeeze %dma_start3A_88 : memref<1x80xi32, #tpu.memory_space<vmem>> -> memref<80xi32, #tpu.memory_space<vmem>>
    %dma_start3A_90 = arith.constant 0 : i32
    %dma_start3A_91 = arith.constant 0 : i32
    %dma_start3A_92 = tpu.memref_slice %arg7[%dma_start3A_90, %dma_start3A_91] : memref<8192x128xf32, #tpu.memory_space<vmem_shared>> -> memref<8192x128xf32, #tpu.memory_space<vmem_shared>>
    %dma_start3A_93 = tpu.memref_slice %arg8[%dma_start3A_78] : memref<4x!tpu.dma_semaphore, #tpu.memory_space<semaphore_mem>> -> memref<1x!tpu.dma_semaphore, #tpu.memory_space<semaphore_mem>>
    %dma_start3A_94 = tpu.memref_squeeze %dma_start3A_93 : memref<1x!tpu.dma_semaphore, #tpu.memory_space<semaphore_mem>> -> memref<!tpu.dma_semaphore, #tpu.memory_space<semaphore_mem>>
    tpu.enqueue_indirect_dma source(%dma_start3A_92 : memref<8192x128xf32, #tpu.memory_space<vmem_shared>>) target(%dma_start3A_82 : memref<80x128xf32, #tpu.memory_space<vmem>>) offsets(%dma_start3A_89 : memref<80xi32, #tpu.memory_space<vmem>>) semaphore(%dma_start3A_94 : memref<!tpu.dma_semaphore, #tpu.memory_space<semaphore_mem>>)
    %dma_start3A_95 = arith.constant 0 : i32
    %dma_start3A_96 = arith.constant 2 : i32
    %dma_start3A_97 = arith.constant 2 : i32
    %dma_start3A_98 = arith.constant 2 : i32
    %dma_start3A_99 = arith.constant 0 : i32
    %dma_start3A_100 = arith.constant 0 : i32
    %dma_start3A_101 = tpu.memref_slice %arg6[%dma_start3A_97, %dma_start3A_99, %dma_start3A_100] : memref<4x80x128xf32, #tpu.memory_space<vmem>> -> memref<1x80x128xf32, #tpu.memory_space<vmem>>
    %dma_start3A_102 = tpu.memref_squeeze %dma_start3A_101 : memref<1x80x128xf32, #tpu.memory_space<vmem>> -> memref<80x128xf32, #tpu.memory_space<vmem>>
    %dma_start3A_103 = arith.constant 0 : i32
    %dma_start3A_104 = arith.constant 0 : i32
    %dma_start3A_105 = tpu.memref_slice %arg5[%dma_start3A_95, %dma_start3A_103, %dma_start3A_104] : memref<2x40x80xi32, #tpu.memory_space<vmem>> -> memref<1x40x80xi32, #tpu.memory_space<vmem>>
    %dma_start3A_106 = tpu.memref_squeeze %dma_start3A_105 : memref<1x40x80xi32, #tpu.memory_space<vmem>> -> memref<40x80xi32, #tpu.memory_space<vmem>>
    %dma_start3A_107 = arith.constant 0 : i32
    %dma_start3A_108 = tpu.memref_slice %dma_start3A_106[%dma_start3A_96, %dma_start3A_107] : memref<40x80xi32, #tpu.memory_space<vmem>> -> memref<1x80xi32, #tpu.memory_space<vmem>>
    %dma_start3A_109 = tpu.memref_squeeze %dma_start3A_108 : memref<1x80xi32, #tpu.memory_space<vmem>> -> memref<80xi32, #tpu.memory_space<vmem>>
    %dma_start3A_110 = arith.constant 0 : i32
    %dma_start3A_111 = arith.constant 0 : i32
    %dma_start3A_112 = tpu.memref_slice %arg7[%dma_start3A_110, %dma_start3A_111] : memref<8192x128xf32, #tpu.memory_space<vmem_shared>> -> memref<8192x128xf32, #tpu.memory_space<vmem_shared>>
    %dma_start3A_113 = tpu.memref_slice %arg8[%dma_start3A_98] : memref<4x!tpu.dma_semaphore, #tpu.memory_space<semaphore_mem>> -> memref<1x!tpu.dma_semaphore, #tpu.memory_space<semaphore_mem>>
    %dma_start3A_114 = tpu.memref_squeeze %dma_start3A_113 : memref<1x!tpu.dma_semaphore, #tpu.memory_space<semaphore_mem>> -> memref<!tpu.dma_semaphore, #tpu.memory_space<semaphore_mem>>
    tpu.enqueue_indirect_dma source(%dma_start3A_112 : memref<8192x128xf32, #tpu.memory_space<vmem_shared>>) target(%dma_start3A_102 : memref<80x128xf32, #tpu.memory_space<vmem>>) offsets(%dma_start3A_109 : memref<80xi32, #tpu.memory_space<vmem>>) semaphore(%dma_start3A_114 : memref<!tpu.dma_semaphore, #tpu.memory_space<semaphore_mem>>)
    %dma_start3A_115 = arith.constant 0 : i32
    %dma_start3A_116 = arith.constant 3 : i32
    %dma_start3A_117 = arith.constant 3 : i32
    %dma_start3A_118 = arith.constant 3 : i32
    %dma_start3A_119 = arith.constant 0 : i32
    %dma_start3A_120 = arith.constant 0 : i32
    %dma_start3A_121 = tpu.memref_slice %arg6[%dma_start3A_117, %dma_start3A_119, %dma_start3A_120] : memref<4x80x128xf32, #tpu.memory_space<vmem>> -> memref<1x80x128xf32, #tpu.memory_space<vmem>>
    %dma_start3A_122 = tpu.memref_squeeze %dma_start3A_121 : memref<1x80x128xf32, #tpu.memory_space<vmem>> -> memref<80x128xf32, #tpu.memory_space<vmem>>
    %dma_start3A_123 = arith.constant 0 : i32
    %dma_start3A_124 = arith.constant 0 : i32
    %dma_start3A_125 = tpu.memref_slice %arg5[%dma_start3A_115, %dma_start3A_123, %dma_start3A_124] : memref<2x40x80xi32, #tpu.memory_space<vmem>> -> memref<1x40x80xi32, #tpu.memory_space<vmem>>
    %dma_start3A_126 = tpu.memref_squeeze %dma_start3A_125 : memref<1x40x80xi32, #tpu.memory_space<vmem>> -> memref<40x80xi32, #tpu.memory_space<vmem>>
    %dma_start3A_127 = arith.constant 0 : i32
    %dma_start3A_128 = tpu.memref_slice %dma_start3A_126[%dma_start3A_116, %dma_start3A_127] : memref<40x80xi32, #tpu.memory_space<vmem>> -> memref<1x80xi32, #tpu.memory_space<vmem>>
    %dma_start3A_129 = tpu.memref_squeeze %dma_start3A_128 : memref<1x80xi32, #tpu.memory_space<vmem>> -> memref<80xi32, #tpu.memory_space<vmem>>
    %dma_start3A_130 = arith.constant 0 : i32
    %dma_start3A_131 = arith.constant 0 : i32
    %dma_start3A_132 = tpu.memref_slice %arg7[%dma_start3A_130, %dma_start3A_131] : memref<8192x128xf32, #tpu.memory_space<vmem_shared>> -> memref<8192x128xf32, #tpu.memory_space<vmem_shared>>
    %dma_start3A_133 = tpu.memref_slice %arg8[%dma_start3A_118] : memref<4x!tpu.dma_semaphore, #tpu.memory_space<semaphore_mem>> -> memref<1x!tpu.dma_semaphore, #tpu.memory_space<semaphore_mem>>
    %dma_start3A_134 = tpu.memref_squeeze %dma_start3A_133 : memref<1x!tpu.dma_semaphore, #tpu.memory_space<semaphore_mem>> -> memref<!tpu.dma_semaphore, #tpu.memory_space<semaphore_mem>>
    tpu.enqueue_indirect_dma source(%dma_start3A_132 : memref<8192x128xf32, #tpu.memory_space<vmem_shared>>) target(%dma_start3A_122 : memref<80x128xf32, #tpu.memory_space<vmem>>) offsets(%dma_start3A_129 : memref<80xi32, #tpu.memory_space<vmem>>) semaphore(%dma_start3A_134 : memref<!tpu.dma_semaphore, #tpu.memory_space<semaphore_mem>>)
    %scan3A = arith.constant 0 : i32
    %scan3A_135 = arith.constant 0 : i32
    %scan3A_136 = arith.constant 8 : i32
    %scan3A_137 = arith.addi %scan3A_135, %scan3A_136 : i32
    %scan3A_138 = arith.constant 1 : i32
    %scan3A_139 = scf.for %scan3A_213 = %scan3A_135 to %scan3A_137 step %scan3A_138 iter_args(%scan3A_214 = %scan3A) -> (i32)  : i32 {
      %rem3A = arith.constant 2 : i32
      %rem3A_215 = arith.remsi %scan3A_213, %rem3A : i32
      %add3A_216 = arith.constant 1 : i32
      %add3A_217 = arith.addi %scan3A_213, %add3A_216 : i32
      %lt3A = arith.constant 8 : i32
      %lt3A_218 = arith.cmpi slt, %add3A_217, %lt3A : i32
      %convert_element_type3A = arith.extui %lt3A_218 : i1 to i32
      %cond3A = arith.constant 0 : i32
      %cond3A_219 = arith.cmpi ne, %convert_element_type3A, %cond3A : i32
      scf.if %cond3A_219 {
        %add3A_2188 = arith.constant 1 : i32
        %add3A_2189 = arith.addi %scan3A_213, %add3A_2188 : i32
        %sub3A = arith.constant 1 : i32
        %sub3A_2190 = arith.subi %sub3A, %rem3A_215 : i32
        %dma_start3A_2191 = arith.constant 0 : i32
        %dma_start3A_2192 = arith.constant 0 : i32
        %dma_start3A_2193 = tpu.memref_slice %arg5[%sub3A_2190, %dma_start3A_2191, %dma_start3A_2192] : memref<2x40x80xi32, #tpu.memory_space<vmem>> -> memref<1x40x80xi32, #tpu.memory_space<vmem>>
        %dma_start3A_2194 = tpu.memref_squeeze %dma_start3A_2193 : memref<1x40x80xi32, #tpu.memory_space<vmem>> -> memref<40x80xi32, #tpu.memory_space<vmem>>
        %dma_start3A_2195 = arith.constant 0 : i32
        %dma_start3A_2196 = arith.constant 0 : i32
        %dma_start3A_2197 = tpu.memref_slice %arg2[%add3A, %add3A_2189, %dma_start3A_2195, %dma_start3A_2196] : memref<32x8x40x80xi32, #tpu.memory_space<hbm>> -> memref<1x1x40x80xi32, #tpu.memory_space<hbm>>
        %dma_start3A_2198 = tpu.memref_squeeze %dma_start3A_2197 : memref<1x1x40x80xi32, #tpu.memory_space<hbm>> -> memref<40x80xi32, #tpu.memory_space<hbm>>
        %dma_start3A_2199 = tpu.memref_slice %arg10[%sub3A_2190] : memref<2x!tpu.dma_semaphore, #tpu.memory_space<semaphore_mem>> -> memref<1x!tpu.dma_semaphore, #tpu.memory_space<semaphore_mem>>
        %dma_start3A_2200 = tpu.memref_squeeze %dma_start3A_2199 : memref<1x!tpu.dma_semaphore, #tpu.memory_space<semaphore_mem>> -> memref<!tpu.dma_semaphore, #tpu.memory_space<semaphore_mem>>
        %dma_start3A_2201 = arith.constant 0 : i32
        %dma_start3A_2202 = arith.constant 0 : i32
        %dma_start3A_2203 = tpu.memref_slice %arg5[%sub3A_2190, %dma_start3A_2201, %dma_start3A_2202] : memref<2x40x80xi32, #tpu.memory_space<vmem>> -> memref<1x40x80xi32, #tpu.memory_space<vmem>>
        %dma_start3A_2204 = tpu.memref_squeeze %dma_start3A_2203 : memref<1x40x80xi32, #tpu.memory_space<vmem>> -> memref<40x80xi32, #tpu.memory_space<vmem>>
        %dma_start3A_2205 = arith.constant 0 : i32
        %dma_start3A_2206 = arith.constant 0 : i32
        %dma_start3A_2207 = tpu.memref_slice %arg2[%add3A, %add3A_2189, %dma_start3A_2205, %dma_start3A_2206] : memref<32x8x40x80xi32, #tpu.memory_space<hbm>> -> memref<1x1x40x80xi32, #tpu.memory_space<hbm>>
        %dma_start3A_2208 = tpu.memref_squeeze %dma_start3A_2207 : memref<1x1x40x80xi32, #tpu.memory_space<hbm>> -> memref<40x80xi32, #tpu.memory_space<hbm>>
        tpu.enqueue_dma source(%dma_start3A_2208 : memref<40x80xi32, #tpu.memory_space<hbm>>) target(%dma_start3A_2204 : memref<40x80xi32, #tpu.memory_space<vmem>>) target_semaphore(%dma_start3A_2200 : memref<!tpu.dma_semaphore, #tpu.memory_space<semaphore_mem>>)
      } else {
      }
      %mul3A_220 = arith.constant 40 : i32
      %mul3A_221 = arith.muli %scan3A_213, %mul3A_220 : i32
      %add3A_222 = arith.constant 0 : i32
      %add3A_223 = arith.addi %mul3A_221, %add3A_222 : i32
      %dma_wait3A_224 = arith.constant 0 : i32
      %dma_wait3A_225 = arith.constant 0 : i32
      %dma_wait3A_226 = arith.constant 0 : i32
      %dma_wait3A_227 = arith.constant 0 : i32
      %dma_wait3A_228 = arith.constant 0 : i32
      %dma_wait3A_229 = tpu.memref_slice %arg6[%dma_wait3A_225, %dma_wait3A_227, %dma_wait3A_228] : memref<4x80x128xf32, #tpu.memory_space<vmem>> -> memref<1x80x128xf32, #tpu.memory_space<vmem>>
      %dma_wait3A_230 = tpu.memref_squeeze %dma_wait3A_229 : memref<1x80x128xf32, #tpu.memory_space<vmem>> -> memref<80x128xf32, #tpu.memory_space<vmem>>
      %dma_wait3A_231 = arith.constant 0 : i32
      %dma_wait3A_232 = arith.constant 0 : i32
      %dma_wait3A_233 = tpu.memref_slice %arg5[%rem3A_215, %dma_wait3A_231, %dma_wait3A_232] : memref<2x40x80xi32, #tpu.memory_space<vmem>> -> memref<1x40x80xi32, #tpu.memory_space<vmem>>
      %dma_wait3A_234 = tpu.memref_squeeze %dma_wait3A_233 : memref<1x40x80xi32, #tpu.memory_space<vmem>> -> memref<40x80xi32, #tpu.memory_space<vmem>>
      %dma_wait3A_235 = arith.constant 0 : i32
      %dma_wait3A_236 = tpu.memref_slice %dma_wait3A_234[%dma_wait3A_224, %dma_wait3A_235] : memref<40x80xi32, #tpu.memory_space<vmem>> -> memref<1x80xi32, #tpu.memory_space<vmem>>
      %dma_wait3A_237 = tpu.memref_squeeze %dma_wait3A_236 : memref<1x80xi32, #tpu.memory_space<vmem>> -> memref<80xi32, #tpu.memory_space<vmem>>
      %dma_wait3A_238 = arith.constant 0 : i32
      %dma_wait3A_239 = arith.constant 0 : i32
      %dma_wait3A_240 = tpu.memref_slice %arg7[%dma_wait3A_238, %dma_wait3A_239] : memref<8192x128xf32, #tpu.memory_space<vmem_shared>> -> memref<8192x128xf32, #tpu.memory_space<vmem_shared>>
      %dma_wait3A_241 = tpu.memref_slice %arg8[%dma_wait3A_226] : memref<4x!tpu.dma_semaphore, #tpu.memory_space<semaphore_mem>> -> memref<1x!tpu.dma_semaphore, #tpu.memory_space<semaphore_mem>>
      %dma_wait3A_242 = tpu.memref_squeeze %dma_wait3A_241 : memref<1x!tpu.dma_semaphore, #tpu.memory_space<semaphore_mem>> -> memref<!tpu.dma_semaphore, #tpu.memory_space<semaphore_mem>>
      tpu.wait_indirect_dma semaphore(%dma_wait3A_242 : memref<!tpu.dma_semaphore, #tpu.memory_space<semaphore_mem>>) src(%dma_wait3A_240 : memref<8192x128xf32, #tpu.memory_space<vmem_shared>>) dst(%dma_wait3A_230 : memref<80x128xf32, #tpu.memory_space<vmem>>)
      %mul3A_243 = arith.constant 80 : i32
      %mul3A_244 = arith.muli %add3A_223, %mul3A_243 : i32
      %add3A_245 = arith.addi %mul3A_2, %mul3A_244 : i32
      %dma_start3A_246 = arith.constant 0 : i32
      %dma_start3A_247 = arith.constant 0 : i32
      %dma_start3A_248 = arith.constant 0 : i32
      %dma_start3A_249 = arith.constant 0 : i32
      %dma_start3A_250 = tpu.memref_slice %arg6[%dma_start3A_246, %dma_start3A_248, %dma_start3A_249] : memref<4x80x128xf32, #tpu.memory_space<vmem>> -> memref<1x80x128xf32, #tpu.memory_space<vmem>>
      %dma_start3A_251 = tpu.memref_squeeze %dma_start3A_250 : memref<1x80x128xf32, #tpu.memory_space<vmem>> -> memref<80x128xf32, #tpu.memory_space<vmem>>
      %dma_start3A_252 = arith.constant 0 : i32
      %dma_start3A_253 = tpu.memref_slice %arg4[%add3A_245, %dma_start3A_252] : memref<819200x128xf32, #tpu.memory_space<hbm>> -> memref<80x128xf32, #tpu.memory_space<hbm>>
      %dma_start3A_254 = tpu.memref_slice %arg9[%dma_start3A_247] : memref<4x!tpu.dma_semaphore, #tpu.memory_space<semaphore_mem>> -> memref<1x!tpu.dma_semaphore, #tpu.memory_space<semaphore_mem>>
      %dma_start3A_255 = tpu.memref_squeeze %dma_start3A_254 : memref<1x!tpu.dma_semaphore, #tpu.memory_space<semaphore_mem>> -> memref<!tpu.dma_semaphore, #tpu.memory_space<semaphore_mem>>
      %dma_start3A_256 = arith.constant 0 : i32
      %dma_start3A_257 = tpu.memref_slice %arg4[%add3A_245, %dma_start3A_256] : memref<819200x128xf32, #tpu.memory_space<hbm>> -> memref<80x128xf32, #tpu.memory_space<hbm>>
      %dma_start3A_258 = arith.constant 0 : i32
      %dma_start3A_259 = arith.constant 0 : i32
      %dma_start3A_260 = tpu.memref_slice %arg6[%dma_start3A_246, %dma_start3A_258, %dma_start3A_259] : memref<4x80x128xf32, #tpu.memory_space<vmem>> -> memref<1x80x128xf32, #tpu.memory_space<vmem>>
      %dma_start3A_261 = tpu.memref_squeeze %dma_start3A_260 : memref<1x80x128xf32, #tpu.memory_space<vmem>> -> memref<80x128xf32, #tpu.memory_space<vmem>>
      tpu.enqueue_dma source(%dma_start3A_261 : memref<80x128xf32, #tpu.memory_space<vmem>>) target(%dma_start3A_257 : memref<80x128xf32, #tpu.memory_space<hbm>>) target_semaphore(%dma_start3A_255 : memref<!tpu.dma_semaphore, #tpu.memory_space<semaphore_mem>>)
      %add3A_262 = arith.constant 4 : i32
      %add3A_263 = arith.addi %add3A_223, %add3A_262 : i32
      %lt3A_264 = arith.constant 320 : i32
      %lt3A_265 = arith.cmpi slt, %add3A_263, %lt3A_264 : i32
      %convert_element_type3A_266 = arith.extui %lt3A_265 : i1 to i32
      %cond3A_267 = arith.constant 0 : i32
      %cond3A_268 = arith.cmpi ne, %convert_element_type3A_266, %cond3A_267 : i32
      scf.if %cond3A_268 {
        %mul3A_2188 = arith.constant 80 : i32
        %mul3A_2189 = arith.muli %add3A_223, %mul3A_2188 : i32
        %add3A_2190 = arith.addi %mul3A_2, %mul3A_2189 : i32
        %dma_wait3A_2191 = arith.constant 0 : i32
        %dma_wait3A_2192 = arith.constant 0 : i32
        %dma_wait3A_2193 = arith.constant 0 : i32
        %dma_wait3A_2194 = arith.constant 0 : i32
        %dma_wait3A_2195 = tpu.memref_slice %arg6[%dma_wait3A_2191, %dma_wait3A_2193, %dma_wait3A_2194] : memref<4x80x128xf32, #tpu.memory_space<vmem>> -> memref<1x80x128xf32, #tpu.memory_space<vmem>>
        %dma_wait3A_2196 = tpu.memref_squeeze %dma_wait3A_2195 : memref<1x80x128xf32, #tpu.memory_space<vmem>> -> memref<80x128xf32, #tpu.memory_space<vmem>>
        %dma_wait3A_2197 = arith.constant 0 : i32
        %dma_wait3A_2198 = tpu.memref_slice %arg4[%add3A_2190, %dma_wait3A_2197] : memref<819200x128xf32, #tpu.memory_space<hbm>> -> memref<80x128xf32, #tpu.memory_space<hbm>>
        %dma_wait3A_2199 = tpu.memref_slice %arg9[%dma_wait3A_2192] : memref<4x!tpu.dma_semaphore, #tpu.memory_space<semaphore_mem>> -> memref<1x!tpu.dma_semaphore, #tpu.memory_space<semaphore_mem>>
        %dma_wait3A_2200 = tpu.memref_squeeze %dma_wait3A_2199 : memref<1x!tpu.dma_semaphore, #tpu.memory_space<semaphore_mem>> -> memref<!tpu.dma_semaphore, #tpu.memory_space<semaphore_mem>>
        %dma_wait3A_2201 = arith.constant 0 : i32
        %dma_wait3A_2202 = tpu.memref_slice %arg4[%add3A_2190, %dma_wait3A_2201] : memref<819200x128xf32, #tpu.memory_space<hbm>> -> memref<80x128xf32, #tpu.memory_space<hbm>>
        %dma_wait3A_2203 = arith.constant 0 : i32
        %dma_wait3A_2204 = arith.constant 0 : i32
        %dma_wait3A_2205 = tpu.memref_slice %arg6[%dma_wait3A_2191, %dma_wait3A_2203, %dma_wait3A_2204] : memref<4x80x128xf32, #tpu.memory_space<vmem>> -> memref<1x80x128xf32, #tpu.memory_space<vmem>>
        %dma_wait3A_2206 = tpu.memref_squeeze %dma_wait3A_2205 : memref<1x80x128xf32, #tpu.memory_space<vmem>> -> memref<80x128xf32, #tpu.memory_space<vmem>>
        tpu.wait_dma2 semaphore(%dma_wait3A_2200 : memref<!tpu.dma_semaphore, #tpu.memory_space<semaphore_mem>>) src(%dma_wait3A_2206 : memref<80x128xf32, #tpu.memory_space<vmem>>) dst(%dma_wait3A_2202 : memref<80x128xf32, #tpu.memory_space<hbm>>)
        %dma_start3A_2207 = arith.constant 4 : i32
        %dma_start3A_2208 = arith.constant 0 : i32
        %dma_start3A_2209 = arith.constant 0 : i32
        %dma_start3A_2210 = arith.constant 0 : i32
        %dma_start3A_2211 = arith.constant 0 : i32
        %dma_start3A_2212 = tpu.memref_slice %arg6[%dma_start3A_2208, %dma_start3A_2210, %dma_start3A_2211] : memref<4x80x128xf32, #tpu.memory_space<vmem>> -> memref<1x80x128xf32, #tpu.memory_space<vmem>>
        %dma_start3A_2213 = tpu.memref_squeeze %dma_start3A_2212 : memref<1x80x128xf32, #tpu.memory_space<vmem>> -> memref<80x128xf32, #tpu.memory_space<vmem>>
        %dma_start3A_2214 = arith.constant 0 : i32
        %dma_start3A_2215 = arith.constant 0 : i32
        %dma_start3A_2216 = tpu.memref_slice %arg5[%rem3A_215, %dma_start3A_2214, %dma_start3A_2215] : memref<2x40x80xi32, #tpu.memory_space<vmem>> -> memref<1x40x80xi32, #tpu.memory_space<vmem>>
        %dma_start3A_2217 = tpu.memref_squeeze %dma_start3A_2216 : memref<1x40x80xi32, #tpu.memory_space<vmem>> -> memref<40x80xi32, #tpu.memory_space<vmem>>
        %dma_start3A_2218 = arith.constant 0 : i32
        %dma_start3A_2219 = tpu.memref_slice %dma_start3A_2217[%dma_start3A_2207, %dma_start3A_2218] : memref<40x80xi32, #tpu.memory_space<vmem>> -> memref<1x80xi32, #tpu.memory_space<vmem>>
        %dma_start3A_2220 = tpu.memref_squeeze %dma_start3A_2219 : memref<1x80xi32, #tpu.memory_space<vmem>> -> memref<80xi32, #tpu.memory_space<vmem>>
        %dma_start3A_2221 = arith.constant 0 : i32
        %dma_start3A_2222 = arith.constant 0 : i32
        %dma_start3A_2223 = tpu.memref_slice %arg7[%dma_start3A_2221, %dma_start3A_2222] : memref<8192x128xf32, #tpu.memory_space<vmem_shared>> -> memref<8192x128xf32, #tpu.memory_space<vmem_shared>>
        %dma_start3A_2224 = tpu.memref_slice %arg8[%dma_start3A_2209] : memref<4x!tpu.dma_semaphore, #tpu.memory_space<semaphore_mem>> -> memref<1x!tpu.dma_semaphore, #tpu.memory_space<semaphore_mem>>
        %dma_start3A_2225 = tpu.memref_squeeze %dma_start3A_2224 : memref<1x!tpu.dma_semaphore, #tpu.memory_space<semaphore_mem>> -> memref<!tpu.dma_semaphore, #tpu.memory_space<semaphore_mem>>
        tpu.enqueue_indirect_dma source(%dma_start3A_2223 : memref<8192x128xf32, #tpu.memory_space<vmem_shared>>) target(%dma_start3A_2213 : memref<80x128xf32, #tpu.memory_space<vmem>>) offsets(%dma_start3A_2220 : memref<80xi32, #tpu.memory_space<vmem>>) semaphore(%dma_start3A_2225 : memref<!tpu.dma_semaphore, #tpu.memory_space<semaphore_mem>>)
      } else {
      }
      %mul3A_269 = arith.constant 40 : i32
      %mul3A_270 = arith.muli %scan3A_213, %mul3A_269 : i32
      %add3A_271 = arith.constant 1 : i32
      %add3A_272 = arith.addi %mul3A_270, %add3A_271 : i32
      %dma_wait3A_273 = arith.constant 1 : i32
      %dma_wait3A_274 = arith.constant 1 : i32
      %dma_wait3A_275 = arith.constant 1 : i32
      %dma_wait3A_276 = arith.constant 0 : i32
      %dma_wait3A_277 = arith.constant 0 : i32
      %dma_wait3A_278 = tpu.memref_slice %arg6[%dma_wait3A_274, %dma_wait3A_276, %dma_wait3A_277] : memref<4x80x128xf32, #tpu.memory_space<vmem>> -> memref<1x80x128xf32, #tpu.memory_space<vmem>>
      %dma_wait3A_279 = tpu.memref_squeeze %dma_wait3A_278 : memref<1x80x128xf32, #tpu.memory_space<vmem>> -> memref<80x128xf32, #tpu.memory_space<vmem>>
      %dma_wait3A_280 = arith.constant 0 : i32
      %dma_wait3A_281 = arith.constant 0 : i32
      %dma_wait3A_282 = tpu.memref_slice %arg5[%rem3A_215, %dma_wait3A_280, %dma_wait3A_281] : memref<2x40x80xi32, #tpu.memory_space<vmem>> -> memref<1x40x80xi32, #tpu.memory_space<vmem>>
      %dma_wait3A_283 = tpu.memref_squeeze %dma_wait3A_282 : memref<1x40x80xi32, #tpu.memory_space<vmem>> -> memref<40x80xi32, #tpu.memory_space<vmem>>
      %dma_wait3A_284 = arith.constant 0 : i32
      %dma_wait3A_285 = tpu.memref_slice %dma_wait3A_283[%dma_wait3A_273, %dma_wait3A_284] : memref<40x80xi32, #tpu.memory_space<vmem>> -> memref<1x80xi32, #tpu.memory_space<vmem>>
      %dma_wait3A_286 = tpu.memref_squeeze %dma_wait3A_285 : memref<1x80xi32, #tpu.memory_space<vmem>> -> memref<80xi32, #tpu.memory_space<vmem>>
      %dma_wait3A_287 = arith.constant 0 : i32
      %dma_wait3A_288 = arith.constant 0 : i32
      %dma_wait3A_289 = tpu.memref_slice %arg7[%dma_wait3A_287, %dma_wait3A_288] : memref<8192x128xf32, #tpu.memory_space<vmem_shared>> -> memref<8192x128xf32, #tpu.memory_space<vmem_shared>>
      %dma_wait3A_290 = tpu.memref_slice %arg8[%dma_wait3A_275] : memref<4x!tpu.dma_semaphore, #tpu.memory_space<semaphore_mem>> -> memref<1x!tpu.dma_semaphore, #tpu.memory_space<semaphore_mem>>
      %dma_wait3A_291 = tpu.memref_squeeze %dma_wait3A_290 : memref<1x!tpu.dma_semaphore, #tpu.memory_space<semaphore_mem>> -> memref<!tpu.dma_semaphore, #tpu.memory_space<semaphore_mem>>
      tpu.wait_indirect_dma semaphore(%dma_wait3A_291 : memref<!tpu.dma_semaphore, #tpu.memory_space<semaphore_mem>>) src(%dma_wait3A_289 : memref<8192x128xf32, #tpu.memory_space<vmem_shared>>) dst(%dma_wait3A_279 : memref<80x128xf32, #tpu.memory_space<vmem>>)
      %mul3A_292 = arith.constant 80 : i32
      %mul3A_293 = arith.muli %add3A_272, %mul3A_292 : i32
      %add3A_294 = arith.addi %mul3A_2, %mul3A_293 : i32
      %dma_start3A_295 = arith.constant 1 : i32
      %dma_start3A_296 = arith.constant 1 : i32
      %dma_start3A_297 = arith.constant 0 : i32
      %dma_start3A_298 = arith.constant 0 : i32
      %dma_start3A_299 = tpu.memref_slice %arg6[%dma_start3A_295, %dma_start3A_297, %dma_start3A_298] : memref<4x80x128xf32, #tpu.memory_space<vmem>> -> memref<1x80x128xf32, #tpu.memory_space<vmem>>
      %dma_start3A_300 = tpu.memref_squeeze %dma_start3A_299 : memref<1x80x128xf32, #tpu.memory_space<vmem>> -> memref<80x128xf32, #tpu.memory_space<vmem>>
      %dma_start3A_301 = arith.constant 0 : i32
      %dma_start3A_302 = tpu.memref_slice %arg4[%add3A_294, %dma_start3A_301] : memref<819200x128xf32, #tpu.memory_space<hbm>> -> memref<80x128xf32, #tpu.memory_space<hbm>>
      %dma_start3A_303 = tpu.memref_slice %arg9[%dma_start3A_296] : memref<4x!tpu.dma_semaphore, #tpu.memory_space<semaphore_mem>> -> memref<1x!tpu.dma_semaphore, #tpu.memory_space<semaphore_mem>>
      %dma_start3A_304 = tpu.memref_squeeze %dma_start3A_303 : memref<1x!tpu.dma_semaphore, #tpu.memory_space<semaphore_mem>> -> memref<!tpu.dma_semaphore, #tpu.memory_space<semaphore_mem>>
      %dma_start3A_305 = arith.constant 0 : i32
      %dma_start3A_306 = tpu.memref_slice %arg4[%add3A_294, %dma_start3A_305] : memref<819200x128xf32, #tpu.memory_space<hbm>> -> memref<80x128xf32, #tpu.memory_space<hbm>>
      %dma_start3A_307 = arith.constant 0 : i32
      %dma_start3A_308 = arith.constant 0 : i32
      %dma_start3A_309 = tpu.memref_slice %arg6[%dma_start3A_295, %dma_start3A_307, %dma_start3A_308] : memref<4x80x128xf32, #tpu.memory_space<vmem>> -> memref<1x80x128xf32, #tpu.memory_space<vmem>>
      %dma_start3A_310 = tpu.memref_squeeze %dma_start3A_309 : memref<1x80x128xf32, #tpu.memory_space<vmem>> -> memref<80x128xf32, #tpu.memory_space<vmem>>
      tpu.enqueue_dma source(%dma_start3A_310 : memref<80x128xf32, #tpu.memory_space<vmem>>) target(%dma_start3A_306 : memref<80x128xf32, #tpu.memory_space<hbm>>) target_semaphore(%dma_start3A_304 : memref<!tpu.dma_semaphore, #tpu.memory_space<semaphore_mem>>)
      %add3A_311 = arith.constant 4 : i32
      %add3A_312 = arith.addi %add3A_272, %add3A_311 : i32
      %lt3A_313 = arith.constant 320 : i32
      %lt3A_314 = arith.cmpi slt, %add3A_312, %lt3A_313 : i32
      %convert_element_type3A_315 = arith.extui %lt3A_314 : i1 to i32
      %cond3A_316 = arith.constant 0 : i32
      %cond3A_317 = arith.cmpi ne, %convert_element_type3A_315, %cond3A_316 : i32
      scf.if %cond3A_317 {
        %mul3A_2188 = arith.constant 80 : i32
        %mul3A_2189 = arith.muli %add3A_272, %mul3A_2188 : i32
        %add3A_2190 = arith.addi %mul3A_2, %mul3A_2189 : i32
        %dma_wait3A_2191 = arith.constant 1 : i32
        %dma_wait3A_2192 = arith.constant 1 : i32
        %dma_wait3A_2193 = arith.constant 0 : i32
        %dma_wait3A_2194 = arith.constant 0 : i32
        %dma_wait3A_2195 = tpu.memref_slice %arg6[%dma_wait3A_2191, %dma_wait3A_2193, %dma_wait3A_2194] : memref<4x80x128xf32, #tpu.memory_space<vmem>> -> memref<1x80x128xf32, #tpu.memory_space<vmem>>
        %dma_wait3A_2196 = tpu.memref_squeeze %dma_wait3A_2195 : memref<1x80x128xf32, #tpu.memory_space<vmem>> -> memref<80x128xf32, #tpu.memory_space<vmem>>
        %dma_wait3A_2197 = arith.constant 0 : i32
        %dma_wait3A_2198 = tpu.memref_slice %arg4[%add3A_2190, %dma_wait3A_2197] : memref<819200x128xf32, #tpu.memory_space<hbm>> -> memref<80x128xf32, #tpu.memory_space<hbm>>
        %dma_wait3A_2199 = tpu.memref_slice %arg9[%dma_wait3A_2192] : memref<4x!tpu.dma_semaphore, #tpu.memory_space<semaphore_mem>> -> memref<1x!tpu.dma_semaphore, #tpu.memory_space<semaphore_mem>>
        %dma_wait3A_2200 = tpu.memref_squeeze %dma_wait3A_2199 : memref<1x!tpu.dma_semaphore, #tpu.memory_space<semaphore_mem>> -> memref<!tpu.dma_semaphore, #tpu.memory_space<semaphore_mem>>
        %dma_wait3A_2201 = arith.constant 0 : i32
        %dma_wait3A_2202 = tpu.memref_slice %arg4[%add3A_2190, %dma_wait3A_2201] : memref<819200x128xf32, #tpu.memory_space<hbm>> -> memref<80x128xf32, #tpu.memory_space<hbm>>
        %dma_wait3A_2203 = arith.constant 0 : i32
        %dma_wait3A_2204 = arith.constant 0 : i32
        %dma_wait3A_2205 = tpu.memref_slice %arg6[%dma_wait3A_2191, %dma_wait3A_2203, %dma_wait3A_2204] : memref<4x80x128xf32, #tpu.memory_space<vmem>> -> memref<1x80x128xf32, #tpu.memory_space<vmem>>
        %dma_wait3A_2206 = tpu.memref_squeeze %dma_wait3A_2205 : memref<1x80x128xf32, #tpu.memory_space<vmem>> -> memref<80x128xf32, #tpu.memory_space<vmem>>
        tpu.wait_dma2 semaphore(%dma_wait3A_2200 : memref<!tpu.dma_semaphore, #tpu.memory_space<semaphore_mem>>) src(%dma_wait3A_2206 : memref<80x128xf32, #tpu.memory_space<vmem>>) dst(%dma_wait3A_2202 : memref<80x128xf32, #tpu.memory_space<hbm>>)
        %dma_start3A_2207 = arith.constant 5 : i32
        %dma_start3A_2208 = arith.constant 1 : i32
        %dma_start3A_2209 = arith.constant 1 : i32
        %dma_start3A_2210 = arith.constant 0 : i32
        %dma_start3A_2211 = arith.constant 0 : i32
        %dma_start3A_2212 = tpu.memref_slice %arg6[%dma_start3A_2208, %dma_start3A_2210, %dma_start3A_2211] : memref<4x80x128xf32, #tpu.memory_space<vmem>> -> memref<1x80x128xf32, #tpu.memory_space<vmem>>
        %dma_start3A_2213 = tpu.memref_squeeze %dma_start3A_2212 : memref<1x80x128xf32, #tpu.memory_space<vmem>> -> memref<80x128xf32, #tpu.memory_space<vmem>>
        %dma_start3A_2214 = arith.constant 0 : i32
        %dma_start3A_2215 = arith.constant 0 : i32
        %dma_start3A_2216 = tpu.memref_slice %arg5[%rem3A_215, %dma_start3A_2214, %dma_start3A_2215] : memref<2x40x80xi32, #tpu.memory_space<vmem>> -> memref<1x40x80xi32, #tpu.memory_space<vmem>>
        %dma_start3A_2217 = tpu.memref_squeeze %dma_start3A_2216 : memref<1x40x80xi32, #tpu.memory_space<vmem>> -> memref<40x80xi32, #tpu.memory_space<vmem>>
        %dma_start3A_2218 = arith.constant 0 : i32
        %dma_start3A_2219 = tpu.memref_slice %dma_start3A_2217[%dma_start3A_2207, %dma_start3A_2218] : memref<40x80xi32, #tpu.memory_space<vmem>> -> memref<1x80xi32, #tpu.memory_space<vmem>>
        %dma_start3A_2220 = tpu.memref_squeeze %dma_start3A_2219 : memref<1x80xi32, #tpu.memory_space<vmem>> -> memref<80xi32, #tpu.memory_space<vmem>>
        %dma_start3A_2221 = arith.constant 0 : i32
        %dma_start3A_2222 = arith.constant 0 : i32
        %dma_start3A_2223 = tpu.memref_slice %arg7[%dma_start3A_2221, %dma_start3A_2222] : memref<8192x128xf32, #tpu.memory_space<vmem_shared>> -> memref<8192x128xf32, #tpu.memory_space<vmem_shared>>
        %dma_start3A_2224 = tpu.memref_slice %arg8[%dma_start3A_2209] : memref<4x!tpu.dma_semaphore, #tpu.memory_space<semaphore_mem>> -> memref<1x!tpu.dma_semaphore, #tpu.memory_space<semaphore_mem>>
        %dma_start3A_2225 = tpu.memref_squeeze %dma_start3A_2224 : memref<1x!tpu.dma_semaphore, #tpu.memory_space<semaphore_mem>> -> memref<!tpu.dma_semaphore, #tpu.memory_space<semaphore_mem>>
        tpu.enqueue_indirect_dma source(%dma_start3A_2223 : memref<8192x128xf32, #tpu.memory_space<vmem_shared>>) target(%dma_start3A_2213 : memref<80x128xf32, #tpu.memory_space<vmem>>) offsets(%dma_start3A_2220 : memref<80xi32, #tpu.memory_space<vmem>>) semaphore(%dma_start3A_2225 : memref<!tpu.dma_semaphore, #tpu.memory_space<semaphore_mem>>)
      } else {
      }
      %mul3A_318 = arith.constant 40 : i32
      %mul3A_319 = arith.muli %scan3A_213, %mul3A_318 : i32
      %add3A_320 = arith.constant 2 : i32
      %add3A_321 = arith.addi %mul3A_319, %add3A_320 : i32
      %dma_wait3A_322 = arith.constant 2 : i32
      %dma_wait3A_323 = arith.constant 2 : i32
      %dma_wait3A_324 = arith.constant 2 : i32
      %dma_wait3A_325 = arith.constant 0 : i32
      %dma_wait3A_326 = arith.constant 0 : i32
      %dma_wait3A_327 = tpu.memref_slice %arg6[%dma_wait3A_323, %dma_wait3A_325, %dma_wait3A_326] : memref<4x80x128xf32, #tpu.memory_space<vmem>> -> memref<1x80x128xf32, #tpu.memory_space<vmem>>
      %dma_wait3A_328 = tpu.memref_squeeze %dma_wait3A_327 : memref<1x80x128xf32, #tpu.memory_space<vmem>> -> memref<80x128xf32, #tpu.memory_space<vmem>>
      %dma_wait3A_329 = arith.constant 0 : i32
      %dma_wait3A_330 = arith.constant 0 : i32
      %dma_wait3A_331 = tpu.memref_slice %arg5[%rem3A_215, %dma_wait3A_329, %dma_wait3A_330] : memref<2x40x80xi32, #tpu.memory_space<vmem>> -> memref<1x40x80xi32, #tpu.memory_space<vmem>>
      %dma_wait3A_332 = tpu.memref_squeeze %dma_wait3A_331 : memref<1x40x80xi32, #tpu.memory_space<vmem>> -> memref<40x80xi32, #tpu.memory_space<vmem>>
      %dma_wait3A_333 = arith.constant 0 : i32
      %dma_wait3A_334 = tpu.memref_slice %dma_wait3A_332[%dma_wait3A_322, %dma_wait3A_333] : memref<40x80xi32, #tpu.memory_space<vmem>> -> memref<1x80xi32, #tpu.memory_space<vmem>>
      %dma_wait3A_335 = tpu.memref_squeeze %dma_wait3A_334 : memref<1x80xi32, #tpu.memory_space<vmem>> -> memref<80xi32, #tpu.memory_space<vmem>>
      %dma_wait3A_336 = arith.constant 0 : i32
      %dma_wait3A_337 = arith.constant 0 : i32
      %dma_wait3A_338 = tpu.memref_slice %arg7[%dma_wait3A_336, %dma_wait3A_337] : memref<8192x128xf32, #tpu.memory_space<vmem_shared>> -> memref<8192x128xf32, #tpu.memory_space<vmem_shared>>
      %dma_wait3A_339 = tpu.memref_slice %arg8[%dma_wait3A_324] : memref<4x!tpu.dma_semaphore, #tpu.memory_space<semaphore_mem>> -> memref<1x!tpu.dma_semaphore, #tpu.memory_space<semaphore_mem>>
      %dma_wait3A_340 = tpu.memref_squeeze %dma_wait3A_339 : memref<1x!tpu.dma_semaphore, #tpu.memory_space<semaphore_mem>> -> memref<!tpu.dma_semaphore, #tpu.memory_space<semaphore_mem>>
      tpu.wait_indirect_dma semaphore(%dma_wait3A_340 : memref<!tpu.dma_semaphore, #tpu.memory_space<semaphore_mem>>) src(%dma_wait3A_338 : memref<8192x128xf32, #tpu.memory_space<vmem_shared>>) dst(%dma_wait3A_328 : memref<80x128xf32, #tpu.memory_space<vmem>>)
      %mul3A_341 = arith.constant 80 : i32
      %mul3A_342 = arith.muli %add3A_321, %mul3A_341 : i32
      %add3A_343 = arith.addi %mul3A_2, %mul3A_342 : i32
      %dma_start3A_344 = arith.constant 2 : i32
      %dma_start3A_345 = arith.constant 2 : i32
      %dma_start3A_346 = arith.constant 0 : i32
      %dma_start3A_347 = arith.constant 0 : i32
      %dma_start3A_348 = tpu.memref_slice %arg6[%dma_start3A_344, %dma_start3A_346, %dma_start3A_347] : memref<4x80x128xf32, #tpu.memory_space<vmem>> -> memref<1x80x128xf32, #tpu.memory_space<vmem>>
      %dma_start3A_349 = tpu.memref_squeeze %dma_start3A_348 : memref<1x80x128xf32, #tpu.memory_space<vmem>> -> memref<80x128xf32, #tpu.memory_space<vmem>>
      %dma_start3A_350 = arith.constant 0 : i32
      %dma_start3A_351 = tpu.memref_slice %arg4[%add3A_343, %dma_start3A_350] : memref<819200x128xf32, #tpu.memory_space<hbm>> -> memref<80x128xf32, #tpu.memory_space<hbm>>
      %dma_start3A_352 = tpu.memref_slice %arg9[%dma_start3A_345] : memref<4x!tpu.dma_semaphore, #tpu.memory_space<semaphore_mem>> -> memref<1x!tpu.dma_semaphore, #tpu.memory_space<semaphore_mem>>
      %dma_start3A_353 = tpu.memref_squeeze %dma_start3A_352 : memref<1x!tpu.dma_semaphore, #tpu.memory_space<semaphore_mem>> -> memref<!tpu.dma_semaphore, #tpu.memory_space<semaphore_mem>>
      %dma_start3A_354 = arith.constant 0 : i32
      %dma_start3A_355 = tpu.memref_slice %arg4[%add3A_343, %dma_start3A_354] : memref<819200x128xf32, #tpu.memory_space<hbm>> -> memref<80x128xf32, #tpu.memory_space<hbm>>
      %dma_start3A_356 = arith.constant 0 : i32
      %dma_start3A_357 = arith.constant 0 : i32
      %dma_start3A_358 = tpu.memref_slice %arg6[%dma_start3A_344, %dma_start3A_356, %dma_start3A_357] : memref<4x80x128xf32, #tpu.memory_space<vmem>> -> memref<1x80x128xf32, #tpu.memory_space<vmem>>
      %dma_start3A_359 = tpu.memref_squeeze %dma_start3A_358 : memref<1x80x128xf32, #tpu.memory_space<vmem>> -> memref<80x128xf32, #tpu.memory_space<vmem>>
      tpu.enqueue_dma source(%dma_start3A_359 : memref<80x128xf32, #tpu.memory_space<vmem>>) target(%dma_start3A_355 : memref<80x128xf32, #tpu.memory_space<hbm>>) target_semaphore(%dma_start3A_353 : memref<!tpu.dma_semaphore, #tpu.memory_space<semaphore_mem>>)
      %add3A_360 = arith.constant 4 : i32
      %add3A_361 = arith.addi %add3A_321, %add3A_360 : i32
      %lt3A_362 = arith.constant 320 : i32
      %lt3A_363 = arith.cmpi slt, %add3A_361, %lt3A_362 : i32
      %convert_element_type3A_364 = arith.extui %lt3A_363 : i1 to i32
      %cond3A_365 = arith.constant 0 : i32
      %cond3A_366 = arith.cmpi ne, %convert_element_type3A_364, %cond3A_365 : i32
      scf.if %cond3A_366 {
        %mul3A_2188 = arith.constant 80 : i32
        %mul3A_2189 = arith.muli %add3A_321, %mul3A_2188 : i32
        %add3A_2190 = arith.addi %mul3A_2, %mul3A_2189 : i32
        %dma_wait3A_2191 = arith.constant 2 : i32
        %dma_wait3A_2192 = arith.constant 2 : i32
        %dma_wait3A_2193 = arith.constant 0 : i32
        %dma_wait3A_2194 = arith.constant 0 : i32
        %dma_wait3A_2195 = tpu.memref_slice %arg6[%dma_wait3A_2191, %dma_wait3A_2193, %dma_wait3A_2194] : memref<4x80x128xf32, #tpu.memory_space<vmem>> -> memref<1x80x128xf32, #tpu.memory_space<vmem>>
        %dma_wait3A_2196 = tpu.memref_squeeze %dma_wait3A_2195 : memref<1x80x128xf32, #tpu.memory_space<vmem>> -> memref<80x128xf32, #tpu.memory_space<vmem>>
        %dma_wait3A_2197 = arith.constant 0 : i32
        %dma_wait3A_2198 = tpu.memref_slice %arg4[%add3A_2190, %dma_wait3A_2197] : memref<819200x128xf32, #tpu.memory_space<hbm>> -> memref<80x128xf32, #tpu.memory_space<hbm>>
        %dma_wait3A_2199 = tpu.memref_slice %arg9[%dma_wait3A_2192] : memref<4x!tpu.dma_semaphore, #tpu.memory_space<semaphore_mem>> -> memref<1x!tpu.dma_semaphore, #tpu.memory_space<semaphore_mem>>
        %dma_wait3A_2200 = tpu.memref_squeeze %dma_wait3A_2199 : memref<1x!tpu.dma_semaphore, #tpu.memory_space<semaphore_mem>> -> memref<!tpu.dma_semaphore, #tpu.memory_space<semaphore_mem>>
        %dma_wait3A_2201 = arith.constant 0 : i32
        %dma_wait3A_2202 = tpu.memref_slice %arg4[%add3A_2190, %dma_wait3A_2201] : memref<819200x128xf32, #tpu.memory_space<hbm>> -> memref<80x128xf32, #tpu.memory_space<hbm>>
        %dma_wait3A_2203 = arith.constant 0 : i32
        %dma_wait3A_2204 = arith.constant 0 : i32
        %dma_wait3A_2205 = tpu.memref_slice %arg6[%dma_wait3A_2191, %dma_wait3A_2203, %dma_wait3A_2204] : memref<4x80x128xf32, #tpu.memory_space<vmem>> -> memref<1x80x128xf32, #tpu.memory_space<vmem>>
        %dma_wait3A_2206 = tpu.memref_squeeze %dma_wait3A_2205 : memref<1x80x128xf32, #tpu.memory_space<vmem>> -> memref<80x128xf32, #tpu.memory_space<vmem>>
        tpu.wait_dma2 semaphore(%dma_wait3A_2200 : memref<!tpu.dma_semaphore, #tpu.memory_space<semaphore_mem>>) src(%dma_wait3A_2206 : memref<80x128xf32, #tpu.memory_space<vmem>>) dst(%dma_wait3A_2202 : memref<80x128xf32, #tpu.memory_space<hbm>>)
        %dma_start3A_2207 = arith.constant 6 : i32
        %dma_start3A_2208 = arith.constant 2 : i32
        %dma_start3A_2209 = arith.constant 2 : i32
        %dma_start3A_2210 = arith.constant 0 : i32
        %dma_start3A_2211 = arith.constant 0 : i32
        %dma_start3A_2212 = tpu.memref_slice %arg6[%dma_start3A_2208, %dma_start3A_2210, %dma_start3A_2211] : memref<4x80x128xf32, #tpu.memory_space<vmem>> -> memref<1x80x128xf32, #tpu.memory_space<vmem>>
        %dma_start3A_2213 = tpu.memref_squeeze %dma_start3A_2212 : memref<1x80x128xf32, #tpu.memory_space<vmem>> -> memref<80x128xf32, #tpu.memory_space<vmem>>
        %dma_start3A_2214 = arith.constant 0 : i32
        %dma_start3A_2215 = arith.constant 0 : i32
        %dma_start3A_2216 = tpu.memref_slice %arg5[%rem3A_215, %dma_start3A_2214, %dma_start3A_2215] : memref<2x40x80xi32, #tpu.memory_space<vmem>> -> memref<1x40x80xi32, #tpu.memory_space<vmem>>
        %dma_start3A_2217 = tpu.memref_squeeze %dma_start3A_2216 : memref<1x40x80xi32, #tpu.memory_space<vmem>> -> memref<40x80xi32, #tpu.memory_space<vmem>>
        %dma_start3A_2218 = arith.constant 0 : i32
        %dma_start3A_2219 = tpu.memref_slice %dma_start3A_2217[%dma_start3A_2207, %dma_start3A_2218] : memref<40x80xi32, #tpu.memory_space<vmem>> -> memref<1x80xi32, #tpu.memory_space<vmem>>
        %dma_start3A_2220 = tpu.memref_squeeze %dma_start3A_2219 : memref<1x80xi32, #tpu.memory_space<vmem>> -> memref<80xi32, #tpu.memory_space<vmem>>
        %dma_start3A_2221 = arith.constant 0 : i32
        %dma_start3A_2222 = arith.constant 0 : i32
        %dma_start3A_2223 = tpu.memref_slice %arg7[%dma_start3A_2221, %dma_start3A_2222] : memref<8192x128xf32, #tpu.memory_space<vmem_shared>> -> memref<8192x128xf32, #tpu.memory_space<vmem_shared>>
        %dma_start3A_2224 = tpu.memref_slice %arg8[%dma_start3A_2209] : memref<4x!tpu.dma_semaphore, #tpu.memory_space<semaphore_mem>> -> memref<1x!tpu.dma_semaphore, #tpu.memory_space<semaphore_mem>>
        %dma_start3A_2225 = tpu.memref_squeeze %dma_start3A_2224 : memref<1x!tpu.dma_semaphore, #tpu.memory_space<semaphore_mem>> -> memref<!tpu.dma_semaphore, #tpu.memory_space<semaphore_mem>>
        tpu.enqueue_indirect_dma source(%dma_start3A_2223 : memref<8192x128xf32, #tpu.memory_space<vmem_shared>>) target(%dma_start3A_2213 : memref<80x128xf32, #tpu.memory_space<vmem>>) offsets(%dma_start3A_2220 : memref<80xi32, #tpu.memory_space<vmem>>) semaphore(%dma_start3A_2225 : memref<!tpu.dma_semaphore, #tpu.memory_space<semaphore_mem>>)
      } else {
      }
      %mul3A_367 = arith.constant 40 : i32
      %mul3A_368 = arith.muli %scan3A_213, %mul3A_367 : i32
      %add3A_369 = arith.constant 3 : i32
      %add3A_370 = arith.addi %mul3A_368, %add3A_369 : i32
      %dma_wait3A_371 = arith.constant 3 : i32
      %dma_wait3A_372 = arith.constant 3 : i32
      %dma_wait3A_373 = arith.constant 3 : i32
      %dma_wait3A_374 = arith.constant 0 : i32
      %dma_wait3A_375 = arith.constant 0 : i32
      %dma_wait3A_376 = tpu.memref_slice %arg6[%dma_wait3A_372, %dma_wait3A_374, %dma_wait3A_375] : memref<4x80x128xf32, #tpu.memory_space<vmem>> -> memref<1x80x128xf32, #tpu.memory_space<vmem>>
      %dma_wait3A_377 = tpu.memref_squeeze %dma_wait3A_376 : memref<1x80x128xf32, #tpu.memory_space<vmem>> -> memref<80x128xf32, #tpu.memory_space<vmem>>
      %dma_wait3A_378 = arith.constant 0 : i32
      %dma_wait3A_379 = arith.constant 0 : i32
      %dma_wait3A_380 = tpu.memref_slice %arg5[%rem3A_215, %dma_wait3A_378, %dma_wait3A_379] : memref<2x40x80xi32, #tpu.memory_space<vmem>> -> memref<1x40x80xi32, #tpu.memory_space<vmem>>
      %dma_wait3A_381 = tpu.memref_squeeze %dma_wait3A_380 : memref<1x40x80xi32, #tpu.memory_space<vmem>> -> memref<40x80xi32, #tpu.memory_space<vmem>>
      %dma_wait3A_382 = arith.constant 0 : i32
      %dma_wait3A_383 = tpu.memref_slice %dma_wait3A_381[%dma_wait3A_371, %dma_wait3A_382] : memref<40x80xi32, #tpu.memory_space<vmem>> -> memref<1x80xi32, #tpu.memory_space<vmem>>
      %dma_wait3A_384 = tpu.memref_squeeze %dma_wait3A_383 : memref<1x80xi32, #tpu.memory_space<vmem>> -> memref<80xi32, #tpu.memory_space<vmem>>
      %dma_wait3A_385 = arith.constant 0 : i32
      %dma_wait3A_386 = arith.constant 0 : i32
      %dma_wait3A_387 = tpu.memref_slice %arg7[%dma_wait3A_385, %dma_wait3A_386] : memref<8192x128xf32, #tpu.memory_space<vmem_shared>> -> memref<8192x128xf32, #tpu.memory_space<vmem_shared>>
      %dma_wait3A_388 = tpu.memref_slice %arg8[%dma_wait3A_373] : memref<4x!tpu.dma_semaphore, #tpu.memory_space<semaphore_mem>> -> memref<1x!tpu.dma_semaphore, #tpu.memory_space<semaphore_mem>>
      %dma_wait3A_389 = tpu.memref_squeeze %dma_wait3A_388 : memref<1x!tpu.dma_semaphore, #tpu.memory_space<semaphore_mem>> -> memref<!tpu.dma_semaphore, #tpu.memory_space<semaphore_mem>>
      tpu.wait_indirect_dma semaphore(%dma_wait3A_389 : memref<!tpu.dma_semaphore, #tpu.memory_space<semaphore_mem>>) src(%dma_wait3A_387 : memref<8192x128xf32, #tpu.memory_space<vmem_shared>>) dst(%dma_wait3A_377 : memref<80x128xf32, #tpu.memory_space<vmem>>)
      %mul3A_390 = arith.constant 80 : i32
      %mul3A_391 = arith.muli %add3A_370, %mul3A_390 : i32
      %add3A_392 = arith.addi %mul3A_2, %mul3A_391 : i32
      %dma_start3A_393 = arith.constant 3 : i32
      %dma_start3A_394 = arith.constant 3 : i32
      %dma_start3A_395 = arith.constant 0 : i32
      %dma_start3A_396 = arith.constant 0 : i32
      %dma_start3A_397 = tpu.memref_slice %arg6[%dma_start3A_393, %dma_start3A_395, %dma_start3A_396] : memref<4x80x128xf32, #tpu.memory_space<vmem>> -> memref<1x80x128xf32, #tpu.memory_space<vmem>>
      %dma_start3A_398 = tpu.memref_squeeze %dma_start3A_397 : memref<1x80x128xf32, #tpu.memory_space<vmem>> -> memref<80x128xf32, #tpu.memory_space<vmem>>
      %dma_start3A_399 = arith.constant 0 : i32
      %dma_start3A_400 = tpu.memref_slice %arg4[%add3A_392, %dma_start3A_399] : memref<819200x128xf32, #tpu.memory_space<hbm>> -> memref<80x128xf32, #tpu.memory_space<hbm>>
      %dma_start3A_401 = tpu.memref_slice %arg9[%dma_start3A_394] : memref<4x!tpu.dma_semaphore, #tpu.memory_space<semaphore_mem>> -> memref<1x!tpu.dma_semaphore, #tpu.memory_space<semaphore_mem>>
      %dma_start3A_402 = tpu.memref_squeeze %dma_start3A_401 : memref<1x!tpu.dma_semaphore, #tpu.memory_space<semaphore_mem>> -> memref<!tpu.dma_semaphore, #tpu.memory_space<semaphore_mem>>
      %dma_start3A_403 = arith.constant 0 : i32
      %dma_start3A_404 = tpu.memref_slice %arg4[%add3A_392, %dma_start3A_403] : memref<819200x128xf32, #tpu.memory_space<hbm>> -> memref<80x128xf32, #tpu.memory_space<hbm>>
      %dma_start3A_405 = arith.constant 0 : i32
      %dma_start3A_406 = arith.constant 0 : i32
      %dma_start3A_407 = tpu.memref_slice %arg6[%dma_start3A_393, %dma_start3A_405, %dma_start3A_406] : memref<4x80x128xf32, #tpu.memory_space<vmem>> -> memref<1x80x128xf32, #tpu.memory_space<vmem>>
      %dma_start3A_408 = tpu.memref_squeeze %dma_start3A_407 : memref<1x80x128xf32, #tpu.memory_space<vmem>> -> memref<80x128xf32, #tpu.memory_space<vmem>>
      tpu.enqueue_dma source(%dma_start3A_408 : memref<80x128xf32, #tpu.memory_space<vmem>>) target(%dma_start3A_404 : memref<80x128xf32, #tpu.memory_space<hbm>>) target_semaphore(%dma_start3A_402 : memref<!tpu.dma_semaphore, #tpu.memory_space<semaphore_mem>>)
      %add3A_409 = arith.constant 4 : i32
      %add3A_410 = arith.addi %add3A_370, %add3A_409 : i32
      %lt3A_411 = arith.constant 320 : i32
      %lt3A_412 = arith.cmpi slt, %add3A_410, %lt3A_411 : i32
      %convert_element_type3A_413 = arith.extui %lt3A_412 : i1 to i32
      %cond3A_414 = arith.constant 0 : i32
      %cond3A_415 = arith.cmpi ne, %convert_element_type3A_413, %cond3A_414 : i32
      scf.if %cond3A_415 {
        %mul3A_2188 = arith.constant 80 : i32
        %mul3A_2189 = arith.muli %add3A_370, %mul3A_2188 : i32
        %add3A_2190 = arith.addi %mul3A_2, %mul3A_2189 : i32
        %dma_wait3A_2191 = arith.constant 3 : i32
        %dma_wait3A_2192 = arith.constant 3 : i32
        %dma_wait3A_2193 = arith.constant 0 : i32
        %dma_wait3A_2194 = arith.constant 0 : i32
        %dma_wait3A_2195 = tpu.memref_slice %arg6[%dma_wait3A_2191, %dma_wait3A_2193, %dma_wait3A_2194] : memref<4x80x128xf32, #tpu.memory_space<vmem>> -> memref<1x80x128xf32, #tpu.memory_space<vmem>>
        %dma_wait3A_2196 = tpu.memref_squeeze %dma_wait3A_2195 : memref<1x80x128xf32, #tpu.memory_space<vmem>> -> memref<80x128xf32, #tpu.memory_space<vmem>>
        %dma_wait3A_2197 = arith.constant 0 : i32
        %dma_wait3A_2198 = tpu.memref_slice %arg4[%add3A_2190, %dma_wait3A_2197] : memref<819200x128xf32, #tpu.memory_space<hbm>> -> memref<80x128xf32, #tpu.memory_space<hbm>>
        %dma_wait3A_2199 = tpu.memref_slice %arg9[%dma_wait3A_2192] : memref<4x!tpu.dma_semaphore, #tpu.memory_space<semaphore_mem>> -> memref<1x!tpu.dma_semaphore, #tpu.memory_space<semaphore_mem>>
        %dma_wait3A_2200 = tpu.memref_squeeze %dma_wait3A_2199 : memref<1x!tpu.dma_semaphore, #tpu.memory_space<semaphore_mem>> -> memref<!tpu.dma_semaphore, #tpu.memory_space<semaphore_mem>>
        %dma_wait3A_2201 = arith.constant 0 : i32
        %dma_wait3A_2202 = tpu.memref_slice %arg4[%add3A_2190, %dma_wait3A_2201] : memref<819200x128xf32, #tpu.memory_space<hbm>> -> memref<80x128xf32, #tpu.memory_space<hbm>>
        %dma_wait3A_2203 = arith.constant 0 : i32
        %dma_wait3A_2204 = arith.constant 0 : i32
        %dma_wait3A_2205 = tpu.memref_slice %arg6[%dma_wait3A_2191, %dma_wait3A_2203, %dma_wait3A_2204] : memref<4x80x128xf32, #tpu.memory_space<vmem>> -> memref<1x80x128xf32, #tpu.memory_space<vmem>>
        %dma_wait3A_2206 = tpu.memref_squeeze %dma_wait3A_2205 : memref<1x80x128xf32, #tpu.memory_space<vmem>> -> memref<80x128xf32, #tpu.memory_space<vmem>>
        tpu.wait_dma2 semaphore(%dma_wait3A_2200 : memref<!tpu.dma_semaphore, #tpu.memory_space<semaphore_mem>>) src(%dma_wait3A_2206 : memref<80x128xf32, #tpu.memory_space<vmem>>) dst(%dma_wait3A_2202 : memref<80x128xf32, #tpu.memory_space<hbm>>)
        %dma_start3A_2207 = arith.constant 7 : i32
        %dma_start3A_2208 = arith.constant 3 : i32
        %dma_start3A_2209 = arith.constant 3 : i32
        %dma_start3A_2210 = arith.constant 0 : i32
        %dma_start3A_2211 = arith.constant 0 : i32
        %dma_start3A_2212 = tpu.memref_slice %arg6[%dma_start3A_2208, %dma_start3A_2210, %dma_start3A_2211] : memref<4x80x128xf32, #tpu.memory_space<vmem>> -> memref<1x80x128xf32, #tpu.memory_space<vmem>>
        %dma_start3A_2213 = tpu.memref_squeeze %dma_start3A_2212 : memref<1x80x128xf32, #tpu.memory_space<vmem>> -> memref<80x128xf32, #tpu.memory_space<vmem>>
        %dma_start3A_2214 = arith.constant 0 : i32
        %dma_start3A_2215 = arith.constant 0 : i32
        %dma_start3A_2216 = tpu.memref_slice %arg5[%rem3A_215, %dma_start3A_2214, %dma_start3A_2215] : memref<2x40x80xi32, #tpu.memory_space<vmem>> -> memref<1x40x80xi32, #tpu.memory_space<vmem>>
        %dma_start3A_2217 = tpu.memref_squeeze %dma_start3A_2216 : memref<1x40x80xi32, #tpu.memory_space<vmem>> -> memref<40x80xi32, #tpu.memory_space<vmem>>
        %dma_start3A_2218 = arith.constant 0 : i32
        %dma_start3A_2219 = tpu.memref_slice %dma_start3A_2217[%dma_start3A_2207, %dma_start3A_2218] : memref<40x80xi32, #tpu.memory_space<vmem>> -> memref<1x80xi32, #tpu.memory_space<vmem>>
        %dma_start3A_2220 = tpu.memref_squeeze %dma_start3A_2219 : memref<1x80xi32, #tpu.memory_space<vmem>> -> memref<80xi32, #tpu.memory_space<vmem>>
        %dma_start3A_2221 = arith.constant 0 : i32
        %dma_start3A_2222 = arith.constant 0 : i32
        %dma_start3A_2223 = tpu.memref_slice %arg7[%dma_start3A_2221, %dma_start3A_2222] : memref<8192x128xf32, #tpu.memory_space<vmem_shared>> -> memref<8192x128xf32, #tpu.memory_space<vmem_shared>>
        %dma_start3A_2224 = tpu.memref_slice %arg8[%dma_start3A_2209] : memref<4x!tpu.dma_semaphore, #tpu.memory_space<semaphore_mem>> -> memref<1x!tpu.dma_semaphore, #tpu.memory_space<semaphore_mem>>
        %dma_start3A_2225 = tpu.memref_squeeze %dma_start3A_2224 : memref<1x!tpu.dma_semaphore, #tpu.memory_space<semaphore_mem>> -> memref<!tpu.dma_semaphore, #tpu.memory_space<semaphore_mem>>
        tpu.enqueue_indirect_dma source(%dma_start3A_2223 : memref<8192x128xf32, #tpu.memory_space<vmem_shared>>) target(%dma_start3A_2213 : memref<80x128xf32, #tpu.memory_space<vmem>>) offsets(%dma_start3A_2220 : memref<80xi32, #tpu.memory_space<vmem>>) semaphore(%dma_start3A_2225 : memref<!tpu.dma_semaphore, #tpu.memory_space<semaphore_mem>>)
      } else {
      }
      %mul3A_416 = arith.constant 40 : i32
      %mul3A_417 = arith.muli %scan3A_213, %mul3A_416 : i32
      %add3A_418 = arith.constant 4 : i32
      %add3A_419 = arith.addi %mul3A_417, %add3A_418 : i32
      %dma_wait3A_420 = arith.constant 4 : i32
      %dma_wait3A_421 = arith.constant 0 : i32
      %dma_wait3A_422 = arith.constant 0 : i32
      %dma_wait3A_423 = arith.constant 0 : i32
      %dma_wait3A_424 = arith.constant 0 : i32
      %dma_wait3A_425 = tpu.memref_slice %arg6[%dma_wait3A_421, %dma_wait3A_423, %dma_wait3A_424] : memref<4x80x128xf32, #tpu.memory_space<vmem>> -> memref<1x80x128xf32, #tpu.memory_space<vmem>>
      %dma_wait3A_426 = tpu.memref_squeeze %dma_wait3A_425 : memref<1x80x128xf32, #tpu.memory_space<vmem>> -> memref<80x128xf32, #tpu.memory_space<vmem>>
      %dma_wait3A_427 = arith.constant 0 : i32
      %dma_wait3A_428 = arith.constant 0 : i32
      %dma_wait3A_429 = tpu.memref_slice %arg5[%rem3A_215, %dma_wait3A_427, %dma_wait3A_428] : memref<2x40x80xi32, #tpu.memory_space<vmem>> -> memref<1x40x80xi32, #tpu.memory_space<vmem>>
      %dma_wait3A_430 = tpu.memref_squeeze %dma_wait3A_429 : memref<1x40x80xi32, #tpu.memory_space<vmem>> -> memref<40x80xi32, #tpu.memory_space<vmem>>
      %dma_wait3A_431 = arith.constant 0 : i32
      %dma_wait3A_432 = tpu.memref_slice %dma_wait3A_430[%dma_wait3A_420, %dma_wait3A_431] : memref<40x80xi32, #tpu.memory_space<vmem>> -> memref<1x80xi32, #tpu.memory_space<vmem>>
      %dma_wait3A_433 = tpu.memref_squeeze %dma_wait3A_432 : memref<1x80xi32, #tpu.memory_space<vmem>> -> memref<80xi32, #tpu.memory_space<vmem>>
      %dma_wait3A_434 = arith.constant 0 : i32
      %dma_wait3A_435 = arith.constant 0 : i32
      %dma_wait3A_436 = tpu.memref_slice %arg7[%dma_wait3A_434, %dma_wait3A_435] : memref<8192x128xf32, #tpu.memory_space<vmem_shared>> -> memref<8192x128xf32, #tpu.memory_space<vmem_shared>>
      %dma_wait3A_437 = tpu.memref_slice %arg8[%dma_wait3A_422] : memref<4x!tpu.dma_semaphore, #tpu.memory_space<semaphore_mem>> -> memref<1x!tpu.dma_semaphore, #tpu.memory_space<semaphore_mem>>
      %dma_wait3A_438 = tpu.memref_squeeze %dma_wait3A_437 : memref<1x!tpu.dma_semaphore, #tpu.memory_space<semaphore_mem>> -> memref<!tpu.dma_semaphore, #tpu.memory_space<semaphore_mem>>
      tpu.wait_indirect_dma semaphore(%dma_wait3A_438 : memref<!tpu.dma_semaphore, #tpu.memory_space<semaphore_mem>>) src(%dma_wait3A_436 : memref<8192x128xf32, #tpu.memory_space<vmem_shared>>) dst(%dma_wait3A_426 : memref<80x128xf32, #tpu.memory_space<vmem>>)
      %mul3A_439 = arith.constant 80 : i32
      %mul3A_440 = arith.muli %add3A_419, %mul3A_439 : i32
      %add3A_441 = arith.addi %mul3A_2, %mul3A_440 : i32
      %dma_start3A_442 = arith.constant 0 : i32
      %dma_start3A_443 = arith.constant 0 : i32
      %dma_start3A_444 = arith.constant 0 : i32
      %dma_start3A_445 = arith.constant 0 : i32
      %dma_start3A_446 = tpu.memref_slice %arg6[%dma_start3A_442, %dma_start3A_444, %dma_start3A_445] : memref<4x80x128xf32, #tpu.memory_space<vmem>> -> memref<1x80x128xf32, #tpu.memory_space<vmem>>
      %dma_start3A_447 = tpu.memref_squeeze %dma_start3A_446 : memref<1x80x128xf32, #tpu.memory_space<vmem>> -> memref<80x128xf32, #tpu.memory_space<vmem>>
      %dma_start3A_448 = arith.constant 0 : i32
      %dma_start3A_449 = tpu.memref_slice %arg4[%add3A_441, %dma_start3A_448] : memref<819200x128xf32, #tpu.memory_space<hbm>> -> memref<80x128xf32, #tpu.memory_space<hbm>>
      %dma_start3A_450 = tpu.memref_slice %arg9[%dma_start3A_443] : memref<4x!tpu.dma_semaphore, #tpu.memory_space<semaphore_mem>> -> memref<1x!tpu.dma_semaphore, #tpu.memory_space<semaphore_mem>>
      %dma_start3A_451 = tpu.memref_squeeze %dma_start3A_450 : memref<1x!tpu.dma_semaphore, #tpu.memory_space<semaphore_mem>> -> memref<!tpu.dma_semaphore, #tpu.memory_space<semaphore_mem>>
      %dma_start3A_452 = arith.constant 0 : i32
      %dma_start3A_453 = tpu.memref_slice %arg4[%add3A_441, %dma_start3A_452] : memref<819200x128xf32, #tpu.memory_space<hbm>> -> memref<80x128xf32, #tpu.memory_space<hbm>>
      %dma_start3A_454 = arith.constant 0 : i32
      %dma_start3A_455 = arith.constant 0 : i32
      %dma_start3A_456 = tpu.memref_slice %arg6[%dma_start3A_442, %dma_start3A_454, %dma_start3A_455] : memref<4x80x128xf32, #tpu.memory_space<vmem>> -> memref<1x80x128xf32, #tpu.memory_space<vmem>>
      %dma_start3A_457 = tpu.memref_squeeze %dma_start3A_456 : memref<1x80x128xf32, #tpu.memory_space<vmem>> -> memref<80x128xf32, #tpu.memory_space<vmem>>
      tpu.enqueue_dma source(%dma_start3A_457 : memref<80x128xf32, #tpu.memory_space<vmem>>) target(%dma_start3A_453 : memref<80x128xf32, #tpu.memory_space<hbm>>) target_semaphore(%dma_start3A_451 : memref<!tpu.dma_semaphore, #tpu.memory_space<semaphore_mem>>)
      %add3A_458 = arith.constant 4 : i32
      %add3A_459 = arith.addi %add3A_419, %add3A_458 : i32
      %lt3A_460 = arith.constant 320 : i32
      %lt3A_461 = arith.cmpi slt, %add3A_459, %lt3A_460 : i32
      %convert_element_type3A_462 = arith.extui %lt3A_461 : i1 to i32
      %cond3A_463 = arith.constant 0 : i32
      %cond3A_464 = arith.cmpi ne, %convert_element_type3A_462, %cond3A_463 : i32
      scf.if %cond3A_464 {
        %mul3A_2188 = arith.constant 80 : i32
        %mul3A_2189 = arith.muli %add3A_419, %mul3A_2188 : i32
        %add3A_2190 = arith.addi %mul3A_2, %mul3A_2189 : i32
        %dma_wait3A_2191 = arith.constant 0 : i32
        %dma_wait3A_2192 = arith.constant 0 : i32
        %dma_wait3A_2193 = arith.constant 0 : i32
        %dma_wait3A_2194 = arith.constant 0 : i32
        %dma_wait3A_2195 = tpu.memref_slice %arg6[%dma_wait3A_2191, %dma_wait3A_2193, %dma_wait3A_2194] : memref<4x80x128xf32, #tpu.memory_space<vmem>> -> memref<1x80x128xf32, #tpu.memory_space<vmem>>
        %dma_wait3A_2196 = tpu.memref_squeeze %dma_wait3A_2195 : memref<1x80x128xf32, #tpu.memory_space<vmem>> -> memref<80x128xf32, #tpu.memory_space<vmem>>
        %dma_wait3A_2197 = arith.constant 0 : i32
        %dma_wait3A_2198 = tpu.memref_slice %arg4[%add3A_2190, %dma_wait3A_2197] : memref<819200x128xf32, #tpu.memory_space<hbm>> -> memref<80x128xf32, #tpu.memory_space<hbm>>
        %dma_wait3A_2199 = tpu.memref_slice %arg9[%dma_wait3A_2192] : memref<4x!tpu.dma_semaphore, #tpu.memory_space<semaphore_mem>> -> memref<1x!tpu.dma_semaphore, #tpu.memory_space<semaphore_mem>>
        %dma_wait3A_2200 = tpu.memref_squeeze %dma_wait3A_2199 : memref<1x!tpu.dma_semaphore, #tpu.memory_space<semaphore_mem>> -> memref<!tpu.dma_semaphore, #tpu.memory_space<semaphore_mem>>
        %dma_wait3A_2201 = arith.constant 0 : i32
        %dma_wait3A_2202 = tpu.memref_slice %arg4[%add3A_2190, %dma_wait3A_2201] : memref<819200x128xf32, #tpu.memory_space<hbm>> -> memref<80x128xf32, #tpu.memory_space<hbm>>
        %dma_wait3A_2203 = arith.constant 0 : i32
        %dma_wait3A_2204 = arith.constant 0 : i32
        %dma_wait3A_2205 = tpu.memref_slice %arg6[%dma_wait3A_2191, %dma_wait3A_2203, %dma_wait3A_2204] : memref<4x80x128xf32, #tpu.memory_space<vmem>> -> memref<1x80x128xf32, #tpu.memory_space<vmem>>
        %dma_wait3A_2206 = tpu.memref_squeeze %dma_wait3A_2205 : memref<1x80x128xf32, #tpu.memory_space<vmem>> -> memref<80x128xf32, #tpu.memory_space<vmem>>
        tpu.wait_dma2 semaphore(%dma_wait3A_2200 : memref<!tpu.dma_semaphore, #tpu.memory_space<semaphore_mem>>) src(%dma_wait3A_2206 : memref<80x128xf32, #tpu.memory_space<vmem>>) dst(%dma_wait3A_2202 : memref<80x128xf32, #tpu.memory_space<hbm>>)
        %dma_start3A_2207 = arith.constant 8 : i32
        %dma_start3A_2208 = arith.constant 0 : i32
        %dma_start3A_2209 = arith.constant 0 : i32
        %dma_start3A_2210 = arith.constant 0 : i32
        %dma_start3A_2211 = arith.constant 0 : i32
        %dma_start3A_2212 = tpu.memref_slice %arg6[%dma_start3A_2208, %dma_start3A_2210, %dma_start3A_2211] : memref<4x80x128xf32, #tpu.memory_space<vmem>> -> memref<1x80x128xf32, #tpu.memory_space<vmem>>
        %dma_start3A_2213 = tpu.memref_squeeze %dma_start3A_2212 : memref<1x80x128xf32, #tpu.memory_space<vmem>> -> memref<80x128xf32, #tpu.memory_space<vmem>>
        %dma_start3A_2214 = arith.constant 0 : i32
        %dma_start3A_2215 = arith.constant 0 : i32
        %dma_start3A_2216 = tpu.memref_slice %arg5[%rem3A_215, %dma_start3A_2214, %dma_start3A_2215] : memref<2x40x80xi32, #tpu.memory_space<vmem>> -> memref<1x40x80xi32, #tpu.memory_space<vmem>>
        %dma_start3A_2217 = tpu.memref_squeeze %dma_start3A_2216 : memref<1x40x80xi32, #tpu.memory_space<vmem>> -> memref<40x80xi32, #tpu.memory_space<vmem>>
        %dma_start3A_2218 = arith.constant 0 : i32
        %dma_start3A_2219 = tpu.memref_slice %dma_start3A_2217[%dma_start3A_2207, %dma_start3A_2218] : memref<40x80xi32, #tpu.memory_space<vmem>> -> memref<1x80xi32, #tpu.memory_space<vmem>>
        %dma_start3A_2220 = tpu.memref_squeeze %dma_start3A_2219 : memref<1x80xi32, #tpu.memory_space<vmem>> -> memref<80xi32, #tpu.memory_space<vmem>>
        %dma_start3A_2221 = arith.constant 0 : i32
        %dma_start3A_2222 = arith.constant 0 : i32
        %dma_start3A_2223 = tpu.memref_slice %arg7[%dma_start3A_2221, %dma_start3A_2222] : memref<8192x128xf32, #tpu.memory_space<vmem_shared>> -> memref<8192x128xf32, #tpu.memory_space<vmem_shared>>
        %dma_start3A_2224 = tpu.memref_slice %arg8[%dma_start3A_2209] : memref<4x!tpu.dma_semaphore, #tpu.memory_space<semaphore_mem>> -> memref<1x!tpu.dma_semaphore, #tpu.memory_space<semaphore_mem>>
        %dma_start3A_2225 = tpu.memref_squeeze %dma_start3A_2224 : memref<1x!tpu.dma_semaphore, #tpu.memory_space<semaphore_mem>> -> memref<!tpu.dma_semaphore, #tpu.memory_space<semaphore_mem>>
        tpu.enqueue_indirect_dma source(%dma_start3A_2223 : memref<8192x128xf32, #tpu.memory_space<vmem_shared>>) target(%dma_start3A_2213 : memref<80x128xf32, #tpu.memory_space<vmem>>) offsets(%dma_start3A_2220 : memref<80xi32, #tpu.memory_space<vmem>>) semaphore(%dma_start3A_2225 : memref<!tpu.dma_semaphore, #tpu.memory_space<semaphore_mem>>)
      } else {
      }
      %mul3A_465 = arith.constant 40 : i32
      %mul3A_466 = arith.muli %scan3A_213, %mul3A_465 : i32
      %add3A_467 = arith.constant 5 : i32
      %add3A_468 = arith.addi %mul3A_466, %add3A_467 : i32
      %dma_wait3A_469 = arith.constant 5 : i32
      %dma_wait3A_470 = arith.constant 1 : i32
      %dma_wait3A_471 = arith.constant 1 : i32
      %dma_wait3A_472 = arith.constant 0 : i32
      %dma_wait3A_473 = arith.constant 0 : i32
      %dma_wait3A_474 = tpu.memref_slice %arg6[%dma_wait3A_470, %dma_wait3A_472, %dma_wait3A_473] : memref<4x80x128xf32, #tpu.memory_space<vmem>> -> memref<1x80x128xf32, #tpu.memory_space<vmem>>
      %dma_wait3A_475 = tpu.memref_squeeze %dma_wait3A_474 : memref<1x80x128xf32, #tpu.memory_space<vmem>> -> memref<80x128xf32, #tpu.memory_space<vmem>>
      %dma_wait3A_476 = arith.constant 0 : i32
      %dma_wait3A_477 = arith.constant 0 : i32
      %dma_wait3A_478 = tpu.memref_slice %arg5[%rem3A_215, %dma_wait3A_476, %dma_wait3A_477] : memref<2x40x80xi32, #tpu.memory_space<vmem>> -> memref<1x40x80xi32, #tpu.memory_space<vmem>>
      %dma_wait3A_479 = tpu.memref_squeeze %dma_wait3A_478 : memref<1x40x80xi32, #tpu.memory_space<vmem>> -> memref<40x80xi32, #tpu.memory_space<vmem>>
      %dma_wait3A_480 = arith.constant 0 : i32
      %dma_wait3A_481 = tpu.memref_slice %dma_wait3A_479[%dma_wait3A_469, %dma_wait3A_480] : memref<40x80xi32, #tpu.memory_space<vmem>> -> memref<1x80xi32, #tpu.memory_space<vmem>>
      %dma_wait3A_482 = tpu.memref_squeeze %dma_wait3A_481 : memref<1x80xi32, #tpu.memory_space<vmem>> -> memref<80xi32, #tpu.memory_space<vmem>>
      %dma_wait3A_483 = arith.constant 0 : i32
      %dma_wait3A_484 = arith.constant 0 : i32
      %dma_wait3A_485 = tpu.memref_slice %arg7[%dma_wait3A_483, %dma_wait3A_484] : memref<8192x128xf32, #tpu.memory_space<vmem_shared>> -> memref<8192x128xf32, #tpu.memory_space<vmem_shared>>
      %dma_wait3A_486 = tpu.memref_slice %arg8[%dma_wait3A_471] : memref<4x!tpu.dma_semaphore, #tpu.memory_space<semaphore_mem>> -> memref<1x!tpu.dma_semaphore, #tpu.memory_space<semaphore_mem>>
      %dma_wait3A_487 = tpu.memref_squeeze %dma_wait3A_486 : memref<1x!tpu.dma_semaphore, #tpu.memory_space<semaphore_mem>> -> memref<!tpu.dma_semaphore, #tpu.memory_space<semaphore_mem>>
      tpu.wait_indirect_dma semaphore(%dma_wait3A_487 : memref<!tpu.dma_semaphore, #tpu.memory_space<semaphore_mem>>) src(%dma_wait3A_485 : memref<8192x128xf32, #tpu.memory_space<vmem_shared>>) dst(%dma_wait3A_475 : memref<80x128xf32, #tpu.memory_space<vmem>>)
      %mul3A_488 = arith.constant 80 : i32
      %mul3A_489 = arith.muli %add3A_468, %mul3A_488 : i32
      %add3A_490 = arith.addi %mul3A_2, %mul3A_489 : i32
      %dma_start3A_491 = arith.constant 1 : i32
      %dma_start3A_492 = arith.constant 1 : i32
      %dma_start3A_493 = arith.constant 0 : i32
      %dma_start3A_494 = arith.constant 0 : i32
      %dma_start3A_495 = tpu.memref_slice %arg6[%dma_start3A_491, %dma_start3A_493, %dma_start3A_494] : memref<4x80x128xf32, #tpu.memory_space<vmem>> -> memref<1x80x128xf32, #tpu.memory_space<vmem>>
      %dma_start3A_496 = tpu.memref_squeeze %dma_start3A_495 : memref<1x80x128xf32, #tpu.memory_space<vmem>> -> memref<80x128xf32, #tpu.memory_space<vmem>>
      %dma_start3A_497 = arith.constant 0 : i32
      %dma_start3A_498 = tpu.memref_slice %arg4[%add3A_490, %dma_start3A_497] : memref<819200x128xf32, #tpu.memory_space<hbm>> -> memref<80x128xf32, #tpu.memory_space<hbm>>
      %dma_start3A_499 = tpu.memref_slice %arg9[%dma_start3A_492] : memref<4x!tpu.dma_semaphore, #tpu.memory_space<semaphore_mem>> -> memref<1x!tpu.dma_semaphore, #tpu.memory_space<semaphore_mem>>
      %dma_start3A_500 = tpu.memref_squeeze %dma_start3A_499 : memref<1x!tpu.dma_semaphore, #tpu.memory_space<semaphore_mem>> -> memref<!tpu.dma_semaphore, #tpu.memory_space<semaphore_mem>>
      %dma_start3A_501 = arith.constant 0 : i32
      %dma_start3A_502 = tpu.memref_slice %arg4[%add3A_490, %dma_start3A_501] : memref<819200x128xf32, #tpu.memory_space<hbm>> -> memref<80x128xf32, #tpu.memory_space<hbm>>
      %dma_start3A_503 = arith.constant 0 : i32
      %dma_start3A_504 = arith.constant 0 : i32
      %dma_start3A_505 = tpu.memref_slice %arg6[%dma_start3A_491, %dma_start3A_503, %dma_start3A_504] : memref<4x80x128xf32, #tpu.memory_space<vmem>> -> memref<1x80x128xf32, #tpu.memory_space<vmem>>
      %dma_start3A_506 = tpu.memref_squeeze %dma_start3A_505 : memref<1x80x128xf32, #tpu.memory_space<vmem>> -> memref<80x128xf32, #tpu.memory_space<vmem>>
      tpu.enqueue_dma source(%dma_start3A_506 : memref<80x128xf32, #tpu.memory_space<vmem>>) target(%dma_start3A_502 : memref<80x128xf32, #tpu.memory_space<hbm>>) target_semaphore(%dma_start3A_500 : memref<!tpu.dma_semaphore, #tpu.memory_space<semaphore_mem>>)
      %add3A_507 = arith.constant 4 : i32
      %add3A_508 = arith.addi %add3A_468, %add3A_507 : i32
      %lt3A_509 = arith.constant 320 : i32
      %lt3A_510 = arith.cmpi slt, %add3A_508, %lt3A_509 : i32
      %convert_element_type3A_511 = arith.extui %lt3A_510 : i1 to i32
      %cond3A_512 = arith.constant 0 : i32
      %cond3A_513 = arith.cmpi ne, %convert_element_type3A_511, %cond3A_512 : i32
      scf.if %cond3A_513 {
        %mul3A_2188 = arith.constant 80 : i32
        %mul3A_2189 = arith.muli %add3A_468, %mul3A_2188 : i32
        %add3A_2190 = arith.addi %mul3A_2, %mul3A_2189 : i32
        %dma_wait3A_2191 = arith.constant 1 : i32
        %dma_wait3A_2192 = arith.constant 1 : i32
        %dma_wait3A_2193 = arith.constant 0 : i32
        %dma_wait3A_2194 = arith.constant 0 : i32
        %dma_wait3A_2195 = tpu.memref_slice %arg6[%dma_wait3A_2191, %dma_wait3A_2193, %dma_wait3A_2194] : memref<4x80x128xf32, #tpu.memory_space<vmem>> -> memref<1x80x128xf32, #tpu.memory_space<vmem>>
        %dma_wait3A_2196 = tpu.memref_squeeze %dma_wait3A_2195 : memref<1x80x128xf32, #tpu.memory_space<vmem>> -> memref<80x128xf32, #tpu.memory_space<vmem>>
        %dma_wait3A_2197 = arith.constant 0 : i32
        %dma_wait3A_2198 = tpu.memref_slice %arg4[%add3A_2190, %dma_wait3A_2197] : memref<819200x128xf32, #tpu.memory_space<hbm>> -> memref<80x128xf32, #tpu.memory_space<hbm>>
        %dma_wait3A_2199 = tpu.memref_slice %arg9[%dma_wait3A_2192] : memref<4x!tpu.dma_semaphore, #tpu.memory_space<semaphore_mem>> -> memref<1x!tpu.dma_semaphore, #tpu.memory_space<semaphore_mem>>
        %dma_wait3A_2200 = tpu.memref_squeeze %dma_wait3A_2199 : memref<1x!tpu.dma_semaphore, #tpu.memory_space<semaphore_mem>> -> memref<!tpu.dma_semaphore, #tpu.memory_space<semaphore_mem>>
        %dma_wait3A_2201 = arith.constant 0 : i32
        %dma_wait3A_2202 = tpu.memref_slice %arg4[%add3A_2190, %dma_wait3A_2201] : memref<819200x128xf32, #tpu.memory_space<hbm>> -> memref<80x128xf32, #tpu.memory_space<hbm>>
        %dma_wait3A_2203 = arith.constant 0 : i32
        %dma_wait3A_2204 = arith.constant 0 : i32
        %dma_wait3A_2205 = tpu.memref_slice %arg6[%dma_wait3A_2191, %dma_wait3A_2203, %dma_wait3A_2204] : memref<4x80x128xf32, #tpu.memory_space<vmem>> -> memref<1x80x128xf32, #tpu.memory_space<vmem>>
        %dma_wait3A_2206 = tpu.memref_squeeze %dma_wait3A_2205 : memref<1x80x128xf32, #tpu.memory_space<vmem>> -> memref<80x128xf32, #tpu.memory_space<vmem>>
        tpu.wait_dma2 semaphore(%dma_wait3A_2200 : memref<!tpu.dma_semaphore, #tpu.memory_space<semaphore_mem>>) src(%dma_wait3A_2206 : memref<80x128xf32, #tpu.memory_space<vmem>>) dst(%dma_wait3A_2202 : memref<80x128xf32, #tpu.memory_space<hbm>>)
        %dma_start3A_2207 = arith.constant 9 : i32
        %dma_start3A_2208 = arith.constant 1 : i32
        %dma_start3A_2209 = arith.constant 1 : i32
        %dma_start3A_2210 = arith.constant 0 : i32
        %dma_start3A_2211 = arith.constant 0 : i32
        %dma_start3A_2212 = tpu.memref_slice %arg6[%dma_start3A_2208, %dma_start3A_2210, %dma_start3A_2211] : memref<4x80x128xf32, #tpu.memory_space<vmem>> -> memref<1x80x128xf32, #tpu.memory_space<vmem>>
        %dma_start3A_2213 = tpu.memref_squeeze %dma_start3A_2212 : memref<1x80x128xf32, #tpu.memory_space<vmem>> -> memref<80x128xf32, #tpu.memory_space<vmem>>
        %dma_start3A_2214 = arith.constant 0 : i32
        %dma_start3A_2215 = arith.constant 0 : i32
        %dma_start3A_2216 = tpu.memref_slice %arg5[%rem3A_215, %dma_start3A_2214, %dma_start3A_2215] : memref<2x40x80xi32, #tpu.memory_space<vmem>> -> memref<1x40x80xi32, #tpu.memory_space<vmem>>
        %dma_start3A_2217 = tpu.memref_squeeze %dma_start3A_2216 : memref<1x40x80xi32, #tpu.memory_space<vmem>> -> memref<40x80xi32, #tpu.memory_space<vmem>>
        %dma_start3A_2218 = arith.constant 0 : i32
        %dma_start3A_2219 = tpu.memref_slice %dma_start3A_2217[%dma_start3A_2207, %dma_start3A_2218] : memref<40x80xi32, #tpu.memory_space<vmem>> -> memref<1x80xi32, #tpu.memory_space<vmem>>
        %dma_start3A_2220 = tpu.memref_squeeze %dma_start3A_2219 : memref<1x80xi32, #tpu.memory_space<vmem>> -> memref<80xi32, #tpu.memory_space<vmem>>
        %dma_start3A_2221 = arith.constant 0 : i32
        %dma_start3A_2222 = arith.constant 0 : i32
        %dma_start3A_2223 = tpu.memref_slice %arg7[%dma_start3A_2221, %dma_start3A_2222] : memref<8192x128xf32, #tpu.memory_space<vmem_shared>> -> memref<8192x128xf32, #tpu.memory_space<vmem_shared>>
        %dma_start3A_2224 = tpu.memref_slice %arg8[%dma_start3A_2209] : memref<4x!tpu.dma_semaphore, #tpu.memory_space<semaphore_mem>> -> memref<1x!tpu.dma_semaphore, #tpu.memory_space<semaphore_mem>>
        %dma_start3A_2225 = tpu.memref_squeeze %dma_start3A_2224 : memref<1x!tpu.dma_semaphore, #tpu.memory_space<semaphore_mem>> -> memref<!tpu.dma_semaphore, #tpu.memory_space<semaphore_mem>>
        tpu.enqueue_indirect_dma source(%dma_start3A_2223 : memref<8192x128xf32, #tpu.memory_space<vmem_shared>>) target(%dma_start3A_2213 : memref<80x128xf32, #tpu.memory_space<vmem>>) offsets(%dma_start3A_2220 : memref<80xi32, #tpu.memory_space<vmem>>) semaphore(%dma_start3A_2225 : memref<!tpu.dma_semaphore, #tpu.memory_space<semaphore_mem>>)
      } else {
      }
      %mul3A_514 = arith.constant 40 : i32
      %mul3A_515 = arith.muli %scan3A_213, %mul3A_514 : i32
      %add3A_516 = arith.constant 6 : i32
      %add3A_517 = arith.addi %mul3A_515, %add3A_516 : i32
      %dma_wait3A_518 = arith.constant 6 : i32
      %dma_wait3A_519 = arith.constant 2 : i32
      %dma_wait3A_520 = arith.constant 2 : i32
      %dma_wait3A_521 = arith.constant 0 : i32
      %dma_wait3A_522 = arith.constant 0 : i32
      %dma_wait3A_523 = tpu.memref_slice %arg6[%dma_wait3A_519, %dma_wait3A_521, %dma_wait3A_522] : memref<4x80x128xf32, #tpu.memory_space<vmem>> -> memref<1x80x128xf32, #tpu.memory_space<vmem>>
      %dma_wait3A_524 = tpu.memref_squeeze %dma_wait3A_523 : memref<1x80x128xf32, #tpu.memory_space<vmem>> -> memref<80x128xf32, #tpu.memory_space<vmem>>
      %dma_wait3A_525 = arith.constant 0 : i32
      %dma_wait3A_526 = arith.constant 0 : i32
      %dma_wait3A_527 = tpu.memref_slice %arg5[%rem3A_215, %dma_wait3A_525, %dma_wait3A_526] : memref<2x40x80xi32, #tpu.memory_space<vmem>> -> memref<1x40x80xi32, #tpu.memory_space<vmem>>
      %dma_wait3A_528 = tpu.memref_squeeze %dma_wait3A_527 : memref<1x40x80xi32, #tpu.memory_space<vmem>> -> memref<40x80xi32, #tpu.memory_space<vmem>>
      %dma_wait3A_529 = arith.constant 0 : i32
      %dma_wait3A_530 = tpu.memref_slice %dma_wait3A_528[%dma_wait3A_518, %dma_wait3A_529] : memref<40x80xi32, #tpu.memory_space<vmem>> -> memref<1x80xi32, #tpu.memory_space<vmem>>
      %dma_wait3A_531 = tpu.memref_squeeze %dma_wait3A_530 : memref<1x80xi32, #tpu.memory_space<vmem>> -> memref<80xi32, #tpu.memory_space<vmem>>
      %dma_wait3A_532 = arith.constant 0 : i32
      %dma_wait3A_533 = arith.constant 0 : i32
      %dma_wait3A_534 = tpu.memref_slice %arg7[%dma_wait3A_532, %dma_wait3A_533] : memref<8192x128xf32, #tpu.memory_space<vmem_shared>> -> memref<8192x128xf32, #tpu.memory_space<vmem_shared>>
      %dma_wait3A_535 = tpu.memref_slice %arg8[%dma_wait3A_520] : memref<4x!tpu.dma_semaphore, #tpu.memory_space<semaphore_mem>> -> memref<1x!tpu.dma_semaphore, #tpu.memory_space<semaphore_mem>>
      %dma_wait3A_536 = tpu.memref_squeeze %dma_wait3A_535 : memref<1x!tpu.dma_semaphore, #tpu.memory_space<semaphore_mem>> -> memref<!tpu.dma_semaphore, #tpu.memory_space<semaphore_mem>>
      tpu.wait_indirect_dma semaphore(%dma_wait3A_536 : memref<!tpu.dma_semaphore, #tpu.memory_space<semaphore_mem>>) src(%dma_wait3A_534 : memref<8192x128xf32, #tpu.memory_space<vmem_shared>>) dst(%dma_wait3A_524 : memref<80x128xf32, #tpu.memory_space<vmem>>)
      %mul3A_537 = arith.constant 80 : i32
      %mul3A_538 = arith.muli %add3A_517, %mul3A_537 : i32
      %add3A_539 = arith.addi %mul3A_2, %mul3A_538 : i32
      %dma_start3A_540 = arith.constant 2 : i32
      %dma_start3A_541 = arith.constant 2 : i32
      %dma_start3A_542 = arith.constant 0 : i32
      %dma_start3A_543 = arith.constant 0 : i32
      %dma_start3A_544 = tpu.memref_slice %arg6[%dma_start3A_540, %dma_start3A_542, %dma_start3A_543] : memref<4x80x128xf32, #tpu.memory_space<vmem>> -> memref<1x80x128xf32, #tpu.memory_space<vmem>>
      %dma_start3A_545 = tpu.memref_squeeze %dma_start3A_544 : memref<1x80x128xf32, #tpu.memory_space<vmem>> -> memref<80x128xf32, #tpu.memory_space<vmem>>
      %dma_start3A_546 = arith.constant 0 : i32
      %dma_start3A_547 = tpu.memref_slice %arg4[%add3A_539, %dma_start3A_546] : memref<819200x128xf32, #tpu.memory_space<hbm>> -> memref<80x128xf32, #tpu.memory_space<hbm>>
      %dma_start3A_548 = tpu.memref_slice %arg9[%dma_start3A_541] : memref<4x!tpu.dma_semaphore, #tpu.memory_space<semaphore_mem>> -> memref<1x!tpu.dma_semaphore, #tpu.memory_space<semaphore_mem>>
      %dma_start3A_549 = tpu.memref_squeeze %dma_start3A_548 : memref<1x!tpu.dma_semaphore, #tpu.memory_space<semaphore_mem>> -> memref<!tpu.dma_semaphore, #tpu.memory_space<semaphore_mem>>
      %dma_start3A_550 = arith.constant 0 : i32
      %dma_start3A_551 = tpu.memref_slice %arg4[%add3A_539, %dma_start3A_550] : memref<819200x128xf32, #tpu.memory_space<hbm>> -> memref<80x128xf32, #tpu.memory_space<hbm>>
      %dma_start3A_552 = arith.constant 0 : i32
      %dma_start3A_553 = arith.constant 0 : i32
      %dma_start3A_554 = tpu.memref_slice %arg6[%dma_start3A_540, %dma_start3A_552, %dma_start3A_553] : memref<4x80x128xf32, #tpu.memory_space<vmem>> -> memref<1x80x128xf32, #tpu.memory_space<vmem>>
      %dma_start3A_555 = tpu.memref_squeeze %dma_start3A_554 : memref<1x80x128xf32, #tpu.memory_space<vmem>> -> memref<80x128xf32, #tpu.memory_space<vmem>>
      tpu.enqueue_dma source(%dma_start3A_555 : memref<80x128xf32, #tpu.memory_space<vmem>>) target(%dma_start3A_551 : memref<80x128xf32, #tpu.memory_space<hbm>>) target_semaphore(%dma_start3A_549 : memref<!tpu.dma_semaphore, #tpu.memory_space<semaphore_mem>>)
      %add3A_556 = arith.constant 4 : i32
      %add3A_557 = arith.addi %add3A_517, %add3A_556 : i32
      %lt3A_558 = arith.constant 320 : i32
      %lt3A_559 = arith.cmpi slt, %add3A_557, %lt3A_558 : i32
      %convert_element_type3A_560 = arith.extui %lt3A_559 : i1 to i32
      %cond3A_561 = arith.constant 0 : i32
      %cond3A_562 = arith.cmpi ne, %convert_element_type3A_560, %cond3A_561 : i32
      scf.if %cond3A_562 {
        %mul3A_2188 = arith.constant 80 : i32
        %mul3A_2189 = arith.muli %add3A_517, %mul3A_2188 : i32
        %add3A_2190 = arith.addi %mul3A_2, %mul3A_2189 : i32
        %dma_wait3A_2191 = arith.constant 2 : i32
        %dma_wait3A_2192 = arith.constant 2 : i32
        %dma_wait3A_2193 = arith.constant 0 : i32
        %dma_wait3A_2194 = arith.constant 0 : i32
        %dma_wait3A_2195 = tpu.memref_slice %arg6[%dma_wait3A_2191, %dma_wait3A_2193, %dma_wait3A_2194] : memref<4x80x128xf32, #tpu.memory_space<vmem>> -> memref<1x80x128xf32, #tpu.memory_space<vmem>>
        %dma_wait3A_2196 = tpu.memref_squeeze %dma_wait3A_2195 : memref<1x80x128xf32, #tpu.memory_space<vmem>> -> memref<80x128xf32, #tpu.memory_space<vmem>>
        %dma_wait3A_2197 = arith.constant 0 : i32
        %dma_wait3A_2198 = tpu.memref_slice %arg4[%add3A_2190, %dma_wait3A_2197] : memref<819200x128xf32, #tpu.memory_space<hbm>> -> memref<80x128xf32, #tpu.memory_space<hbm>>
        %dma_wait3A_2199 = tpu.memref_slice %arg9[%dma_wait3A_2192] : memref<4x!tpu.dma_semaphore, #tpu.memory_space<semaphore_mem>> -> memref<1x!tpu.dma_semaphore, #tpu.memory_space<semaphore_mem>>
        %dma_wait3A_2200 = tpu.memref_squeeze %dma_wait3A_2199 : memref<1x!tpu.dma_semaphore, #tpu.memory_space<semaphore_mem>> -> memref<!tpu.dma_semaphore, #tpu.memory_space<semaphore_mem>>
        %dma_wait3A_2201 = arith.constant 0 : i32
        %dma_wait3A_2202 = tpu.memref_slice %arg4[%add3A_2190, %dma_wait3A_2201] : memref<819200x128xf32, #tpu.memory_space<hbm>> -> memref<80x128xf32, #tpu.memory_space<hbm>>
        %dma_wait3A_2203 = arith.constant 0 : i32
        %dma_wait3A_2204 = arith.constant 0 : i32
        %dma_wait3A_2205 = tpu.memref_slice %arg6[%dma_wait3A_2191, %dma_wait3A_2203, %dma_wait3A_2204] : memref<4x80x128xf32, #tpu.memory_space<vmem>> -> memref<1x80x128xf32, #tpu.memory_space<vmem>>
        %dma_wait3A_2206 = tpu.memref_squeeze %dma_wait3A_2205 : memref<1x80x128xf32, #tpu.memory_space<vmem>> -> memref<80x128xf32, #tpu.memory_space<vmem>>
        tpu.wait_dma2 semaphore(%dma_wait3A_2200 : memref<!tpu.dma_semaphore, #tpu.memory_space<semaphore_mem>>) src(%dma_wait3A_2206 : memref<80x128xf32, #tpu.memory_space<vmem>>) dst(%dma_wait3A_2202 : memref<80x128xf32, #tpu.memory_space<hbm>>)
        %dma_start3A_2207 = arith.constant 10 : i32
        %dma_start3A_2208 = arith.constant 2 : i32
        %dma_start3A_2209 = arith.constant 2 : i32
        %dma_start3A_2210 = arith.constant 0 : i32
        %dma_start3A_2211 = arith.constant 0 : i32
        %dma_start3A_2212 = tpu.memref_slice %arg6[%dma_start3A_2208, %dma_start3A_2210, %dma_start3A_2211] : memref<4x80x128xf32, #tpu.memory_space<vmem>> -> memref<1x80x128xf32, #tpu.memory_space<vmem>>
        %dma_start3A_2213 = tpu.memref_squeeze %dma_start3A_2212 : memref<1x80x128xf32, #tpu.memory_space<vmem>> -> memref<80x128xf32, #tpu.memory_space<vmem>>
        %dma_start3A_2214 = arith.constant 0 : i32
        %dma_start3A_2215 = arith.constant 0 : i32
        %dma_start3A_2216 = tpu.memref_slice %arg5[%rem3A_215, %dma_start3A_2214, %dma_start3A_2215] : memref<2x40x80xi32, #tpu.memory_space<vmem>> -> memref<1x40x80xi32, #tpu.memory_space<vmem>>
        %dma_start3A_2217 = tpu.memref_squeeze %dma_start3A_2216 : memref<1x40x80xi32, #tpu.memory_space<vmem>> -> memref<40x80xi32, #tpu.memory_space<vmem>>
        %dma_start3A_2218 = arith.constant 0 : i32
        %dma_start3A_2219 = tpu.memref_slice %dma_start3A_2217[%dma_start3A_2207, %dma_start3A_2218] : memref<40x80xi32, #tpu.memory_space<vmem>> -> memref<1x80xi32, #tpu.memory_space<vmem>>
        %dma_start3A_2220 = tpu.memref_squeeze %dma_start3A_2219 : memref<1x80xi32, #tpu.memory_space<vmem>> -> memref<80xi32, #tpu.memory_space<vmem>>
        %dma_start3A_2221 = arith.constant 0 : i32
        %dma_start3A_2222 = arith.constant 0 : i32
        %dma_start3A_2223 = tpu.memref_slice %arg7[%dma_start3A_2221, %dma_start3A_2222] : memref<8192x128xf32, #tpu.memory_space<vmem_shared>> -> memref<8192x128xf32, #tpu.memory_space<vmem_shared>>
        %dma_start3A_2224 = tpu.memref_slice %arg8[%dma_start3A_2209] : memref<4x!tpu.dma_semaphore, #tpu.memory_space<semaphore_mem>> -> memref<1x!tpu.dma_semaphore, #tpu.memory_space<semaphore_mem>>
        %dma_start3A_2225 = tpu.memref_squeeze %dma_start3A_2224 : memref<1x!tpu.dma_semaphore, #tpu.memory_space<semaphore_mem>> -> memref<!tpu.dma_semaphore, #tpu.memory_space<semaphore_mem>>
        tpu.enqueue_indirect_dma source(%dma_start3A_2223 : memref<8192x128xf32, #tpu.memory_space<vmem_shared>>) target(%dma_start3A_2213 : memref<80x128xf32, #tpu.memory_space<vmem>>) offsets(%dma_start3A_2220 : memref<80xi32, #tpu.memory_space<vmem>>) semaphore(%dma_start3A_2225 : memref<!tpu.dma_semaphore, #tpu.memory_space<semaphore_mem>>)
      } else {
      }
      %mul3A_563 = arith.constant 40 : i32
      %mul3A_564 = arith.muli %scan3A_213, %mul3A_563 : i32
      %add3A_565 = arith.constant 7 : i32
      %add3A_566 = arith.addi %mul3A_564, %add3A_565 : i32
      %dma_wait3A_567 = arith.constant 7 : i32
      %dma_wait3A_568 = arith.constant 3 : i32
      %dma_wait3A_569 = arith.constant 3 : i32
      %dma_wait3A_570 = arith.constant 0 : i32
      %dma_wait3A_571 = arith.constant 0 : i32
      %dma_wait3A_572 = tpu.memref_slice %arg6[%dma_wait3A_568, %dma_wait3A_570, %dma_wait3A_571] : memref<4x80x128xf32, #tpu.memory_space<vmem>> -> memref<1x80x128xf32, #tpu.memory_space<vmem>>
      %dma_wait3A_573 = tpu.memref_squeeze %dma_wait3A_572 : memref<1x80x128xf32, #tpu.memory_space<vmem>> -> memref<80x128xf32, #tpu.memory_space<vmem>>
      %dma_wait3A_574 = arith.constant 0 : i32
      %dma_wait3A_575 = arith.constant 0 : i32
      %dma_wait3A_576 = tpu.memref_slice %arg5[%rem3A_215, %dma_wait3A_574, %dma_wait3A_575] : memref<2x40x80xi32, #tpu.memory_space<vmem>> -> memref<1x40x80xi32, #tpu.memory_space<vmem>>
      %dma_wait3A_577 = tpu.memref_squeeze %dma_wait3A_576 : memref<1x40x80xi32, #tpu.memory_space<vmem>> -> memref<40x80xi32, #tpu.memory_space<vmem>>
      %dma_wait3A_578 = arith.constant 0 : i32
      %dma_wait3A_579 = tpu.memref_slice %dma_wait3A_577[%dma_wait3A_567, %dma_wait3A_578] : memref<40x80xi32, #tpu.memory_space<vmem>> -> memref<1x80xi32, #tpu.memory_space<vmem>>
      %dma_wait3A_580 = tpu.memref_squeeze %dma_wait3A_579 : memref<1x80xi32, #tpu.memory_space<vmem>> -> memref<80xi32, #tpu.memory_space<vmem>>
      %dma_wait3A_581 = arith.constant 0 : i32
      %dma_wait3A_582 = arith.constant 0 : i32
      %dma_wait3A_583 = tpu.memref_slice %arg7[%dma_wait3A_581, %dma_wait3A_582] : memref<8192x128xf32, #tpu.memory_space<vmem_shared>> -> memref<8192x128xf32, #tpu.memory_space<vmem_shared>>
      %dma_wait3A_584 = tpu.memref_slice %arg8[%dma_wait3A_569] : memref<4x!tpu.dma_semaphore, #tpu.memory_space<semaphore_mem>> -> memref<1x!tpu.dma_semaphore, #tpu.memory_space<semaphore_mem>>
      %dma_wait3A_585 = tpu.memref_squeeze %dma_wait3A_584 : memref<1x!tpu.dma_semaphore, #tpu.memory_space<semaphore_mem>> -> memref<!tpu.dma_semaphore, #tpu.memory_space<semaphore_mem>>
      tpu.wait_indirect_dma semaphore(%dma_wait3A_585 : memref<!tpu.dma_semaphore, #tpu.memory_space<semaphore_mem>>) src(%dma_wait3A_583 : memref<8192x128xf32, #tpu.memory_space<vmem_shared>>) dst(%dma_wait3A_573 : memref<80x128xf32, #tpu.memory_space<vmem>>)
      %mul3A_586 = arith.constant 80 : i32
      %mul3A_587 = arith.muli %add3A_566, %mul3A_586 : i32
      %add3A_588 = arith.addi %mul3A_2, %mul3A_587 : i32
      %dma_start3A_589 = arith.constant 3 : i32
      %dma_start3A_590 = arith.constant 3 : i32
      %dma_start3A_591 = arith.constant 0 : i32
      %dma_start3A_592 = arith.constant 0 : i32
      %dma_start3A_593 = tpu.memref_slice %arg6[%dma_start3A_589, %dma_start3A_591, %dma_start3A_592] : memref<4x80x128xf32, #tpu.memory_space<vmem>> -> memref<1x80x128xf32, #tpu.memory_space<vmem>>
      %dma_start3A_594 = tpu.memref_squeeze %dma_start3A_593 : memref<1x80x128xf32, #tpu.memory_space<vmem>> -> memref<80x128xf32, #tpu.memory_space<vmem>>
      %dma_start3A_595 = arith.constant 0 : i32
      %dma_start3A_596 = tpu.memref_slice %arg4[%add3A_588, %dma_start3A_595] : memref<819200x128xf32, #tpu.memory_space<hbm>> -> memref<80x128xf32, #tpu.memory_space<hbm>>
      %dma_start3A_597 = tpu.memref_slice %arg9[%dma_start3A_590] : memref<4x!tpu.dma_semaphore, #tpu.memory_space<semaphore_mem>> -> memref<1x!tpu.dma_semaphore, #tpu.memory_space<semaphore_mem>>
      %dma_start3A_598 = tpu.memref_squeeze %dma_start3A_597 : memref<1x!tpu.dma_semaphore, #tpu.memory_space<semaphore_mem>> -> memref<!tpu.dma_semaphore, #tpu.memory_space<semaphore_mem>>
      %dma_start3A_599 = arith.constant 0 : i32
      %dma_start3A_600 = tpu.memref_slice %arg4[%add3A_588, %dma_start3A_599] : memref<819200x128xf32, #tpu.memory_space<hbm>> -> memref<80x128xf32, #tpu.memory_space<hbm>>
      %dma_start3A_601 = arith.constant 0 : i32
      %dma_start3A_602 = arith.constant 0 : i32
      %dma_start3A_603 = tpu.memref_slice %arg6[%dma_start3A_589, %dma_start3A_601, %dma_start3A_602] : memref<4x80x128xf32, #tpu.memory_space<vmem>> -> memref<1x80x128xf32, #tpu.memory_space<vmem>>
      %dma_start3A_604 = tpu.memref_squeeze %dma_start3A_603 : memref<1x80x128xf32, #tpu.memory_space<vmem>> -> memref<80x128xf32, #tpu.memory_space<vmem>>
      tpu.enqueue_dma source(%dma_start3A_604 : memref<80x128xf32, #tpu.memory_space<vmem>>) target(%dma_start3A_600 : memref<80x128xf32, #tpu.memory_space<hbm>>) target_semaphore(%dma_start3A_598 : memref<!tpu.dma_semaphore, #tpu.memory_space<semaphore_mem>>)
      %add3A_605 = arith.constant 4 : i32
      %add3A_606 = arith.addi %add3A_566, %add3A_605 : i32
      %lt3A_607 = arith.constant 320 : i32
      %lt3A_608 = arith.cmpi slt, %add3A_606, %lt3A_607 : i32
      %convert_element_type3A_609 = arith.extui %lt3A_608 : i1 to i32
      %cond3A_610 = arith.constant 0 : i32
      %cond3A_611 = arith.cmpi ne, %convert_element_type3A_609, %cond3A_610 : i32
      scf.if %cond3A_611 {
        %mul3A_2188 = arith.constant 80 : i32
        %mul3A_2189 = arith.muli %add3A_566, %mul3A_2188 : i32
        %add3A_2190 = arith.addi %mul3A_2, %mul3A_2189 : i32
        %dma_wait3A_2191 = arith.constant 3 : i32
        %dma_wait3A_2192 = arith.constant 3 : i32
        %dma_wait3A_2193 = arith.constant 0 : i32
        %dma_wait3A_2194 = arith.constant 0 : i32
        %dma_wait3A_2195 = tpu.memref_slice %arg6[%dma_wait3A_2191, %dma_wait3A_2193, %dma_wait3A_2194] : memref<4x80x128xf32, #tpu.memory_space<vmem>> -> memref<1x80x128xf32, #tpu.memory_space<vmem>>
        %dma_wait3A_2196 = tpu.memref_squeeze %dma_wait3A_2195 : memref<1x80x128xf32, #tpu.memory_space<vmem>> -> memref<80x128xf32, #tpu.memory_space<vmem>>
        %dma_wait3A_2197 = arith.constant 0 : i32
        %dma_wait3A_2198 = tpu.memref_slice %arg4[%add3A_2190, %dma_wait3A_2197] : memref<819200x128xf32, #tpu.memory_space<hbm>> -> memref<80x128xf32, #tpu.memory_space<hbm>>
        %dma_wait3A_2199 = tpu.memref_slice %arg9[%dma_wait3A_2192] : memref<4x!tpu.dma_semaphore, #tpu.memory_space<semaphore_mem>> -> memref<1x!tpu.dma_semaphore, #tpu.memory_space<semaphore_mem>>
        %dma_wait3A_2200 = tpu.memref_squeeze %dma_wait3A_2199 : memref<1x!tpu.dma_semaphore, #tpu.memory_space<semaphore_mem>> -> memref<!tpu.dma_semaphore, #tpu.memory_space<semaphore_mem>>
        %dma_wait3A_2201 = arith.constant 0 : i32
        %dma_wait3A_2202 = tpu.memref_slice %arg4[%add3A_2190, %dma_wait3A_2201] : memref<819200x128xf32, #tpu.memory_space<hbm>> -> memref<80x128xf32, #tpu.memory_space<hbm>>
        %dma_wait3A_2203 = arith.constant 0 : i32
        %dma_wait3A_2204 = arith.constant 0 : i32
        %dma_wait3A_2205 = tpu.memref_slice %arg6[%dma_wait3A_2191, %dma_wait3A_2203, %dma_wait3A_2204] : memref<4x80x128xf32, #tpu.memory_space<vmem>> -> memref<1x80x128xf32, #tpu.memory_space<vmem>>
        %dma_wait3A_2206 = tpu.memref_squeeze %dma_wait3A_2205 : memref<1x80x128xf32, #tpu.memory_space<vmem>> -> memref<80x128xf32, #tpu.memory_space<vmem>>
        tpu.wait_dma2 semaphore(%dma_wait3A_2200 : memref<!tpu.dma_semaphore, #tpu.memory_space<semaphore_mem>>) src(%dma_wait3A_2206 : memref<80x128xf32, #tpu.memory_space<vmem>>) dst(%dma_wait3A_2202 : memref<80x128xf32, #tpu.memory_space<hbm>>)
        %dma_start3A_2207 = arith.constant 11 : i32
        %dma_start3A_2208 = arith.constant 3 : i32
        %dma_start3A_2209 = arith.constant 3 : i32
        %dma_start3A_2210 = arith.constant 0 : i32
        %dma_start3A_2211 = arith.constant 0 : i32
        %dma_start3A_2212 = tpu.memref_slice %arg6[%dma_start3A_2208, %dma_start3A_2210, %dma_start3A_2211] : memref<4x80x128xf32, #tpu.memory_space<vmem>> -> memref<1x80x128xf32, #tpu.memory_space<vmem>>
        %dma_start3A_2213 = tpu.memref_squeeze %dma_start3A_2212 : memref<1x80x128xf32, #tpu.memory_space<vmem>> -> memref<80x128xf32, #tpu.memory_space<vmem>>
        %dma_start3A_2214 = arith.constant 0 : i32
        %dma_start3A_2215 = arith.constant 0 : i32
        %dma_start3A_2216 = tpu.memref_slice %arg5[%rem3A_215, %dma_start3A_2214, %dma_start3A_2215] : memref<2x40x80xi32, #tpu.memory_space<vmem>> -> memref<1x40x80xi32, #tpu.memory_space<vmem>>
        %dma_start3A_2217 = tpu.memref_squeeze %dma_start3A_2216 : memref<1x40x80xi32, #tpu.memory_space<vmem>> -> memref<40x80xi32, #tpu.memory_space<vmem>>
        %dma_start3A_2218 = arith.constant 0 : i32
        %dma_start3A_2219 = tpu.memref_slice %dma_start3A_2217[%dma_start3A_2207, %dma_start3A_2218] : memref<40x80xi32, #tpu.memory_space<vmem>> -> memref<1x80xi32, #tpu.memory_space<vmem>>
        %dma_start3A_2220 = tpu.memref_squeeze %dma_start3A_2219 : memref<1x80xi32, #tpu.memory_space<vmem>> -> memref<80xi32, #tpu.memory_space<vmem>>
        %dma_start3A_2221 = arith.constant 0 : i32
        %dma_start3A_2222 = arith.constant 0 : i32
        %dma_start3A_2223 = tpu.memref_slice %arg7[%dma_start3A_2221, %dma_start3A_2222] : memref<8192x128xf32, #tpu.memory_space<vmem_shared>> -> memref<8192x128xf32, #tpu.memory_space<vmem_shared>>
        %dma_start3A_2224 = tpu.memref_slice %arg8[%dma_start3A_2209] : memref<4x!tpu.dma_semaphore, #tpu.memory_space<semaphore_mem>> -> memref<1x!tpu.dma_semaphore, #tpu.memory_space<semaphore_mem>>
        %dma_start3A_2225 = tpu.memref_squeeze %dma_start3A_2224 : memref<1x!tpu.dma_semaphore, #tpu.memory_space<semaphore_mem>> -> memref<!tpu.dma_semaphore, #tpu.memory_space<semaphore_mem>>
        tpu.enqueue_indirect_dma source(%dma_start3A_2223 : memref<8192x128xf32, #tpu.memory_space<vmem_shared>>) target(%dma_start3A_2213 : memref<80x128xf32, #tpu.memory_space<vmem>>) offsets(%dma_start3A_2220 : memref<80xi32, #tpu.memory_space<vmem>>) semaphore(%dma_start3A_2225 : memref<!tpu.dma_semaphore, #tpu.memory_space<semaphore_mem>>)
      } else {
      }
      %mul3A_612 = arith.constant 40 : i32
      %mul3A_613 = arith.muli %scan3A_213, %mul3A_612 : i32
      %add3A_614 = arith.constant 8 : i32
      %add3A_615 = arith.addi %mul3A_613, %add3A_614 : i32
      %dma_wait3A_616 = arith.constant 8 : i32
      %dma_wait3A_617 = arith.constant 0 : i32
      %dma_wait3A_618 = arith.constant 0 : i32
      %dma_wait3A_619 = arith.constant 0 : i32
      %dma_wait3A_620 = arith.constant 0 : i32
      %dma_wait3A_621 = tpu.memref_slice %arg6[%dma_wait3A_617, %dma_wait3A_619, %dma_wait3A_620] : memref<4x80x128xf32, #tpu.memory_space<vmem>> -> memref<1x80x128xf32, #tpu.memory_space<vmem>>
      %dma_wait3A_622 = tpu.memref_squeeze %dma_wait3A_621 : memref<1x80x128xf32, #tpu.memory_space<vmem>> -> memref<80x128xf32, #tpu.memory_space<vmem>>
      %dma_wait3A_623 = arith.constant 0 : i32
      %dma_wait3A_624 = arith.constant 0 : i32
      %dma_wait3A_625 = tpu.memref_slice %arg5[%rem3A_215, %dma_wait3A_623, %dma_wait3A_624] : memref<2x40x80xi32, #tpu.memory_space<vmem>> -> memref<1x40x80xi32, #tpu.memory_space<vmem>>
      %dma_wait3A_626 = tpu.memref_squeeze %dma_wait3A_625 : memref<1x40x80xi32, #tpu.memory_space<vmem>> -> memref<40x80xi32, #tpu.memory_space<vmem>>
      %dma_wait3A_627 = arith.constant 0 : i32
      %dma_wait3A_628 = tpu.memref_slice %dma_wait3A_626[%dma_wait3A_616, %dma_wait3A_627] : memref<40x80xi32, #tpu.memory_space<vmem>> -> memref<1x80xi32, #tpu.memory_space<vmem>>
      %dma_wait3A_629 = tpu.memref_squeeze %dma_wait3A_628 : memref<1x80xi32, #tpu.memory_space<vmem>> -> memref<80xi32, #tpu.memory_space<vmem>>
      %dma_wait3A_630 = arith.constant 0 : i32
      %dma_wait3A_631 = arith.constant 0 : i32
      %dma_wait3A_632 = tpu.memref_slice %arg7[%dma_wait3A_630, %dma_wait3A_631] : memref<8192x128xf32, #tpu.memory_space<vmem_shared>> -> memref<8192x128xf32, #tpu.memory_space<vmem_shared>>
      %dma_wait3A_633 = tpu.memref_slice %arg8[%dma_wait3A_618] : memref<4x!tpu.dma_semaphore, #tpu.memory_space<semaphore_mem>> -> memref<1x!tpu.dma_semaphore, #tpu.memory_space<semaphore_mem>>
      %dma_wait3A_634 = tpu.memref_squeeze %dma_wait3A_633 : memref<1x!tpu.dma_semaphore, #tpu.memory_space<semaphore_mem>> -> memref<!tpu.dma_semaphore, #tpu.memory_space<semaphore_mem>>
      tpu.wait_indirect_dma semaphore(%dma_wait3A_634 : memref<!tpu.dma_semaphore, #tpu.memory_space<semaphore_mem>>) src(%dma_wait3A_632 : memref<8192x128xf32, #tpu.memory_space<vmem_shared>>) dst(%dma_wait3A_622 : memref<80x128xf32, #tpu.memory_space<vmem>>)
      %mul3A_635 = arith.constant 80 : i32
      %mul3A_636 = arith.muli %add3A_615, %mul3A_635 : i32
      %add3A_637 = arith.addi %mul3A_2, %mul3A_636 : i32
      %dma_start3A_638 = arith.constant 0 : i32
      %dma_start3A_639 = arith.constant 0 : i32
      %dma_start3A_640 = arith.constant 0 : i32
      %dma_start3A_641 = arith.constant 0 : i32
      %dma_start3A_642 = tpu.memref_slice %arg6[%dma_start3A_638, %dma_start3A_640, %dma_start3A_641] : memref<4x80x128xf32, #tpu.memory_space<vmem>> -> memref<1x80x128xf32, #tpu.memory_space<vmem>>
      %dma_start3A_643 = tpu.memref_squeeze %dma_start3A_642 : memref<1x80x128xf32, #tpu.memory_space<vmem>> -> memref<80x128xf32, #tpu.memory_space<vmem>>
      %dma_start3A_644 = arith.constant 0 : i32
      %dma_start3A_645 = tpu.memref_slice %arg4[%add3A_637, %dma_start3A_644] : memref<819200x128xf32, #tpu.memory_space<hbm>> -> memref<80x128xf32, #tpu.memory_space<hbm>>
      %dma_start3A_646 = tpu.memref_slice %arg9[%dma_start3A_639] : memref<4x!tpu.dma_semaphore, #tpu.memory_space<semaphore_mem>> -> memref<1x!tpu.dma_semaphore, #tpu.memory_space<semaphore_mem>>
      %dma_start3A_647 = tpu.memref_squeeze %dma_start3A_646 : memref<1x!tpu.dma_semaphore, #tpu.memory_space<semaphore_mem>> -> memref<!tpu.dma_semaphore, #tpu.memory_space<semaphore_mem>>
      %dma_start3A_648 = arith.constant 0 : i32
      %dma_start3A_649 = tpu.memref_slice %arg4[%add3A_637, %dma_start3A_648] : memref<819200x128xf32, #tpu.memory_space<hbm>> -> memref<80x128xf32, #tpu.memory_space<hbm>>
      %dma_start3A_650 = arith.constant 0 : i32
      %dma_start3A_651 = arith.constant 0 : i32
      %dma_start3A_652 = tpu.memref_slice %arg6[%dma_start3A_638, %dma_start3A_650, %dma_start3A_651] : memref<4x80x128xf32, #tpu.memory_space<vmem>> -> memref<1x80x128xf32, #tpu.memory_space<vmem>>
      %dma_start3A_653 = tpu.memref_squeeze %dma_start3A_652 : memref<1x80x128xf32, #tpu.memory_space<vmem>> -> memref<80x128xf32, #tpu.memory_space<vmem>>
      tpu.enqueue_dma source(%dma_start3A_653 : memref<80x128xf32, #tpu.memory_space<vmem>>) target(%dma_start3A_649 : memref<80x128xf32, #tpu.memory_space<hbm>>) target_semaphore(%dma_start3A_647 : memref<!tpu.dma_semaphore, #tpu.memory_space<semaphore_mem>>)
      %add3A_654 = arith.constant 4 : i32
      %add3A_655 = arith.addi %add3A_615, %add3A_654 : i32
      %lt3A_656 = arith.constant 320 : i32
      %lt3A_657 = arith.cmpi slt, %add3A_655, %lt3A_656 : i32
      %convert_element_type3A_658 = arith.extui %lt3A_657 : i1 to i32
      %cond3A_659 = arith.constant 0 : i32
      %cond3A_660 = arith.cmpi ne, %convert_element_type3A_658, %cond3A_659 : i32
      scf.if %cond3A_660 {
        %mul3A_2188 = arith.constant 80 : i32
        %mul3A_2189 = arith.muli %add3A_615, %mul3A_2188 : i32
        %add3A_2190 = arith.addi %mul3A_2, %mul3A_2189 : i32
        %dma_wait3A_2191 = arith.constant 0 : i32
        %dma_wait3A_2192 = arith.constant 0 : i32
        %dma_wait3A_2193 = arith.constant 0 : i32
        %dma_wait3A_2194 = arith.constant 0 : i32
        %dma_wait3A_2195 = tpu.memref_slice %arg6[%dma_wait3A_2191, %dma_wait3A_2193, %dma_wait3A_2194] : memref<4x80x128xf32, #tpu.memory_space<vmem>> -> memref<1x80x128xf32, #tpu.memory_space<vmem>>
        %dma_wait3A_2196 = tpu.memref_squeeze %dma_wait3A_2195 : memref<1x80x128xf32, #tpu.memory_space<vmem>> -> memref<80x128xf32, #tpu.memory_space<vmem>>
        %dma_wait3A_2197 = arith.constant 0 : i32
        %dma_wait3A_2198 = tpu.memref_slice %arg4[%add3A_2190, %dma_wait3A_2197] : memref<819200x128xf32, #tpu.memory_space<hbm>> -> memref<80x128xf32, #tpu.memory_space<hbm>>
        %dma_wait3A_2199 = tpu.memref_slice %arg9[%dma_wait3A_2192] : memref<4x!tpu.dma_semaphore, #tpu.memory_space<semaphore_mem>> -> memref<1x!tpu.dma_semaphore, #tpu.memory_space<semaphore_mem>>
        %dma_wait3A_2200 = tpu.memref_squeeze %dma_wait3A_2199 : memref<1x!tpu.dma_semaphore, #tpu.memory_space<semaphore_mem>> -> memref<!tpu.dma_semaphore, #tpu.memory_space<semaphore_mem>>
        %dma_wait3A_2201 = arith.constant 0 : i32
        %dma_wait3A_2202 = tpu.memref_slice %arg4[%add3A_2190, %dma_wait3A_2201] : memref<819200x128xf32, #tpu.memory_space<hbm>> -> memref<80x128xf32, #tpu.memory_space<hbm>>
        %dma_wait3A_2203 = arith.constant 0 : i32
        %dma_wait3A_2204 = arith.constant 0 : i32
        %dma_wait3A_2205 = tpu.memref_slice %arg6[%dma_wait3A_2191, %dma_wait3A_2203, %dma_wait3A_2204] : memref<4x80x128xf32, #tpu.memory_space<vmem>> -> memref<1x80x128xf32, #tpu.memory_space<vmem>>
        %dma_wait3A_2206 = tpu.memref_squeeze %dma_wait3A_2205 : memref<1x80x128xf32, #tpu.memory_space<vmem>> -> memref<80x128xf32, #tpu.memory_space<vmem>>
        tpu.wait_dma2 semaphore(%dma_wait3A_2200 : memref<!tpu.dma_semaphore, #tpu.memory_space<semaphore_mem>>) src(%dma_wait3A_2206 : memref<80x128xf32, #tpu.memory_space<vmem>>) dst(%dma_wait3A_2202 : memref<80x128xf32, #tpu.memory_space<hbm>>)
        %dma_start3A_2207 = arith.constant 12 : i32
        %dma_start3A_2208 = arith.constant 0 : i32
        %dma_start3A_2209 = arith.constant 0 : i32
        %dma_start3A_2210 = arith.constant 0 : i32
        %dma_start3A_2211 = arith.constant 0 : i32
        %dma_start3A_2212 = tpu.memref_slice %arg6[%dma_start3A_2208, %dma_start3A_2210, %dma_start3A_2211] : memref<4x80x128xf32, #tpu.memory_space<vmem>> -> memref<1x80x128xf32, #tpu.memory_space<vmem>>
        %dma_start3A_2213 = tpu.memref_squeeze %dma_start3A_2212 : memref<1x80x128xf32, #tpu.memory_space<vmem>> -> memref<80x128xf32, #tpu.memory_space<vmem>>
        %dma_start3A_2214 = arith.constant 0 : i32
        %dma_start3A_2215 = arith.constant 0 : i32
        %dma_start3A_2216 = tpu.memref_slice %arg5[%rem3A_215, %dma_start3A_2214, %dma_start3A_2215] : memref<2x40x80xi32, #tpu.memory_space<vmem>> -> memref<1x40x80xi32, #tpu.memory_space<vmem>>
        %dma_start3A_2217 = tpu.memref_squeeze %dma_start3A_2216 : memref<1x40x80xi32, #tpu.memory_space<vmem>> -> memref<40x80xi32, #tpu.memory_space<vmem>>
        %dma_start3A_2218 = arith.constant 0 : i32
        %dma_start3A_2219 = tpu.memref_slice %dma_start3A_2217[%dma_start3A_2207, %dma_start3A_2218] : memref<40x80xi32, #tpu.memory_space<vmem>> -> memref<1x80xi32, #tpu.memory_space<vmem>>
        %dma_start3A_2220 = tpu.memref_squeeze %dma_start3A_2219 : memref<1x80xi32, #tpu.memory_space<vmem>> -> memref<80xi32, #tpu.memory_space<vmem>>
        %dma_start3A_2221 = arith.constant 0 : i32
        %dma_start3A_2222 = arith.constant 0 : i32
        %dma_start3A_2223 = tpu.memref_slice %arg7[%dma_start3A_2221, %dma_start3A_2222] : memref<8192x128xf32, #tpu.memory_space<vmem_shared>> -> memref<8192x128xf32, #tpu.memory_space<vmem_shared>>
        %dma_start3A_2224 = tpu.memref_slice %arg8[%dma_start3A_2209] : memref<4x!tpu.dma_semaphore, #tpu.memory_space<semaphore_mem>> -> memref<1x!tpu.dma_semaphore, #tpu.memory_space<semaphore_mem>>
        %dma_start3A_2225 = tpu.memref_squeeze %dma_start3A_2224 : memref<1x!tpu.dma_semaphore, #tpu.memory_space<semaphore_mem>> -> memref<!tpu.dma_semaphore, #tpu.memory_space<semaphore_mem>>
        tpu.enqueue_indirect_dma source(%dma_start3A_2223 : memref<8192x128xf32, #tpu.memory_space<vmem_shared>>) target(%dma_start3A_2213 : memref<80x128xf32, #tpu.memory_space<vmem>>) offsets(%dma_start3A_2220 : memref<80xi32, #tpu.memory_space<vmem>>) semaphore(%dma_start3A_2225 : memref<!tpu.dma_semaphore, #tpu.memory_space<semaphore_mem>>)
      } else {
      }
      %mul3A_661 = arith.constant 40 : i32
      %mul3A_662 = arith.muli %scan3A_213, %mul3A_661 : i32
      %add3A_663 = arith.constant 9 : i32
      %add3A_664 = arith.addi %mul3A_662, %add3A_663 : i32
      %dma_wait3A_665 = arith.constant 9 : i32
      %dma_wait3A_666 = arith.constant 1 : i32
      %dma_wait3A_667 = arith.constant 1 : i32
      %dma_wait3A_668 = arith.constant 0 : i32
      %dma_wait3A_669 = arith.constant 0 : i32
      %dma_wait3A_670 = tpu.memref_slice %arg6[%dma_wait3A_666, %dma_wait3A_668, %dma_wait3A_669] : memref<4x80x128xf32, #tpu.memory_space<vmem>> -> memref<1x80x128xf32, #tpu.memory_space<vmem>>
      %dma_wait3A_671 = tpu.memref_squeeze %dma_wait3A_670 : memref<1x80x128xf32, #tpu.memory_space<vmem>> -> memref<80x128xf32, #tpu.memory_space<vmem>>
      %dma_wait3A_672 = arith.constant 0 : i32
      %dma_wait3A_673 = arith.constant 0 : i32
      %dma_wait3A_674 = tpu.memref_slice %arg5[%rem3A_215, %dma_wait3A_672, %dma_wait3A_673] : memref<2x40x80xi32, #tpu.memory_space<vmem>> -> memref<1x40x80xi32, #tpu.memory_space<vmem>>
      %dma_wait3A_675 = tpu.memref_squeeze %dma_wait3A_674 : memref<1x40x80xi32, #tpu.memory_space<vmem>> -> memref<40x80xi32, #tpu.memory_space<vmem>>
      %dma_wait3A_676 = arith.constant 0 : i32
      %dma_wait3A_677 = tpu.memref_slice %dma_wait3A_675[%dma_wait3A_665, %dma_wait3A_676] : memref<40x80xi32, #tpu.memory_space<vmem>> -> memref<1x80xi32, #tpu.memory_space<vmem>>
      %dma_wait3A_678 = tpu.memref_squeeze %dma_wait3A_677 : memref<1x80xi32, #tpu.memory_space<vmem>> -> memref<80xi32, #tpu.memory_space<vmem>>
      %dma_wait3A_679 = arith.constant 0 : i32
      %dma_wait3A_680 = arith.constant 0 : i32
      %dma_wait3A_681 = tpu.memref_slice %arg7[%dma_wait3A_679, %dma_wait3A_680] : memref<8192x128xf32, #tpu.memory_space<vmem_shared>> -> memref<8192x128xf32, #tpu.memory_space<vmem_shared>>
      %dma_wait3A_682 = tpu.memref_slice %arg8[%dma_wait3A_667] : memref<4x!tpu.dma_semaphore, #tpu.memory_space<semaphore_mem>> -> memref<1x!tpu.dma_semaphore, #tpu.memory_space<semaphore_mem>>
      %dma_wait3A_683 = tpu.memref_squeeze %dma_wait3A_682 : memref<1x!tpu.dma_semaphore, #tpu.memory_space<semaphore_mem>> -> memref<!tpu.dma_semaphore, #tpu.memory_space<semaphore_mem>>
      tpu.wait_indirect_dma semaphore(%dma_wait3A_683 : memref<!tpu.dma_semaphore, #tpu.memory_space<semaphore_mem>>) src(%dma_wait3A_681 : memref<8192x128xf32, #tpu.memory_space<vmem_shared>>) dst(%dma_wait3A_671 : memref<80x128xf32, #tpu.memory_space<vmem>>)
      %mul3A_684 = arith.constant 80 : i32
      %mul3A_685 = arith.muli %add3A_664, %mul3A_684 : i32
      %add3A_686 = arith.addi %mul3A_2, %mul3A_685 : i32
      %dma_start3A_687 = arith.constant 1 : i32
      %dma_start3A_688 = arith.constant 1 : i32
      %dma_start3A_689 = arith.constant 0 : i32
      %dma_start3A_690 = arith.constant 0 : i32
      %dma_start3A_691 = tpu.memref_slice %arg6[%dma_start3A_687, %dma_start3A_689, %dma_start3A_690] : memref<4x80x128xf32, #tpu.memory_space<vmem>> -> memref<1x80x128xf32, #tpu.memory_space<vmem>>
      %dma_start3A_692 = tpu.memref_squeeze %dma_start3A_691 : memref<1x80x128xf32, #tpu.memory_space<vmem>> -> memref<80x128xf32, #tpu.memory_space<vmem>>
      %dma_start3A_693 = arith.constant 0 : i32
      %dma_start3A_694 = tpu.memref_slice %arg4[%add3A_686, %dma_start3A_693] : memref<819200x128xf32, #tpu.memory_space<hbm>> -> memref<80x128xf32, #tpu.memory_space<hbm>>
      %dma_start3A_695 = tpu.memref_slice %arg9[%dma_start3A_688] : memref<4x!tpu.dma_semaphore, #tpu.memory_space<semaphore_mem>> -> memref<1x!tpu.dma_semaphore, #tpu.memory_space<semaphore_mem>>
      %dma_start3A_696 = tpu.memref_squeeze %dma_start3A_695 : memref<1x!tpu.dma_semaphore, #tpu.memory_space<semaphore_mem>> -> memref<!tpu.dma_semaphore, #tpu.memory_space<semaphore_mem>>
      %dma_start3A_697 = arith.constant 0 : i32
      %dma_start3A_698 = tpu.memref_slice %arg4[%add3A_686, %dma_start3A_697] : memref<819200x128xf32, #tpu.memory_space<hbm>> -> memref<80x128xf32, #tpu.memory_space<hbm>>
      %dma_start3A_699 = arith.constant 0 : i32
      %dma_start3A_700 = arith.constant 0 : i32
      %dma_start3A_701 = tpu.memref_slice %arg6[%dma_start3A_687, %dma_start3A_699, %dma_start3A_700] : memref<4x80x128xf32, #tpu.memory_space<vmem>> -> memref<1x80x128xf32, #tpu.memory_space<vmem>>
      %dma_start3A_702 = tpu.memref_squeeze %dma_start3A_701 : memref<1x80x128xf32, #tpu.memory_space<vmem>> -> memref<80x128xf32, #tpu.memory_space<vmem>>
      tpu.enqueue_dma source(%dma_start3A_702 : memref<80x128xf32, #tpu.memory_space<vmem>>) target(%dma_start3A_698 : memref<80x128xf32, #tpu.memory_space<hbm>>) target_semaphore(%dma_start3A_696 : memref<!tpu.dma_semaphore, #tpu.memory_space<semaphore_mem>>)
      %add3A_703 = arith.constant 4 : i32
      %add3A_704 = arith.addi %add3A_664, %add3A_703 : i32
      %lt3A_705 = arith.constant 320 : i32
      %lt3A_706 = arith.cmpi slt, %add3A_704, %lt3A_705 : i32
      %convert_element_type3A_707 = arith.extui %lt3A_706 : i1 to i32
      %cond3A_708 = arith.constant 0 : i32
      %cond3A_709 = arith.cmpi ne, %convert_element_type3A_707, %cond3A_708 : i32
      scf.if %cond3A_709 {
        %mul3A_2188 = arith.constant 80 : i32
        %mul3A_2189 = arith.muli %add3A_664, %mul3A_2188 : i32
        %add3A_2190 = arith.addi %mul3A_2, %mul3A_2189 : i32
        %dma_wait3A_2191 = arith.constant 1 : i32
        %dma_wait3A_2192 = arith.constant 1 : i32
        %dma_wait3A_2193 = arith.constant 0 : i32
        %dma_wait3A_2194 = arith.constant 0 : i32
        %dma_wait3A_2195 = tpu.memref_slice %arg6[%dma_wait3A_2191, %dma_wait3A_2193, %dma_wait3A_2194] : memref<4x80x128xf32, #tpu.memory_space<vmem>> -> memref<1x80x128xf32, #tpu.memory_space<vmem>>
        %dma_wait3A_2196 = tpu.memref_squeeze %dma_wait3A_2195 : memref<1x80x128xf32, #tpu.memory_space<vmem>> -> memref<80x128xf32, #tpu.memory_space<vmem>>
        %dma_wait3A_2197 = arith.constant 0 : i32
        %dma_wait3A_2198 = tpu.memref_slice %arg4[%add3A_2190, %dma_wait3A_2197] : memref<819200x128xf32, #tpu.memory_space<hbm>> -> memref<80x128xf32, #tpu.memory_space<hbm>>
        %dma_wait3A_2199 = tpu.memref_slice %arg9[%dma_wait3A_2192] : memref<4x!tpu.dma_semaphore, #tpu.memory_space<semaphore_mem>> -> memref<1x!tpu.dma_semaphore, #tpu.memory_space<semaphore_mem>>
        %dma_wait3A_2200 = tpu.memref_squeeze %dma_wait3A_2199 : memref<1x!tpu.dma_semaphore, #tpu.memory_space<semaphore_mem>> -> memref<!tpu.dma_semaphore, #tpu.memory_space<semaphore_mem>>
        %dma_wait3A_2201 = arith.constant 0 : i32
        %dma_wait3A_2202 = tpu.memref_slice %arg4[%add3A_2190, %dma_wait3A_2201] : memref<819200x128xf32, #tpu.memory_space<hbm>> -> memref<80x128xf32, #tpu.memory_space<hbm>>
        %dma_wait3A_2203 = arith.constant 0 : i32
        %dma_wait3A_2204 = arith.constant 0 : i32
        %dma_wait3A_2205 = tpu.memref_slice %arg6[%dma_wait3A_2191, %dma_wait3A_2203, %dma_wait3A_2204] : memref<4x80x128xf32, #tpu.memory_space<vmem>> -> memref<1x80x128xf32, #tpu.memory_space<vmem>>
        %dma_wait3A_2206 = tpu.memref_squeeze %dma_wait3A_2205 : memref<1x80x128xf32, #tpu.memory_space<vmem>> -> memref<80x128xf32, #tpu.memory_space<vmem>>
        tpu.wait_dma2 semaphore(%dma_wait3A_2200 : memref<!tpu.dma_semaphore, #tpu.memory_space<semaphore_mem>>) src(%dma_wait3A_2206 : memref<80x128xf32, #tpu.memory_space<vmem>>) dst(%dma_wait3A_2202 : memref<80x128xf32, #tpu.memory_space<hbm>>)
        %dma_start3A_2207 = arith.constant 13 : i32
        %dma_start3A_2208 = arith.constant 1 : i32
        %dma_start3A_2209 = arith.constant 1 : i32
        %dma_start3A_2210 = arith.constant 0 : i32
        %dma_start3A_2211 = arith.constant 0 : i32
        %dma_start3A_2212 = tpu.memref_slice %arg6[%dma_start3A_2208, %dma_start3A_2210, %dma_start3A_2211] : memref<4x80x128xf32, #tpu.memory_space<vmem>> -> memref<1x80x128xf32, #tpu.memory_space<vmem>>
        %dma_start3A_2213 = tpu.memref_squeeze %dma_start3A_2212 : memref<1x80x128xf32, #tpu.memory_space<vmem>> -> memref<80x128xf32, #tpu.memory_space<vmem>>
        %dma_start3A_2214 = arith.constant 0 : i32
        %dma_start3A_2215 = arith.constant 0 : i32
        %dma_start3A_2216 = tpu.memref_slice %arg5[%rem3A_215, %dma_start3A_2214, %dma_start3A_2215] : memref<2x40x80xi32, #tpu.memory_space<vmem>> -> memref<1x40x80xi32, #tpu.memory_space<vmem>>
        %dma_start3A_2217 = tpu.memref_squeeze %dma_start3A_2216 : memref<1x40x80xi32, #tpu.memory_space<vmem>> -> memref<40x80xi32, #tpu.memory_space<vmem>>
        %dma_start3A_2218 = arith.constant 0 : i32
        %dma_start3A_2219 = tpu.memref_slice %dma_start3A_2217[%dma_start3A_2207, %dma_start3A_2218] : memref<40x80xi32, #tpu.memory_space<vmem>> -> memref<1x80xi32, #tpu.memory_space<vmem>>
        %dma_start3A_2220 = tpu.memref_squeeze %dma_start3A_2219 : memref<1x80xi32, #tpu.memory_space<vmem>> -> memref<80xi32, #tpu.memory_space<vmem>>
        %dma_start3A_2221 = arith.constant 0 : i32
        %dma_start3A_2222 = arith.constant 0 : i32
        %dma_start3A_2223 = tpu.memref_slice %arg7[%dma_start3A_2221, %dma_start3A_2222] : memref<8192x128xf32, #tpu.memory_space<vmem_shared>> -> memref<8192x128xf32, #tpu.memory_space<vmem_shared>>
        %dma_start3A_2224 = tpu.memref_slice %arg8[%dma_start3A_2209] : memref<4x!tpu.dma_semaphore, #tpu.memory_space<semaphore_mem>> -> memref<1x!tpu.dma_semaphore, #tpu.memory_space<semaphore_mem>>
        %dma_start3A_2225 = tpu.memref_squeeze %dma_start3A_2224 : memref<1x!tpu.dma_semaphore, #tpu.memory_space<semaphore_mem>> -> memref<!tpu.dma_semaphore, #tpu.memory_space<semaphore_mem>>
        tpu.enqueue_indirect_dma source(%dma_start3A_2223 : memref<8192x128xf32, #tpu.memory_space<vmem_shared>>) target(%dma_start3A_2213 : memref<80x128xf32, #tpu.memory_space<vmem>>) offsets(%dma_start3A_2220 : memref<80xi32, #tpu.memory_space<vmem>>) semaphore(%dma_start3A_2225 : memref<!tpu.dma_semaphore, #tpu.memory_space<semaphore_mem>>)
      } else {
      }
      %mul3A_710 = arith.constant 40 : i32
      %mul3A_711 = arith.muli %scan3A_213, %mul3A_710 : i32
      %add3A_712 = arith.constant 10 : i32
      %add3A_713 = arith.addi %mul3A_711, %add3A_712 : i32
      %dma_wait3A_714 = arith.constant 10 : i32
      %dma_wait3A_715 = arith.constant 2 : i32
      %dma_wait3A_716 = arith.constant 2 : i32
      %dma_wait3A_717 = arith.constant 0 : i32
      %dma_wait3A_718 = arith.constant 0 : i32
      %dma_wait3A_719 = tpu.memref_slice %arg6[%dma_wait3A_715, %dma_wait3A_717, %dma_wait3A_718] : memref<4x80x128xf32, #tpu.memory_space<vmem>> -> memref<1x80x128xf32, #tpu.memory_space<vmem>>
      %dma_wait3A_720 = tpu.memref_squeeze %dma_wait3A_719 : memref<1x80x128xf32, #tpu.memory_space<vmem>> -> memref<80x128xf32, #tpu.memory_space<vmem>>
      %dma_wait3A_721 = arith.constant 0 : i32
      %dma_wait3A_722 = arith.constant 0 : i32
      %dma_wait3A_723 = tpu.memref_slice %arg5[%rem3A_215, %dma_wait3A_721, %dma_wait3A_722] : memref<2x40x80xi32, #tpu.memory_space<vmem>> -> memref<1x40x80xi32, #tpu.memory_space<vmem>>
      %dma_wait3A_724 = tpu.memref_squeeze %dma_wait3A_723 : memref<1x40x80xi32, #tpu.memory_space<vmem>> -> memref<40x80xi32, #tpu.memory_space<vmem>>
      %dma_wait3A_725 = arith.constant 0 : i32
      %dma_wait3A_726 = tpu.memref_slice %dma_wait3A_724[%dma_wait3A_714, %dma_wait3A_725] : memref<40x80xi32, #tpu.memory_space<vmem>> -> memref<1x80xi32, #tpu.memory_space<vmem>>
      %dma_wait3A_727 = tpu.memref_squeeze %dma_wait3A_726 : memref<1x80xi32, #tpu.memory_space<vmem>> -> memref<80xi32, #tpu.memory_space<vmem>>
      %dma_wait3A_728 = arith.constant 0 : i32
      %dma_wait3A_729 = arith.constant 0 : i32
      %dma_wait3A_730 = tpu.memref_slice %arg7[%dma_wait3A_728, %dma_wait3A_729] : memref<8192x128xf32, #tpu.memory_space<vmem_shared>> -> memref<8192x128xf32, #tpu.memory_space<vmem_shared>>
      %dma_wait3A_731 = tpu.memref_slice %arg8[%dma_wait3A_716] : memref<4x!tpu.dma_semaphore, #tpu.memory_space<semaphore_mem>> -> memref<1x!tpu.dma_semaphore, #tpu.memory_space<semaphore_mem>>
      %dma_wait3A_732 = tpu.memref_squeeze %dma_wait3A_731 : memref<1x!tpu.dma_semaphore, #tpu.memory_space<semaphore_mem>> -> memref<!tpu.dma_semaphore, #tpu.memory_space<semaphore_mem>>
      tpu.wait_indirect_dma semaphore(%dma_wait3A_732 : memref<!tpu.dma_semaphore, #tpu.memory_space<semaphore_mem>>) src(%dma_wait3A_730 : memref<8192x128xf32, #tpu.memory_space<vmem_shared>>) dst(%dma_wait3A_720 : memref<80x128xf32, #tpu.memory_space<vmem>>)
      %mul3A_733 = arith.constant 80 : i32
      %mul3A_734 = arith.muli %add3A_713, %mul3A_733 : i32
      %add3A_735 = arith.addi %mul3A_2, %mul3A_734 : i32
      %dma_start3A_736 = arith.constant 2 : i32
      %dma_start3A_737 = arith.constant 2 : i32
      %dma_start3A_738 = arith.constant 0 : i32
      %dma_start3A_739 = arith.constant 0 : i32
      %dma_start3A_740 = tpu.memref_slice %arg6[%dma_start3A_736, %dma_start3A_738, %dma_start3A_739] : memref<4x80x128xf32, #tpu.memory_space<vmem>> -> memref<1x80x128xf32, #tpu.memory_space<vmem>>
      %dma_start3A_741 = tpu.memref_squeeze %dma_start3A_740 : memref<1x80x128xf32, #tpu.memory_space<vmem>> -> memref<80x128xf32, #tpu.memory_space<vmem>>
      %dma_start3A_742 = arith.constant 0 : i32
      %dma_start3A_743 = tpu.memref_slice %arg4[%add3A_735, %dma_start3A_742] : memref<819200x128xf32, #tpu.memory_space<hbm>> -> memref<80x128xf32, #tpu.memory_space<hbm>>
      %dma_start3A_744 = tpu.memref_slice %arg9[%dma_start3A_737] : memref<4x!tpu.dma_semaphore, #tpu.memory_space<semaphore_mem>> -> memref<1x!tpu.dma_semaphore, #tpu.memory_space<semaphore_mem>>
      %dma_start3A_745 = tpu.memref_squeeze %dma_start3A_744 : memref<1x!tpu.dma_semaphore, #tpu.memory_space<semaphore_mem>> -> memref<!tpu.dma_semaphore, #tpu.memory_space<semaphore_mem>>
      %dma_start3A_746 = arith.constant 0 : i32
      %dma_start3A_747 = tpu.memref_slice %arg4[%add3A_735, %dma_start3A_746] : memref<819200x128xf32, #tpu.memory_space<hbm>> -> memref<80x128xf32, #tpu.memory_space<hbm>>
      %dma_start3A_748 = arith.constant 0 : i32
      %dma_start3A_749 = arith.constant 0 : i32
      %dma_start3A_750 = tpu.memref_slice %arg6[%dma_start3A_736, %dma_start3A_748, %dma_start3A_749] : memref<4x80x128xf32, #tpu.memory_space<vmem>> -> memref<1x80x128xf32, #tpu.memory_space<vmem>>
      %dma_start3A_751 = tpu.memref_squeeze %dma_start3A_750 : memref<1x80x128xf32, #tpu.memory_space<vmem>> -> memref<80x128xf32, #tpu.memory_space<vmem>>
      tpu.enqueue_dma source(%dma_start3A_751 : memref<80x128xf32, #tpu.memory_space<vmem>>) target(%dma_start3A_747 : memref<80x128xf32, #tpu.memory_space<hbm>>) target_semaphore(%dma_start3A_745 : memref<!tpu.dma_semaphore, #tpu.memory_space<semaphore_mem>>)
      %add3A_752 = arith.constant 4 : i32
      %add3A_753 = arith.addi %add3A_713, %add3A_752 : i32
      %lt3A_754 = arith.constant 320 : i32
      %lt3A_755 = arith.cmpi slt, %add3A_753, %lt3A_754 : i32
      %convert_element_type3A_756 = arith.extui %lt3A_755 : i1 to i32
      %cond3A_757 = arith.constant 0 : i32
      %cond3A_758 = arith.cmpi ne, %convert_element_type3A_756, %cond3A_757 : i32
      scf.if %cond3A_758 {
        %mul3A_2188 = arith.constant 80 : i32
        %mul3A_2189 = arith.muli %add3A_713, %mul3A_2188 : i32
        %add3A_2190 = arith.addi %mul3A_2, %mul3A_2189 : i32
        %dma_wait3A_2191 = arith.constant 2 : i32
        %dma_wait3A_2192 = arith.constant 2 : i32
        %dma_wait3A_2193 = arith.constant 0 : i32
        %dma_wait3A_2194 = arith.constant 0 : i32
        %dma_wait3A_2195 = tpu.memref_slice %arg6[%dma_wait3A_2191, %dma_wait3A_2193, %dma_wait3A_2194] : memref<4x80x128xf32, #tpu.memory_space<vmem>> -> memref<1x80x128xf32, #tpu.memory_space<vmem>>
        %dma_wait3A_2196 = tpu.memref_squeeze %dma_wait3A_2195 : memref<1x80x128xf32, #tpu.memory_space<vmem>> -> memref<80x128xf32, #tpu.memory_space<vmem>>
        %dma_wait3A_2197 = arith.constant 0 : i32
        %dma_wait3A_2198 = tpu.memref_slice %arg4[%add3A_2190, %dma_wait3A_2197] : memref<819200x128xf32, #tpu.memory_space<hbm>> -> memref<80x128xf32, #tpu.memory_space<hbm>>
        %dma_wait3A_2199 = tpu.memref_slice %arg9[%dma_wait3A_2192] : memref<4x!tpu.dma_semaphore, #tpu.memory_space<semaphore_mem>> -> memref<1x!tpu.dma_semaphore, #tpu.memory_space<semaphore_mem>>
        %dma_wait3A_2200 = tpu.memref_squeeze %dma_wait3A_2199 : memref<1x!tpu.dma_semaphore, #tpu.memory_space<semaphore_mem>> -> memref<!tpu.dma_semaphore, #tpu.memory_space<semaphore_mem>>
        %dma_wait3A_2201 = arith.constant 0 : i32
        %dma_wait3A_2202 = tpu.memref_slice %arg4[%add3A_2190, %dma_wait3A_2201] : memref<819200x128xf32, #tpu.memory_space<hbm>> -> memref<80x128xf32, #tpu.memory_space<hbm>>
        %dma_wait3A_2203 = arith.constant 0 : i32
        %dma_wait3A_2204 = arith.constant 0 : i32
        %dma_wait3A_2205 = tpu.memref_slice %arg6[%dma_wait3A_2191, %dma_wait3A_2203, %dma_wait3A_2204] : memref<4x80x128xf32, #tpu.memory_space<vmem>> -> memref<1x80x128xf32, #tpu.memory_space<vmem>>
        %dma_wait3A_2206 = tpu.memref_squeeze %dma_wait3A_2205 : memref<1x80x128xf32, #tpu.memory_space<vmem>> -> memref<80x128xf32, #tpu.memory_space<vmem>>
        tpu.wait_dma2 semaphore(%dma_wait3A_2200 : memref<!tpu.dma_semaphore, #tpu.memory_space<semaphore_mem>>) src(%dma_wait3A_2206 : memref<80x128xf32, #tpu.memory_space<vmem>>) dst(%dma_wait3A_2202 : memref<80x128xf32, #tpu.memory_space<hbm>>)
        %dma_start3A_2207 = arith.constant 14 : i32
        %dma_start3A_2208 = arith.constant 2 : i32
        %dma_start3A_2209 = arith.constant 2 : i32
        %dma_start3A_2210 = arith.constant 0 : i32
        %dma_start3A_2211 = arith.constant 0 : i32
        %dma_start3A_2212 = tpu.memref_slice %arg6[%dma_start3A_2208, %dma_start3A_2210, %dma_start3A_2211] : memref<4x80x128xf32, #tpu.memory_space<vmem>> -> memref<1x80x128xf32, #tpu.memory_space<vmem>>
        %dma_start3A_2213 = tpu.memref_squeeze %dma_start3A_2212 : memref<1x80x128xf32, #tpu.memory_space<vmem>> -> memref<80x128xf32, #tpu.memory_space<vmem>>
        %dma_start3A_2214 = arith.constant 0 : i32
        %dma_start3A_2215 = arith.constant 0 : i32
        %dma_start3A_2216 = tpu.memref_slice %arg5[%rem3A_215, %dma_start3A_2214, %dma_start3A_2215] : memref<2x40x80xi32, #tpu.memory_space<vmem>> -> memref<1x40x80xi32, #tpu.memory_space<vmem>>
        %dma_start3A_2217 = tpu.memref_squeeze %dma_start3A_2216 : memref<1x40x80xi32, #tpu.memory_space<vmem>> -> memref<40x80xi32, #tpu.memory_space<vmem>>
        %dma_start3A_2218 = arith.constant 0 : i32
        %dma_start3A_2219 = tpu.memref_slice %dma_start3A_2217[%dma_start3A_2207, %dma_start3A_2218] : memref<40x80xi32, #tpu.memory_space<vmem>> -> memref<1x80xi32, #tpu.memory_space<vmem>>
        %dma_start3A_2220 = tpu.memref_squeeze %dma_start3A_2219 : memref<1x80xi32, #tpu.memory_space<vmem>> -> memref<80xi32, #tpu.memory_space<vmem>>
        %dma_start3A_2221 = arith.constant 0 : i32
        %dma_start3A_2222 = arith.constant 0 : i32
        %dma_start3A_2223 = tpu.memref_slice %arg7[%dma_start3A_2221, %dma_start3A_2222] : memref<8192x128xf32, #tpu.memory_space<vmem_shared>> -> memref<8192x128xf32, #tpu.memory_space<vmem_shared>>
        %dma_start3A_2224 = tpu.memref_slice %arg8[%dma_start3A_2209] : memref<4x!tpu.dma_semaphore, #tpu.memory_space<semaphore_mem>> -> memref<1x!tpu.dma_semaphore, #tpu.memory_space<semaphore_mem>>
        %dma_start3A_2225 = tpu.memref_squeeze %dma_start3A_2224 : memref<1x!tpu.dma_semaphore, #tpu.memory_space<semaphore_mem>> -> memref<!tpu.dma_semaphore, #tpu.memory_space<semaphore_mem>>
        tpu.enqueue_indirect_dma source(%dma_start3A_2223 : memref<8192x128xf32, #tpu.memory_space<vmem_shared>>) target(%dma_start3A_2213 : memref<80x128xf32, #tpu.memory_space<vmem>>) offsets(%dma_start3A_2220 : memref<80xi32, #tpu.memory_space<vmem>>) semaphore(%dma_start3A_2225 : memref<!tpu.dma_semaphore, #tpu.memory_space<semaphore_mem>>)
      } else {
      }
      %mul3A_759 = arith.constant 40 : i32
      %mul3A_760 = arith.muli %scan3A_213, %mul3A_759 : i32
      %add3A_761 = arith.constant 11 : i32
      %add3A_762 = arith.addi %mul3A_760, %add3A_761 : i32
      %dma_wait3A_763 = arith.constant 11 : i32
      %dma_wait3A_764 = arith.constant 3 : i32
      %dma_wait3A_765 = arith.constant 3 : i32
      %dma_wait3A_766 = arith.constant 0 : i32
      %dma_wait3A_767 = arith.constant 0 : i32
      %dma_wait3A_768 = tpu.memref_slice %arg6[%dma_wait3A_764, %dma_wait3A_766, %dma_wait3A_767] : memref<4x80x128xf32, #tpu.memory_space<vmem>> -> memref<1x80x128xf32, #tpu.memory_space<vmem>>
      %dma_wait3A_769 = tpu.memref_squeeze %dma_wait3A_768 : memref<1x80x128xf32, #tpu.memory_space<vmem>> -> memref<80x128xf32, #tpu.memory_space<vmem>>
      %dma_wait3A_770 = arith.constant 0 : i32
      %dma_wait3A_771 = arith.constant 0 : i32
      %dma_wait3A_772 = tpu.memref_slice %arg5[%rem3A_215, %dma_wait3A_770, %dma_wait3A_771] : memref<2x40x80xi32, #tpu.memory_space<vmem>> -> memref<1x40x80xi32, #tpu.memory_space<vmem>>
      %dma_wait3A_773 = tpu.memref_squeeze %dma_wait3A_772 : memref<1x40x80xi32, #tpu.memory_space<vmem>> -> memref<40x80xi32, #tpu.memory_space<vmem>>
      %dma_wait3A_774 = arith.constant 0 : i32
      %dma_wait3A_775 = tpu.memref_slice %dma_wait3A_773[%dma_wait3A_763, %dma_wait3A_774] : memref<40x80xi32, #tpu.memory_space<vmem>> -> memref<1x80xi32, #tpu.memory_space<vmem>>
      %dma_wait3A_776 = tpu.memref_squeeze %dma_wait3A_775 : memref<1x80xi32, #tpu.memory_space<vmem>> -> memref<80xi32, #tpu.memory_space<vmem>>
      %dma_wait3A_777 = arith.constant 0 : i32
      %dma_wait3A_778 = arith.constant 0 : i32
      %dma_wait3A_779 = tpu.memref_slice %arg7[%dma_wait3A_777, %dma_wait3A_778] : memref<8192x128xf32, #tpu.memory_space<vmem_shared>> -> memref<8192x128xf32, #tpu.memory_space<vmem_shared>>
      %dma_wait3A_780 = tpu.memref_slice %arg8[%dma_wait3A_765] : memref<4x!tpu.dma_semaphore, #tpu.memory_space<semaphore_mem>> -> memref<1x!tpu.dma_semaphore, #tpu.memory_space<semaphore_mem>>
      %dma_wait3A_781 = tpu.memref_squeeze %dma_wait3A_780 : memref<1x!tpu.dma_semaphore, #tpu.memory_space<semaphore_mem>> -> memref<!tpu.dma_semaphore, #tpu.memory_space<semaphore_mem>>
      tpu.wait_indirect_dma semaphore(%dma_wait3A_781 : memref<!tpu.dma_semaphore, #tpu.memory_space<semaphore_mem>>) src(%dma_wait3A_779 : memref<8192x128xf32, #tpu.memory_space<vmem_shared>>) dst(%dma_wait3A_769 : memref<80x128xf32, #tpu.memory_space<vmem>>)
      %mul3A_782 = arith.constant 80 : i32
      %mul3A_783 = arith.muli %add3A_762, %mul3A_782 : i32
      %add3A_784 = arith.addi %mul3A_2, %mul3A_783 : i32
      %dma_start3A_785 = arith.constant 3 : i32
      %dma_start3A_786 = arith.constant 3 : i32
      %dma_start3A_787 = arith.constant 0 : i32
      %dma_start3A_788 = arith.constant 0 : i32
      %dma_start3A_789 = tpu.memref_slice %arg6[%dma_start3A_785, %dma_start3A_787, %dma_start3A_788] : memref<4x80x128xf32, #tpu.memory_space<vmem>> -> memref<1x80x128xf32, #tpu.memory_space<vmem>>
      %dma_start3A_790 = tpu.memref_squeeze %dma_start3A_789 : memref<1x80x128xf32, #tpu.memory_space<vmem>> -> memref<80x128xf32, #tpu.memory_space<vmem>>
      %dma_start3A_791 = arith.constant 0 : i32
      %dma_start3A_792 = tpu.memref_slice %arg4[%add3A_784, %dma_start3A_791] : memref<819200x128xf32, #tpu.memory_space<hbm>> -> memref<80x128xf32, #tpu.memory_space<hbm>>
      %dma_start3A_793 = tpu.memref_slice %arg9[%dma_start3A_786] : memref<4x!tpu.dma_semaphore, #tpu.memory_space<semaphore_mem>> -> memref<1x!tpu.dma_semaphore, #tpu.memory_space<semaphore_mem>>
      %dma_start3A_794 = tpu.memref_squeeze %dma_start3A_793 : memref<1x!tpu.dma_semaphore, #tpu.memory_space<semaphore_mem>> -> memref<!tpu.dma_semaphore, #tpu.memory_space<semaphore_mem>>
      %dma_start3A_795 = arith.constant 0 : i32
      %dma_start3A_796 = tpu.memref_slice %arg4[%add3A_784, %dma_start3A_795] : memref<819200x128xf32, #tpu.memory_space<hbm>> -> memref<80x128xf32, #tpu.memory_space<hbm>>
      %dma_start3A_797 = arith.constant 0 : i32
      %dma_start3A_798 = arith.constant 0 : i32
      %dma_start3A_799 = tpu.memref_slice %arg6[%dma_start3A_785, %dma_start3A_797, %dma_start3A_798] : memref<4x80x128xf32, #tpu.memory_space<vmem>> -> memref<1x80x128xf32, #tpu.memory_space<vmem>>
      %dma_start3A_800 = tpu.memref_squeeze %dma_start3A_799 : memref<1x80x128xf32, #tpu.memory_space<vmem>> -> memref<80x128xf32, #tpu.memory_space<vmem>>
      tpu.enqueue_dma source(%dma_start3A_800 : memref<80x128xf32, #tpu.memory_space<vmem>>) target(%dma_start3A_796 : memref<80x128xf32, #tpu.memory_space<hbm>>) target_semaphore(%dma_start3A_794 : memref<!tpu.dma_semaphore, #tpu.memory_space<semaphore_mem>>)
      %add3A_801 = arith.constant 4 : i32
      %add3A_802 = arith.addi %add3A_762, %add3A_801 : i32
      %lt3A_803 = arith.constant 320 : i32
      %lt3A_804 = arith.cmpi slt, %add3A_802, %lt3A_803 : i32
      %convert_element_type3A_805 = arith.extui %lt3A_804 : i1 to i32
      %cond3A_806 = arith.constant 0 : i32
      %cond3A_807 = arith.cmpi ne, %convert_element_type3A_805, %cond3A_806 : i32
      scf.if %cond3A_807 {
        %mul3A_2188 = arith.constant 80 : i32
        %mul3A_2189 = arith.muli %add3A_762, %mul3A_2188 : i32
        %add3A_2190 = arith.addi %mul3A_2, %mul3A_2189 : i32
        %dma_wait3A_2191 = arith.constant 3 : i32
        %dma_wait3A_2192 = arith.constant 3 : i32
        %dma_wait3A_2193 = arith.constant 0 : i32
        %dma_wait3A_2194 = arith.constant 0 : i32
        %dma_wait3A_2195 = tpu.memref_slice %arg6[%dma_wait3A_2191, %dma_wait3A_2193, %dma_wait3A_2194] : memref<4x80x128xf32, #tpu.memory_space<vmem>> -> memref<1x80x128xf32, #tpu.memory_space<vmem>>
        %dma_wait3A_2196 = tpu.memref_squeeze %dma_wait3A_2195 : memref<1x80x128xf32, #tpu.memory_space<vmem>> -> memref<80x128xf32, #tpu.memory_space<vmem>>
        %dma_wait3A_2197 = arith.constant 0 : i32
        %dma_wait3A_2198 = tpu.memref_slice %arg4[%add3A_2190, %dma_wait3A_2197] : memref<819200x128xf32, #tpu.memory_space<hbm>> -> memref<80x128xf32, #tpu.memory_space<hbm>>
        %dma_wait3A_2199 = tpu.memref_slice %arg9[%dma_wait3A_2192] : memref<4x!tpu.dma_semaphore, #tpu.memory_space<semaphore_mem>> -> memref<1x!tpu.dma_semaphore, #tpu.memory_space<semaphore_mem>>
        %dma_wait3A_2200 = tpu.memref_squeeze %dma_wait3A_2199 : memref<1x!tpu.dma_semaphore, #tpu.memory_space<semaphore_mem>> -> memref<!tpu.dma_semaphore, #tpu.memory_space<semaphore_mem>>
        %dma_wait3A_2201 = arith.constant 0 : i32
        %dma_wait3A_2202 = tpu.memref_slice %arg4[%add3A_2190, %dma_wait3A_2201] : memref<819200x128xf32, #tpu.memory_space<hbm>> -> memref<80x128xf32, #tpu.memory_space<hbm>>
        %dma_wait3A_2203 = arith.constant 0 : i32
        %dma_wait3A_2204 = arith.constant 0 : i32
        %dma_wait3A_2205 = tpu.memref_slice %arg6[%dma_wait3A_2191, %dma_wait3A_2203, %dma_wait3A_2204] : memref<4x80x128xf32, #tpu.memory_space<vmem>> -> memref<1x80x128xf32, #tpu.memory_space<vmem>>
        %dma_wait3A_2206 = tpu.memref_squeeze %dma_wait3A_2205 : memref<1x80x128xf32, #tpu.memory_space<vmem>> -> memref<80x128xf32, #tpu.memory_space<vmem>>
        tpu.wait_dma2 semaphore(%dma_wait3A_2200 : memref<!tpu.dma_semaphore, #tpu.memory_space<semaphore_mem>>) src(%dma_wait3A_2206 : memref<80x128xf32, #tpu.memory_space<vmem>>) dst(%dma_wait3A_2202 : memref<80x128xf32, #tpu.memory_space<hbm>>)
        %dma_start3A_2207 = arith.constant 15 : i32
        %dma_start3A_2208 = arith.constant 3 : i32
        %dma_start3A_2209 = arith.constant 3 : i32
        %dma_start3A_2210 = arith.constant 0 : i32
        %dma_start3A_2211 = arith.constant 0 : i32
        %dma_start3A_2212 = tpu.memref_slice %arg6[%dma_start3A_2208, %dma_start3A_2210, %dma_start3A_2211] : memref<4x80x128xf32, #tpu.memory_space<vmem>> -> memref<1x80x128xf32, #tpu.memory_space<vmem>>
        %dma_start3A_2213 = tpu.memref_squeeze %dma_start3A_2212 : memref<1x80x128xf32, #tpu.memory_space<vmem>> -> memref<80x128xf32, #tpu.memory_space<vmem>>
        %dma_start3A_2214 = arith.constant 0 : i32
        %dma_start3A_2215 = arith.constant 0 : i32
        %dma_start3A_2216 = tpu.memref_slice %arg5[%rem3A_215, %dma_start3A_2214, %dma_start3A_2215] : memref<2x40x80xi32, #tpu.memory_space<vmem>> -> memref<1x40x80xi32, #tpu.memory_space<vmem>>
        %dma_start3A_2217 = tpu.memref_squeeze %dma_start3A_2216 : memref<1x40x80xi32, #tpu.memory_space<vmem>> -> memref<40x80xi32, #tpu.memory_space<vmem>>
        %dma_start3A_2218 = arith.constant 0 : i32
        %dma_start3A_2219 = tpu.memref_slice %dma_start3A_2217[%dma_start3A_2207, %dma_start3A_2218] : memref<40x80xi32, #tpu.memory_space<vmem>> -> memref<1x80xi32, #tpu.memory_space<vmem>>
        %dma_start3A_2220 = tpu.memref_squeeze %dma_start3A_2219 : memref<1x80xi32, #tpu.memory_space<vmem>> -> memref<80xi32, #tpu.memory_space<vmem>>
        %dma_start3A_2221 = arith.constant 0 : i32
        %dma_start3A_2222 = arith.constant 0 : i32
        %dma_start3A_2223 = tpu.memref_slice %arg7[%dma_start3A_2221, %dma_start3A_2222] : memref<8192x128xf32, #tpu.memory_space<vmem_shared>> -> memref<8192x128xf32, #tpu.memory_space<vmem_shared>>
        %dma_start3A_2224 = tpu.memref_slice %arg8[%dma_start3A_2209] : memref<4x!tpu.dma_semaphore, #tpu.memory_space<semaphore_mem>> -> memref<1x!tpu.dma_semaphore, #tpu.memory_space<semaphore_mem>>
        %dma_start3A_2225 = tpu.memref_squeeze %dma_start3A_2224 : memref<1x!tpu.dma_semaphore, #tpu.memory_space<semaphore_mem>> -> memref<!tpu.dma_semaphore, #tpu.memory_space<semaphore_mem>>
        tpu.enqueue_indirect_dma source(%dma_start3A_2223 : memref<8192x128xf32, #tpu.memory_space<vmem_shared>>) target(%dma_start3A_2213 : memref<80x128xf32, #tpu.memory_space<vmem>>) offsets(%dma_start3A_2220 : memref<80xi32, #tpu.memory_space<vmem>>) semaphore(%dma_start3A_2225 : memref<!tpu.dma_semaphore, #tpu.memory_space<semaphore_mem>>)
      } else {
      }
      %mul3A_808 = arith.constant 40 : i32
      %mul3A_809 = arith.muli %scan3A_213, %mul3A_808 : i32
      %add3A_810 = arith.constant 12 : i32
      %add3A_811 = arith.addi %mul3A_809, %add3A_810 : i32
      %dma_wait3A_812 = arith.constant 12 : i32
      %dma_wait3A_813 = arith.constant 0 : i32
      %dma_wait3A_814 = arith.constant 0 : i32
      %dma_wait3A_815 = arith.constant 0 : i32
      %dma_wait3A_816 = arith.constant 0 : i32
      %dma_wait3A_817 = tpu.memref_slice %arg6[%dma_wait3A_813, %dma_wait3A_815, %dma_wait3A_816] : memref<4x80x128xf32, #tpu.memory_space<vmem>> -> memref<1x80x128xf32, #tpu.memory_space<vmem>>
      %dma_wait3A_818 = tpu.memref_squeeze %dma_wait3A_817 : memref<1x80x128xf32, #tpu.memory_space<vmem>> -> memref<80x128xf32, #tpu.memory_space<vmem>>
      %dma_wait3A_819 = arith.constant 0 : i32
      %dma_wait3A_820 = arith.constant 0 : i32
      %dma_wait3A_821 = tpu.memref_slice %arg5[%rem3A_215, %dma_wait3A_819, %dma_wait3A_820] : memref<2x40x80xi32, #tpu.memory_space<vmem>> -> memref<1x40x80xi32, #tpu.memory_space<vmem>>
      %dma_wait3A_822 = tpu.memref_squeeze %dma_wait3A_821 : memref<1x40x80xi32, #tpu.memory_space<vmem>> -> memref<40x80xi32, #tpu.memory_space<vmem>>
      %dma_wait3A_823 = arith.constant 0 : i32
      %dma_wait3A_824 = tpu.memref_slice %dma_wait3A_822[%dma_wait3A_812, %dma_wait3A_823] : memref<40x80xi32, #tpu.memory_space<vmem>> -> memref<1x80xi32, #tpu.memory_space<vmem>>
      %dma_wait3A_825 = tpu.memref_squeeze %dma_wait3A_824 : memref<1x80xi32, #tpu.memory_space<vmem>> -> memref<80xi32, #tpu.memory_space<vmem>>
      %dma_wait3A_826 = arith.constant 0 : i32
      %dma_wait3A_827 = arith.constant 0 : i32
      %dma_wait3A_828 = tpu.memref_slice %arg7[%dma_wait3A_826, %dma_wait3A_827] : memref<8192x128xf32, #tpu.memory_space<vmem_shared>> -> memref<8192x128xf32, #tpu.memory_space<vmem_shared>>
      %dma_wait3A_829 = tpu.memref_slice %arg8[%dma_wait3A_814] : memref<4x!tpu.dma_semaphore, #tpu.memory_space<semaphore_mem>> -> memref<1x!tpu.dma_semaphore, #tpu.memory_space<semaphore_mem>>
      %dma_wait3A_830 = tpu.memref_squeeze %dma_wait3A_829 : memref<1x!tpu.dma_semaphore, #tpu.memory_space<semaphore_mem>> -> memref<!tpu.dma_semaphore, #tpu.memory_space<semaphore_mem>>
      tpu.wait_indirect_dma semaphore(%dma_wait3A_830 : memref<!tpu.dma_semaphore, #tpu.memory_space<semaphore_mem>>) src(%dma_wait3A_828 : memref<8192x128xf32, #tpu.memory_space<vmem_shared>>) dst(%dma_wait3A_818 : memref<80x128xf32, #tpu.memory_space<vmem>>)
      %mul3A_831 = arith.constant 80 : i32
      %mul3A_832 = arith.muli %add3A_811, %mul3A_831 : i32
      %add3A_833 = arith.addi %mul3A_2, %mul3A_832 : i32
      %dma_start3A_834 = arith.constant 0 : i32
      %dma_start3A_835 = arith.constant 0 : i32
      %dma_start3A_836 = arith.constant 0 : i32
      %dma_start3A_837 = arith.constant 0 : i32
      %dma_start3A_838 = tpu.memref_slice %arg6[%dma_start3A_834, %dma_start3A_836, %dma_start3A_837] : memref<4x80x128xf32, #tpu.memory_space<vmem>> -> memref<1x80x128xf32, #tpu.memory_space<vmem>>
      %dma_start3A_839 = tpu.memref_squeeze %dma_start3A_838 : memref<1x80x128xf32, #tpu.memory_space<vmem>> -> memref<80x128xf32, #tpu.memory_space<vmem>>
      %dma_start3A_840 = arith.constant 0 : i32
      %dma_start3A_841 = tpu.memref_slice %arg4[%add3A_833, %dma_start3A_840] : memref<819200x128xf32, #tpu.memory_space<hbm>> -> memref<80x128xf32, #tpu.memory_space<hbm>>
      %dma_start3A_842 = tpu.memref_slice %arg9[%dma_start3A_835] : memref<4x!tpu.dma_semaphore, #tpu.memory_space<semaphore_mem>> -> memref<1x!tpu.dma_semaphore, #tpu.memory_space<semaphore_mem>>
      %dma_start3A_843 = tpu.memref_squeeze %dma_start3A_842 : memref<1x!tpu.dma_semaphore, #tpu.memory_space<semaphore_mem>> -> memref<!tpu.dma_semaphore, #tpu.memory_space<semaphore_mem>>
      %dma_start3A_844 = arith.constant 0 : i32
      %dma_start3A_845 = tpu.memref_slice %arg4[%add3A_833, %dma_start3A_844] : memref<819200x128xf32, #tpu.memory_space<hbm>> -> memref<80x128xf32, #tpu.memory_space<hbm>>
      %dma_start3A_846 = arith.constant 0 : i32
      %dma_start3A_847 = arith.constant 0 : i32
      %dma_start3A_848 = tpu.memref_slice %arg6[%dma_start3A_834, %dma_start3A_846, %dma_start3A_847] : memref<4x80x128xf32, #tpu.memory_space<vmem>> -> memref<1x80x128xf32, #tpu.memory_space<vmem>>
      %dma_start3A_849 = tpu.memref_squeeze %dma_start3A_848 : memref<1x80x128xf32, #tpu.memory_space<vmem>> -> memref<80x128xf32, #tpu.memory_space<vmem>>
      tpu.enqueue_dma source(%dma_start3A_849 : memref<80x128xf32, #tpu.memory_space<vmem>>) target(%dma_start3A_845 : memref<80x128xf32, #tpu.memory_space<hbm>>) target_semaphore(%dma_start3A_843 : memref<!tpu.dma_semaphore, #tpu.memory_space<semaphore_mem>>)
      %add3A_850 = arith.constant 4 : i32
      %add3A_851 = arith.addi %add3A_811, %add3A_850 : i32
      %lt3A_852 = arith.constant 320 : i32
      %lt3A_853 = arith.cmpi slt, %add3A_851, %lt3A_852 : i32
      %convert_element_type3A_854 = arith.extui %lt3A_853 : i1 to i32
      %cond3A_855 = arith.constant 0 : i32
      %cond3A_856 = arith.cmpi ne, %convert_element_type3A_854, %cond3A_855 : i32
      scf.if %cond3A_856 {
        %mul3A_2188 = arith.constant 80 : i32
        %mul3A_2189 = arith.muli %add3A_811, %mul3A_2188 : i32
        %add3A_2190 = arith.addi %mul3A_2, %mul3A_2189 : i32
        %dma_wait3A_2191 = arith.constant 0 : i32
        %dma_wait3A_2192 = arith.constant 0 : i32
        %dma_wait3A_2193 = arith.constant 0 : i32
        %dma_wait3A_2194 = arith.constant 0 : i32
        %dma_wait3A_2195 = tpu.memref_slice %arg6[%dma_wait3A_2191, %dma_wait3A_2193, %dma_wait3A_2194] : memref<4x80x128xf32, #tpu.memory_space<vmem>> -> memref<1x80x128xf32, #tpu.memory_space<vmem>>
        %dma_wait3A_2196 = tpu.memref_squeeze %dma_wait3A_2195 : memref<1x80x128xf32, #tpu.memory_space<vmem>> -> memref<80x128xf32, #tpu.memory_space<vmem>>
        %dma_wait3A_2197 = arith.constant 0 : i32
        %dma_wait3A_2198 = tpu.memref_slice %arg4[%add3A_2190, %dma_wait3A_2197] : memref<819200x128xf32, #tpu.memory_space<hbm>> -> memref<80x128xf32, #tpu.memory_space<hbm>>
        %dma_wait3A_2199 = tpu.memref_slice %arg9[%dma_wait3A_2192] : memref<4x!tpu.dma_semaphore, #tpu.memory_space<semaphore_mem>> -> memref<1x!tpu.dma_semaphore, #tpu.memory_space<semaphore_mem>>
        %dma_wait3A_2200 = tpu.memref_squeeze %dma_wait3A_2199 : memref<1x!tpu.dma_semaphore, #tpu.memory_space<semaphore_mem>> -> memref<!tpu.dma_semaphore, #tpu.memory_space<semaphore_mem>>
        %dma_wait3A_2201 = arith.constant 0 : i32
        %dma_wait3A_2202 = tpu.memref_slice %arg4[%add3A_2190, %dma_wait3A_2201] : memref<819200x128xf32, #tpu.memory_space<hbm>> -> memref<80x128xf32, #tpu.memory_space<hbm>>
        %dma_wait3A_2203 = arith.constant 0 : i32
        %dma_wait3A_2204 = arith.constant 0 : i32
        %dma_wait3A_2205 = tpu.memref_slice %arg6[%dma_wait3A_2191, %dma_wait3A_2203, %dma_wait3A_2204] : memref<4x80x128xf32, #tpu.memory_space<vmem>> -> memref<1x80x128xf32, #tpu.memory_space<vmem>>
        %dma_wait3A_2206 = tpu.memref_squeeze %dma_wait3A_2205 : memref<1x80x128xf32, #tpu.memory_space<vmem>> -> memref<80x128xf32, #tpu.memory_space<vmem>>
        tpu.wait_dma2 semaphore(%dma_wait3A_2200 : memref<!tpu.dma_semaphore, #tpu.memory_space<semaphore_mem>>) src(%dma_wait3A_2206 : memref<80x128xf32, #tpu.memory_space<vmem>>) dst(%dma_wait3A_2202 : memref<80x128xf32, #tpu.memory_space<hbm>>)
        %dma_start3A_2207 = arith.constant 16 : i32
        %dma_start3A_2208 = arith.constant 0 : i32
        %dma_start3A_2209 = arith.constant 0 : i32
        %dma_start3A_2210 = arith.constant 0 : i32
        %dma_start3A_2211 = arith.constant 0 : i32
        %dma_start3A_2212 = tpu.memref_slice %arg6[%dma_start3A_2208, %dma_start3A_2210, %dma_start3A_2211] : memref<4x80x128xf32, #tpu.memory_space<vmem>> -> memref<1x80x128xf32, #tpu.memory_space<vmem>>
        %dma_start3A_2213 = tpu.memref_squeeze %dma_start3A_2212 : memref<1x80x128xf32, #tpu.memory_space<vmem>> -> memref<80x128xf32, #tpu.memory_space<vmem>>
        %dma_start3A_2214 = arith.constant 0 : i32
        %dma_start3A_2215 = arith.constant 0 : i32
        %dma_start3A_2216 = tpu.memref_slice %arg5[%rem3A_215, %dma_start3A_2214, %dma_start3A_2215] : memref<2x40x80xi32, #tpu.memory_space<vmem>> -> memref<1x40x80xi32, #tpu.memory_space<vmem>>
        %dma_start3A_2217 = tpu.memref_squeeze %dma_start3A_2216 : memref<1x40x80xi32, #tpu.memory_space<vmem>> -> memref<40x80xi32, #tpu.memory_space<vmem>>
        %dma_start3A_2218 = arith.constant 0 : i32
        %dma_start3A_2219 = tpu.memref_slice %dma_start3A_2217[%dma_start3A_2207, %dma_start3A_2218] : memref<40x80xi32, #tpu.memory_space<vmem>> -> memref<1x80xi32, #tpu.memory_space<vmem>>
        %dma_start3A_2220 = tpu.memref_squeeze %dma_start3A_2219 : memref<1x80xi32, #tpu.memory_space<vmem>> -> memref<80xi32, #tpu.memory_space<vmem>>
        %dma_start3A_2221 = arith.constant 0 : i32
        %dma_start3A_2222 = arith.constant 0 : i32
        %dma_start3A_2223 = tpu.memref_slice %arg7[%dma_start3A_2221, %dma_start3A_2222] : memref<8192x128xf32, #tpu.memory_space<vmem_shared>> -> memref<8192x128xf32, #tpu.memory_space<vmem_shared>>
        %dma_start3A_2224 = tpu.memref_slice %arg8[%dma_start3A_2209] : memref<4x!tpu.dma_semaphore, #tpu.memory_space<semaphore_mem>> -> memref<1x!tpu.dma_semaphore, #tpu.memory_space<semaphore_mem>>
        %dma_start3A_2225 = tpu.memref_squeeze %dma_start3A_2224 : memref<1x!tpu.dma_semaphore, #tpu.memory_space<semaphore_mem>> -> memref<!tpu.dma_semaphore, #tpu.memory_space<semaphore_mem>>
        tpu.enqueue_indirect_dma source(%dma_start3A_2223 : memref<8192x128xf32, #tpu.memory_space<vmem_shared>>) target(%dma_start3A_2213 : memref<80x128xf32, #tpu.memory_space<vmem>>) offsets(%dma_start3A_2220 : memref<80xi32, #tpu.memory_space<vmem>>) semaphore(%dma_start3A_2225 : memref<!tpu.dma_semaphore, #tpu.memory_space<semaphore_mem>>)
      } else {
      }
      %mul3A_857 = arith.constant 40 : i32
      %mul3A_858 = arith.muli %scan3A_213, %mul3A_857 : i32
      %add3A_859 = arith.constant 13 : i32
      %add3A_860 = arith.addi %mul3A_858, %add3A_859 : i32
      %dma_wait3A_861 = arith.constant 13 : i32
      %dma_wait3A_862 = arith.constant 1 : i32
      %dma_wait3A_863 = arith.constant 1 : i32
      %dma_wait3A_864 = arith.constant 0 : i32
      %dma_wait3A_865 = arith.constant 0 : i32
      %dma_wait3A_866 = tpu.memref_slice %arg6[%dma_wait3A_862, %dma_wait3A_864, %dma_wait3A_865] : memref<4x80x128xf32, #tpu.memory_space<vmem>> -> memref<1x80x128xf32, #tpu.memory_space<vmem>>
      %dma_wait3A_867 = tpu.memref_squeeze %dma_wait3A_866 : memref<1x80x128xf32, #tpu.memory_space<vmem>> -> memref<80x128xf32, #tpu.memory_space<vmem>>
      %dma_wait3A_868 = arith.constant 0 : i32
      %dma_wait3A_869 = arith.constant 0 : i32
      %dma_wait3A_870 = tpu.memref_slice %arg5[%rem3A_215, %dma_wait3A_868, %dma_wait3A_869] : memref<2x40x80xi32, #tpu.memory_space<vmem>> -> memref<1x40x80xi32, #tpu.memory_space<vmem>>
      %dma_wait3A_871 = tpu.memref_squeeze %dma_wait3A_870 : memref<1x40x80xi32, #tpu.memory_space<vmem>> -> memref<40x80xi32, #tpu.memory_space<vmem>>
      %dma_wait3A_872 = arith.constant 0 : i32
      %dma_wait3A_873 = tpu.memref_slice %dma_wait3A_871[%dma_wait3A_861, %dma_wait3A_872] : memref<40x80xi32, #tpu.memory_space<vmem>> -> memref<1x80xi32, #tpu.memory_space<vmem>>
      %dma_wait3A_874 = tpu.memref_squeeze %dma_wait3A_873 : memref<1x80xi32, #tpu.memory_space<vmem>> -> memref<80xi32, #tpu.memory_space<vmem>>
      %dma_wait3A_875 = arith.constant 0 : i32
      %dma_wait3A_876 = arith.constant 0 : i32
      %dma_wait3A_877 = tpu.memref_slice %arg7[%dma_wait3A_875, %dma_wait3A_876] : memref<8192x128xf32, #tpu.memory_space<vmem_shared>> -> memref<8192x128xf32, #tpu.memory_space<vmem_shared>>
      %dma_wait3A_878 = tpu.memref_slice %arg8[%dma_wait3A_863] : memref<4x!tpu.dma_semaphore, #tpu.memory_space<semaphore_mem>> -> memref<1x!tpu.dma_semaphore, #tpu.memory_space<semaphore_mem>>
      %dma_wait3A_879 = tpu.memref_squeeze %dma_wait3A_878 : memref<1x!tpu.dma_semaphore, #tpu.memory_space<semaphore_mem>> -> memref<!tpu.dma_semaphore, #tpu.memory_space<semaphore_mem>>
      tpu.wait_indirect_dma semaphore(%dma_wait3A_879 : memref<!tpu.dma_semaphore, #tpu.memory_space<semaphore_mem>>) src(%dma_wait3A_877 : memref<8192x128xf32, #tpu.memory_space<vmem_shared>>) dst(%dma_wait3A_867 : memref<80x128xf32, #tpu.memory_space<vmem>>)
      %mul3A_880 = arith.constant 80 : i32
      %mul3A_881 = arith.muli %add3A_860, %mul3A_880 : i32
      %add3A_882 = arith.addi %mul3A_2, %mul3A_881 : i32
      %dma_start3A_883 = arith.constant 1 : i32
      %dma_start3A_884 = arith.constant 1 : i32
      %dma_start3A_885 = arith.constant 0 : i32
      %dma_start3A_886 = arith.constant 0 : i32
      %dma_start3A_887 = tpu.memref_slice %arg6[%dma_start3A_883, %dma_start3A_885, %dma_start3A_886] : memref<4x80x128xf32, #tpu.memory_space<vmem>> -> memref<1x80x128xf32, #tpu.memory_space<vmem>>
      %dma_start3A_888 = tpu.memref_squeeze %dma_start3A_887 : memref<1x80x128xf32, #tpu.memory_space<vmem>> -> memref<80x128xf32, #tpu.memory_space<vmem>>
      %dma_start3A_889 = arith.constant 0 : i32
      %dma_start3A_890 = tpu.memref_slice %arg4[%add3A_882, %dma_start3A_889] : memref<819200x128xf32, #tpu.memory_space<hbm>> -> memref<80x128xf32, #tpu.memory_space<hbm>>
      %dma_start3A_891 = tpu.memref_slice %arg9[%dma_start3A_884] : memref<4x!tpu.dma_semaphore, #tpu.memory_space<semaphore_mem>> -> memref<1x!tpu.dma_semaphore, #tpu.memory_space<semaphore_mem>>
      %dma_start3A_892 = tpu.memref_squeeze %dma_start3A_891 : memref<1x!tpu.dma_semaphore, #tpu.memory_space<semaphore_mem>> -> memref<!tpu.dma_semaphore, #tpu.memory_space<semaphore_mem>>
      %dma_start3A_893 = arith.constant 0 : i32
      %dma_start3A_894 = tpu.memref_slice %arg4[%add3A_882, %dma_start3A_893] : memref<819200x128xf32, #tpu.memory_space<hbm>> -> memref<80x128xf32, #tpu.memory_space<hbm>>
      %dma_start3A_895 = arith.constant 0 : i32
      %dma_start3A_896 = arith.constant 0 : i32
      %dma_start3A_897 = tpu.memref_slice %arg6[%dma_start3A_883, %dma_start3A_895, %dma_start3A_896] : memref<4x80x128xf32, #tpu.memory_space<vmem>> -> memref<1x80x128xf32, #tpu.memory_space<vmem>>
      %dma_start3A_898 = tpu.memref_squeeze %dma_start3A_897 : memref<1x80x128xf32, #tpu.memory_space<vmem>> -> memref<80x128xf32, #tpu.memory_space<vmem>>
      tpu.enqueue_dma source(%dma_start3A_898 : memref<80x128xf32, #tpu.memory_space<vmem>>) target(%dma_start3A_894 : memref<80x128xf32, #tpu.memory_space<hbm>>) target_semaphore(%dma_start3A_892 : memref<!tpu.dma_semaphore, #tpu.memory_space<semaphore_mem>>)
      %add3A_899 = arith.constant 4 : i32
      %add3A_900 = arith.addi %add3A_860, %add3A_899 : i32
      %lt3A_901 = arith.constant 320 : i32
      %lt3A_902 = arith.cmpi slt, %add3A_900, %lt3A_901 : i32
      %convert_element_type3A_903 = arith.extui %lt3A_902 : i1 to i32
      %cond3A_904 = arith.constant 0 : i32
      %cond3A_905 = arith.cmpi ne, %convert_element_type3A_903, %cond3A_904 : i32
      scf.if %cond3A_905 {
        %mul3A_2188 = arith.constant 80 : i32
        %mul3A_2189 = arith.muli %add3A_860, %mul3A_2188 : i32
        %add3A_2190 = arith.addi %mul3A_2, %mul3A_2189 : i32
        %dma_wait3A_2191 = arith.constant 1 : i32
        %dma_wait3A_2192 = arith.constant 1 : i32
        %dma_wait3A_2193 = arith.constant 0 : i32
        %dma_wait3A_2194 = arith.constant 0 : i32
        %dma_wait3A_2195 = tpu.memref_slice %arg6[%dma_wait3A_2191, %dma_wait3A_2193, %dma_wait3A_2194] : memref<4x80x128xf32, #tpu.memory_space<vmem>> -> memref<1x80x128xf32, #tpu.memory_space<vmem>>
        %dma_wait3A_2196 = tpu.memref_squeeze %dma_wait3A_2195 : memref<1x80x128xf32, #tpu.memory_space<vmem>> -> memref<80x128xf32, #tpu.memory_space<vmem>>
        %dma_wait3A_2197 = arith.constant 0 : i32
        %dma_wait3A_2198 = tpu.memref_slice %arg4[%add3A_2190, %dma_wait3A_2197] : memref<819200x128xf32, #tpu.memory_space<hbm>> -> memref<80x128xf32, #tpu.memory_space<hbm>>
        %dma_wait3A_2199 = tpu.memref_slice %arg9[%dma_wait3A_2192] : memref<4x!tpu.dma_semaphore, #tpu.memory_space<semaphore_mem>> -> memref<1x!tpu.dma_semaphore, #tpu.memory_space<semaphore_mem>>
        %dma_wait3A_2200 = tpu.memref_squeeze %dma_wait3A_2199 : memref<1x!tpu.dma_semaphore, #tpu.memory_space<semaphore_mem>> -> memref<!tpu.dma_semaphore, #tpu.memory_space<semaphore_mem>>
        %dma_wait3A_2201 = arith.constant 0 : i32
        %dma_wait3A_2202 = tpu.memref_slice %arg4[%add3A_2190, %dma_wait3A_2201] : memref<819200x128xf32, #tpu.memory_space<hbm>> -> memref<80x128xf32, #tpu.memory_space<hbm>>
        %dma_wait3A_2203 = arith.constant 0 : i32
        %dma_wait3A_2204 = arith.constant 0 : i32
        %dma_wait3A_2205 = tpu.memref_slice %arg6[%dma_wait3A_2191, %dma_wait3A_2203, %dma_wait3A_2204] : memref<4x80x128xf32, #tpu.memory_space<vmem>> -> memref<1x80x128xf32, #tpu.memory_space<vmem>>
        %dma_wait3A_2206 = tpu.memref_squeeze %dma_wait3A_2205 : memref<1x80x128xf32, #tpu.memory_space<vmem>> -> memref<80x128xf32, #tpu.memory_space<vmem>>
        tpu.wait_dma2 semaphore(%dma_wait3A_2200 : memref<!tpu.dma_semaphore, #tpu.memory_space<semaphore_mem>>) src(%dma_wait3A_2206 : memref<80x128xf32, #tpu.memory_space<vmem>>) dst(%dma_wait3A_2202 : memref<80x128xf32, #tpu.memory_space<hbm>>)
        %dma_start3A_2207 = arith.constant 17 : i32
        %dma_start3A_2208 = arith.constant 1 : i32
        %dma_start3A_2209 = arith.constant 1 : i32
        %dma_start3A_2210 = arith.constant 0 : i32
        %dma_start3A_2211 = arith.constant 0 : i32
        %dma_start3A_2212 = tpu.memref_slice %arg6[%dma_start3A_2208, %dma_start3A_2210, %dma_start3A_2211] : memref<4x80x128xf32, #tpu.memory_space<vmem>> -> memref<1x80x128xf32, #tpu.memory_space<vmem>>
        %dma_start3A_2213 = tpu.memref_squeeze %dma_start3A_2212 : memref<1x80x128xf32, #tpu.memory_space<vmem>> -> memref<80x128xf32, #tpu.memory_space<vmem>>
        %dma_start3A_2214 = arith.constant 0 : i32
        %dma_start3A_2215 = arith.constant 0 : i32
        %dma_start3A_2216 = tpu.memref_slice %arg5[%rem3A_215, %dma_start3A_2214, %dma_start3A_2215] : memref<2x40x80xi32, #tpu.memory_space<vmem>> -> memref<1x40x80xi32, #tpu.memory_space<vmem>>
        %dma_start3A_2217 = tpu.memref_squeeze %dma_start3A_2216 : memref<1x40x80xi32, #tpu.memory_space<vmem>> -> memref<40x80xi32, #tpu.memory_space<vmem>>
        %dma_start3A_2218 = arith.constant 0 : i32
        %dma_start3A_2219 = tpu.memref_slice %dma_start3A_2217[%dma_start3A_2207, %dma_start3A_2218] : memref<40x80xi32, #tpu.memory_space<vmem>> -> memref<1x80xi32, #tpu.memory_space<vmem>>
        %dma_start3A_2220 = tpu.memref_squeeze %dma_start3A_2219 : memref<1x80xi32, #tpu.memory_space<vmem>> -> memref<80xi32, #tpu.memory_space<vmem>>
        %dma_start3A_2221 = arith.constant 0 : i32
        %dma_start3A_2222 = arith.constant 0 : i32
        %dma_start3A_2223 = tpu.memref_slice %arg7[%dma_start3A_2221, %dma_start3A_2222] : memref<8192x128xf32, #tpu.memory_space<vmem_shared>> -> memref<8192x128xf32, #tpu.memory_space<vmem_shared>>
        %dma_start3A_2224 = tpu.memref_slice %arg8[%dma_start3A_2209] : memref<4x!tpu.dma_semaphore, #tpu.memory_space<semaphore_mem>> -> memref<1x!tpu.dma_semaphore, #tpu.memory_space<semaphore_mem>>
        %dma_start3A_2225 = tpu.memref_squeeze %dma_start3A_2224 : memref<1x!tpu.dma_semaphore, #tpu.memory_space<semaphore_mem>> -> memref<!tpu.dma_semaphore, #tpu.memory_space<semaphore_mem>>
        tpu.enqueue_indirect_dma source(%dma_start3A_2223 : memref<8192x128xf32, #tpu.memory_space<vmem_shared>>) target(%dma_start3A_2213 : memref<80x128xf32, #tpu.memory_space<vmem>>) offsets(%dma_start3A_2220 : memref<80xi32, #tpu.memory_space<vmem>>) semaphore(%dma_start3A_2225 : memref<!tpu.dma_semaphore, #tpu.memory_space<semaphore_mem>>)
      } else {
      }
      %mul3A_906 = arith.constant 40 : i32
      %mul3A_907 = arith.muli %scan3A_213, %mul3A_906 : i32
      %add3A_908 = arith.constant 14 : i32
      %add3A_909 = arith.addi %mul3A_907, %add3A_908 : i32
      %dma_wait3A_910 = arith.constant 14 : i32
      %dma_wait3A_911 = arith.constant 2 : i32
      %dma_wait3A_912 = arith.constant 2 : i32
      %dma_wait3A_913 = arith.constant 0 : i32
      %dma_wait3A_914 = arith.constant 0 : i32
      %dma_wait3A_915 = tpu.memref_slice %arg6[%dma_wait3A_911, %dma_wait3A_913, %dma_wait3A_914] : memref<4x80x128xf32, #tpu.memory_space<vmem>> -> memref<1x80x128xf32, #tpu.memory_space<vmem>>
      %dma_wait3A_916 = tpu.memref_squeeze %dma_wait3A_915 : memref<1x80x128xf32, #tpu.memory_space<vmem>> -> memref<80x128xf32, #tpu.memory_space<vmem>>
      %dma_wait3A_917 = arith.constant 0 : i32
      %dma_wait3A_918 = arith.constant 0 : i32
      %dma_wait3A_919 = tpu.memref_slice %arg5[%rem3A_215, %dma_wait3A_917, %dma_wait3A_918] : memref<2x40x80xi32, #tpu.memory_space<vmem>> -> memref<1x40x80xi32, #tpu.memory_space<vmem>>
      %dma_wait3A_920 = tpu.memref_squeeze %dma_wait3A_919 : memref<1x40x80xi32, #tpu.memory_space<vmem>> -> memref<40x80xi32, #tpu.memory_space<vmem>>
      %dma_wait3A_921 = arith.constant 0 : i32
      %dma_wait3A_922 = tpu.memref_slice %dma_wait3A_920[%dma_wait3A_910, %dma_wait3A_921] : memref<40x80xi32, #tpu.memory_space<vmem>> -> memref<1x80xi32, #tpu.memory_space<vmem>>
      %dma_wait3A_923 = tpu.memref_squeeze %dma_wait3A_922 : memref<1x80xi32, #tpu.memory_space<vmem>> -> memref<80xi32, #tpu.memory_space<vmem>>
      %dma_wait3A_924 = arith.constant 0 : i32
      %dma_wait3A_925 = arith.constant 0 : i32
      %dma_wait3A_926 = tpu.memref_slice %arg7[%dma_wait3A_924, %dma_wait3A_925] : memref<8192x128xf32, #tpu.memory_space<vmem_shared>> -> memref<8192x128xf32, #tpu.memory_space<vmem_shared>>
      %dma_wait3A_927 = tpu.memref_slice %arg8[%dma_wait3A_912] : memref<4x!tpu.dma_semaphore, #tpu.memory_space<semaphore_mem>> -> memref<1x!tpu.dma_semaphore, #tpu.memory_space<semaphore_mem>>
      %dma_wait3A_928 = tpu.memref_squeeze %dma_wait3A_927 : memref<1x!tpu.dma_semaphore, #tpu.memory_space<semaphore_mem>> -> memref<!tpu.dma_semaphore, #tpu.memory_space<semaphore_mem>>
      tpu.wait_indirect_dma semaphore(%dma_wait3A_928 : memref<!tpu.dma_semaphore, #tpu.memory_space<semaphore_mem>>) src(%dma_wait3A_926 : memref<8192x128xf32, #tpu.memory_space<vmem_shared>>) dst(%dma_wait3A_916 : memref<80x128xf32, #tpu.memory_space<vmem>>)
      %mul3A_929 = arith.constant 80 : i32
      %mul3A_930 = arith.muli %add3A_909, %mul3A_929 : i32
      %add3A_931 = arith.addi %mul3A_2, %mul3A_930 : i32
      %dma_start3A_932 = arith.constant 2 : i32
      %dma_start3A_933 = arith.constant 2 : i32
      %dma_start3A_934 = arith.constant 0 : i32
      %dma_start3A_935 = arith.constant 0 : i32
      %dma_start3A_936 = tpu.memref_slice %arg6[%dma_start3A_932, %dma_start3A_934, %dma_start3A_935] : memref<4x80x128xf32, #tpu.memory_space<vmem>> -> memref<1x80x128xf32, #tpu.memory_space<vmem>>
      %dma_start3A_937 = tpu.memref_squeeze %dma_start3A_936 : memref<1x80x128xf32, #tpu.memory_space<vmem>> -> memref<80x128xf32, #tpu.memory_space<vmem>>
      %dma_start3A_938 = arith.constant 0 : i32
      %dma_start3A_939 = tpu.memref_slice %arg4[%add3A_931, %dma_start3A_938] : memref<819200x128xf32, #tpu.memory_space<hbm>> -> memref<80x128xf32, #tpu.memory_space<hbm>>
      %dma_start3A_940 = tpu.memref_slice %arg9[%dma_start3A_933] : memref<4x!tpu.dma_semaphore, #tpu.memory_space<semaphore_mem>> -> memref<1x!tpu.dma_semaphore, #tpu.memory_space<semaphore_mem>>
      %dma_start3A_941 = tpu.memref_squeeze %dma_start3A_940 : memref<1x!tpu.dma_semaphore, #tpu.memory_space<semaphore_mem>> -> memref<!tpu.dma_semaphore, #tpu.memory_space<semaphore_mem>>
      %dma_start3A_942 = arith.constant 0 : i32
      %dma_start3A_943 = tpu.memref_slice %arg4[%add3A_931, %dma_start3A_942] : memref<819200x128xf32, #tpu.memory_space<hbm>> -> memref<80x128xf32, #tpu.memory_space<hbm>>
      %dma_start3A_944 = arith.constant 0 : i32
      %dma_start3A_945 = arith.constant 0 : i32
      %dma_start3A_946 = tpu.memref_slice %arg6[%dma_start3A_932, %dma_start3A_944, %dma_start3A_945] : memref<4x80x128xf32, #tpu.memory_space<vmem>> -> memref<1x80x128xf32, #tpu.memory_space<vmem>>
      %dma_start3A_947 = tpu.memref_squeeze %dma_start3A_946 : memref<1x80x128xf32, #tpu.memory_space<vmem>> -> memref<80x128xf32, #tpu.memory_space<vmem>>
      tpu.enqueue_dma source(%dma_start3A_947 : memref<80x128xf32, #tpu.memory_space<vmem>>) target(%dma_start3A_943 : memref<80x128xf32, #tpu.memory_space<hbm>>) target_semaphore(%dma_start3A_941 : memref<!tpu.dma_semaphore, #tpu.memory_space<semaphore_mem>>)
      %add3A_948 = arith.constant 4 : i32
      %add3A_949 = arith.addi %add3A_909, %add3A_948 : i32
      %lt3A_950 = arith.constant 320 : i32
      %lt3A_951 = arith.cmpi slt, %add3A_949, %lt3A_950 : i32
      %convert_element_type3A_952 = arith.extui %lt3A_951 : i1 to i32
      %cond3A_953 = arith.constant 0 : i32
      %cond3A_954 = arith.cmpi ne, %convert_element_type3A_952, %cond3A_953 : i32
      scf.if %cond3A_954 {
        %mul3A_2188 = arith.constant 80 : i32
        %mul3A_2189 = arith.muli %add3A_909, %mul3A_2188 : i32
        %add3A_2190 = arith.addi %mul3A_2, %mul3A_2189 : i32
        %dma_wait3A_2191 = arith.constant 2 : i32
        %dma_wait3A_2192 = arith.constant 2 : i32
        %dma_wait3A_2193 = arith.constant 0 : i32
        %dma_wait3A_2194 = arith.constant 0 : i32
        %dma_wait3A_2195 = tpu.memref_slice %arg6[%dma_wait3A_2191, %dma_wait3A_2193, %dma_wait3A_2194] : memref<4x80x128xf32, #tpu.memory_space<vmem>> -> memref<1x80x128xf32, #tpu.memory_space<vmem>>
        %dma_wait3A_2196 = tpu.memref_squeeze %dma_wait3A_2195 : memref<1x80x128xf32, #tpu.memory_space<vmem>> -> memref<80x128xf32, #tpu.memory_space<vmem>>
        %dma_wait3A_2197 = arith.constant 0 : i32
        %dma_wait3A_2198 = tpu.memref_slice %arg4[%add3A_2190, %dma_wait3A_2197] : memref<819200x128xf32, #tpu.memory_space<hbm>> -> memref<80x128xf32, #tpu.memory_space<hbm>>
        %dma_wait3A_2199 = tpu.memref_slice %arg9[%dma_wait3A_2192] : memref<4x!tpu.dma_semaphore, #tpu.memory_space<semaphore_mem>> -> memref<1x!tpu.dma_semaphore, #tpu.memory_space<semaphore_mem>>
        %dma_wait3A_2200 = tpu.memref_squeeze %dma_wait3A_2199 : memref<1x!tpu.dma_semaphore, #tpu.memory_space<semaphore_mem>> -> memref<!tpu.dma_semaphore, #tpu.memory_space<semaphore_mem>>
        %dma_wait3A_2201 = arith.constant 0 : i32
        %dma_wait3A_2202 = tpu.memref_slice %arg4[%add3A_2190, %dma_wait3A_2201] : memref<819200x128xf32, #tpu.memory_space<hbm>> -> memref<80x128xf32, #tpu.memory_space<hbm>>
        %dma_wait3A_2203 = arith.constant 0 : i32
        %dma_wait3A_2204 = arith.constant 0 : i32
        %dma_wait3A_2205 = tpu.memref_slice %arg6[%dma_wait3A_2191, %dma_wait3A_2203, %dma_wait3A_2204] : memref<4x80x128xf32, #tpu.memory_space<vmem>> -> memref<1x80x128xf32, #tpu.memory_space<vmem>>
        %dma_wait3A_2206 = tpu.memref_squeeze %dma_wait3A_2205 : memref<1x80x128xf32, #tpu.memory_space<vmem>> -> memref<80x128xf32, #tpu.memory_space<vmem>>
        tpu.wait_dma2 semaphore(%dma_wait3A_2200 : memref<!tpu.dma_semaphore, #tpu.memory_space<semaphore_mem>>) src(%dma_wait3A_2206 : memref<80x128xf32, #tpu.memory_space<vmem>>) dst(%dma_wait3A_2202 : memref<80x128xf32, #tpu.memory_space<hbm>>)
        %dma_start3A_2207 = arith.constant 18 : i32
        %dma_start3A_2208 = arith.constant 2 : i32
        %dma_start3A_2209 = arith.constant 2 : i32
        %dma_start3A_2210 = arith.constant 0 : i32
        %dma_start3A_2211 = arith.constant 0 : i32
        %dma_start3A_2212 = tpu.memref_slice %arg6[%dma_start3A_2208, %dma_start3A_2210, %dma_start3A_2211] : memref<4x80x128xf32, #tpu.memory_space<vmem>> -> memref<1x80x128xf32, #tpu.memory_space<vmem>>
        %dma_start3A_2213 = tpu.memref_squeeze %dma_start3A_2212 : memref<1x80x128xf32, #tpu.memory_space<vmem>> -> memref<80x128xf32, #tpu.memory_space<vmem>>
        %dma_start3A_2214 = arith.constant 0 : i32
        %dma_start3A_2215 = arith.constant 0 : i32
        %dma_start3A_2216 = tpu.memref_slice %arg5[%rem3A_215, %dma_start3A_2214, %dma_start3A_2215] : memref<2x40x80xi32, #tpu.memory_space<vmem>> -> memref<1x40x80xi32, #tpu.memory_space<vmem>>
        %dma_start3A_2217 = tpu.memref_squeeze %dma_start3A_2216 : memref<1x40x80xi32, #tpu.memory_space<vmem>> -> memref<40x80xi32, #tpu.memory_space<vmem>>
        %dma_start3A_2218 = arith.constant 0 : i32
        %dma_start3A_2219 = tpu.memref_slice %dma_start3A_2217[%dma_start3A_2207, %dma_start3A_2218] : memref<40x80xi32, #tpu.memory_space<vmem>> -> memref<1x80xi32, #tpu.memory_space<vmem>>
        %dma_start3A_2220 = tpu.memref_squeeze %dma_start3A_2219 : memref<1x80xi32, #tpu.memory_space<vmem>> -> memref<80xi32, #tpu.memory_space<vmem>>
        %dma_start3A_2221 = arith.constant 0 : i32
        %dma_start3A_2222 = arith.constant 0 : i32
        %dma_start3A_2223 = tpu.memref_slice %arg7[%dma_start3A_2221, %dma_start3A_2222] : memref<8192x128xf32, #tpu.memory_space<vmem_shared>> -> memref<8192x128xf32, #tpu.memory_space<vmem_shared>>
        %dma_start3A_2224 = tpu.memref_slice %arg8[%dma_start3A_2209] : memref<4x!tpu.dma_semaphore, #tpu.memory_space<semaphore_mem>> -> memref<1x!tpu.dma_semaphore, #tpu.memory_space<semaphore_mem>>
        %dma_start3A_2225 = tpu.memref_squeeze %dma_start3A_2224 : memref<1x!tpu.dma_semaphore, #tpu.memory_space<semaphore_mem>> -> memref<!tpu.dma_semaphore, #tpu.memory_space<semaphore_mem>>
        tpu.enqueue_indirect_dma source(%dma_start3A_2223 : memref<8192x128xf32, #tpu.memory_space<vmem_shared>>) target(%dma_start3A_2213 : memref<80x128xf32, #tpu.memory_space<vmem>>) offsets(%dma_start3A_2220 : memref<80xi32, #tpu.memory_space<vmem>>) semaphore(%dma_start3A_2225 : memref<!tpu.dma_semaphore, #tpu.memory_space<semaphore_mem>>)
      } else {
      }
      %mul3A_955 = arith.constant 40 : i32
      %mul3A_956 = arith.muli %scan3A_213, %mul3A_955 : i32
      %add3A_957 = arith.constant 15 : i32
      %add3A_958 = arith.addi %mul3A_956, %add3A_957 : i32
      %dma_wait3A_959 = arith.constant 15 : i32
      %dma_wait3A_960 = arith.constant 3 : i32
      %dma_wait3A_961 = arith.constant 3 : i32
      %dma_wait3A_962 = arith.constant 0 : i32
      %dma_wait3A_963 = arith.constant 0 : i32
      %dma_wait3A_964 = tpu.memref_slice %arg6[%dma_wait3A_960, %dma_wait3A_962, %dma_wait3A_963] : memref<4x80x128xf32, #tpu.memory_space<vmem>> -> memref<1x80x128xf32, #tpu.memory_space<vmem>>
      %dma_wait3A_965 = tpu.memref_squeeze %dma_wait3A_964 : memref<1x80x128xf32, #tpu.memory_space<vmem>> -> memref<80x128xf32, #tpu.memory_space<vmem>>
      %dma_wait3A_966 = arith.constant 0 : i32
      %dma_wait3A_967 = arith.constant 0 : i32
      %dma_wait3A_968 = tpu.memref_slice %arg5[%rem3A_215, %dma_wait3A_966, %dma_wait3A_967] : memref<2x40x80xi32, #tpu.memory_space<vmem>> -> memref<1x40x80xi32, #tpu.memory_space<vmem>>
      %dma_wait3A_969 = tpu.memref_squeeze %dma_wait3A_968 : memref<1x40x80xi32, #tpu.memory_space<vmem>> -> memref<40x80xi32, #tpu.memory_space<vmem>>
      %dma_wait3A_970 = arith.constant 0 : i32
      %dma_wait3A_971 = tpu.memref_slice %dma_wait3A_969[%dma_wait3A_959, %dma_wait3A_970] : memref<40x80xi32, #tpu.memory_space<vmem>> -> memref<1x80xi32, #tpu.memory_space<vmem>>
      %dma_wait3A_972 = tpu.memref_squeeze %dma_wait3A_971 : memref<1x80xi32, #tpu.memory_space<vmem>> -> memref<80xi32, #tpu.memory_space<vmem>>
      %dma_wait3A_973 = arith.constant 0 : i32
      %dma_wait3A_974 = arith.constant 0 : i32
      %dma_wait3A_975 = tpu.memref_slice %arg7[%dma_wait3A_973, %dma_wait3A_974] : memref<8192x128xf32, #tpu.memory_space<vmem_shared>> -> memref<8192x128xf32, #tpu.memory_space<vmem_shared>>
      %dma_wait3A_976 = tpu.memref_slice %arg8[%dma_wait3A_961] : memref<4x!tpu.dma_semaphore, #tpu.memory_space<semaphore_mem>> -> memref<1x!tpu.dma_semaphore, #tpu.memory_space<semaphore_mem>>
      %dma_wait3A_977 = tpu.memref_squeeze %dma_wait3A_976 : memref<1x!tpu.dma_semaphore, #tpu.memory_space<semaphore_mem>> -> memref<!tpu.dma_semaphore, #tpu.memory_space<semaphore_mem>>
      tpu.wait_indirect_dma semaphore(%dma_wait3A_977 : memref<!tpu.dma_semaphore, #tpu.memory_space<semaphore_mem>>) src(%dma_wait3A_975 : memref<8192x128xf32, #tpu.memory_space<vmem_shared>>) dst(%dma_wait3A_965 : memref<80x128xf32, #tpu.memory_space<vmem>>)
      %mul3A_978 = arith.constant 80 : i32
      %mul3A_979 = arith.muli %add3A_958, %mul3A_978 : i32
      %add3A_980 = arith.addi %mul3A_2, %mul3A_979 : i32
      %dma_start3A_981 = arith.constant 3 : i32
      %dma_start3A_982 = arith.constant 3 : i32
      %dma_start3A_983 = arith.constant 0 : i32
      %dma_start3A_984 = arith.constant 0 : i32
      %dma_start3A_985 = tpu.memref_slice %arg6[%dma_start3A_981, %dma_start3A_983, %dma_start3A_984] : memref<4x80x128xf32, #tpu.memory_space<vmem>> -> memref<1x80x128xf32, #tpu.memory_space<vmem>>
      %dma_start3A_986 = tpu.memref_squeeze %dma_start3A_985 : memref<1x80x128xf32, #tpu.memory_space<vmem>> -> memref<80x128xf32, #tpu.memory_space<vmem>>
      %dma_start3A_987 = arith.constant 0 : i32
      %dma_start3A_988 = tpu.memref_slice %arg4[%add3A_980, %dma_start3A_987] : memref<819200x128xf32, #tpu.memory_space<hbm>> -> memref<80x128xf32, #tpu.memory_space<hbm>>
      %dma_start3A_989 = tpu.memref_slice %arg9[%dma_start3A_982] : memref<4x!tpu.dma_semaphore, #tpu.memory_space<semaphore_mem>> -> memref<1x!tpu.dma_semaphore, #tpu.memory_space<semaphore_mem>>
      %dma_start3A_990 = tpu.memref_squeeze %dma_start3A_989 : memref<1x!tpu.dma_semaphore, #tpu.memory_space<semaphore_mem>> -> memref<!tpu.dma_semaphore, #tpu.memory_space<semaphore_mem>>
      %dma_start3A_991 = arith.constant 0 : i32
      %dma_start3A_992 = tpu.memref_slice %arg4[%add3A_980, %dma_start3A_991] : memref<819200x128xf32, #tpu.memory_space<hbm>> -> memref<80x128xf32, #tpu.memory_space<hbm>>
      %dma_start3A_993 = arith.constant 0 : i32
      %dma_start3A_994 = arith.constant 0 : i32
      %dma_start3A_995 = tpu.memref_slice %arg6[%dma_start3A_981, %dma_start3A_993, %dma_start3A_994] : memref<4x80x128xf32, #tpu.memory_space<vmem>> -> memref<1x80x128xf32, #tpu.memory_space<vmem>>
      %dma_start3A_996 = tpu.memref_squeeze %dma_start3A_995 : memref<1x80x128xf32, #tpu.memory_space<vmem>> -> memref<80x128xf32, #tpu.memory_space<vmem>>
      tpu.enqueue_dma source(%dma_start3A_996 : memref<80x128xf32, #tpu.memory_space<vmem>>) target(%dma_start3A_992 : memref<80x128xf32, #tpu.memory_space<hbm>>) target_semaphore(%dma_start3A_990 : memref<!tpu.dma_semaphore, #tpu.memory_space<semaphore_mem>>)
      %add3A_997 = arith.constant 4 : i32
      %add3A_998 = arith.addi %add3A_958, %add3A_997 : i32
      %lt3A_999 = arith.constant 320 : i32
      %lt3A_1000 = arith.cmpi slt, %add3A_998, %lt3A_999 : i32
      %convert_element_type3A_1001 = arith.extui %lt3A_1000 : i1 to i32
      %cond3A_1002 = arith.constant 0 : i32
      %cond3A_1003 = arith.cmpi ne, %convert_element_type3A_1001, %cond3A_1002 : i32
      scf.if %cond3A_1003 {
        %mul3A_2188 = arith.constant 80 : i32
        %mul3A_2189 = arith.muli %add3A_958, %mul3A_2188 : i32
        %add3A_2190 = arith.addi %mul3A_2, %mul3A_2189 : i32
        %dma_wait3A_2191 = arith.constant 3 : i32
        %dma_wait3A_2192 = arith.constant 3 : i32
        %dma_wait3A_2193 = arith.constant 0 : i32
        %dma_wait3A_2194 = arith.constant 0 : i32
        %dma_wait3A_2195 = tpu.memref_slice %arg6[%dma_wait3A_2191, %dma_wait3A_2193, %dma_wait3A_2194] : memref<4x80x128xf32, #tpu.memory_space<vmem>> -> memref<1x80x128xf32, #tpu.memory_space<vmem>>
        %dma_wait3A_2196 = tpu.memref_squeeze %dma_wait3A_2195 : memref<1x80x128xf32, #tpu.memory_space<vmem>> -> memref<80x128xf32, #tpu.memory_space<vmem>>
        %dma_wait3A_2197 = arith.constant 0 : i32
        %dma_wait3A_2198 = tpu.memref_slice %arg4[%add3A_2190, %dma_wait3A_2197] : memref<819200x128xf32, #tpu.memory_space<hbm>> -> memref<80x128xf32, #tpu.memory_space<hbm>>
        %dma_wait3A_2199 = tpu.memref_slice %arg9[%dma_wait3A_2192] : memref<4x!tpu.dma_semaphore, #tpu.memory_space<semaphore_mem>> -> memref<1x!tpu.dma_semaphore, #tpu.memory_space<semaphore_mem>>
        %dma_wait3A_2200 = tpu.memref_squeeze %dma_wait3A_2199 : memref<1x!tpu.dma_semaphore, #tpu.memory_space<semaphore_mem>> -> memref<!tpu.dma_semaphore, #tpu.memory_space<semaphore_mem>>
        %dma_wait3A_2201 = arith.constant 0 : i32
        %dma_wait3A_2202 = tpu.memref_slice %arg4[%add3A_2190, %dma_wait3A_2201] : memref<819200x128xf32, #tpu.memory_space<hbm>> -> memref<80x128xf32, #tpu.memory_space<hbm>>
        %dma_wait3A_2203 = arith.constant 0 : i32
        %dma_wait3A_2204 = arith.constant 0 : i32
        %dma_wait3A_2205 = tpu.memref_slice %arg6[%dma_wait3A_2191, %dma_wait3A_2203, %dma_wait3A_2204] : memref<4x80x128xf32, #tpu.memory_space<vmem>> -> memref<1x80x128xf32, #tpu.memory_space<vmem>>
        %dma_wait3A_2206 = tpu.memref_squeeze %dma_wait3A_2205 : memref<1x80x128xf32, #tpu.memory_space<vmem>> -> memref<80x128xf32, #tpu.memory_space<vmem>>
        tpu.wait_dma2 semaphore(%dma_wait3A_2200 : memref<!tpu.dma_semaphore, #tpu.memory_space<semaphore_mem>>) src(%dma_wait3A_2206 : memref<80x128xf32, #tpu.memory_space<vmem>>) dst(%dma_wait3A_2202 : memref<80x128xf32, #tpu.memory_space<hbm>>)
        %dma_start3A_2207 = arith.constant 19 : i32
        %dma_start3A_2208 = arith.constant 3 : i32
        %dma_start3A_2209 = arith.constant 3 : i32
        %dma_start3A_2210 = arith.constant 0 : i32
        %dma_start3A_2211 = arith.constant 0 : i32
        %dma_start3A_2212 = tpu.memref_slice %arg6[%dma_start3A_2208, %dma_start3A_2210, %dma_start3A_2211] : memref<4x80x128xf32, #tpu.memory_space<vmem>> -> memref<1x80x128xf32, #tpu.memory_space<vmem>>
        %dma_start3A_2213 = tpu.memref_squeeze %dma_start3A_2212 : memref<1x80x128xf32, #tpu.memory_space<vmem>> -> memref<80x128xf32, #tpu.memory_space<vmem>>
        %dma_start3A_2214 = arith.constant 0 : i32
        %dma_start3A_2215 = arith.constant 0 : i32
        %dma_start3A_2216 = tpu.memref_slice %arg5[%rem3A_215, %dma_start3A_2214, %dma_start3A_2215] : memref<2x40x80xi32, #tpu.memory_space<vmem>> -> memref<1x40x80xi32, #tpu.memory_space<vmem>>
        %dma_start3A_2217 = tpu.memref_squeeze %dma_start3A_2216 : memref<1x40x80xi32, #tpu.memory_space<vmem>> -> memref<40x80xi32, #tpu.memory_space<vmem>>
        %dma_start3A_2218 = arith.constant 0 : i32
        %dma_start3A_2219 = tpu.memref_slice %dma_start3A_2217[%dma_start3A_2207, %dma_start3A_2218] : memref<40x80xi32, #tpu.memory_space<vmem>> -> memref<1x80xi32, #tpu.memory_space<vmem>>
        %dma_start3A_2220 = tpu.memref_squeeze %dma_start3A_2219 : memref<1x80xi32, #tpu.memory_space<vmem>> -> memref<80xi32, #tpu.memory_space<vmem>>
        %dma_start3A_2221 = arith.constant 0 : i32
        %dma_start3A_2222 = arith.constant 0 : i32
        %dma_start3A_2223 = tpu.memref_slice %arg7[%dma_start3A_2221, %dma_start3A_2222] : memref<8192x128xf32, #tpu.memory_space<vmem_shared>> -> memref<8192x128xf32, #tpu.memory_space<vmem_shared>>
        %dma_start3A_2224 = tpu.memref_slice %arg8[%dma_start3A_2209] : memref<4x!tpu.dma_semaphore, #tpu.memory_space<semaphore_mem>> -> memref<1x!tpu.dma_semaphore, #tpu.memory_space<semaphore_mem>>
        %dma_start3A_2225 = tpu.memref_squeeze %dma_start3A_2224 : memref<1x!tpu.dma_semaphore, #tpu.memory_space<semaphore_mem>> -> memref<!tpu.dma_semaphore, #tpu.memory_space<semaphore_mem>>
        tpu.enqueue_indirect_dma source(%dma_start3A_2223 : memref<8192x128xf32, #tpu.memory_space<vmem_shared>>) target(%dma_start3A_2213 : memref<80x128xf32, #tpu.memory_space<vmem>>) offsets(%dma_start3A_2220 : memref<80xi32, #tpu.memory_space<vmem>>) semaphore(%dma_start3A_2225 : memref<!tpu.dma_semaphore, #tpu.memory_space<semaphore_mem>>)
      } else {
      }
      %mul3A_1004 = arith.constant 40 : i32
      %mul3A_1005 = arith.muli %scan3A_213, %mul3A_1004 : i32
      %add3A_1006 = arith.constant 16 : i32
      %add3A_1007 = arith.addi %mul3A_1005, %add3A_1006 : i32
      %dma_wait3A_1008 = arith.constant 16 : i32
      %dma_wait3A_1009 = arith.constant 0 : i32
      %dma_wait3A_1010 = arith.constant 0 : i32
      %dma_wait3A_1011 = arith.constant 0 : i32
      %dma_wait3A_1012 = arith.constant 0 : i32
      %dma_wait3A_1013 = tpu.memref_slice %arg6[%dma_wait3A_1009, %dma_wait3A_1011, %dma_wait3A_1012] : memref<4x80x128xf32, #tpu.memory_space<vmem>> -> memref<1x80x128xf32, #tpu.memory_space<vmem>>
      %dma_wait3A_1014 = tpu.memref_squeeze %dma_wait3A_1013 : memref<1x80x128xf32, #tpu.memory_space<vmem>> -> memref<80x128xf32, #tpu.memory_space<vmem>>
      %dma_wait3A_1015 = arith.constant 0 : i32
      %dma_wait3A_1016 = arith.constant 0 : i32
      %dma_wait3A_1017 = tpu.memref_slice %arg5[%rem3A_215, %dma_wait3A_1015, %dma_wait3A_1016] : memref<2x40x80xi32, #tpu.memory_space<vmem>> -> memref<1x40x80xi32, #tpu.memory_space<vmem>>
      %dma_wait3A_1018 = tpu.memref_squeeze %dma_wait3A_1017 : memref<1x40x80xi32, #tpu.memory_space<vmem>> -> memref<40x80xi32, #tpu.memory_space<vmem>>
      %dma_wait3A_1019 = arith.constant 0 : i32
      %dma_wait3A_1020 = tpu.memref_slice %dma_wait3A_1018[%dma_wait3A_1008, %dma_wait3A_1019] : memref<40x80xi32, #tpu.memory_space<vmem>> -> memref<1x80xi32, #tpu.memory_space<vmem>>
      %dma_wait3A_1021 = tpu.memref_squeeze %dma_wait3A_1020 : memref<1x80xi32, #tpu.memory_space<vmem>> -> memref<80xi32, #tpu.memory_space<vmem>>
      %dma_wait3A_1022 = arith.constant 0 : i32
      %dma_wait3A_1023 = arith.constant 0 : i32
      %dma_wait3A_1024 = tpu.memref_slice %arg7[%dma_wait3A_1022, %dma_wait3A_1023] : memref<8192x128xf32, #tpu.memory_space<vmem_shared>> -> memref<8192x128xf32, #tpu.memory_space<vmem_shared>>
      %dma_wait3A_1025 = tpu.memref_slice %arg8[%dma_wait3A_1010] : memref<4x!tpu.dma_semaphore, #tpu.memory_space<semaphore_mem>> -> memref<1x!tpu.dma_semaphore, #tpu.memory_space<semaphore_mem>>
      %dma_wait3A_1026 = tpu.memref_squeeze %dma_wait3A_1025 : memref<1x!tpu.dma_semaphore, #tpu.memory_space<semaphore_mem>> -> memref<!tpu.dma_semaphore, #tpu.memory_space<semaphore_mem>>
      tpu.wait_indirect_dma semaphore(%dma_wait3A_1026 : memref<!tpu.dma_semaphore, #tpu.memory_space<semaphore_mem>>) src(%dma_wait3A_1024 : memref<8192x128xf32, #tpu.memory_space<vmem_shared>>) dst(%dma_wait3A_1014 : memref<80x128xf32, #tpu.memory_space<vmem>>)
      %mul3A_1027 = arith.constant 80 : i32
      %mul3A_1028 = arith.muli %add3A_1007, %mul3A_1027 : i32
      %add3A_1029 = arith.addi %mul3A_2, %mul3A_1028 : i32
      %dma_start3A_1030 = arith.constant 0 : i32
      %dma_start3A_1031 = arith.constant 0 : i32
      %dma_start3A_1032 = arith.constant 0 : i32
      %dma_start3A_1033 = arith.constant 0 : i32
      %dma_start3A_1034 = tpu.memref_slice %arg6[%dma_start3A_1030, %dma_start3A_1032, %dma_start3A_1033] : memref<4x80x128xf32, #tpu.memory_space<vmem>> -> memref<1x80x128xf32, #tpu.memory_space<vmem>>
      %dma_start3A_1035 = tpu.memref_squeeze %dma_start3A_1034 : memref<1x80x128xf32, #tpu.memory_space<vmem>> -> memref<80x128xf32, #tpu.memory_space<vmem>>
      %dma_start3A_1036 = arith.constant 0 : i32
      %dma_start3A_1037 = tpu.memref_slice %arg4[%add3A_1029, %dma_start3A_1036] : memref<819200x128xf32, #tpu.memory_space<hbm>> -> memref<80x128xf32, #tpu.memory_space<hbm>>
      %dma_start3A_1038 = tpu.memref_slice %arg9[%dma_start3A_1031] : memref<4x!tpu.dma_semaphore, #tpu.memory_space<semaphore_mem>> -> memref<1x!tpu.dma_semaphore, #tpu.memory_space<semaphore_mem>>
      %dma_start3A_1039 = tpu.memref_squeeze %dma_start3A_1038 : memref<1x!tpu.dma_semaphore, #tpu.memory_space<semaphore_mem>> -> memref<!tpu.dma_semaphore, #tpu.memory_space<semaphore_mem>>
      %dma_start3A_1040 = arith.constant 0 : i32
      %dma_start3A_1041 = tpu.memref_slice %arg4[%add3A_1029, %dma_start3A_1040] : memref<819200x128xf32, #tpu.memory_space<hbm>> -> memref<80x128xf32, #tpu.memory_space<hbm>>
      %dma_start3A_1042 = arith.constant 0 : i32
      %dma_start3A_1043 = arith.constant 0 : i32
      %dma_start3A_1044 = tpu.memref_slice %arg6[%dma_start3A_1030, %dma_start3A_1042, %dma_start3A_1043] : memref<4x80x128xf32, #tpu.memory_space<vmem>> -> memref<1x80x128xf32, #tpu.memory_space<vmem>>
      %dma_start3A_1045 = tpu.memref_squeeze %dma_start3A_1044 : memref<1x80x128xf32, #tpu.memory_space<vmem>> -> memref<80x128xf32, #tpu.memory_space<vmem>>
      tpu.enqueue_dma source(%dma_start3A_1045 : memref<80x128xf32, #tpu.memory_space<vmem>>) target(%dma_start3A_1041 : memref<80x128xf32, #tpu.memory_space<hbm>>) target_semaphore(%dma_start3A_1039 : memref<!tpu.dma_semaphore, #tpu.memory_space<semaphore_mem>>)
      %add3A_1046 = arith.constant 4 : i32
      %add3A_1047 = arith.addi %add3A_1007, %add3A_1046 : i32
      %lt3A_1048 = arith.constant 320 : i32
      %lt3A_1049 = arith.cmpi slt, %add3A_1047, %lt3A_1048 : i32
      %convert_element_type3A_1050 = arith.extui %lt3A_1049 : i1 to i32
      %cond3A_1051 = arith.constant 0 : i32
      %cond3A_1052 = arith.cmpi ne, %convert_element_type3A_1050, %cond3A_1051 : i32
      scf.if %cond3A_1052 {
        %mul3A_2188 = arith.constant 80 : i32
        %mul3A_2189 = arith.muli %add3A_1007, %mul3A_2188 : i32
        %add3A_2190 = arith.addi %mul3A_2, %mul3A_2189 : i32
        %dma_wait3A_2191 = arith.constant 0 : i32
        %dma_wait3A_2192 = arith.constant 0 : i32
        %dma_wait3A_2193 = arith.constant 0 : i32
        %dma_wait3A_2194 = arith.constant 0 : i32
        %dma_wait3A_2195 = tpu.memref_slice %arg6[%dma_wait3A_2191, %dma_wait3A_2193, %dma_wait3A_2194] : memref<4x80x128xf32, #tpu.memory_space<vmem>> -> memref<1x80x128xf32, #tpu.memory_space<vmem>>
        %dma_wait3A_2196 = tpu.memref_squeeze %dma_wait3A_2195 : memref<1x80x128xf32, #tpu.memory_space<vmem>> -> memref<80x128xf32, #tpu.memory_space<vmem>>
        %dma_wait3A_2197 = arith.constant 0 : i32
        %dma_wait3A_2198 = tpu.memref_slice %arg4[%add3A_2190, %dma_wait3A_2197] : memref<819200x128xf32, #tpu.memory_space<hbm>> -> memref<80x128xf32, #tpu.memory_space<hbm>>
        %dma_wait3A_2199 = tpu.memref_slice %arg9[%dma_wait3A_2192] : memref<4x!tpu.dma_semaphore, #tpu.memory_space<semaphore_mem>> -> memref<1x!tpu.dma_semaphore, #tpu.memory_space<semaphore_mem>>
        %dma_wait3A_2200 = tpu.memref_squeeze %dma_wait3A_2199 : memref<1x!tpu.dma_semaphore, #tpu.memory_space<semaphore_mem>> -> memref<!tpu.dma_semaphore, #tpu.memory_space<semaphore_mem>>
        %dma_wait3A_2201 = arith.constant 0 : i32
        %dma_wait3A_2202 = tpu.memref_slice %arg4[%add3A_2190, %dma_wait3A_2201] : memref<819200x128xf32, #tpu.memory_space<hbm>> -> memref<80x128xf32, #tpu.memory_space<hbm>>
        %dma_wait3A_2203 = arith.constant 0 : i32
        %dma_wait3A_2204 = arith.constant 0 : i32
        %dma_wait3A_2205 = tpu.memref_slice %arg6[%dma_wait3A_2191, %dma_wait3A_2203, %dma_wait3A_2204] : memref<4x80x128xf32, #tpu.memory_space<vmem>> -> memref<1x80x128xf32, #tpu.memory_space<vmem>>
        %dma_wait3A_2206 = tpu.memref_squeeze %dma_wait3A_2205 : memref<1x80x128xf32, #tpu.memory_space<vmem>> -> memref<80x128xf32, #tpu.memory_space<vmem>>
        tpu.wait_dma2 semaphore(%dma_wait3A_2200 : memref<!tpu.dma_semaphore, #tpu.memory_space<semaphore_mem>>) src(%dma_wait3A_2206 : memref<80x128xf32, #tpu.memory_space<vmem>>) dst(%dma_wait3A_2202 : memref<80x128xf32, #tpu.memory_space<hbm>>)
        %dma_start3A_2207 = arith.constant 20 : i32
        %dma_start3A_2208 = arith.constant 0 : i32
        %dma_start3A_2209 = arith.constant 0 : i32
        %dma_start3A_2210 = arith.constant 0 : i32
        %dma_start3A_2211 = arith.constant 0 : i32
        %dma_start3A_2212 = tpu.memref_slice %arg6[%dma_start3A_2208, %dma_start3A_2210, %dma_start3A_2211] : memref<4x80x128xf32, #tpu.memory_space<vmem>> -> memref<1x80x128xf32, #tpu.memory_space<vmem>>
        %dma_start3A_2213 = tpu.memref_squeeze %dma_start3A_2212 : memref<1x80x128xf32, #tpu.memory_space<vmem>> -> memref<80x128xf32, #tpu.memory_space<vmem>>
        %dma_start3A_2214 = arith.constant 0 : i32
        %dma_start3A_2215 = arith.constant 0 : i32
        %dma_start3A_2216 = tpu.memref_slice %arg5[%rem3A_215, %dma_start3A_2214, %dma_start3A_2215] : memref<2x40x80xi32, #tpu.memory_space<vmem>> -> memref<1x40x80xi32, #tpu.memory_space<vmem>>
        %dma_start3A_2217 = tpu.memref_squeeze %dma_start3A_2216 : memref<1x40x80xi32, #tpu.memory_space<vmem>> -> memref<40x80xi32, #tpu.memory_space<vmem>>
        %dma_start3A_2218 = arith.constant 0 : i32
        %dma_start3A_2219 = tpu.memref_slice %dma_start3A_2217[%dma_start3A_2207, %dma_start3A_2218] : memref<40x80xi32, #tpu.memory_space<vmem>> -> memref<1x80xi32, #tpu.memory_space<vmem>>
        %dma_start3A_2220 = tpu.memref_squeeze %dma_start3A_2219 : memref<1x80xi32, #tpu.memory_space<vmem>> -> memref<80xi32, #tpu.memory_space<vmem>>
        %dma_start3A_2221 = arith.constant 0 : i32
        %dma_start3A_2222 = arith.constant 0 : i32
        %dma_start3A_2223 = tpu.memref_slice %arg7[%dma_start3A_2221, %dma_start3A_2222] : memref<8192x128xf32, #tpu.memory_space<vmem_shared>> -> memref<8192x128xf32, #tpu.memory_space<vmem_shared>>
        %dma_start3A_2224 = tpu.memref_slice %arg8[%dma_start3A_2209] : memref<4x!tpu.dma_semaphore, #tpu.memory_space<semaphore_mem>> -> memref<1x!tpu.dma_semaphore, #tpu.memory_space<semaphore_mem>>
        %dma_start3A_2225 = tpu.memref_squeeze %dma_start3A_2224 : memref<1x!tpu.dma_semaphore, #tpu.memory_space<semaphore_mem>> -> memref<!tpu.dma_semaphore, #tpu.memory_space<semaphore_mem>>
        tpu.enqueue_indirect_dma source(%dma_start3A_2223 : memref<8192x128xf32, #tpu.memory_space<vmem_shared>>) target(%dma_start3A_2213 : memref<80x128xf32, #tpu.memory_space<vmem>>) offsets(%dma_start3A_2220 : memref<80xi32, #tpu.memory_space<vmem>>) semaphore(%dma_start3A_2225 : memref<!tpu.dma_semaphore, #tpu.memory_space<semaphore_mem>>)
      } else {
      }
      %mul3A_1053 = arith.constant 40 : i32
      %mul3A_1054 = arith.muli %scan3A_213, %mul3A_1053 : i32
      %add3A_1055 = arith.constant 17 : i32
      %add3A_1056 = arith.addi %mul3A_1054, %add3A_1055 : i32
      %dma_wait3A_1057 = arith.constant 17 : i32
      %dma_wait3A_1058 = arith.constant 1 : i32
      %dma_wait3A_1059 = arith.constant 1 : i32
      %dma_wait3A_1060 = arith.constant 0 : i32
      %dma_wait3A_1061 = arith.constant 0 : i32
      %dma_wait3A_1062 = tpu.memref_slice %arg6[%dma_wait3A_1058, %dma_wait3A_1060, %dma_wait3A_1061] : memref<4x80x128xf32, #tpu.memory_space<vmem>> -> memref<1x80x128xf32, #tpu.memory_space<vmem>>
      %dma_wait3A_1063 = tpu.memref_squeeze %dma_wait3A_1062 : memref<1x80x128xf32, #tpu.memory_space<vmem>> -> memref<80x128xf32, #tpu.memory_space<vmem>>
      %dma_wait3A_1064 = arith.constant 0 : i32
      %dma_wait3A_1065 = arith.constant 0 : i32
      %dma_wait3A_1066 = tpu.memref_slice %arg5[%rem3A_215, %dma_wait3A_1064, %dma_wait3A_1065] : memref<2x40x80xi32, #tpu.memory_space<vmem>> -> memref<1x40x80xi32, #tpu.memory_space<vmem>>
      %dma_wait3A_1067 = tpu.memref_squeeze %dma_wait3A_1066 : memref<1x40x80xi32, #tpu.memory_space<vmem>> -> memref<40x80xi32, #tpu.memory_space<vmem>>
      %dma_wait3A_1068 = arith.constant 0 : i32
      %dma_wait3A_1069 = tpu.memref_slice %dma_wait3A_1067[%dma_wait3A_1057, %dma_wait3A_1068] : memref<40x80xi32, #tpu.memory_space<vmem>> -> memref<1x80xi32, #tpu.memory_space<vmem>>
      %dma_wait3A_1070 = tpu.memref_squeeze %dma_wait3A_1069 : memref<1x80xi32, #tpu.memory_space<vmem>> -> memref<80xi32, #tpu.memory_space<vmem>>
      %dma_wait3A_1071 = arith.constant 0 : i32
      %dma_wait3A_1072 = arith.constant 0 : i32
      %dma_wait3A_1073 = tpu.memref_slice %arg7[%dma_wait3A_1071, %dma_wait3A_1072] : memref<8192x128xf32, #tpu.memory_space<vmem_shared>> -> memref<8192x128xf32, #tpu.memory_space<vmem_shared>>
      %dma_wait3A_1074 = tpu.memref_slice %arg8[%dma_wait3A_1059] : memref<4x!tpu.dma_semaphore, #tpu.memory_space<semaphore_mem>> -> memref<1x!tpu.dma_semaphore, #tpu.memory_space<semaphore_mem>>
      %dma_wait3A_1075 = tpu.memref_squeeze %dma_wait3A_1074 : memref<1x!tpu.dma_semaphore, #tpu.memory_space<semaphore_mem>> -> memref<!tpu.dma_semaphore, #tpu.memory_space<semaphore_mem>>
      tpu.wait_indirect_dma semaphore(%dma_wait3A_1075 : memref<!tpu.dma_semaphore, #tpu.memory_space<semaphore_mem>>) src(%dma_wait3A_1073 : memref<8192x128xf32, #tpu.memory_space<vmem_shared>>) dst(%dma_wait3A_1063 : memref<80x128xf32, #tpu.memory_space<vmem>>)
      %mul3A_1076 = arith.constant 80 : i32
      %mul3A_1077 = arith.muli %add3A_1056, %mul3A_1076 : i32
      %add3A_1078 = arith.addi %mul3A_2, %mul3A_1077 : i32
      %dma_start3A_1079 = arith.constant 1 : i32
      %dma_start3A_1080 = arith.constant 1 : i32
      %dma_start3A_1081 = arith.constant 0 : i32
      %dma_start3A_1082 = arith.constant 0 : i32
      %dma_start3A_1083 = tpu.memref_slice %arg6[%dma_start3A_1079, %dma_start3A_1081, %dma_start3A_1082] : memref<4x80x128xf32, #tpu.memory_space<vmem>> -> memref<1x80x128xf32, #tpu.memory_space<vmem>>
      %dma_start3A_1084 = tpu.memref_squeeze %dma_start3A_1083 : memref<1x80x128xf32, #tpu.memory_space<vmem>> -> memref<80x128xf32, #tpu.memory_space<vmem>>
      %dma_start3A_1085 = arith.constant 0 : i32
      %dma_start3A_1086 = tpu.memref_slice %arg4[%add3A_1078, %dma_start3A_1085] : memref<819200x128xf32, #tpu.memory_space<hbm>> -> memref<80x128xf32, #tpu.memory_space<hbm>>
      %dma_start3A_1087 = tpu.memref_slice %arg9[%dma_start3A_1080] : memref<4x!tpu.dma_semaphore, #tpu.memory_space<semaphore_mem>> -> memref<1x!tpu.dma_semaphore, #tpu.memory_space<semaphore_mem>>
      %dma_start3A_1088 = tpu.memref_squeeze %dma_start3A_1087 : memref<1x!tpu.dma_semaphore, #tpu.memory_space<semaphore_mem>> -> memref<!tpu.dma_semaphore, #tpu.memory_space<semaphore_mem>>
      %dma_start3A_1089 = arith.constant 0 : i32
      %dma_start3A_1090 = tpu.memref_slice %arg4[%add3A_1078, %dma_start3A_1089] : memref<819200x128xf32, #tpu.memory_space<hbm>> -> memref<80x128xf32, #tpu.memory_space<hbm>>
      %dma_start3A_1091 = arith.constant 0 : i32
      %dma_start3A_1092 = arith.constant 0 : i32
      %dma_start3A_1093 = tpu.memref_slice %arg6[%dma_start3A_1079, %dma_start3A_1091, %dma_start3A_1092] : memref<4x80x128xf32, #tpu.memory_space<vmem>> -> memref<1x80x128xf32, #tpu.memory_space<vmem>>
      %dma_start3A_1094 = tpu.memref_squeeze %dma_start3A_1093 : memref<1x80x128xf32, #tpu.memory_space<vmem>> -> memref<80x128xf32, #tpu.memory_space<vmem>>
      tpu.enqueue_dma source(%dma_start3A_1094 : memref<80x128xf32, #tpu.memory_space<vmem>>) target(%dma_start3A_1090 : memref<80x128xf32, #tpu.memory_space<hbm>>) target_semaphore(%dma_start3A_1088 : memref<!tpu.dma_semaphore, #tpu.memory_space<semaphore_mem>>)
      %add3A_1095 = arith.constant 4 : i32
      %add3A_1096 = arith.addi %add3A_1056, %add3A_1095 : i32
      %lt3A_1097 = arith.constant 320 : i32
      %lt3A_1098 = arith.cmpi slt, %add3A_1096, %lt3A_1097 : i32
      %convert_element_type3A_1099 = arith.extui %lt3A_1098 : i1 to i32
      %cond3A_1100 = arith.constant 0 : i32
      %cond3A_1101 = arith.cmpi ne, %convert_element_type3A_1099, %cond3A_1100 : i32
      scf.if %cond3A_1101 {
        %mul3A_2188 = arith.constant 80 : i32
        %mul3A_2189 = arith.muli %add3A_1056, %mul3A_2188 : i32
        %add3A_2190 = arith.addi %mul3A_2, %mul3A_2189 : i32
        %dma_wait3A_2191 = arith.constant 1 : i32
        %dma_wait3A_2192 = arith.constant 1 : i32
        %dma_wait3A_2193 = arith.constant 0 : i32
        %dma_wait3A_2194 = arith.constant 0 : i32
        %dma_wait3A_2195 = tpu.memref_slice %arg6[%dma_wait3A_2191, %dma_wait3A_2193, %dma_wait3A_2194] : memref<4x80x128xf32, #tpu.memory_space<vmem>> -> memref<1x80x128xf32, #tpu.memory_space<vmem>>
        %dma_wait3A_2196 = tpu.memref_squeeze %dma_wait3A_2195 : memref<1x80x128xf32, #tpu.memory_space<vmem>> -> memref<80x128xf32, #tpu.memory_space<vmem>>
        %dma_wait3A_2197 = arith.constant 0 : i32
        %dma_wait3A_2198 = tpu.memref_slice %arg4[%add3A_2190, %dma_wait3A_2197] : memref<819200x128xf32, #tpu.memory_space<hbm>> -> memref<80x128xf32, #tpu.memory_space<hbm>>
        %dma_wait3A_2199 = tpu.memref_slice %arg9[%dma_wait3A_2192] : memref<4x!tpu.dma_semaphore, #tpu.memory_space<semaphore_mem>> -> memref<1x!tpu.dma_semaphore, #tpu.memory_space<semaphore_mem>>
        %dma_wait3A_2200 = tpu.memref_squeeze %dma_wait3A_2199 : memref<1x!tpu.dma_semaphore, #tpu.memory_space<semaphore_mem>> -> memref<!tpu.dma_semaphore, #tpu.memory_space<semaphore_mem>>
        %dma_wait3A_2201 = arith.constant 0 : i32
        %dma_wait3A_2202 = tpu.memref_slice %arg4[%add3A_2190, %dma_wait3A_2201] : memref<819200x128xf32, #tpu.memory_space<hbm>> -> memref<80x128xf32, #tpu.memory_space<hbm>>
        %dma_wait3A_2203 = arith.constant 0 : i32
        %dma_wait3A_2204 = arith.constant 0 : i32
        %dma_wait3A_2205 = tpu.memref_slice %arg6[%dma_wait3A_2191, %dma_wait3A_2203, %dma_wait3A_2204] : memref<4x80x128xf32, #tpu.memory_space<vmem>> -> memref<1x80x128xf32, #tpu.memory_space<vmem>>
        %dma_wait3A_2206 = tpu.memref_squeeze %dma_wait3A_2205 : memref<1x80x128xf32, #tpu.memory_space<vmem>> -> memref<80x128xf32, #tpu.memory_space<vmem>>
        tpu.wait_dma2 semaphore(%dma_wait3A_2200 : memref<!tpu.dma_semaphore, #tpu.memory_space<semaphore_mem>>) src(%dma_wait3A_2206 : memref<80x128xf32, #tpu.memory_space<vmem>>) dst(%dma_wait3A_2202 : memref<80x128xf32, #tpu.memory_space<hbm>>)
        %dma_start3A_2207 = arith.constant 21 : i32
        %dma_start3A_2208 = arith.constant 1 : i32
        %dma_start3A_2209 = arith.constant 1 : i32
        %dma_start3A_2210 = arith.constant 0 : i32
        %dma_start3A_2211 = arith.constant 0 : i32
        %dma_start3A_2212 = tpu.memref_slice %arg6[%dma_start3A_2208, %dma_start3A_2210, %dma_start3A_2211] : memref<4x80x128xf32, #tpu.memory_space<vmem>> -> memref<1x80x128xf32, #tpu.memory_space<vmem>>
        %dma_start3A_2213 = tpu.memref_squeeze %dma_start3A_2212 : memref<1x80x128xf32, #tpu.memory_space<vmem>> -> memref<80x128xf32, #tpu.memory_space<vmem>>
        %dma_start3A_2214 = arith.constant 0 : i32
        %dma_start3A_2215 = arith.constant 0 : i32
        %dma_start3A_2216 = tpu.memref_slice %arg5[%rem3A_215, %dma_start3A_2214, %dma_start3A_2215] : memref<2x40x80xi32, #tpu.memory_space<vmem>> -> memref<1x40x80xi32, #tpu.memory_space<vmem>>
        %dma_start3A_2217 = tpu.memref_squeeze %dma_start3A_2216 : memref<1x40x80xi32, #tpu.memory_space<vmem>> -> memref<40x80xi32, #tpu.memory_space<vmem>>
        %dma_start3A_2218 = arith.constant 0 : i32
        %dma_start3A_2219 = tpu.memref_slice %dma_start3A_2217[%dma_start3A_2207, %dma_start3A_2218] : memref<40x80xi32, #tpu.memory_space<vmem>> -> memref<1x80xi32, #tpu.memory_space<vmem>>
        %dma_start3A_2220 = tpu.memref_squeeze %dma_start3A_2219 : memref<1x80xi32, #tpu.memory_space<vmem>> -> memref<80xi32, #tpu.memory_space<vmem>>
        %dma_start3A_2221 = arith.constant 0 : i32
        %dma_start3A_2222 = arith.constant 0 : i32
        %dma_start3A_2223 = tpu.memref_slice %arg7[%dma_start3A_2221, %dma_start3A_2222] : memref<8192x128xf32, #tpu.memory_space<vmem_shared>> -> memref<8192x128xf32, #tpu.memory_space<vmem_shared>>
        %dma_start3A_2224 = tpu.memref_slice %arg8[%dma_start3A_2209] : memref<4x!tpu.dma_semaphore, #tpu.memory_space<semaphore_mem>> -> memref<1x!tpu.dma_semaphore, #tpu.memory_space<semaphore_mem>>
        %dma_start3A_2225 = tpu.memref_squeeze %dma_start3A_2224 : memref<1x!tpu.dma_semaphore, #tpu.memory_space<semaphore_mem>> -> memref<!tpu.dma_semaphore, #tpu.memory_space<semaphore_mem>>
        tpu.enqueue_indirect_dma source(%dma_start3A_2223 : memref<8192x128xf32, #tpu.memory_space<vmem_shared>>) target(%dma_start3A_2213 : memref<80x128xf32, #tpu.memory_space<vmem>>) offsets(%dma_start3A_2220 : memref<80xi32, #tpu.memory_space<vmem>>) semaphore(%dma_start3A_2225 : memref<!tpu.dma_semaphore, #tpu.memory_space<semaphore_mem>>)
      } else {
      }
      %mul3A_1102 = arith.constant 40 : i32
      %mul3A_1103 = arith.muli %scan3A_213, %mul3A_1102 : i32
      %add3A_1104 = arith.constant 18 : i32
      %add3A_1105 = arith.addi %mul3A_1103, %add3A_1104 : i32
      %dma_wait3A_1106 = arith.constant 18 : i32
      %dma_wait3A_1107 = arith.constant 2 : i32
      %dma_wait3A_1108 = arith.constant 2 : i32
      %dma_wait3A_1109 = arith.constant 0 : i32
      %dma_wait3A_1110 = arith.constant 0 : i32
      %dma_wait3A_1111 = tpu.memref_slice %arg6[%dma_wait3A_1107, %dma_wait3A_1109, %dma_wait3A_1110] : memref<4x80x128xf32, #tpu.memory_space<vmem>> -> memref<1x80x128xf32, #tpu.memory_space<vmem>>
      %dma_wait3A_1112 = tpu.memref_squeeze %dma_wait3A_1111 : memref<1x80x128xf32, #tpu.memory_space<vmem>> -> memref<80x128xf32, #tpu.memory_space<vmem>>
      %dma_wait3A_1113 = arith.constant 0 : i32
      %dma_wait3A_1114 = arith.constant 0 : i32
      %dma_wait3A_1115 = tpu.memref_slice %arg5[%rem3A_215, %dma_wait3A_1113, %dma_wait3A_1114] : memref<2x40x80xi32, #tpu.memory_space<vmem>> -> memref<1x40x80xi32, #tpu.memory_space<vmem>>
      %dma_wait3A_1116 = tpu.memref_squeeze %dma_wait3A_1115 : memref<1x40x80xi32, #tpu.memory_space<vmem>> -> memref<40x80xi32, #tpu.memory_space<vmem>>
      %dma_wait3A_1117 = arith.constant 0 : i32
      %dma_wait3A_1118 = tpu.memref_slice %dma_wait3A_1116[%dma_wait3A_1106, %dma_wait3A_1117] : memref<40x80xi32, #tpu.memory_space<vmem>> -> memref<1x80xi32, #tpu.memory_space<vmem>>
      %dma_wait3A_1119 = tpu.memref_squeeze %dma_wait3A_1118 : memref<1x80xi32, #tpu.memory_space<vmem>> -> memref<80xi32, #tpu.memory_space<vmem>>
      %dma_wait3A_1120 = arith.constant 0 : i32
      %dma_wait3A_1121 = arith.constant 0 : i32
      %dma_wait3A_1122 = tpu.memref_slice %arg7[%dma_wait3A_1120, %dma_wait3A_1121] : memref<8192x128xf32, #tpu.memory_space<vmem_shared>> -> memref<8192x128xf32, #tpu.memory_space<vmem_shared>>
      %dma_wait3A_1123 = tpu.memref_slice %arg8[%dma_wait3A_1108] : memref<4x!tpu.dma_semaphore, #tpu.memory_space<semaphore_mem>> -> memref<1x!tpu.dma_semaphore, #tpu.memory_space<semaphore_mem>>
      %dma_wait3A_1124 = tpu.memref_squeeze %dma_wait3A_1123 : memref<1x!tpu.dma_semaphore, #tpu.memory_space<semaphore_mem>> -> memref<!tpu.dma_semaphore, #tpu.memory_space<semaphore_mem>>
      tpu.wait_indirect_dma semaphore(%dma_wait3A_1124 : memref<!tpu.dma_semaphore, #tpu.memory_space<semaphore_mem>>) src(%dma_wait3A_1122 : memref<8192x128xf32, #tpu.memory_space<vmem_shared>>) dst(%dma_wait3A_1112 : memref<80x128xf32, #tpu.memory_space<vmem>>)
      %mul3A_1125 = arith.constant 80 : i32
      %mul3A_1126 = arith.muli %add3A_1105, %mul3A_1125 : i32
      %add3A_1127 = arith.addi %mul3A_2, %mul3A_1126 : i32
      %dma_start3A_1128 = arith.constant 2 : i32
      %dma_start3A_1129 = arith.constant 2 : i32
      %dma_start3A_1130 = arith.constant 0 : i32
      %dma_start3A_1131 = arith.constant 0 : i32
      %dma_start3A_1132 = tpu.memref_slice %arg6[%dma_start3A_1128, %dma_start3A_1130, %dma_start3A_1131] : memref<4x80x128xf32, #tpu.memory_space<vmem>> -> memref<1x80x128xf32, #tpu.memory_space<vmem>>
      %dma_start3A_1133 = tpu.memref_squeeze %dma_start3A_1132 : memref<1x80x128xf32, #tpu.memory_space<vmem>> -> memref<80x128xf32, #tpu.memory_space<vmem>>
      %dma_start3A_1134 = arith.constant 0 : i32
      %dma_start3A_1135 = tpu.memref_slice %arg4[%add3A_1127, %dma_start3A_1134] : memref<819200x128xf32, #tpu.memory_space<hbm>> -> memref<80x128xf32, #tpu.memory_space<hbm>>
      %dma_start3A_1136 = tpu.memref_slice %arg9[%dma_start3A_1129] : memref<4x!tpu.dma_semaphore, #tpu.memory_space<semaphore_mem>> -> memref<1x!tpu.dma_semaphore, #tpu.memory_space<semaphore_mem>>
      %dma_start3A_1137 = tpu.memref_squeeze %dma_start3A_1136 : memref<1x!tpu.dma_semaphore, #tpu.memory_space<semaphore_mem>> -> memref<!tpu.dma_semaphore, #tpu.memory_space<semaphore_mem>>
      %dma_start3A_1138 = arith.constant 0 : i32
      %dma_start3A_1139 = tpu.memref_slice %arg4[%add3A_1127, %dma_start3A_1138] : memref<819200x128xf32, #tpu.memory_space<hbm>> -> memref<80x128xf32, #tpu.memory_space<hbm>>
      %dma_start3A_1140 = arith.constant 0 : i32
      %dma_start3A_1141 = arith.constant 0 : i32
      %dma_start3A_1142 = tpu.memref_slice %arg6[%dma_start3A_1128, %dma_start3A_1140, %dma_start3A_1141] : memref<4x80x128xf32, #tpu.memory_space<vmem>> -> memref<1x80x128xf32, #tpu.memory_space<vmem>>
      %dma_start3A_1143 = tpu.memref_squeeze %dma_start3A_1142 : memref<1x80x128xf32, #tpu.memory_space<vmem>> -> memref<80x128xf32, #tpu.memory_space<vmem>>
      tpu.enqueue_dma source(%dma_start3A_1143 : memref<80x128xf32, #tpu.memory_space<vmem>>) target(%dma_start3A_1139 : memref<80x128xf32, #tpu.memory_space<hbm>>) target_semaphore(%dma_start3A_1137 : memref<!tpu.dma_semaphore, #tpu.memory_space<semaphore_mem>>)
      %add3A_1144 = arith.constant 4 : i32
      %add3A_1145 = arith.addi %add3A_1105, %add3A_1144 : i32
      %lt3A_1146 = arith.constant 320 : i32
      %lt3A_1147 = arith.cmpi slt, %add3A_1145, %lt3A_1146 : i32
      %convert_element_type3A_1148 = arith.extui %lt3A_1147 : i1 to i32
      %cond3A_1149 = arith.constant 0 : i32
      %cond3A_1150 = arith.cmpi ne, %convert_element_type3A_1148, %cond3A_1149 : i32
      scf.if %cond3A_1150 {
        %mul3A_2188 = arith.constant 80 : i32
        %mul3A_2189 = arith.muli %add3A_1105, %mul3A_2188 : i32
        %add3A_2190 = arith.addi %mul3A_2, %mul3A_2189 : i32
        %dma_wait3A_2191 = arith.constant 2 : i32
        %dma_wait3A_2192 = arith.constant 2 : i32
        %dma_wait3A_2193 = arith.constant 0 : i32
        %dma_wait3A_2194 = arith.constant 0 : i32
        %dma_wait3A_2195 = tpu.memref_slice %arg6[%dma_wait3A_2191, %dma_wait3A_2193, %dma_wait3A_2194] : memref<4x80x128xf32, #tpu.memory_space<vmem>> -> memref<1x80x128xf32, #tpu.memory_space<vmem>>
        %dma_wait3A_2196 = tpu.memref_squeeze %dma_wait3A_2195 : memref<1x80x128xf32, #tpu.memory_space<vmem>> -> memref<80x128xf32, #tpu.memory_space<vmem>>
        %dma_wait3A_2197 = arith.constant 0 : i32
        %dma_wait3A_2198 = tpu.memref_slice %arg4[%add3A_2190, %dma_wait3A_2197] : memref<819200x128xf32, #tpu.memory_space<hbm>> -> memref<80x128xf32, #tpu.memory_space<hbm>>
        %dma_wait3A_2199 = tpu.memref_slice %arg9[%dma_wait3A_2192] : memref<4x!tpu.dma_semaphore, #tpu.memory_space<semaphore_mem>> -> memref<1x!tpu.dma_semaphore, #tpu.memory_space<semaphore_mem>>
        %dma_wait3A_2200 = tpu.memref_squeeze %dma_wait3A_2199 : memref<1x!tpu.dma_semaphore, #tpu.memory_space<semaphore_mem>> -> memref<!tpu.dma_semaphore, #tpu.memory_space<semaphore_mem>>
        %dma_wait3A_2201 = arith.constant 0 : i32
        %dma_wait3A_2202 = tpu.memref_slice %arg4[%add3A_2190, %dma_wait3A_2201] : memref<819200x128xf32, #tpu.memory_space<hbm>> -> memref<80x128xf32, #tpu.memory_space<hbm>>
        %dma_wait3A_2203 = arith.constant 0 : i32
        %dma_wait3A_2204 = arith.constant 0 : i32
        %dma_wait3A_2205 = tpu.memref_slice %arg6[%dma_wait3A_2191, %dma_wait3A_2203, %dma_wait3A_2204] : memref<4x80x128xf32, #tpu.memory_space<vmem>> -> memref<1x80x128xf32, #tpu.memory_space<vmem>>
        %dma_wait3A_2206 = tpu.memref_squeeze %dma_wait3A_2205 : memref<1x80x128xf32, #tpu.memory_space<vmem>> -> memref<80x128xf32, #tpu.memory_space<vmem>>
        tpu.wait_dma2 semaphore(%dma_wait3A_2200 : memref<!tpu.dma_semaphore, #tpu.memory_space<semaphore_mem>>) src(%dma_wait3A_2206 : memref<80x128xf32, #tpu.memory_space<vmem>>) dst(%dma_wait3A_2202 : memref<80x128xf32, #tpu.memory_space<hbm>>)
        %dma_start3A_2207 = arith.constant 22 : i32
        %dma_start3A_2208 = arith.constant 2 : i32
        %dma_start3A_2209 = arith.constant 2 : i32
        %dma_start3A_2210 = arith.constant 0 : i32
        %dma_start3A_2211 = arith.constant 0 : i32
        %dma_start3A_2212 = tpu.memref_slice %arg6[%dma_start3A_2208, %dma_start3A_2210, %dma_start3A_2211] : memref<4x80x128xf32, #tpu.memory_space<vmem>> -> memref<1x80x128xf32, #tpu.memory_space<vmem>>
        %dma_start3A_2213 = tpu.memref_squeeze %dma_start3A_2212 : memref<1x80x128xf32, #tpu.memory_space<vmem>> -> memref<80x128xf32, #tpu.memory_space<vmem>>
        %dma_start3A_2214 = arith.constant 0 : i32
        %dma_start3A_2215 = arith.constant 0 : i32
        %dma_start3A_2216 = tpu.memref_slice %arg5[%rem3A_215, %dma_start3A_2214, %dma_start3A_2215] : memref<2x40x80xi32, #tpu.memory_space<vmem>> -> memref<1x40x80xi32, #tpu.memory_space<vmem>>
        %dma_start3A_2217 = tpu.memref_squeeze %dma_start3A_2216 : memref<1x40x80xi32, #tpu.memory_space<vmem>> -> memref<40x80xi32, #tpu.memory_space<vmem>>
        %dma_start3A_2218 = arith.constant 0 : i32
        %dma_start3A_2219 = tpu.memref_slice %dma_start3A_2217[%dma_start3A_2207, %dma_start3A_2218] : memref<40x80xi32, #tpu.memory_space<vmem>> -> memref<1x80xi32, #tpu.memory_space<vmem>>
        %dma_start3A_2220 = tpu.memref_squeeze %dma_start3A_2219 : memref<1x80xi32, #tpu.memory_space<vmem>> -> memref<80xi32, #tpu.memory_space<vmem>>
        %dma_start3A_2221 = arith.constant 0 : i32
        %dma_start3A_2222 = arith.constant 0 : i32
        %dma_start3A_2223 = tpu.memref_slice %arg7[%dma_start3A_2221, %dma_start3A_2222] : memref<8192x128xf32, #tpu.memory_space<vmem_shared>> -> memref<8192x128xf32, #tpu.memory_space<vmem_shared>>
        %dma_start3A_2224 = tpu.memref_slice %arg8[%dma_start3A_2209] : memref<4x!tpu.dma_semaphore, #tpu.memory_space<semaphore_mem>> -> memref<1x!tpu.dma_semaphore, #tpu.memory_space<semaphore_mem>>
        %dma_start3A_2225 = tpu.memref_squeeze %dma_start3A_2224 : memref<1x!tpu.dma_semaphore, #tpu.memory_space<semaphore_mem>> -> memref<!tpu.dma_semaphore, #tpu.memory_space<semaphore_mem>>
        tpu.enqueue_indirect_dma source(%dma_start3A_2223 : memref<8192x128xf32, #tpu.memory_space<vmem_shared>>) target(%dma_start3A_2213 : memref<80x128xf32, #tpu.memory_space<vmem>>) offsets(%dma_start3A_2220 : memref<80xi32, #tpu.memory_space<vmem>>) semaphore(%dma_start3A_2225 : memref<!tpu.dma_semaphore, #tpu.memory_space<semaphore_mem>>)
      } else {
      }
      %mul3A_1151 = arith.constant 40 : i32
      %mul3A_1152 = arith.muli %scan3A_213, %mul3A_1151 : i32
      %add3A_1153 = arith.constant 19 : i32
      %add3A_1154 = arith.addi %mul3A_1152, %add3A_1153 : i32
      %dma_wait3A_1155 = arith.constant 19 : i32
      %dma_wait3A_1156 = arith.constant 3 : i32
      %dma_wait3A_1157 = arith.constant 3 : i32
      %dma_wait3A_1158 = arith.constant 0 : i32
      %dma_wait3A_1159 = arith.constant 0 : i32
      %dma_wait3A_1160 = tpu.memref_slice %arg6[%dma_wait3A_1156, %dma_wait3A_1158, %dma_wait3A_1159] : memref<4x80x128xf32, #tpu.memory_space<vmem>> -> memref<1x80x128xf32, #tpu.memory_space<vmem>>
      %dma_wait3A_1161 = tpu.memref_squeeze %dma_wait3A_1160 : memref<1x80x128xf32, #tpu.memory_space<vmem>> -> memref<80x128xf32, #tpu.memory_space<vmem>>
      %dma_wait3A_1162 = arith.constant 0 : i32
      %dma_wait3A_1163 = arith.constant 0 : i32
      %dma_wait3A_1164 = tpu.memref_slice %arg5[%rem3A_215, %dma_wait3A_1162, %dma_wait3A_1163] : memref<2x40x80xi32, #tpu.memory_space<vmem>> -> memref<1x40x80xi32, #tpu.memory_space<vmem>>
      %dma_wait3A_1165 = tpu.memref_squeeze %dma_wait3A_1164 : memref<1x40x80xi32, #tpu.memory_space<vmem>> -> memref<40x80xi32, #tpu.memory_space<vmem>>
      %dma_wait3A_1166 = arith.constant 0 : i32
      %dma_wait3A_1167 = tpu.memref_slice %dma_wait3A_1165[%dma_wait3A_1155, %dma_wait3A_1166] : memref<40x80xi32, #tpu.memory_space<vmem>> -> memref<1x80xi32, #tpu.memory_space<vmem>>
      %dma_wait3A_1168 = tpu.memref_squeeze %dma_wait3A_1167 : memref<1x80xi32, #tpu.memory_space<vmem>> -> memref<80xi32, #tpu.memory_space<vmem>>
      %dma_wait3A_1169 = arith.constant 0 : i32
      %dma_wait3A_1170 = arith.constant 0 : i32
      %dma_wait3A_1171 = tpu.memref_slice %arg7[%dma_wait3A_1169, %dma_wait3A_1170] : memref<8192x128xf32, #tpu.memory_space<vmem_shared>> -> memref<8192x128xf32, #tpu.memory_space<vmem_shared>>
      %dma_wait3A_1172 = tpu.memref_slice %arg8[%dma_wait3A_1157] : memref<4x!tpu.dma_semaphore, #tpu.memory_space<semaphore_mem>> -> memref<1x!tpu.dma_semaphore, #tpu.memory_space<semaphore_mem>>
      %dma_wait3A_1173 = tpu.memref_squeeze %dma_wait3A_1172 : memref<1x!tpu.dma_semaphore, #tpu.memory_space<semaphore_mem>> -> memref<!tpu.dma_semaphore, #tpu.memory_space<semaphore_mem>>
      tpu.wait_indirect_dma semaphore(%dma_wait3A_1173 : memref<!tpu.dma_semaphore, #tpu.memory_space<semaphore_mem>>) src(%dma_wait3A_1171 : memref<8192x128xf32, #tpu.memory_space<vmem_shared>>) dst(%dma_wait3A_1161 : memref<80x128xf32, #tpu.memory_space<vmem>>)
      %mul3A_1174 = arith.constant 80 : i32
      %mul3A_1175 = arith.muli %add3A_1154, %mul3A_1174 : i32
      %add3A_1176 = arith.addi %mul3A_2, %mul3A_1175 : i32
      %dma_start3A_1177 = arith.constant 3 : i32
      %dma_start3A_1178 = arith.constant 3 : i32
      %dma_start3A_1179 = arith.constant 0 : i32
      %dma_start3A_1180 = arith.constant 0 : i32
      %dma_start3A_1181 = tpu.memref_slice %arg6[%dma_start3A_1177, %dma_start3A_1179, %dma_start3A_1180] : memref<4x80x128xf32, #tpu.memory_space<vmem>> -> memref<1x80x128xf32, #tpu.memory_space<vmem>>
      %dma_start3A_1182 = tpu.memref_squeeze %dma_start3A_1181 : memref<1x80x128xf32, #tpu.memory_space<vmem>> -> memref<80x128xf32, #tpu.memory_space<vmem>>
      %dma_start3A_1183 = arith.constant 0 : i32
      %dma_start3A_1184 = tpu.memref_slice %arg4[%add3A_1176, %dma_start3A_1183] : memref<819200x128xf32, #tpu.memory_space<hbm>> -> memref<80x128xf32, #tpu.memory_space<hbm>>
      %dma_start3A_1185 = tpu.memref_slice %arg9[%dma_start3A_1178] : memref<4x!tpu.dma_semaphore, #tpu.memory_space<semaphore_mem>> -> memref<1x!tpu.dma_semaphore, #tpu.memory_space<semaphore_mem>>
      %dma_start3A_1186 = tpu.memref_squeeze %dma_start3A_1185 : memref<1x!tpu.dma_semaphore, #tpu.memory_space<semaphore_mem>> -> memref<!tpu.dma_semaphore, #tpu.memory_space<semaphore_mem>>
      %dma_start3A_1187 = arith.constant 0 : i32
      %dma_start3A_1188 = tpu.memref_slice %arg4[%add3A_1176, %dma_start3A_1187] : memref<819200x128xf32, #tpu.memory_space<hbm>> -> memref<80x128xf32, #tpu.memory_space<hbm>>
      %dma_start3A_1189 = arith.constant 0 : i32
      %dma_start3A_1190 = arith.constant 0 : i32
      %dma_start3A_1191 = tpu.memref_slice %arg6[%dma_start3A_1177, %dma_start3A_1189, %dma_start3A_1190] : memref<4x80x128xf32, #tpu.memory_space<vmem>> -> memref<1x80x128xf32, #tpu.memory_space<vmem>>
      %dma_start3A_1192 = tpu.memref_squeeze %dma_start3A_1191 : memref<1x80x128xf32, #tpu.memory_space<vmem>> -> memref<80x128xf32, #tpu.memory_space<vmem>>
      tpu.enqueue_dma source(%dma_start3A_1192 : memref<80x128xf32, #tpu.memory_space<vmem>>) target(%dma_start3A_1188 : memref<80x128xf32, #tpu.memory_space<hbm>>) target_semaphore(%dma_start3A_1186 : memref<!tpu.dma_semaphore, #tpu.memory_space<semaphore_mem>>)
      %add3A_1193 = arith.constant 4 : i32
      %add3A_1194 = arith.addi %add3A_1154, %add3A_1193 : i32
      %lt3A_1195 = arith.constant 320 : i32
      %lt3A_1196 = arith.cmpi slt, %add3A_1194, %lt3A_1195 : i32
      %convert_element_type3A_1197 = arith.extui %lt3A_1196 : i1 to i32
      %cond3A_1198 = arith.constant 0 : i32
      %cond3A_1199 = arith.cmpi ne, %convert_element_type3A_1197, %cond3A_1198 : i32
      scf.if %cond3A_1199 {
        %mul3A_2188 = arith.constant 80 : i32
        %mul3A_2189 = arith.muli %add3A_1154, %mul3A_2188 : i32
        %add3A_2190 = arith.addi %mul3A_2, %mul3A_2189 : i32
        %dma_wait3A_2191 = arith.constant 3 : i32
        %dma_wait3A_2192 = arith.constant 3 : i32
        %dma_wait3A_2193 = arith.constant 0 : i32
        %dma_wait3A_2194 = arith.constant 0 : i32
        %dma_wait3A_2195 = tpu.memref_slice %arg6[%dma_wait3A_2191, %dma_wait3A_2193, %dma_wait3A_2194] : memref<4x80x128xf32, #tpu.memory_space<vmem>> -> memref<1x80x128xf32, #tpu.memory_space<vmem>>
        %dma_wait3A_2196 = tpu.memref_squeeze %dma_wait3A_2195 : memref<1x80x128xf32, #tpu.memory_space<vmem>> -> memref<80x128xf32, #tpu.memory_space<vmem>>
        %dma_wait3A_2197 = arith.constant 0 : i32
        %dma_wait3A_2198 = tpu.memref_slice %arg4[%add3A_2190, %dma_wait3A_2197] : memref<819200x128xf32, #tpu.memory_space<hbm>> -> memref<80x128xf32, #tpu.memory_space<hbm>>
        %dma_wait3A_2199 = tpu.memref_slice %arg9[%dma_wait3A_2192] : memref<4x!tpu.dma_semaphore, #tpu.memory_space<semaphore_mem>> -> memref<1x!tpu.dma_semaphore, #tpu.memory_space<semaphore_mem>>
        %dma_wait3A_2200 = tpu.memref_squeeze %dma_wait3A_2199 : memref<1x!tpu.dma_semaphore, #tpu.memory_space<semaphore_mem>> -> memref<!tpu.dma_semaphore, #tpu.memory_space<semaphore_mem>>
        %dma_wait3A_2201 = arith.constant 0 : i32
        %dma_wait3A_2202 = tpu.memref_slice %arg4[%add3A_2190, %dma_wait3A_2201] : memref<819200x128xf32, #tpu.memory_space<hbm>> -> memref<80x128xf32, #tpu.memory_space<hbm>>
        %dma_wait3A_2203 = arith.constant 0 : i32
        %dma_wait3A_2204 = arith.constant 0 : i32
        %dma_wait3A_2205 = tpu.memref_slice %arg6[%dma_wait3A_2191, %dma_wait3A_2203, %dma_wait3A_2204] : memref<4x80x128xf32, #tpu.memory_space<vmem>> -> memref<1x80x128xf32, #tpu.memory_space<vmem>>
        %dma_wait3A_2206 = tpu.memref_squeeze %dma_wait3A_2205 : memref<1x80x128xf32, #tpu.memory_space<vmem>> -> memref<80x128xf32, #tpu.memory_space<vmem>>
        tpu.wait_dma2 semaphore(%dma_wait3A_2200 : memref<!tpu.dma_semaphore, #tpu.memory_space<semaphore_mem>>) src(%dma_wait3A_2206 : memref<80x128xf32, #tpu.memory_space<vmem>>) dst(%dma_wait3A_2202 : memref<80x128xf32, #tpu.memory_space<hbm>>)
        %dma_start3A_2207 = arith.constant 23 : i32
        %dma_start3A_2208 = arith.constant 3 : i32
        %dma_start3A_2209 = arith.constant 3 : i32
        %dma_start3A_2210 = arith.constant 0 : i32
        %dma_start3A_2211 = arith.constant 0 : i32
        %dma_start3A_2212 = tpu.memref_slice %arg6[%dma_start3A_2208, %dma_start3A_2210, %dma_start3A_2211] : memref<4x80x128xf32, #tpu.memory_space<vmem>> -> memref<1x80x128xf32, #tpu.memory_space<vmem>>
        %dma_start3A_2213 = tpu.memref_squeeze %dma_start3A_2212 : memref<1x80x128xf32, #tpu.memory_space<vmem>> -> memref<80x128xf32, #tpu.memory_space<vmem>>
        %dma_start3A_2214 = arith.constant 0 : i32
        %dma_start3A_2215 = arith.constant 0 : i32
        %dma_start3A_2216 = tpu.memref_slice %arg5[%rem3A_215, %dma_start3A_2214, %dma_start3A_2215] : memref<2x40x80xi32, #tpu.memory_space<vmem>> -> memref<1x40x80xi32, #tpu.memory_space<vmem>>
        %dma_start3A_2217 = tpu.memref_squeeze %dma_start3A_2216 : memref<1x40x80xi32, #tpu.memory_space<vmem>> -> memref<40x80xi32, #tpu.memory_space<vmem>>
        %dma_start3A_2218 = arith.constant 0 : i32
        %dma_start3A_2219 = tpu.memref_slice %dma_start3A_2217[%dma_start3A_2207, %dma_start3A_2218] : memref<40x80xi32, #tpu.memory_space<vmem>> -> memref<1x80xi32, #tpu.memory_space<vmem>>
        %dma_start3A_2220 = tpu.memref_squeeze %dma_start3A_2219 : memref<1x80xi32, #tpu.memory_space<vmem>> -> memref<80xi32, #tpu.memory_space<vmem>>
        %dma_start3A_2221 = arith.constant 0 : i32
        %dma_start3A_2222 = arith.constant 0 : i32
        %dma_start3A_2223 = tpu.memref_slice %arg7[%dma_start3A_2221, %dma_start3A_2222] : memref<8192x128xf32, #tpu.memory_space<vmem_shared>> -> memref<8192x128xf32, #tpu.memory_space<vmem_shared>>
        %dma_start3A_2224 = tpu.memref_slice %arg8[%dma_start3A_2209] : memref<4x!tpu.dma_semaphore, #tpu.memory_space<semaphore_mem>> -> memref<1x!tpu.dma_semaphore, #tpu.memory_space<semaphore_mem>>
        %dma_start3A_2225 = tpu.memref_squeeze %dma_start3A_2224 : memref<1x!tpu.dma_semaphore, #tpu.memory_space<semaphore_mem>> -> memref<!tpu.dma_semaphore, #tpu.memory_space<semaphore_mem>>
        tpu.enqueue_indirect_dma source(%dma_start3A_2223 : memref<8192x128xf32, #tpu.memory_space<vmem_shared>>) target(%dma_start3A_2213 : memref<80x128xf32, #tpu.memory_space<vmem>>) offsets(%dma_start3A_2220 : memref<80xi32, #tpu.memory_space<vmem>>) semaphore(%dma_start3A_2225 : memref<!tpu.dma_semaphore, #tpu.memory_space<semaphore_mem>>)
      } else {
      }
      %mul3A_1200 = arith.constant 40 : i32
      %mul3A_1201 = arith.muli %scan3A_213, %mul3A_1200 : i32
      %add3A_1202 = arith.constant 20 : i32
      %add3A_1203 = arith.addi %mul3A_1201, %add3A_1202 : i32
      %dma_wait3A_1204 = arith.constant 20 : i32
      %dma_wait3A_1205 = arith.constant 0 : i32
      %dma_wait3A_1206 = arith.constant 0 : i32
      %dma_wait3A_1207 = arith.constant 0 : i32
      %dma_wait3A_1208 = arith.constant 0 : i32
      %dma_wait3A_1209 = tpu.memref_slice %arg6[%dma_wait3A_1205, %dma_wait3A_1207, %dma_wait3A_1208] : memref<4x80x128xf32, #tpu.memory_space<vmem>> -> memref<1x80x128xf32, #tpu.memory_space<vmem>>
      %dma_wait3A_1210 = tpu.memref_squeeze %dma_wait3A_1209 : memref<1x80x128xf32, #tpu.memory_space<vmem>> -> memref<80x128xf32, #tpu.memory_space<vmem>>
      %dma_wait3A_1211 = arith.constant 0 : i32
      %dma_wait3A_1212 = arith.constant 0 : i32
      %dma_wait3A_1213 = tpu.memref_slice %arg5[%rem3A_215, %dma_wait3A_1211, %dma_wait3A_1212] : memref<2x40x80xi32, #tpu.memory_space<vmem>> -> memref<1x40x80xi32, #tpu.memory_space<vmem>>
      %dma_wait3A_1214 = tpu.memref_squeeze %dma_wait3A_1213 : memref<1x40x80xi32, #tpu.memory_space<vmem>> -> memref<40x80xi32, #tpu.memory_space<vmem>>
      %dma_wait3A_1215 = arith.constant 0 : i32
      %dma_wait3A_1216 = tpu.memref_slice %dma_wait3A_1214[%dma_wait3A_1204, %dma_wait3A_1215] : memref<40x80xi32, #tpu.memory_space<vmem>> -> memref<1x80xi32, #tpu.memory_space<vmem>>
      %dma_wait3A_1217 = tpu.memref_squeeze %dma_wait3A_1216 : memref<1x80xi32, #tpu.memory_space<vmem>> -> memref<80xi32, #tpu.memory_space<vmem>>
      %dma_wait3A_1218 = arith.constant 0 : i32
      %dma_wait3A_1219 = arith.constant 0 : i32
      %dma_wait3A_1220 = tpu.memref_slice %arg7[%dma_wait3A_1218, %dma_wait3A_1219] : memref<8192x128xf32, #tpu.memory_space<vmem_shared>> -> memref<8192x128xf32, #tpu.memory_space<vmem_shared>>
      %dma_wait3A_1221 = tpu.memref_slice %arg8[%dma_wait3A_1206] : memref<4x!tpu.dma_semaphore, #tpu.memory_space<semaphore_mem>> -> memref<1x!tpu.dma_semaphore, #tpu.memory_space<semaphore_mem>>
      %dma_wait3A_1222 = tpu.memref_squeeze %dma_wait3A_1221 : memref<1x!tpu.dma_semaphore, #tpu.memory_space<semaphore_mem>> -> memref<!tpu.dma_semaphore, #tpu.memory_space<semaphore_mem>>
      tpu.wait_indirect_dma semaphore(%dma_wait3A_1222 : memref<!tpu.dma_semaphore, #tpu.memory_space<semaphore_mem>>) src(%dma_wait3A_1220 : memref<8192x128xf32, #tpu.memory_space<vmem_shared>>) dst(%dma_wait3A_1210 : memref<80x128xf32, #tpu.memory_space<vmem>>)
      %mul3A_1223 = arith.constant 80 : i32
      %mul3A_1224 = arith.muli %add3A_1203, %mul3A_1223 : i32
      %add3A_1225 = arith.addi %mul3A_2, %mul3A_1224 : i32
      %dma_start3A_1226 = arith.constant 0 : i32
      %dma_start3A_1227 = arith.constant 0 : i32
      %dma_start3A_1228 = arith.constant 0 : i32
      %dma_start3A_1229 = arith.constant 0 : i32
      %dma_start3A_1230 = tpu.memref_slice %arg6[%dma_start3A_1226, %dma_start3A_1228, %dma_start3A_1229] : memref<4x80x128xf32, #tpu.memory_space<vmem>> -> memref<1x80x128xf32, #tpu.memory_space<vmem>>
      %dma_start3A_1231 = tpu.memref_squeeze %dma_start3A_1230 : memref<1x80x128xf32, #tpu.memory_space<vmem>> -> memref<80x128xf32, #tpu.memory_space<vmem>>
      %dma_start3A_1232 = arith.constant 0 : i32
      %dma_start3A_1233 = tpu.memref_slice %arg4[%add3A_1225, %dma_start3A_1232] : memref<819200x128xf32, #tpu.memory_space<hbm>> -> memref<80x128xf32, #tpu.memory_space<hbm>>
      %dma_start3A_1234 = tpu.memref_slice %arg9[%dma_start3A_1227] : memref<4x!tpu.dma_semaphore, #tpu.memory_space<semaphore_mem>> -> memref<1x!tpu.dma_semaphore, #tpu.memory_space<semaphore_mem>>
      %dma_start3A_1235 = tpu.memref_squeeze %dma_start3A_1234 : memref<1x!tpu.dma_semaphore, #tpu.memory_space<semaphore_mem>> -> memref<!tpu.dma_semaphore, #tpu.memory_space<semaphore_mem>>
      %dma_start3A_1236 = arith.constant 0 : i32
      %dma_start3A_1237 = tpu.memref_slice %arg4[%add3A_1225, %dma_start3A_1236] : memref<819200x128xf32, #tpu.memory_space<hbm>> -> memref<80x128xf32, #tpu.memory_space<hbm>>
      %dma_start3A_1238 = arith.constant 0 : i32
      %dma_start3A_1239 = arith.constant 0 : i32
      %dma_start3A_1240 = tpu.memref_slice %arg6[%dma_start3A_1226, %dma_start3A_1238, %dma_start3A_1239] : memref<4x80x128xf32, #tpu.memory_space<vmem>> -> memref<1x80x128xf32, #tpu.memory_space<vmem>>
      %dma_start3A_1241 = tpu.memref_squeeze %dma_start3A_1240 : memref<1x80x128xf32, #tpu.memory_space<vmem>> -> memref<80x128xf32, #tpu.memory_space<vmem>>
      tpu.enqueue_dma source(%dma_start3A_1241 : memref<80x128xf32, #tpu.memory_space<vmem>>) target(%dma_start3A_1237 : memref<80x128xf32, #tpu.memory_space<hbm>>) target_semaphore(%dma_start3A_1235 : memref<!tpu.dma_semaphore, #tpu.memory_space<semaphore_mem>>)
      %add3A_1242 = arith.constant 4 : i32
      %add3A_1243 = arith.addi %add3A_1203, %add3A_1242 : i32
      %lt3A_1244 = arith.constant 320 : i32
      %lt3A_1245 = arith.cmpi slt, %add3A_1243, %lt3A_1244 : i32
      %convert_element_type3A_1246 = arith.extui %lt3A_1245 : i1 to i32
      %cond3A_1247 = arith.constant 0 : i32
      %cond3A_1248 = arith.cmpi ne, %convert_element_type3A_1246, %cond3A_1247 : i32
      scf.if %cond3A_1248 {
        %mul3A_2188 = arith.constant 80 : i32
        %mul3A_2189 = arith.muli %add3A_1203, %mul3A_2188 : i32
        %add3A_2190 = arith.addi %mul3A_2, %mul3A_2189 : i32
        %dma_wait3A_2191 = arith.constant 0 : i32
        %dma_wait3A_2192 = arith.constant 0 : i32
        %dma_wait3A_2193 = arith.constant 0 : i32
        %dma_wait3A_2194 = arith.constant 0 : i32
        %dma_wait3A_2195 = tpu.memref_slice %arg6[%dma_wait3A_2191, %dma_wait3A_2193, %dma_wait3A_2194] : memref<4x80x128xf32, #tpu.memory_space<vmem>> -> memref<1x80x128xf32, #tpu.memory_space<vmem>>
        %dma_wait3A_2196 = tpu.memref_squeeze %dma_wait3A_2195 : memref<1x80x128xf32, #tpu.memory_space<vmem>> -> memref<80x128xf32, #tpu.memory_space<vmem>>
        %dma_wait3A_2197 = arith.constant 0 : i32
        %dma_wait3A_2198 = tpu.memref_slice %arg4[%add3A_2190, %dma_wait3A_2197] : memref<819200x128xf32, #tpu.memory_space<hbm>> -> memref<80x128xf32, #tpu.memory_space<hbm>>
        %dma_wait3A_2199 = tpu.memref_slice %arg9[%dma_wait3A_2192] : memref<4x!tpu.dma_semaphore, #tpu.memory_space<semaphore_mem>> -> memref<1x!tpu.dma_semaphore, #tpu.memory_space<semaphore_mem>>
        %dma_wait3A_2200 = tpu.memref_squeeze %dma_wait3A_2199 : memref<1x!tpu.dma_semaphore, #tpu.memory_space<semaphore_mem>> -> memref<!tpu.dma_semaphore, #tpu.memory_space<semaphore_mem>>
        %dma_wait3A_2201 = arith.constant 0 : i32
        %dma_wait3A_2202 = tpu.memref_slice %arg4[%add3A_2190, %dma_wait3A_2201] : memref<819200x128xf32, #tpu.memory_space<hbm>> -> memref<80x128xf32, #tpu.memory_space<hbm>>
        %dma_wait3A_2203 = arith.constant 0 : i32
        %dma_wait3A_2204 = arith.constant 0 : i32
        %dma_wait3A_2205 = tpu.memref_slice %arg6[%dma_wait3A_2191, %dma_wait3A_2203, %dma_wait3A_2204] : memref<4x80x128xf32, #tpu.memory_space<vmem>> -> memref<1x80x128xf32, #tpu.memory_space<vmem>>
        %dma_wait3A_2206 = tpu.memref_squeeze %dma_wait3A_2205 : memref<1x80x128xf32, #tpu.memory_space<vmem>> -> memref<80x128xf32, #tpu.memory_space<vmem>>
        tpu.wait_dma2 semaphore(%dma_wait3A_2200 : memref<!tpu.dma_semaphore, #tpu.memory_space<semaphore_mem>>) src(%dma_wait3A_2206 : memref<80x128xf32, #tpu.memory_space<vmem>>) dst(%dma_wait3A_2202 : memref<80x128xf32, #tpu.memory_space<hbm>>)
        %dma_start3A_2207 = arith.constant 24 : i32
        %dma_start3A_2208 = arith.constant 0 : i32
        %dma_start3A_2209 = arith.constant 0 : i32
        %dma_start3A_2210 = arith.constant 0 : i32
        %dma_start3A_2211 = arith.constant 0 : i32
        %dma_start3A_2212 = tpu.memref_slice %arg6[%dma_start3A_2208, %dma_start3A_2210, %dma_start3A_2211] : memref<4x80x128xf32, #tpu.memory_space<vmem>> -> memref<1x80x128xf32, #tpu.memory_space<vmem>>
        %dma_start3A_2213 = tpu.memref_squeeze %dma_start3A_2212 : memref<1x80x128xf32, #tpu.memory_space<vmem>> -> memref<80x128xf32, #tpu.memory_space<vmem>>
        %dma_start3A_2214 = arith.constant 0 : i32
        %dma_start3A_2215 = arith.constant 0 : i32
        %dma_start3A_2216 = tpu.memref_slice %arg5[%rem3A_215, %dma_start3A_2214, %dma_start3A_2215] : memref<2x40x80xi32, #tpu.memory_space<vmem>> -> memref<1x40x80xi32, #tpu.memory_space<vmem>>
        %dma_start3A_2217 = tpu.memref_squeeze %dma_start3A_2216 : memref<1x40x80xi32, #tpu.memory_space<vmem>> -> memref<40x80xi32, #tpu.memory_space<vmem>>
        %dma_start3A_2218 = arith.constant 0 : i32
        %dma_start3A_2219 = tpu.memref_slice %dma_start3A_2217[%dma_start3A_2207, %dma_start3A_2218] : memref<40x80xi32, #tpu.memory_space<vmem>> -> memref<1x80xi32, #tpu.memory_space<vmem>>
        %dma_start3A_2220 = tpu.memref_squeeze %dma_start3A_2219 : memref<1x80xi32, #tpu.memory_space<vmem>> -> memref<80xi32, #tpu.memory_space<vmem>>
        %dma_start3A_2221 = arith.constant 0 : i32
        %dma_start3A_2222 = arith.constant 0 : i32
        %dma_start3A_2223 = tpu.memref_slice %arg7[%dma_start3A_2221, %dma_start3A_2222] : memref<8192x128xf32, #tpu.memory_space<vmem_shared>> -> memref<8192x128xf32, #tpu.memory_space<vmem_shared>>
        %dma_start3A_2224 = tpu.memref_slice %arg8[%dma_start3A_2209] : memref<4x!tpu.dma_semaphore, #tpu.memory_space<semaphore_mem>> -> memref<1x!tpu.dma_semaphore, #tpu.memory_space<semaphore_mem>>
        %dma_start3A_2225 = tpu.memref_squeeze %dma_start3A_2224 : memref<1x!tpu.dma_semaphore, #tpu.memory_space<semaphore_mem>> -> memref<!tpu.dma_semaphore, #tpu.memory_space<semaphore_mem>>
        tpu.enqueue_indirect_dma source(%dma_start3A_2223 : memref<8192x128xf32, #tpu.memory_space<vmem_shared>>) target(%dma_start3A_2213 : memref<80x128xf32, #tpu.memory_space<vmem>>) offsets(%dma_start3A_2220 : memref<80xi32, #tpu.memory_space<vmem>>) semaphore(%dma_start3A_2225 : memref<!tpu.dma_semaphore, #tpu.memory_space<semaphore_mem>>)
      } else {
      }
      %mul3A_1249 = arith.constant 40 : i32
      %mul3A_1250 = arith.muli %scan3A_213, %mul3A_1249 : i32
      %add3A_1251 = arith.constant 21 : i32
      %add3A_1252 = arith.addi %mul3A_1250, %add3A_1251 : i32
      %dma_wait3A_1253 = arith.constant 21 : i32
      %dma_wait3A_1254 = arith.constant 1 : i32
      %dma_wait3A_1255 = arith.constant 1 : i32
      %dma_wait3A_1256 = arith.constant 0 : i32
      %dma_wait3A_1257 = arith.constant 0 : i32
      %dma_wait3A_1258 = tpu.memref_slice %arg6[%dma_wait3A_1254, %dma_wait3A_1256, %dma_wait3A_1257] : memref<4x80x128xf32, #tpu.memory_space<vmem>> -> memref<1x80x128xf32, #tpu.memory_space<vmem>>
      %dma_wait3A_1259 = tpu.memref_squeeze %dma_wait3A_1258 : memref<1x80x128xf32, #tpu.memory_space<vmem>> -> memref<80x128xf32, #tpu.memory_space<vmem>>
      %dma_wait3A_1260 = arith.constant 0 : i32
      %dma_wait3A_1261 = arith.constant 0 : i32
      %dma_wait3A_1262 = tpu.memref_slice %arg5[%rem3A_215, %dma_wait3A_1260, %dma_wait3A_1261] : memref<2x40x80xi32, #tpu.memory_space<vmem>> -> memref<1x40x80xi32, #tpu.memory_space<vmem>>
      %dma_wait3A_1263 = tpu.memref_squeeze %dma_wait3A_1262 : memref<1x40x80xi32, #tpu.memory_space<vmem>> -> memref<40x80xi32, #tpu.memory_space<vmem>>
      %dma_wait3A_1264 = arith.constant 0 : i32
      %dma_wait3A_1265 = tpu.memref_slice %dma_wait3A_1263[%dma_wait3A_1253, %dma_wait3A_1264] : memref<40x80xi32, #tpu.memory_space<vmem>> -> memref<1x80xi32, #tpu.memory_space<vmem>>
      %dma_wait3A_1266 = tpu.memref_squeeze %dma_wait3A_1265 : memref<1x80xi32, #tpu.memory_space<vmem>> -> memref<80xi32, #tpu.memory_space<vmem>>
      %dma_wait3A_1267 = arith.constant 0 : i32
      %dma_wait3A_1268 = arith.constant 0 : i32
      %dma_wait3A_1269 = tpu.memref_slice %arg7[%dma_wait3A_1267, %dma_wait3A_1268] : memref<8192x128xf32, #tpu.memory_space<vmem_shared>> -> memref<8192x128xf32, #tpu.memory_space<vmem_shared>>
      %dma_wait3A_1270 = tpu.memref_slice %arg8[%dma_wait3A_1255] : memref<4x!tpu.dma_semaphore, #tpu.memory_space<semaphore_mem>> -> memref<1x!tpu.dma_semaphore, #tpu.memory_space<semaphore_mem>>
      %dma_wait3A_1271 = tpu.memref_squeeze %dma_wait3A_1270 : memref<1x!tpu.dma_semaphore, #tpu.memory_space<semaphore_mem>> -> memref<!tpu.dma_semaphore, #tpu.memory_space<semaphore_mem>>
      tpu.wait_indirect_dma semaphore(%dma_wait3A_1271 : memref<!tpu.dma_semaphore, #tpu.memory_space<semaphore_mem>>) src(%dma_wait3A_1269 : memref<8192x128xf32, #tpu.memory_space<vmem_shared>>) dst(%dma_wait3A_1259 : memref<80x128xf32, #tpu.memory_space<vmem>>)
      %mul3A_1272 = arith.constant 80 : i32
      %mul3A_1273 = arith.muli %add3A_1252, %mul3A_1272 : i32
      %add3A_1274 = arith.addi %mul3A_2, %mul3A_1273 : i32
      %dma_start3A_1275 = arith.constant 1 : i32
      %dma_start3A_1276 = arith.constant 1 : i32
      %dma_start3A_1277 = arith.constant 0 : i32
      %dma_start3A_1278 = arith.constant 0 : i32
      %dma_start3A_1279 = tpu.memref_slice %arg6[%dma_start3A_1275, %dma_start3A_1277, %dma_start3A_1278] : memref<4x80x128xf32, #tpu.memory_space<vmem>> -> memref<1x80x128xf32, #tpu.memory_space<vmem>>
      %dma_start3A_1280 = tpu.memref_squeeze %dma_start3A_1279 : memref<1x80x128xf32, #tpu.memory_space<vmem>> -> memref<80x128xf32, #tpu.memory_space<vmem>>
      %dma_start3A_1281 = arith.constant 0 : i32
      %dma_start3A_1282 = tpu.memref_slice %arg4[%add3A_1274, %dma_start3A_1281] : memref<819200x128xf32, #tpu.memory_space<hbm>> -> memref<80x128xf32, #tpu.memory_space<hbm>>
      %dma_start3A_1283 = tpu.memref_slice %arg9[%dma_start3A_1276] : memref<4x!tpu.dma_semaphore, #tpu.memory_space<semaphore_mem>> -> memref<1x!tpu.dma_semaphore, #tpu.memory_space<semaphore_mem>>
      %dma_start3A_1284 = tpu.memref_squeeze %dma_start3A_1283 : memref<1x!tpu.dma_semaphore, #tpu.memory_space<semaphore_mem>> -> memref<!tpu.dma_semaphore, #tpu.memory_space<semaphore_mem>>
      %dma_start3A_1285 = arith.constant 0 : i32
      %dma_start3A_1286 = tpu.memref_slice %arg4[%add3A_1274, %dma_start3A_1285] : memref<819200x128xf32, #tpu.memory_space<hbm>> -> memref<80x128xf32, #tpu.memory_space<hbm>>
      %dma_start3A_1287 = arith.constant 0 : i32
      %dma_start3A_1288 = arith.constant 0 : i32
      %dma_start3A_1289 = tpu.memref_slice %arg6[%dma_start3A_1275, %dma_start3A_1287, %dma_start3A_1288] : memref<4x80x128xf32, #tpu.memory_space<vmem>> -> memref<1x80x128xf32, #tpu.memory_space<vmem>>
      %dma_start3A_1290 = tpu.memref_squeeze %dma_start3A_1289 : memref<1x80x128xf32, #tpu.memory_space<vmem>> -> memref<80x128xf32, #tpu.memory_space<vmem>>
      tpu.enqueue_dma source(%dma_start3A_1290 : memref<80x128xf32, #tpu.memory_space<vmem>>) target(%dma_start3A_1286 : memref<80x128xf32, #tpu.memory_space<hbm>>) target_semaphore(%dma_start3A_1284 : memref<!tpu.dma_semaphore, #tpu.memory_space<semaphore_mem>>)
      %add3A_1291 = arith.constant 4 : i32
      %add3A_1292 = arith.addi %add3A_1252, %add3A_1291 : i32
      %lt3A_1293 = arith.constant 320 : i32
      %lt3A_1294 = arith.cmpi slt, %add3A_1292, %lt3A_1293 : i32
      %convert_element_type3A_1295 = arith.extui %lt3A_1294 : i1 to i32
      %cond3A_1296 = arith.constant 0 : i32
      %cond3A_1297 = arith.cmpi ne, %convert_element_type3A_1295, %cond3A_1296 : i32
      scf.if %cond3A_1297 {
        %mul3A_2188 = arith.constant 80 : i32
        %mul3A_2189 = arith.muli %add3A_1252, %mul3A_2188 : i32
        %add3A_2190 = arith.addi %mul3A_2, %mul3A_2189 : i32
        %dma_wait3A_2191 = arith.constant 1 : i32
        %dma_wait3A_2192 = arith.constant 1 : i32
        %dma_wait3A_2193 = arith.constant 0 : i32
        %dma_wait3A_2194 = arith.constant 0 : i32
        %dma_wait3A_2195 = tpu.memref_slice %arg6[%dma_wait3A_2191, %dma_wait3A_2193, %dma_wait3A_2194] : memref<4x80x128xf32, #tpu.memory_space<vmem>> -> memref<1x80x128xf32, #tpu.memory_space<vmem>>
        %dma_wait3A_2196 = tpu.memref_squeeze %dma_wait3A_2195 : memref<1x80x128xf32, #tpu.memory_space<vmem>> -> memref<80x128xf32, #tpu.memory_space<vmem>>
        %dma_wait3A_2197 = arith.constant 0 : i32
        %dma_wait3A_2198 = tpu.memref_slice %arg4[%add3A_2190, %dma_wait3A_2197] : memref<819200x128xf32, #tpu.memory_space<hbm>> -> memref<80x128xf32, #tpu.memory_space<hbm>>
        %dma_wait3A_2199 = tpu.memref_slice %arg9[%dma_wait3A_2192] : memref<4x!tpu.dma_semaphore, #tpu.memory_space<semaphore_mem>> -> memref<1x!tpu.dma_semaphore, #tpu.memory_space<semaphore_mem>>
        %dma_wait3A_2200 = tpu.memref_squeeze %dma_wait3A_2199 : memref<1x!tpu.dma_semaphore, #tpu.memory_space<semaphore_mem>> -> memref<!tpu.dma_semaphore, #tpu.memory_space<semaphore_mem>>
        %dma_wait3A_2201 = arith.constant 0 : i32
        %dma_wait3A_2202 = tpu.memref_slice %arg4[%add3A_2190, %dma_wait3A_2201] : memref<819200x128xf32, #tpu.memory_space<hbm>> -> memref<80x128xf32, #tpu.memory_space<hbm>>
        %dma_wait3A_2203 = arith.constant 0 : i32
        %dma_wait3A_2204 = arith.constant 0 : i32
        %dma_wait3A_2205 = tpu.memref_slice %arg6[%dma_wait3A_2191, %dma_wait3A_2203, %dma_wait3A_2204] : memref<4x80x128xf32, #tpu.memory_space<vmem>> -> memref<1x80x128xf32, #tpu.memory_space<vmem>>
        %dma_wait3A_2206 = tpu.memref_squeeze %dma_wait3A_2205 : memref<1x80x128xf32, #tpu.memory_space<vmem>> -> memref<80x128xf32, #tpu.memory_space<vmem>>
        tpu.wait_dma2 semaphore(%dma_wait3A_2200 : memref<!tpu.dma_semaphore, #tpu.memory_space<semaphore_mem>>) src(%dma_wait3A_2206 : memref<80x128xf32, #tpu.memory_space<vmem>>) dst(%dma_wait3A_2202 : memref<80x128xf32, #tpu.memory_space<hbm>>)
        %dma_start3A_2207 = arith.constant 25 : i32
        %dma_start3A_2208 = arith.constant 1 : i32
        %dma_start3A_2209 = arith.constant 1 : i32
        %dma_start3A_2210 = arith.constant 0 : i32
        %dma_start3A_2211 = arith.constant 0 : i32
        %dma_start3A_2212 = tpu.memref_slice %arg6[%dma_start3A_2208, %dma_start3A_2210, %dma_start3A_2211] : memref<4x80x128xf32, #tpu.memory_space<vmem>> -> memref<1x80x128xf32, #tpu.memory_space<vmem>>
        %dma_start3A_2213 = tpu.memref_squeeze %dma_start3A_2212 : memref<1x80x128xf32, #tpu.memory_space<vmem>> -> memref<80x128xf32, #tpu.memory_space<vmem>>
        %dma_start3A_2214 = arith.constant 0 : i32
        %dma_start3A_2215 = arith.constant 0 : i32
        %dma_start3A_2216 = tpu.memref_slice %arg5[%rem3A_215, %dma_start3A_2214, %dma_start3A_2215] : memref<2x40x80xi32, #tpu.memory_space<vmem>> -> memref<1x40x80xi32, #tpu.memory_space<vmem>>
        %dma_start3A_2217 = tpu.memref_squeeze %dma_start3A_2216 : memref<1x40x80xi32, #tpu.memory_space<vmem>> -> memref<40x80xi32, #tpu.memory_space<vmem>>
        %dma_start3A_2218 = arith.constant 0 : i32
        %dma_start3A_2219 = tpu.memref_slice %dma_start3A_2217[%dma_start3A_2207, %dma_start3A_2218] : memref<40x80xi32, #tpu.memory_space<vmem>> -> memref<1x80xi32, #tpu.memory_space<vmem>>
        %dma_start3A_2220 = tpu.memref_squeeze %dma_start3A_2219 : memref<1x80xi32, #tpu.memory_space<vmem>> -> memref<80xi32, #tpu.memory_space<vmem>>
        %dma_start3A_2221 = arith.constant 0 : i32
        %dma_start3A_2222 = arith.constant 0 : i32
        %dma_start3A_2223 = tpu.memref_slice %arg7[%dma_start3A_2221, %dma_start3A_2222] : memref<8192x128xf32, #tpu.memory_space<vmem_shared>> -> memref<8192x128xf32, #tpu.memory_space<vmem_shared>>
        %dma_start3A_2224 = tpu.memref_slice %arg8[%dma_start3A_2209] : memref<4x!tpu.dma_semaphore, #tpu.memory_space<semaphore_mem>> -> memref<1x!tpu.dma_semaphore, #tpu.memory_space<semaphore_mem>>
        %dma_start3A_2225 = tpu.memref_squeeze %dma_start3A_2224 : memref<1x!tpu.dma_semaphore, #tpu.memory_space<semaphore_mem>> -> memref<!tpu.dma_semaphore, #tpu.memory_space<semaphore_mem>>
        tpu.enqueue_indirect_dma source(%dma_start3A_2223 : memref<8192x128xf32, #tpu.memory_space<vmem_shared>>) target(%dma_start3A_2213 : memref<80x128xf32, #tpu.memory_space<vmem>>) offsets(%dma_start3A_2220 : memref<80xi32, #tpu.memory_space<vmem>>) semaphore(%dma_start3A_2225 : memref<!tpu.dma_semaphore, #tpu.memory_space<semaphore_mem>>)
      } else {
      }
      %mul3A_1298 = arith.constant 40 : i32
      %mul3A_1299 = arith.muli %scan3A_213, %mul3A_1298 : i32
      %add3A_1300 = arith.constant 22 : i32
      %add3A_1301 = arith.addi %mul3A_1299, %add3A_1300 : i32
      %dma_wait3A_1302 = arith.constant 22 : i32
      %dma_wait3A_1303 = arith.constant 2 : i32
      %dma_wait3A_1304 = arith.constant 2 : i32
      %dma_wait3A_1305 = arith.constant 0 : i32
      %dma_wait3A_1306 = arith.constant 0 : i32
      %dma_wait3A_1307 = tpu.memref_slice %arg6[%dma_wait3A_1303, %dma_wait3A_1305, %dma_wait3A_1306] : memref<4x80x128xf32, #tpu.memory_space<vmem>> -> memref<1x80x128xf32, #tpu.memory_space<vmem>>
      %dma_wait3A_1308 = tpu.memref_squeeze %dma_wait3A_1307 : memref<1x80x128xf32, #tpu.memory_space<vmem>> -> memref<80x128xf32, #tpu.memory_space<vmem>>
      %dma_wait3A_1309 = arith.constant 0 : i32
      %dma_wait3A_1310 = arith.constant 0 : i32
      %dma_wait3A_1311 = tpu.memref_slice %arg5[%rem3A_215, %dma_wait3A_1309, %dma_wait3A_1310] : memref<2x40x80xi32, #tpu.memory_space<vmem>> -> memref<1x40x80xi32, #tpu.memory_space<vmem>>
      %dma_wait3A_1312 = tpu.memref_squeeze %dma_wait3A_1311 : memref<1x40x80xi32, #tpu.memory_space<vmem>> -> memref<40x80xi32, #tpu.memory_space<vmem>>
      %dma_wait3A_1313 = arith.constant 0 : i32
      %dma_wait3A_1314 = tpu.memref_slice %dma_wait3A_1312[%dma_wait3A_1302, %dma_wait3A_1313] : memref<40x80xi32, #tpu.memory_space<vmem>> -> memref<1x80xi32, #tpu.memory_space<vmem>>
      %dma_wait3A_1315 = tpu.memref_squeeze %dma_wait3A_1314 : memref<1x80xi32, #tpu.memory_space<vmem>> -> memref<80xi32, #tpu.memory_space<vmem>>
      %dma_wait3A_1316 = arith.constant 0 : i32
      %dma_wait3A_1317 = arith.constant 0 : i32
      %dma_wait3A_1318 = tpu.memref_slice %arg7[%dma_wait3A_1316, %dma_wait3A_1317] : memref<8192x128xf32, #tpu.memory_space<vmem_shared>> -> memref<8192x128xf32, #tpu.memory_space<vmem_shared>>
      %dma_wait3A_1319 = tpu.memref_slice %arg8[%dma_wait3A_1304] : memref<4x!tpu.dma_semaphore, #tpu.memory_space<semaphore_mem>> -> memref<1x!tpu.dma_semaphore, #tpu.memory_space<semaphore_mem>>
      %dma_wait3A_1320 = tpu.memref_squeeze %dma_wait3A_1319 : memref<1x!tpu.dma_semaphore, #tpu.memory_space<semaphore_mem>> -> memref<!tpu.dma_semaphore, #tpu.memory_space<semaphore_mem>>
      tpu.wait_indirect_dma semaphore(%dma_wait3A_1320 : memref<!tpu.dma_semaphore, #tpu.memory_space<semaphore_mem>>) src(%dma_wait3A_1318 : memref<8192x128xf32, #tpu.memory_space<vmem_shared>>) dst(%dma_wait3A_1308 : memref<80x128xf32, #tpu.memory_space<vmem>>)
      %mul3A_1321 = arith.constant 80 : i32
      %mul3A_1322 = arith.muli %add3A_1301, %mul3A_1321 : i32
      %add3A_1323 = arith.addi %mul3A_2, %mul3A_1322 : i32
      %dma_start3A_1324 = arith.constant 2 : i32
      %dma_start3A_1325 = arith.constant 2 : i32
      %dma_start3A_1326 = arith.constant 0 : i32
      %dma_start3A_1327 = arith.constant 0 : i32
      %dma_start3A_1328 = tpu.memref_slice %arg6[%dma_start3A_1324, %dma_start3A_1326, %dma_start3A_1327] : memref<4x80x128xf32, #tpu.memory_space<vmem>> -> memref<1x80x128xf32, #tpu.memory_space<vmem>>
      %dma_start3A_1329 = tpu.memref_squeeze %dma_start3A_1328 : memref<1x80x128xf32, #tpu.memory_space<vmem>> -> memref<80x128xf32, #tpu.memory_space<vmem>>
      %dma_start3A_1330 = arith.constant 0 : i32
      %dma_start3A_1331 = tpu.memref_slice %arg4[%add3A_1323, %dma_start3A_1330] : memref<819200x128xf32, #tpu.memory_space<hbm>> -> memref<80x128xf32, #tpu.memory_space<hbm>>
      %dma_start3A_1332 = tpu.memref_slice %arg9[%dma_start3A_1325] : memref<4x!tpu.dma_semaphore, #tpu.memory_space<semaphore_mem>> -> memref<1x!tpu.dma_semaphore, #tpu.memory_space<semaphore_mem>>
      %dma_start3A_1333 = tpu.memref_squeeze %dma_start3A_1332 : memref<1x!tpu.dma_semaphore, #tpu.memory_space<semaphore_mem>> -> memref<!tpu.dma_semaphore, #tpu.memory_space<semaphore_mem>>
      %dma_start3A_1334 = arith.constant 0 : i32
      %dma_start3A_1335 = tpu.memref_slice %arg4[%add3A_1323, %dma_start3A_1334] : memref<819200x128xf32, #tpu.memory_space<hbm>> -> memref<80x128xf32, #tpu.memory_space<hbm>>
      %dma_start3A_1336 = arith.constant 0 : i32
      %dma_start3A_1337 = arith.constant 0 : i32
      %dma_start3A_1338 = tpu.memref_slice %arg6[%dma_start3A_1324, %dma_start3A_1336, %dma_start3A_1337] : memref<4x80x128xf32, #tpu.memory_space<vmem>> -> memref<1x80x128xf32, #tpu.memory_space<vmem>>
      %dma_start3A_1339 = tpu.memref_squeeze %dma_start3A_1338 : memref<1x80x128xf32, #tpu.memory_space<vmem>> -> memref<80x128xf32, #tpu.memory_space<vmem>>
      tpu.enqueue_dma source(%dma_start3A_1339 : memref<80x128xf32, #tpu.memory_space<vmem>>) target(%dma_start3A_1335 : memref<80x128xf32, #tpu.memory_space<hbm>>) target_semaphore(%dma_start3A_1333 : memref<!tpu.dma_semaphore, #tpu.memory_space<semaphore_mem>>)
      %add3A_1340 = arith.constant 4 : i32
      %add3A_1341 = arith.addi %add3A_1301, %add3A_1340 : i32
      %lt3A_1342 = arith.constant 320 : i32
      %lt3A_1343 = arith.cmpi slt, %add3A_1341, %lt3A_1342 : i32
      %convert_element_type3A_1344 = arith.extui %lt3A_1343 : i1 to i32
      %cond3A_1345 = arith.constant 0 : i32
      %cond3A_1346 = arith.cmpi ne, %convert_element_type3A_1344, %cond3A_1345 : i32
      scf.if %cond3A_1346 {
        %mul3A_2188 = arith.constant 80 : i32
        %mul3A_2189 = arith.muli %add3A_1301, %mul3A_2188 : i32
        %add3A_2190 = arith.addi %mul3A_2, %mul3A_2189 : i32
        %dma_wait3A_2191 = arith.constant 2 : i32
        %dma_wait3A_2192 = arith.constant 2 : i32
        %dma_wait3A_2193 = arith.constant 0 : i32
        %dma_wait3A_2194 = arith.constant 0 : i32
        %dma_wait3A_2195 = tpu.memref_slice %arg6[%dma_wait3A_2191, %dma_wait3A_2193, %dma_wait3A_2194] : memref<4x80x128xf32, #tpu.memory_space<vmem>> -> memref<1x80x128xf32, #tpu.memory_space<vmem>>
        %dma_wait3A_2196 = tpu.memref_squeeze %dma_wait3A_2195 : memref<1x80x128xf32, #tpu.memory_space<vmem>> -> memref<80x128xf32, #tpu.memory_space<vmem>>
        %dma_wait3A_2197 = arith.constant 0 : i32
        %dma_wait3A_2198 = tpu.memref_slice %arg4[%add3A_2190, %dma_wait3A_2197] : memref<819200x128xf32, #tpu.memory_space<hbm>> -> memref<80x128xf32, #tpu.memory_space<hbm>>
        %dma_wait3A_2199 = tpu.memref_slice %arg9[%dma_wait3A_2192] : memref<4x!tpu.dma_semaphore, #tpu.memory_space<semaphore_mem>> -> memref<1x!tpu.dma_semaphore, #tpu.memory_space<semaphore_mem>>
        %dma_wait3A_2200 = tpu.memref_squeeze %dma_wait3A_2199 : memref<1x!tpu.dma_semaphore, #tpu.memory_space<semaphore_mem>> -> memref<!tpu.dma_semaphore, #tpu.memory_space<semaphore_mem>>
        %dma_wait3A_2201 = arith.constant 0 : i32
        %dma_wait3A_2202 = tpu.memref_slice %arg4[%add3A_2190, %dma_wait3A_2201] : memref<819200x128xf32, #tpu.memory_space<hbm>> -> memref<80x128xf32, #tpu.memory_space<hbm>>
        %dma_wait3A_2203 = arith.constant 0 : i32
        %dma_wait3A_2204 = arith.constant 0 : i32
        %dma_wait3A_2205 = tpu.memref_slice %arg6[%dma_wait3A_2191, %dma_wait3A_2203, %dma_wait3A_2204] : memref<4x80x128xf32, #tpu.memory_space<vmem>> -> memref<1x80x128xf32, #tpu.memory_space<vmem>>
        %dma_wait3A_2206 = tpu.memref_squeeze %dma_wait3A_2205 : memref<1x80x128xf32, #tpu.memory_space<vmem>> -> memref<80x128xf32, #tpu.memory_space<vmem>>
        tpu.wait_dma2 semaphore(%dma_wait3A_2200 : memref<!tpu.dma_semaphore, #tpu.memory_space<semaphore_mem>>) src(%dma_wait3A_2206 : memref<80x128xf32, #tpu.memory_space<vmem>>) dst(%dma_wait3A_2202 : memref<80x128xf32, #tpu.memory_space<hbm>>)
        %dma_start3A_2207 = arith.constant 26 : i32
        %dma_start3A_2208 = arith.constant 2 : i32
        %dma_start3A_2209 = arith.constant 2 : i32
        %dma_start3A_2210 = arith.constant 0 : i32
        %dma_start3A_2211 = arith.constant 0 : i32
        %dma_start3A_2212 = tpu.memref_slice %arg6[%dma_start3A_2208, %dma_start3A_2210, %dma_start3A_2211] : memref<4x80x128xf32, #tpu.memory_space<vmem>> -> memref<1x80x128xf32, #tpu.memory_space<vmem>>
        %dma_start3A_2213 = tpu.memref_squeeze %dma_start3A_2212 : memref<1x80x128xf32, #tpu.memory_space<vmem>> -> memref<80x128xf32, #tpu.memory_space<vmem>>
        %dma_start3A_2214 = arith.constant 0 : i32
        %dma_start3A_2215 = arith.constant 0 : i32
        %dma_start3A_2216 = tpu.memref_slice %arg5[%rem3A_215, %dma_start3A_2214, %dma_start3A_2215] : memref<2x40x80xi32, #tpu.memory_space<vmem>> -> memref<1x40x80xi32, #tpu.memory_space<vmem>>
        %dma_start3A_2217 = tpu.memref_squeeze %dma_start3A_2216 : memref<1x40x80xi32, #tpu.memory_space<vmem>> -> memref<40x80xi32, #tpu.memory_space<vmem>>
        %dma_start3A_2218 = arith.constant 0 : i32
        %dma_start3A_2219 = tpu.memref_slice %dma_start3A_2217[%dma_start3A_2207, %dma_start3A_2218] : memref<40x80xi32, #tpu.memory_space<vmem>> -> memref<1x80xi32, #tpu.memory_space<vmem>>
        %dma_start3A_2220 = tpu.memref_squeeze %dma_start3A_2219 : memref<1x80xi32, #tpu.memory_space<vmem>> -> memref<80xi32, #tpu.memory_space<vmem>>
        %dma_start3A_2221 = arith.constant 0 : i32
        %dma_start3A_2222 = arith.constant 0 : i32
        %dma_start3A_2223 = tpu.memref_slice %arg7[%dma_start3A_2221, %dma_start3A_2222] : memref<8192x128xf32, #tpu.memory_space<vmem_shared>> -> memref<8192x128xf32, #tpu.memory_space<vmem_shared>>
        %dma_start3A_2224 = tpu.memref_slice %arg8[%dma_start3A_2209] : memref<4x!tpu.dma_semaphore, #tpu.memory_space<semaphore_mem>> -> memref<1x!tpu.dma_semaphore, #tpu.memory_space<semaphore_mem>>
        %dma_start3A_2225 = tpu.memref_squeeze %dma_start3A_2224 : memref<1x!tpu.dma_semaphore, #tpu.memory_space<semaphore_mem>> -> memref<!tpu.dma_semaphore, #tpu.memory_space<semaphore_mem>>
        tpu.enqueue_indirect_dma source(%dma_start3A_2223 : memref<8192x128xf32, #tpu.memory_space<vmem_shared>>) target(%dma_start3A_2213 : memref<80x128xf32, #tpu.memory_space<vmem>>) offsets(%dma_start3A_2220 : memref<80xi32, #tpu.memory_space<vmem>>) semaphore(%dma_start3A_2225 : memref<!tpu.dma_semaphore, #tpu.memory_space<semaphore_mem>>)
      } else {
      }
      %mul3A_1347 = arith.constant 40 : i32
      %mul3A_1348 = arith.muli %scan3A_213, %mul3A_1347 : i32
      %add3A_1349 = arith.constant 23 : i32
      %add3A_1350 = arith.addi %mul3A_1348, %add3A_1349 : i32
      %dma_wait3A_1351 = arith.constant 23 : i32
      %dma_wait3A_1352 = arith.constant 3 : i32
      %dma_wait3A_1353 = arith.constant 3 : i32
      %dma_wait3A_1354 = arith.constant 0 : i32
      %dma_wait3A_1355 = arith.constant 0 : i32
      %dma_wait3A_1356 = tpu.memref_slice %arg6[%dma_wait3A_1352, %dma_wait3A_1354, %dma_wait3A_1355] : memref<4x80x128xf32, #tpu.memory_space<vmem>> -> memref<1x80x128xf32, #tpu.memory_space<vmem>>
      %dma_wait3A_1357 = tpu.memref_squeeze %dma_wait3A_1356 : memref<1x80x128xf32, #tpu.memory_space<vmem>> -> memref<80x128xf32, #tpu.memory_space<vmem>>
      %dma_wait3A_1358 = arith.constant 0 : i32
      %dma_wait3A_1359 = arith.constant 0 : i32
      %dma_wait3A_1360 = tpu.memref_slice %arg5[%rem3A_215, %dma_wait3A_1358, %dma_wait3A_1359] : memref<2x40x80xi32, #tpu.memory_space<vmem>> -> memref<1x40x80xi32, #tpu.memory_space<vmem>>
      %dma_wait3A_1361 = tpu.memref_squeeze %dma_wait3A_1360 : memref<1x40x80xi32, #tpu.memory_space<vmem>> -> memref<40x80xi32, #tpu.memory_space<vmem>>
      %dma_wait3A_1362 = arith.constant 0 : i32
      %dma_wait3A_1363 = tpu.memref_slice %dma_wait3A_1361[%dma_wait3A_1351, %dma_wait3A_1362] : memref<40x80xi32, #tpu.memory_space<vmem>> -> memref<1x80xi32, #tpu.memory_space<vmem>>
      %dma_wait3A_1364 = tpu.memref_squeeze %dma_wait3A_1363 : memref<1x80xi32, #tpu.memory_space<vmem>> -> memref<80xi32, #tpu.memory_space<vmem>>
      %dma_wait3A_1365 = arith.constant 0 : i32
      %dma_wait3A_1366 = arith.constant 0 : i32
      %dma_wait3A_1367 = tpu.memref_slice %arg7[%dma_wait3A_1365, %dma_wait3A_1366] : memref<8192x128xf32, #tpu.memory_space<vmem_shared>> -> memref<8192x128xf32, #tpu.memory_space<vmem_shared>>
      %dma_wait3A_1368 = tpu.memref_slice %arg8[%dma_wait3A_1353] : memref<4x!tpu.dma_semaphore, #tpu.memory_space<semaphore_mem>> -> memref<1x!tpu.dma_semaphore, #tpu.memory_space<semaphore_mem>>
      %dma_wait3A_1369 = tpu.memref_squeeze %dma_wait3A_1368 : memref<1x!tpu.dma_semaphore, #tpu.memory_space<semaphore_mem>> -> memref<!tpu.dma_semaphore, #tpu.memory_space<semaphore_mem>>
      tpu.wait_indirect_dma semaphore(%dma_wait3A_1369 : memref<!tpu.dma_semaphore, #tpu.memory_space<semaphore_mem>>) src(%dma_wait3A_1367 : memref<8192x128xf32, #tpu.memory_space<vmem_shared>>) dst(%dma_wait3A_1357 : memref<80x128xf32, #tpu.memory_space<vmem>>)
      %mul3A_1370 = arith.constant 80 : i32
      %mul3A_1371 = arith.muli %add3A_1350, %mul3A_1370 : i32
      %add3A_1372 = arith.addi %mul3A_2, %mul3A_1371 : i32
      %dma_start3A_1373 = arith.constant 3 : i32
      %dma_start3A_1374 = arith.constant 3 : i32
      %dma_start3A_1375 = arith.constant 0 : i32
      %dma_start3A_1376 = arith.constant 0 : i32
      %dma_start3A_1377 = tpu.memref_slice %arg6[%dma_start3A_1373, %dma_start3A_1375, %dma_start3A_1376] : memref<4x80x128xf32, #tpu.memory_space<vmem>> -> memref<1x80x128xf32, #tpu.memory_space<vmem>>
      %dma_start3A_1378 = tpu.memref_squeeze %dma_start3A_1377 : memref<1x80x128xf32, #tpu.memory_space<vmem>> -> memref<80x128xf32, #tpu.memory_space<vmem>>
      %dma_start3A_1379 = arith.constant 0 : i32
      %dma_start3A_1380 = tpu.memref_slice %arg4[%add3A_1372, %dma_start3A_1379] : memref<819200x128xf32, #tpu.memory_space<hbm>> -> memref<80x128xf32, #tpu.memory_space<hbm>>
      %dma_start3A_1381 = tpu.memref_slice %arg9[%dma_start3A_1374] : memref<4x!tpu.dma_semaphore, #tpu.memory_space<semaphore_mem>> -> memref<1x!tpu.dma_semaphore, #tpu.memory_space<semaphore_mem>>
      %dma_start3A_1382 = tpu.memref_squeeze %dma_start3A_1381 : memref<1x!tpu.dma_semaphore, #tpu.memory_space<semaphore_mem>> -> memref<!tpu.dma_semaphore, #tpu.memory_space<semaphore_mem>>
      %dma_start3A_1383 = arith.constant 0 : i32
      %dma_start3A_1384 = tpu.memref_slice %arg4[%add3A_1372, %dma_start3A_1383] : memref<819200x128xf32, #tpu.memory_space<hbm>> -> memref<80x128xf32, #tpu.memory_space<hbm>>
      %dma_start3A_1385 = arith.constant 0 : i32
      %dma_start3A_1386 = arith.constant 0 : i32
      %dma_start3A_1387 = tpu.memref_slice %arg6[%dma_start3A_1373, %dma_start3A_1385, %dma_start3A_1386] : memref<4x80x128xf32, #tpu.memory_space<vmem>> -> memref<1x80x128xf32, #tpu.memory_space<vmem>>
      %dma_start3A_1388 = tpu.memref_squeeze %dma_start3A_1387 : memref<1x80x128xf32, #tpu.memory_space<vmem>> -> memref<80x128xf32, #tpu.memory_space<vmem>>
      tpu.enqueue_dma source(%dma_start3A_1388 : memref<80x128xf32, #tpu.memory_space<vmem>>) target(%dma_start3A_1384 : memref<80x128xf32, #tpu.memory_space<hbm>>) target_semaphore(%dma_start3A_1382 : memref<!tpu.dma_semaphore, #tpu.memory_space<semaphore_mem>>)
      %add3A_1389 = arith.constant 4 : i32
      %add3A_1390 = arith.addi %add3A_1350, %add3A_1389 : i32
      %lt3A_1391 = arith.constant 320 : i32
      %lt3A_1392 = arith.cmpi slt, %add3A_1390, %lt3A_1391 : i32
      %convert_element_type3A_1393 = arith.extui %lt3A_1392 : i1 to i32
      %cond3A_1394 = arith.constant 0 : i32
      %cond3A_1395 = arith.cmpi ne, %convert_element_type3A_1393, %cond3A_1394 : i32
      scf.if %cond3A_1395 {
        %mul3A_2188 = arith.constant 80 : i32
        %mul3A_2189 = arith.muli %add3A_1350, %mul3A_2188 : i32
        %add3A_2190 = arith.addi %mul3A_2, %mul3A_2189 : i32
        %dma_wait3A_2191 = arith.constant 3 : i32
        %dma_wait3A_2192 = arith.constant 3 : i32
        %dma_wait3A_2193 = arith.constant 0 : i32
        %dma_wait3A_2194 = arith.constant 0 : i32
        %dma_wait3A_2195 = tpu.memref_slice %arg6[%dma_wait3A_2191, %dma_wait3A_2193, %dma_wait3A_2194] : memref<4x80x128xf32, #tpu.memory_space<vmem>> -> memref<1x80x128xf32, #tpu.memory_space<vmem>>
        %dma_wait3A_2196 = tpu.memref_squeeze %dma_wait3A_2195 : memref<1x80x128xf32, #tpu.memory_space<vmem>> -> memref<80x128xf32, #tpu.memory_space<vmem>>
        %dma_wait3A_2197 = arith.constant 0 : i32
        %dma_wait3A_2198 = tpu.memref_slice %arg4[%add3A_2190, %dma_wait3A_2197] : memref<819200x128xf32, #tpu.memory_space<hbm>> -> memref<80x128xf32, #tpu.memory_space<hbm>>
        %dma_wait3A_2199 = tpu.memref_slice %arg9[%dma_wait3A_2192] : memref<4x!tpu.dma_semaphore, #tpu.memory_space<semaphore_mem>> -> memref<1x!tpu.dma_semaphore, #tpu.memory_space<semaphore_mem>>
        %dma_wait3A_2200 = tpu.memref_squeeze %dma_wait3A_2199 : memref<1x!tpu.dma_semaphore, #tpu.memory_space<semaphore_mem>> -> memref<!tpu.dma_semaphore, #tpu.memory_space<semaphore_mem>>
        %dma_wait3A_2201 = arith.constant 0 : i32
        %dma_wait3A_2202 = tpu.memref_slice %arg4[%add3A_2190, %dma_wait3A_2201] : memref<819200x128xf32, #tpu.memory_space<hbm>> -> memref<80x128xf32, #tpu.memory_space<hbm>>
        %dma_wait3A_2203 = arith.constant 0 : i32
        %dma_wait3A_2204 = arith.constant 0 : i32
        %dma_wait3A_2205 = tpu.memref_slice %arg6[%dma_wait3A_2191, %dma_wait3A_2203, %dma_wait3A_2204] : memref<4x80x128xf32, #tpu.memory_space<vmem>> -> memref<1x80x128xf32, #tpu.memory_space<vmem>>
        %dma_wait3A_2206 = tpu.memref_squeeze %dma_wait3A_2205 : memref<1x80x128xf32, #tpu.memory_space<vmem>> -> memref<80x128xf32, #tpu.memory_space<vmem>>
        tpu.wait_dma2 semaphore(%dma_wait3A_2200 : memref<!tpu.dma_semaphore, #tpu.memory_space<semaphore_mem>>) src(%dma_wait3A_2206 : memref<80x128xf32, #tpu.memory_space<vmem>>) dst(%dma_wait3A_2202 : memref<80x128xf32, #tpu.memory_space<hbm>>)
        %dma_start3A_2207 = arith.constant 27 : i32
        %dma_start3A_2208 = arith.constant 3 : i32
        %dma_start3A_2209 = arith.constant 3 : i32
        %dma_start3A_2210 = arith.constant 0 : i32
        %dma_start3A_2211 = arith.constant 0 : i32
        %dma_start3A_2212 = tpu.memref_slice %arg6[%dma_start3A_2208, %dma_start3A_2210, %dma_start3A_2211] : memref<4x80x128xf32, #tpu.memory_space<vmem>> -> memref<1x80x128xf32, #tpu.memory_space<vmem>>
        %dma_start3A_2213 = tpu.memref_squeeze %dma_start3A_2212 : memref<1x80x128xf32, #tpu.memory_space<vmem>> -> memref<80x128xf32, #tpu.memory_space<vmem>>
        %dma_start3A_2214 = arith.constant 0 : i32
        %dma_start3A_2215 = arith.constant 0 : i32
        %dma_start3A_2216 = tpu.memref_slice %arg5[%rem3A_215, %dma_start3A_2214, %dma_start3A_2215] : memref<2x40x80xi32, #tpu.memory_space<vmem>> -> memref<1x40x80xi32, #tpu.memory_space<vmem>>
        %dma_start3A_2217 = tpu.memref_squeeze %dma_start3A_2216 : memref<1x40x80xi32, #tpu.memory_space<vmem>> -> memref<40x80xi32, #tpu.memory_space<vmem>>
        %dma_start3A_2218 = arith.constant 0 : i32
        %dma_start3A_2219 = tpu.memref_slice %dma_start3A_2217[%dma_start3A_2207, %dma_start3A_2218] : memref<40x80xi32, #tpu.memory_space<vmem>> -> memref<1x80xi32, #tpu.memory_space<vmem>>
        %dma_start3A_2220 = tpu.memref_squeeze %dma_start3A_2219 : memref<1x80xi32, #tpu.memory_space<vmem>> -> memref<80xi32, #tpu.memory_space<vmem>>
        %dma_start3A_2221 = arith.constant 0 : i32
        %dma_start3A_2222 = arith.constant 0 : i32
        %dma_start3A_2223 = tpu.memref_slice %arg7[%dma_start3A_2221, %dma_start3A_2222] : memref<8192x128xf32, #tpu.memory_space<vmem_shared>> -> memref<8192x128xf32, #tpu.memory_space<vmem_shared>>
        %dma_start3A_2224 = tpu.memref_slice %arg8[%dma_start3A_2209] : memref<4x!tpu.dma_semaphore, #tpu.memory_space<semaphore_mem>> -> memref<1x!tpu.dma_semaphore, #tpu.memory_space<semaphore_mem>>
        %dma_start3A_2225 = tpu.memref_squeeze %dma_start3A_2224 : memref<1x!tpu.dma_semaphore, #tpu.memory_space<semaphore_mem>> -> memref<!tpu.dma_semaphore, #tpu.memory_space<semaphore_mem>>
        tpu.enqueue_indirect_dma source(%dma_start3A_2223 : memref<8192x128xf32, #tpu.memory_space<vmem_shared>>) target(%dma_start3A_2213 : memref<80x128xf32, #tpu.memory_space<vmem>>) offsets(%dma_start3A_2220 : memref<80xi32, #tpu.memory_space<vmem>>) semaphore(%dma_start3A_2225 : memref<!tpu.dma_semaphore, #tpu.memory_space<semaphore_mem>>)
      } else {
      }
      %mul3A_1396 = arith.constant 40 : i32
      %mul3A_1397 = arith.muli %scan3A_213, %mul3A_1396 : i32
      %add3A_1398 = arith.constant 24 : i32
      %add3A_1399 = arith.addi %mul3A_1397, %add3A_1398 : i32
      %dma_wait3A_1400 = arith.constant 24 : i32
      %dma_wait3A_1401 = arith.constant 0 : i32
      %dma_wait3A_1402 = arith.constant 0 : i32
      %dma_wait3A_1403 = arith.constant 0 : i32
      %dma_wait3A_1404 = arith.constant 0 : i32
      %dma_wait3A_1405 = tpu.memref_slice %arg6[%dma_wait3A_1401, %dma_wait3A_1403, %dma_wait3A_1404] : memref<4x80x128xf32, #tpu.memory_space<vmem>> -> memref<1x80x128xf32, #tpu.memory_space<vmem>>
      %dma_wait3A_1406 = tpu.memref_squeeze %dma_wait3A_1405 : memref<1x80x128xf32, #tpu.memory_space<vmem>> -> memref<80x128xf32, #tpu.memory_space<vmem>>
      %dma_wait3A_1407 = arith.constant 0 : i32
      %dma_wait3A_1408 = arith.constant 0 : i32
      %dma_wait3A_1409 = tpu.memref_slice %arg5[%rem3A_215, %dma_wait3A_1407, %dma_wait3A_1408] : memref<2x40x80xi32, #tpu.memory_space<vmem>> -> memref<1x40x80xi32, #tpu.memory_space<vmem>>
      %dma_wait3A_1410 = tpu.memref_squeeze %dma_wait3A_1409 : memref<1x40x80xi32, #tpu.memory_space<vmem>> -> memref<40x80xi32, #tpu.memory_space<vmem>>
      %dma_wait3A_1411 = arith.constant 0 : i32
      %dma_wait3A_1412 = tpu.memref_slice %dma_wait3A_1410[%dma_wait3A_1400, %dma_wait3A_1411] : memref<40x80xi32, #tpu.memory_space<vmem>> -> memref<1x80xi32, #tpu.memory_space<vmem>>
      %dma_wait3A_1413 = tpu.memref_squeeze %dma_wait3A_1412 : memref<1x80xi32, #tpu.memory_space<vmem>> -> memref<80xi32, #tpu.memory_space<vmem>>
      %dma_wait3A_1414 = arith.constant 0 : i32
      %dma_wait3A_1415 = arith.constant 0 : i32
      %dma_wait3A_1416 = tpu.memref_slice %arg7[%dma_wait3A_1414, %dma_wait3A_1415] : memref<8192x128xf32, #tpu.memory_space<vmem_shared>> -> memref<8192x128xf32, #tpu.memory_space<vmem_shared>>
      %dma_wait3A_1417 = tpu.memref_slice %arg8[%dma_wait3A_1402] : memref<4x!tpu.dma_semaphore, #tpu.memory_space<semaphore_mem>> -> memref<1x!tpu.dma_semaphore, #tpu.memory_space<semaphore_mem>>
      %dma_wait3A_1418 = tpu.memref_squeeze %dma_wait3A_1417 : memref<1x!tpu.dma_semaphore, #tpu.memory_space<semaphore_mem>> -> memref<!tpu.dma_semaphore, #tpu.memory_space<semaphore_mem>>
      tpu.wait_indirect_dma semaphore(%dma_wait3A_1418 : memref<!tpu.dma_semaphore, #tpu.memory_space<semaphore_mem>>) src(%dma_wait3A_1416 : memref<8192x128xf32, #tpu.memory_space<vmem_shared>>) dst(%dma_wait3A_1406 : memref<80x128xf32, #tpu.memory_space<vmem>>)
      %mul3A_1419 = arith.constant 80 : i32
      %mul3A_1420 = arith.muli %add3A_1399, %mul3A_1419 : i32
      %add3A_1421 = arith.addi %mul3A_2, %mul3A_1420 : i32
      %dma_start3A_1422 = arith.constant 0 : i32
      %dma_start3A_1423 = arith.constant 0 : i32
      %dma_start3A_1424 = arith.constant 0 : i32
      %dma_start3A_1425 = arith.constant 0 : i32
      %dma_start3A_1426 = tpu.memref_slice %arg6[%dma_start3A_1422, %dma_start3A_1424, %dma_start3A_1425] : memref<4x80x128xf32, #tpu.memory_space<vmem>> -> memref<1x80x128xf32, #tpu.memory_space<vmem>>
      %dma_start3A_1427 = tpu.memref_squeeze %dma_start3A_1426 : memref<1x80x128xf32, #tpu.memory_space<vmem>> -> memref<80x128xf32, #tpu.memory_space<vmem>>
      %dma_start3A_1428 = arith.constant 0 : i32
      %dma_start3A_1429 = tpu.memref_slice %arg4[%add3A_1421, %dma_start3A_1428] : memref<819200x128xf32, #tpu.memory_space<hbm>> -> memref<80x128xf32, #tpu.memory_space<hbm>>
      %dma_start3A_1430 = tpu.memref_slice %arg9[%dma_start3A_1423] : memref<4x!tpu.dma_semaphore, #tpu.memory_space<semaphore_mem>> -> memref<1x!tpu.dma_semaphore, #tpu.memory_space<semaphore_mem>>
      %dma_start3A_1431 = tpu.memref_squeeze %dma_start3A_1430 : memref<1x!tpu.dma_semaphore, #tpu.memory_space<semaphore_mem>> -> memref<!tpu.dma_semaphore, #tpu.memory_space<semaphore_mem>>
      %dma_start3A_1432 = arith.constant 0 : i32
      %dma_start3A_1433 = tpu.memref_slice %arg4[%add3A_1421, %dma_start3A_1432] : memref<819200x128xf32, #tpu.memory_space<hbm>> -> memref<80x128xf32, #tpu.memory_space<hbm>>
      %dma_start3A_1434 = arith.constant 0 : i32
      %dma_start3A_1435 = arith.constant 0 : i32
      %dma_start3A_1436 = tpu.memref_slice %arg6[%dma_start3A_1422, %dma_start3A_1434, %dma_start3A_1435] : memref<4x80x128xf32, #tpu.memory_space<vmem>> -> memref<1x80x128xf32, #tpu.memory_space<vmem>>
      %dma_start3A_1437 = tpu.memref_squeeze %dma_start3A_1436 : memref<1x80x128xf32, #tpu.memory_space<vmem>> -> memref<80x128xf32, #tpu.memory_space<vmem>>
      tpu.enqueue_dma source(%dma_start3A_1437 : memref<80x128xf32, #tpu.memory_space<vmem>>) target(%dma_start3A_1433 : memref<80x128xf32, #tpu.memory_space<hbm>>) target_semaphore(%dma_start3A_1431 : memref<!tpu.dma_semaphore, #tpu.memory_space<semaphore_mem>>)
      %add3A_1438 = arith.constant 4 : i32
      %add3A_1439 = arith.addi %add3A_1399, %add3A_1438 : i32
      %lt3A_1440 = arith.constant 320 : i32
      %lt3A_1441 = arith.cmpi slt, %add3A_1439, %lt3A_1440 : i32
      %convert_element_type3A_1442 = arith.extui %lt3A_1441 : i1 to i32
      %cond3A_1443 = arith.constant 0 : i32
      %cond3A_1444 = arith.cmpi ne, %convert_element_type3A_1442, %cond3A_1443 : i32
      scf.if %cond3A_1444 {
        %mul3A_2188 = arith.constant 80 : i32
        %mul3A_2189 = arith.muli %add3A_1399, %mul3A_2188 : i32
        %add3A_2190 = arith.addi %mul3A_2, %mul3A_2189 : i32
        %dma_wait3A_2191 = arith.constant 0 : i32
        %dma_wait3A_2192 = arith.constant 0 : i32
        %dma_wait3A_2193 = arith.constant 0 : i32
        %dma_wait3A_2194 = arith.constant 0 : i32
        %dma_wait3A_2195 = tpu.memref_slice %arg6[%dma_wait3A_2191, %dma_wait3A_2193, %dma_wait3A_2194] : memref<4x80x128xf32, #tpu.memory_space<vmem>> -> memref<1x80x128xf32, #tpu.memory_space<vmem>>
        %dma_wait3A_2196 = tpu.memref_squeeze %dma_wait3A_2195 : memref<1x80x128xf32, #tpu.memory_space<vmem>> -> memref<80x128xf32, #tpu.memory_space<vmem>>
        %dma_wait3A_2197 = arith.constant 0 : i32
        %dma_wait3A_2198 = tpu.memref_slice %arg4[%add3A_2190, %dma_wait3A_2197] : memref<819200x128xf32, #tpu.memory_space<hbm>> -> memref<80x128xf32, #tpu.memory_space<hbm>>
        %dma_wait3A_2199 = tpu.memref_slice %arg9[%dma_wait3A_2192] : memref<4x!tpu.dma_semaphore, #tpu.memory_space<semaphore_mem>> -> memref<1x!tpu.dma_semaphore, #tpu.memory_space<semaphore_mem>>
        %dma_wait3A_2200 = tpu.memref_squeeze %dma_wait3A_2199 : memref<1x!tpu.dma_semaphore, #tpu.memory_space<semaphore_mem>> -> memref<!tpu.dma_semaphore, #tpu.memory_space<semaphore_mem>>
        %dma_wait3A_2201 = arith.constant 0 : i32
        %dma_wait3A_2202 = tpu.memref_slice %arg4[%add3A_2190, %dma_wait3A_2201] : memref<819200x128xf32, #tpu.memory_space<hbm>> -> memref<80x128xf32, #tpu.memory_space<hbm>>
        %dma_wait3A_2203 = arith.constant 0 : i32
        %dma_wait3A_2204 = arith.constant 0 : i32
        %dma_wait3A_2205 = tpu.memref_slice %arg6[%dma_wait3A_2191, %dma_wait3A_2203, %dma_wait3A_2204] : memref<4x80x128xf32, #tpu.memory_space<vmem>> -> memref<1x80x128xf32, #tpu.memory_space<vmem>>
        %dma_wait3A_2206 = tpu.memref_squeeze %dma_wait3A_2205 : memref<1x80x128xf32, #tpu.memory_space<vmem>> -> memref<80x128xf32, #tpu.memory_space<vmem>>
        tpu.wait_dma2 semaphore(%dma_wait3A_2200 : memref<!tpu.dma_semaphore, #tpu.memory_space<semaphore_mem>>) src(%dma_wait3A_2206 : memref<80x128xf32, #tpu.memory_space<vmem>>) dst(%dma_wait3A_2202 : memref<80x128xf32, #tpu.memory_space<hbm>>)
        %dma_start3A_2207 = arith.constant 28 : i32
        %dma_start3A_2208 = arith.constant 0 : i32
        %dma_start3A_2209 = arith.constant 0 : i32
        %dma_start3A_2210 = arith.constant 0 : i32
        %dma_start3A_2211 = arith.constant 0 : i32
        %dma_start3A_2212 = tpu.memref_slice %arg6[%dma_start3A_2208, %dma_start3A_2210, %dma_start3A_2211] : memref<4x80x128xf32, #tpu.memory_space<vmem>> -> memref<1x80x128xf32, #tpu.memory_space<vmem>>
        %dma_start3A_2213 = tpu.memref_squeeze %dma_start3A_2212 : memref<1x80x128xf32, #tpu.memory_space<vmem>> -> memref<80x128xf32, #tpu.memory_space<vmem>>
        %dma_start3A_2214 = arith.constant 0 : i32
        %dma_start3A_2215 = arith.constant 0 : i32
        %dma_start3A_2216 = tpu.memref_slice %arg5[%rem3A_215, %dma_start3A_2214, %dma_start3A_2215] : memref<2x40x80xi32, #tpu.memory_space<vmem>> -> memref<1x40x80xi32, #tpu.memory_space<vmem>>
        %dma_start3A_2217 = tpu.memref_squeeze %dma_start3A_2216 : memref<1x40x80xi32, #tpu.memory_space<vmem>> -> memref<40x80xi32, #tpu.memory_space<vmem>>
        %dma_start3A_2218 = arith.constant 0 : i32
        %dma_start3A_2219 = tpu.memref_slice %dma_start3A_2217[%dma_start3A_2207, %dma_start3A_2218] : memref<40x80xi32, #tpu.memory_space<vmem>> -> memref<1x80xi32, #tpu.memory_space<vmem>>
        %dma_start3A_2220 = tpu.memref_squeeze %dma_start3A_2219 : memref<1x80xi32, #tpu.memory_space<vmem>> -> memref<80xi32, #tpu.memory_space<vmem>>
        %dma_start3A_2221 = arith.constant 0 : i32
        %dma_start3A_2222 = arith.constant 0 : i32
        %dma_start3A_2223 = tpu.memref_slice %arg7[%dma_start3A_2221, %dma_start3A_2222] : memref<8192x128xf32, #tpu.memory_space<vmem_shared>> -> memref<8192x128xf32, #tpu.memory_space<vmem_shared>>
        %dma_start3A_2224 = tpu.memref_slice %arg8[%dma_start3A_2209] : memref<4x!tpu.dma_semaphore, #tpu.memory_space<semaphore_mem>> -> memref<1x!tpu.dma_semaphore, #tpu.memory_space<semaphore_mem>>
        %dma_start3A_2225 = tpu.memref_squeeze %dma_start3A_2224 : memref<1x!tpu.dma_semaphore, #tpu.memory_space<semaphore_mem>> -> memref<!tpu.dma_semaphore, #tpu.memory_space<semaphore_mem>>
        tpu.enqueue_indirect_dma source(%dma_start3A_2223 : memref<8192x128xf32, #tpu.memory_space<vmem_shared>>) target(%dma_start3A_2213 : memref<80x128xf32, #tpu.memory_space<vmem>>) offsets(%dma_start3A_2220 : memref<80xi32, #tpu.memory_space<vmem>>) semaphore(%dma_start3A_2225 : memref<!tpu.dma_semaphore, #tpu.memory_space<semaphore_mem>>)
      } else {
      }
      %mul3A_1445 = arith.constant 40 : i32
      %mul3A_1446 = arith.muli %scan3A_213, %mul3A_1445 : i32
      %add3A_1447 = arith.constant 25 : i32
      %add3A_1448 = arith.addi %mul3A_1446, %add3A_1447 : i32
      %dma_wait3A_1449 = arith.constant 25 : i32
      %dma_wait3A_1450 = arith.constant 1 : i32
      %dma_wait3A_1451 = arith.constant 1 : i32
      %dma_wait3A_1452 = arith.constant 0 : i32
      %dma_wait3A_1453 = arith.constant 0 : i32
      %dma_wait3A_1454 = tpu.memref_slice %arg6[%dma_wait3A_1450, %dma_wait3A_1452, %dma_wait3A_1453] : memref<4x80x128xf32, #tpu.memory_space<vmem>> -> memref<1x80x128xf32, #tpu.memory_space<vmem>>
      %dma_wait3A_1455 = tpu.memref_squeeze %dma_wait3A_1454 : memref<1x80x128xf32, #tpu.memory_space<vmem>> -> memref<80x128xf32, #tpu.memory_space<vmem>>
      %dma_wait3A_1456 = arith.constant 0 : i32
      %dma_wait3A_1457 = arith.constant 0 : i32
      %dma_wait3A_1458 = tpu.memref_slice %arg5[%rem3A_215, %dma_wait3A_1456, %dma_wait3A_1457] : memref<2x40x80xi32, #tpu.memory_space<vmem>> -> memref<1x40x80xi32, #tpu.memory_space<vmem>>
      %dma_wait3A_1459 = tpu.memref_squeeze %dma_wait3A_1458 : memref<1x40x80xi32, #tpu.memory_space<vmem>> -> memref<40x80xi32, #tpu.memory_space<vmem>>
      %dma_wait3A_1460 = arith.constant 0 : i32
      %dma_wait3A_1461 = tpu.memref_slice %dma_wait3A_1459[%dma_wait3A_1449, %dma_wait3A_1460] : memref<40x80xi32, #tpu.memory_space<vmem>> -> memref<1x80xi32, #tpu.memory_space<vmem>>
      %dma_wait3A_1462 = tpu.memref_squeeze %dma_wait3A_1461 : memref<1x80xi32, #tpu.memory_space<vmem>> -> memref<80xi32, #tpu.memory_space<vmem>>
      %dma_wait3A_1463 = arith.constant 0 : i32
      %dma_wait3A_1464 = arith.constant 0 : i32
      %dma_wait3A_1465 = tpu.memref_slice %arg7[%dma_wait3A_1463, %dma_wait3A_1464] : memref<8192x128xf32, #tpu.memory_space<vmem_shared>> -> memref<8192x128xf32, #tpu.memory_space<vmem_shared>>
      %dma_wait3A_1466 = tpu.memref_slice %arg8[%dma_wait3A_1451] : memref<4x!tpu.dma_semaphore, #tpu.memory_space<semaphore_mem>> -> memref<1x!tpu.dma_semaphore, #tpu.memory_space<semaphore_mem>>
      %dma_wait3A_1467 = tpu.memref_squeeze %dma_wait3A_1466 : memref<1x!tpu.dma_semaphore, #tpu.memory_space<semaphore_mem>> -> memref<!tpu.dma_semaphore, #tpu.memory_space<semaphore_mem>>
      tpu.wait_indirect_dma semaphore(%dma_wait3A_1467 : memref<!tpu.dma_semaphore, #tpu.memory_space<semaphore_mem>>) src(%dma_wait3A_1465 : memref<8192x128xf32, #tpu.memory_space<vmem_shared>>) dst(%dma_wait3A_1455 : memref<80x128xf32, #tpu.memory_space<vmem>>)
      %mul3A_1468 = arith.constant 80 : i32
      %mul3A_1469 = arith.muli %add3A_1448, %mul3A_1468 : i32
      %add3A_1470 = arith.addi %mul3A_2, %mul3A_1469 : i32
      %dma_start3A_1471 = arith.constant 1 : i32
      %dma_start3A_1472 = arith.constant 1 : i32
      %dma_start3A_1473 = arith.constant 0 : i32
      %dma_start3A_1474 = arith.constant 0 : i32
      %dma_start3A_1475 = tpu.memref_slice %arg6[%dma_start3A_1471, %dma_start3A_1473, %dma_start3A_1474] : memref<4x80x128xf32, #tpu.memory_space<vmem>> -> memref<1x80x128xf32, #tpu.memory_space<vmem>>
      %dma_start3A_1476 = tpu.memref_squeeze %dma_start3A_1475 : memref<1x80x128xf32, #tpu.memory_space<vmem>> -> memref<80x128xf32, #tpu.memory_space<vmem>>
      %dma_start3A_1477 = arith.constant 0 : i32
      %dma_start3A_1478 = tpu.memref_slice %arg4[%add3A_1470, %dma_start3A_1477] : memref<819200x128xf32, #tpu.memory_space<hbm>> -> memref<80x128xf32, #tpu.memory_space<hbm>>
      %dma_start3A_1479 = tpu.memref_slice %arg9[%dma_start3A_1472] : memref<4x!tpu.dma_semaphore, #tpu.memory_space<semaphore_mem>> -> memref<1x!tpu.dma_semaphore, #tpu.memory_space<semaphore_mem>>
      %dma_start3A_1480 = tpu.memref_squeeze %dma_start3A_1479 : memref<1x!tpu.dma_semaphore, #tpu.memory_space<semaphore_mem>> -> memref<!tpu.dma_semaphore, #tpu.memory_space<semaphore_mem>>
      %dma_start3A_1481 = arith.constant 0 : i32
      %dma_start3A_1482 = tpu.memref_slice %arg4[%add3A_1470, %dma_start3A_1481] : memref<819200x128xf32, #tpu.memory_space<hbm>> -> memref<80x128xf32, #tpu.memory_space<hbm>>
      %dma_start3A_1483 = arith.constant 0 : i32
      %dma_start3A_1484 = arith.constant 0 : i32
      %dma_start3A_1485 = tpu.memref_slice %arg6[%dma_start3A_1471, %dma_start3A_1483, %dma_start3A_1484] : memref<4x80x128xf32, #tpu.memory_space<vmem>> -> memref<1x80x128xf32, #tpu.memory_space<vmem>>
      %dma_start3A_1486 = tpu.memref_squeeze %dma_start3A_1485 : memref<1x80x128xf32, #tpu.memory_space<vmem>> -> memref<80x128xf32, #tpu.memory_space<vmem>>
      tpu.enqueue_dma source(%dma_start3A_1486 : memref<80x128xf32, #tpu.memory_space<vmem>>) target(%dma_start3A_1482 : memref<80x128xf32, #tpu.memory_space<hbm>>) target_semaphore(%dma_start3A_1480 : memref<!tpu.dma_semaphore, #tpu.memory_space<semaphore_mem>>)
      %add3A_1487 = arith.constant 4 : i32
      %add3A_1488 = arith.addi %add3A_1448, %add3A_1487 : i32
      %lt3A_1489 = arith.constant 320 : i32
      %lt3A_1490 = arith.cmpi slt, %add3A_1488, %lt3A_1489 : i32
      %convert_element_type3A_1491 = arith.extui %lt3A_1490 : i1 to i32
      %cond3A_1492 = arith.constant 0 : i32
      %cond3A_1493 = arith.cmpi ne, %convert_element_type3A_1491, %cond3A_1492 : i32
      scf.if %cond3A_1493 {
        %mul3A_2188 = arith.constant 80 : i32
        %mul3A_2189 = arith.muli %add3A_1448, %mul3A_2188 : i32
        %add3A_2190 = arith.addi %mul3A_2, %mul3A_2189 : i32
        %dma_wait3A_2191 = arith.constant 1 : i32
        %dma_wait3A_2192 = arith.constant 1 : i32
        %dma_wait3A_2193 = arith.constant 0 : i32
        %dma_wait3A_2194 = arith.constant 0 : i32
        %dma_wait3A_2195 = tpu.memref_slice %arg6[%dma_wait3A_2191, %dma_wait3A_2193, %dma_wait3A_2194] : memref<4x80x128xf32, #tpu.memory_space<vmem>> -> memref<1x80x128xf32, #tpu.memory_space<vmem>>
        %dma_wait3A_2196 = tpu.memref_squeeze %dma_wait3A_2195 : memref<1x80x128xf32, #tpu.memory_space<vmem>> -> memref<80x128xf32, #tpu.memory_space<vmem>>
        %dma_wait3A_2197 = arith.constant 0 : i32
        %dma_wait3A_2198 = tpu.memref_slice %arg4[%add3A_2190, %dma_wait3A_2197] : memref<819200x128xf32, #tpu.memory_space<hbm>> -> memref<80x128xf32, #tpu.memory_space<hbm>>
        %dma_wait3A_2199 = tpu.memref_slice %arg9[%dma_wait3A_2192] : memref<4x!tpu.dma_semaphore, #tpu.memory_space<semaphore_mem>> -> memref<1x!tpu.dma_semaphore, #tpu.memory_space<semaphore_mem>>
        %dma_wait3A_2200 = tpu.memref_squeeze %dma_wait3A_2199 : memref<1x!tpu.dma_semaphore, #tpu.memory_space<semaphore_mem>> -> memref<!tpu.dma_semaphore, #tpu.memory_space<semaphore_mem>>
        %dma_wait3A_2201 = arith.constant 0 : i32
        %dma_wait3A_2202 = tpu.memref_slice %arg4[%add3A_2190, %dma_wait3A_2201] : memref<819200x128xf32, #tpu.memory_space<hbm>> -> memref<80x128xf32, #tpu.memory_space<hbm>>
        %dma_wait3A_2203 = arith.constant 0 : i32
        %dma_wait3A_2204 = arith.constant 0 : i32
        %dma_wait3A_2205 = tpu.memref_slice %arg6[%dma_wait3A_2191, %dma_wait3A_2203, %dma_wait3A_2204] : memref<4x80x128xf32, #tpu.memory_space<vmem>> -> memref<1x80x128xf32, #tpu.memory_space<vmem>>
        %dma_wait3A_2206 = tpu.memref_squeeze %dma_wait3A_2205 : memref<1x80x128xf32, #tpu.memory_space<vmem>> -> memref<80x128xf32, #tpu.memory_space<vmem>>
        tpu.wait_dma2 semaphore(%dma_wait3A_2200 : memref<!tpu.dma_semaphore, #tpu.memory_space<semaphore_mem>>) src(%dma_wait3A_2206 : memref<80x128xf32, #tpu.memory_space<vmem>>) dst(%dma_wait3A_2202 : memref<80x128xf32, #tpu.memory_space<hbm>>)
        %dma_start3A_2207 = arith.constant 29 : i32
        %dma_start3A_2208 = arith.constant 1 : i32
        %dma_start3A_2209 = arith.constant 1 : i32
        %dma_start3A_2210 = arith.constant 0 : i32
        %dma_start3A_2211 = arith.constant 0 : i32
        %dma_start3A_2212 = tpu.memref_slice %arg6[%dma_start3A_2208, %dma_start3A_2210, %dma_start3A_2211] : memref<4x80x128xf32, #tpu.memory_space<vmem>> -> memref<1x80x128xf32, #tpu.memory_space<vmem>>
        %dma_start3A_2213 = tpu.memref_squeeze %dma_start3A_2212 : memref<1x80x128xf32, #tpu.memory_space<vmem>> -> memref<80x128xf32, #tpu.memory_space<vmem>>
        %dma_start3A_2214 = arith.constant 0 : i32
        %dma_start3A_2215 = arith.constant 0 : i32
        %dma_start3A_2216 = tpu.memref_slice %arg5[%rem3A_215, %dma_start3A_2214, %dma_start3A_2215] : memref<2x40x80xi32, #tpu.memory_space<vmem>> -> memref<1x40x80xi32, #tpu.memory_space<vmem>>
        %dma_start3A_2217 = tpu.memref_squeeze %dma_start3A_2216 : memref<1x40x80xi32, #tpu.memory_space<vmem>> -> memref<40x80xi32, #tpu.memory_space<vmem>>
        %dma_start3A_2218 = arith.constant 0 : i32
        %dma_start3A_2219 = tpu.memref_slice %dma_start3A_2217[%dma_start3A_2207, %dma_start3A_2218] : memref<40x80xi32, #tpu.memory_space<vmem>> -> memref<1x80xi32, #tpu.memory_space<vmem>>
        %dma_start3A_2220 = tpu.memref_squeeze %dma_start3A_2219 : memref<1x80xi32, #tpu.memory_space<vmem>> -> memref<80xi32, #tpu.memory_space<vmem>>
        %dma_start3A_2221 = arith.constant 0 : i32
        %dma_start3A_2222 = arith.constant 0 : i32
        %dma_start3A_2223 = tpu.memref_slice %arg7[%dma_start3A_2221, %dma_start3A_2222] : memref<8192x128xf32, #tpu.memory_space<vmem_shared>> -> memref<8192x128xf32, #tpu.memory_space<vmem_shared>>
        %dma_start3A_2224 = tpu.memref_slice %arg8[%dma_start3A_2209] : memref<4x!tpu.dma_semaphore, #tpu.memory_space<semaphore_mem>> -> memref<1x!tpu.dma_semaphore, #tpu.memory_space<semaphore_mem>>
        %dma_start3A_2225 = tpu.memref_squeeze %dma_start3A_2224 : memref<1x!tpu.dma_semaphore, #tpu.memory_space<semaphore_mem>> -> memref<!tpu.dma_semaphore, #tpu.memory_space<semaphore_mem>>
        tpu.enqueue_indirect_dma source(%dma_start3A_2223 : memref<8192x128xf32, #tpu.memory_space<vmem_shared>>) target(%dma_start3A_2213 : memref<80x128xf32, #tpu.memory_space<vmem>>) offsets(%dma_start3A_2220 : memref<80xi32, #tpu.memory_space<vmem>>) semaphore(%dma_start3A_2225 : memref<!tpu.dma_semaphore, #tpu.memory_space<semaphore_mem>>)
      } else {
      }
      %mul3A_1494 = arith.constant 40 : i32
      %mul3A_1495 = arith.muli %scan3A_213, %mul3A_1494 : i32
      %add3A_1496 = arith.constant 26 : i32
      %add3A_1497 = arith.addi %mul3A_1495, %add3A_1496 : i32
      %dma_wait3A_1498 = arith.constant 26 : i32
      %dma_wait3A_1499 = arith.constant 2 : i32
      %dma_wait3A_1500 = arith.constant 2 : i32
      %dma_wait3A_1501 = arith.constant 0 : i32
      %dma_wait3A_1502 = arith.constant 0 : i32
      %dma_wait3A_1503 = tpu.memref_slice %arg6[%dma_wait3A_1499, %dma_wait3A_1501, %dma_wait3A_1502] : memref<4x80x128xf32, #tpu.memory_space<vmem>> -> memref<1x80x128xf32, #tpu.memory_space<vmem>>
      %dma_wait3A_1504 = tpu.memref_squeeze %dma_wait3A_1503 : memref<1x80x128xf32, #tpu.memory_space<vmem>> -> memref<80x128xf32, #tpu.memory_space<vmem>>
      %dma_wait3A_1505 = arith.constant 0 : i32
      %dma_wait3A_1506 = arith.constant 0 : i32
      %dma_wait3A_1507 = tpu.memref_slice %arg5[%rem3A_215, %dma_wait3A_1505, %dma_wait3A_1506] : memref<2x40x80xi32, #tpu.memory_space<vmem>> -> memref<1x40x80xi32, #tpu.memory_space<vmem>>
      %dma_wait3A_1508 = tpu.memref_squeeze %dma_wait3A_1507 : memref<1x40x80xi32, #tpu.memory_space<vmem>> -> memref<40x80xi32, #tpu.memory_space<vmem>>
      %dma_wait3A_1509 = arith.constant 0 : i32
      %dma_wait3A_1510 = tpu.memref_slice %dma_wait3A_1508[%dma_wait3A_1498, %dma_wait3A_1509] : memref<40x80xi32, #tpu.memory_space<vmem>> -> memref<1x80xi32, #tpu.memory_space<vmem>>
      %dma_wait3A_1511 = tpu.memref_squeeze %dma_wait3A_1510 : memref<1x80xi32, #tpu.memory_space<vmem>> -> memref<80xi32, #tpu.memory_space<vmem>>
      %dma_wait3A_1512 = arith.constant 0 : i32
      %dma_wait3A_1513 = arith.constant 0 : i32
      %dma_wait3A_1514 = tpu.memref_slice %arg7[%dma_wait3A_1512, %dma_wait3A_1513] : memref<8192x128xf32, #tpu.memory_space<vmem_shared>> -> memref<8192x128xf32, #tpu.memory_space<vmem_shared>>
      %dma_wait3A_1515 = tpu.memref_slice %arg8[%dma_wait3A_1500] : memref<4x!tpu.dma_semaphore, #tpu.memory_space<semaphore_mem>> -> memref<1x!tpu.dma_semaphore, #tpu.memory_space<semaphore_mem>>
      %dma_wait3A_1516 = tpu.memref_squeeze %dma_wait3A_1515 : memref<1x!tpu.dma_semaphore, #tpu.memory_space<semaphore_mem>> -> memref<!tpu.dma_semaphore, #tpu.memory_space<semaphore_mem>>
      tpu.wait_indirect_dma semaphore(%dma_wait3A_1516 : memref<!tpu.dma_semaphore, #tpu.memory_space<semaphore_mem>>) src(%dma_wait3A_1514 : memref<8192x128xf32, #tpu.memory_space<vmem_shared>>) dst(%dma_wait3A_1504 : memref<80x128xf32, #tpu.memory_space<vmem>>)
      %mul3A_1517 = arith.constant 80 : i32
      %mul3A_1518 = arith.muli %add3A_1497, %mul3A_1517 : i32
      %add3A_1519 = arith.addi %mul3A_2, %mul3A_1518 : i32
      %dma_start3A_1520 = arith.constant 2 : i32
      %dma_start3A_1521 = arith.constant 2 : i32
      %dma_start3A_1522 = arith.constant 0 : i32
      %dma_start3A_1523 = arith.constant 0 : i32
      %dma_start3A_1524 = tpu.memref_slice %arg6[%dma_start3A_1520, %dma_start3A_1522, %dma_start3A_1523] : memref<4x80x128xf32, #tpu.memory_space<vmem>> -> memref<1x80x128xf32, #tpu.memory_space<vmem>>
      %dma_start3A_1525 = tpu.memref_squeeze %dma_start3A_1524 : memref<1x80x128xf32, #tpu.memory_space<vmem>> -> memref<80x128xf32, #tpu.memory_space<vmem>>
      %dma_start3A_1526 = arith.constant 0 : i32
      %dma_start3A_1527 = tpu.memref_slice %arg4[%add3A_1519, %dma_start3A_1526] : memref<819200x128xf32, #tpu.memory_space<hbm>> -> memref<80x128xf32, #tpu.memory_space<hbm>>
      %dma_start3A_1528 = tpu.memref_slice %arg9[%dma_start3A_1521] : memref<4x!tpu.dma_semaphore, #tpu.memory_space<semaphore_mem>> -> memref<1x!tpu.dma_semaphore, #tpu.memory_space<semaphore_mem>>
      %dma_start3A_1529 = tpu.memref_squeeze %dma_start3A_1528 : memref<1x!tpu.dma_semaphore, #tpu.memory_space<semaphore_mem>> -> memref<!tpu.dma_semaphore, #tpu.memory_space<semaphore_mem>>
      %dma_start3A_1530 = arith.constant 0 : i32
      %dma_start3A_1531 = tpu.memref_slice %arg4[%add3A_1519, %dma_start3A_1530] : memref<819200x128xf32, #tpu.memory_space<hbm>> -> memref<80x128xf32, #tpu.memory_space<hbm>>
      %dma_start3A_1532 = arith.constant 0 : i32
      %dma_start3A_1533 = arith.constant 0 : i32
      %dma_start3A_1534 = tpu.memref_slice %arg6[%dma_start3A_1520, %dma_start3A_1532, %dma_start3A_1533] : memref<4x80x128xf32, #tpu.memory_space<vmem>> -> memref<1x80x128xf32, #tpu.memory_space<vmem>>
      %dma_start3A_1535 = tpu.memref_squeeze %dma_start3A_1534 : memref<1x80x128xf32, #tpu.memory_space<vmem>> -> memref<80x128xf32, #tpu.memory_space<vmem>>
      tpu.enqueue_dma source(%dma_start3A_1535 : memref<80x128xf32, #tpu.memory_space<vmem>>) target(%dma_start3A_1531 : memref<80x128xf32, #tpu.memory_space<hbm>>) target_semaphore(%dma_start3A_1529 : memref<!tpu.dma_semaphore, #tpu.memory_space<semaphore_mem>>)
      %add3A_1536 = arith.constant 4 : i32
      %add3A_1537 = arith.addi %add3A_1497, %add3A_1536 : i32
      %lt3A_1538 = arith.constant 320 : i32
      %lt3A_1539 = arith.cmpi slt, %add3A_1537, %lt3A_1538 : i32
      %convert_element_type3A_1540 = arith.extui %lt3A_1539 : i1 to i32
      %cond3A_1541 = arith.constant 0 : i32
      %cond3A_1542 = arith.cmpi ne, %convert_element_type3A_1540, %cond3A_1541 : i32
      scf.if %cond3A_1542 {
        %mul3A_2188 = arith.constant 80 : i32
        %mul3A_2189 = arith.muli %add3A_1497, %mul3A_2188 : i32
        %add3A_2190 = arith.addi %mul3A_2, %mul3A_2189 : i32
        %dma_wait3A_2191 = arith.constant 2 : i32
        %dma_wait3A_2192 = arith.constant 2 : i32
        %dma_wait3A_2193 = arith.constant 0 : i32
        %dma_wait3A_2194 = arith.constant 0 : i32
        %dma_wait3A_2195 = tpu.memref_slice %arg6[%dma_wait3A_2191, %dma_wait3A_2193, %dma_wait3A_2194] : memref<4x80x128xf32, #tpu.memory_space<vmem>> -> memref<1x80x128xf32, #tpu.memory_space<vmem>>
        %dma_wait3A_2196 = tpu.memref_squeeze %dma_wait3A_2195 : memref<1x80x128xf32, #tpu.memory_space<vmem>> -> memref<80x128xf32, #tpu.memory_space<vmem>>
        %dma_wait3A_2197 = arith.constant 0 : i32
        %dma_wait3A_2198 = tpu.memref_slice %arg4[%add3A_2190, %dma_wait3A_2197] : memref<819200x128xf32, #tpu.memory_space<hbm>> -> memref<80x128xf32, #tpu.memory_space<hbm>>
        %dma_wait3A_2199 = tpu.memref_slice %arg9[%dma_wait3A_2192] : memref<4x!tpu.dma_semaphore, #tpu.memory_space<semaphore_mem>> -> memref<1x!tpu.dma_semaphore, #tpu.memory_space<semaphore_mem>>
        %dma_wait3A_2200 = tpu.memref_squeeze %dma_wait3A_2199 : memref<1x!tpu.dma_semaphore, #tpu.memory_space<semaphore_mem>> -> memref<!tpu.dma_semaphore, #tpu.memory_space<semaphore_mem>>
        %dma_wait3A_2201 = arith.constant 0 : i32
        %dma_wait3A_2202 = tpu.memref_slice %arg4[%add3A_2190, %dma_wait3A_2201] : memref<819200x128xf32, #tpu.memory_space<hbm>> -> memref<80x128xf32, #tpu.memory_space<hbm>>
        %dma_wait3A_2203 = arith.constant 0 : i32
        %dma_wait3A_2204 = arith.constant 0 : i32
        %dma_wait3A_2205 = tpu.memref_slice %arg6[%dma_wait3A_2191, %dma_wait3A_2203, %dma_wait3A_2204] : memref<4x80x128xf32, #tpu.memory_space<vmem>> -> memref<1x80x128xf32, #tpu.memory_space<vmem>>
        %dma_wait3A_2206 = tpu.memref_squeeze %dma_wait3A_2205 : memref<1x80x128xf32, #tpu.memory_space<vmem>> -> memref<80x128xf32, #tpu.memory_space<vmem>>
        tpu.wait_dma2 semaphore(%dma_wait3A_2200 : memref<!tpu.dma_semaphore, #tpu.memory_space<semaphore_mem>>) src(%dma_wait3A_2206 : memref<80x128xf32, #tpu.memory_space<vmem>>) dst(%dma_wait3A_2202 : memref<80x128xf32, #tpu.memory_space<hbm>>)
        %dma_start3A_2207 = arith.constant 30 : i32
        %dma_start3A_2208 = arith.constant 2 : i32
        %dma_start3A_2209 = arith.constant 2 : i32
        %dma_start3A_2210 = arith.constant 0 : i32
        %dma_start3A_2211 = arith.constant 0 : i32
        %dma_start3A_2212 = tpu.memref_slice %arg6[%dma_start3A_2208, %dma_start3A_2210, %dma_start3A_2211] : memref<4x80x128xf32, #tpu.memory_space<vmem>> -> memref<1x80x128xf32, #tpu.memory_space<vmem>>
        %dma_start3A_2213 = tpu.memref_squeeze %dma_start3A_2212 : memref<1x80x128xf32, #tpu.memory_space<vmem>> -> memref<80x128xf32, #tpu.memory_space<vmem>>
        %dma_start3A_2214 = arith.constant 0 : i32
        %dma_start3A_2215 = arith.constant 0 : i32
        %dma_start3A_2216 = tpu.memref_slice %arg5[%rem3A_215, %dma_start3A_2214, %dma_start3A_2215] : memref<2x40x80xi32, #tpu.memory_space<vmem>> -> memref<1x40x80xi32, #tpu.memory_space<vmem>>
        %dma_start3A_2217 = tpu.memref_squeeze %dma_start3A_2216 : memref<1x40x80xi32, #tpu.memory_space<vmem>> -> memref<40x80xi32, #tpu.memory_space<vmem>>
        %dma_start3A_2218 = arith.constant 0 : i32
        %dma_start3A_2219 = tpu.memref_slice %dma_start3A_2217[%dma_start3A_2207, %dma_start3A_2218] : memref<40x80xi32, #tpu.memory_space<vmem>> -> memref<1x80xi32, #tpu.memory_space<vmem>>
        %dma_start3A_2220 = tpu.memref_squeeze %dma_start3A_2219 : memref<1x80xi32, #tpu.memory_space<vmem>> -> memref<80xi32, #tpu.memory_space<vmem>>
        %dma_start3A_2221 = arith.constant 0 : i32
        %dma_start3A_2222 = arith.constant 0 : i32
        %dma_start3A_2223 = tpu.memref_slice %arg7[%dma_start3A_2221, %dma_start3A_2222] : memref<8192x128xf32, #tpu.memory_space<vmem_shared>> -> memref<8192x128xf32, #tpu.memory_space<vmem_shared>>
        %dma_start3A_2224 = tpu.memref_slice %arg8[%dma_start3A_2209] : memref<4x!tpu.dma_semaphore, #tpu.memory_space<semaphore_mem>> -> memref<1x!tpu.dma_semaphore, #tpu.memory_space<semaphore_mem>>
        %dma_start3A_2225 = tpu.memref_squeeze %dma_start3A_2224 : memref<1x!tpu.dma_semaphore, #tpu.memory_space<semaphore_mem>> -> memref<!tpu.dma_semaphore, #tpu.memory_space<semaphore_mem>>
        tpu.enqueue_indirect_dma source(%dma_start3A_2223 : memref<8192x128xf32, #tpu.memory_space<vmem_shared>>) target(%dma_start3A_2213 : memref<80x128xf32, #tpu.memory_space<vmem>>) offsets(%dma_start3A_2220 : memref<80xi32, #tpu.memory_space<vmem>>) semaphore(%dma_start3A_2225 : memref<!tpu.dma_semaphore, #tpu.memory_space<semaphore_mem>>)
      } else {
      }
      %mul3A_1543 = arith.constant 40 : i32
      %mul3A_1544 = arith.muli %scan3A_213, %mul3A_1543 : i32
      %add3A_1545 = arith.constant 27 : i32
      %add3A_1546 = arith.addi %mul3A_1544, %add3A_1545 : i32
      %dma_wait3A_1547 = arith.constant 27 : i32
      %dma_wait3A_1548 = arith.constant 3 : i32
      %dma_wait3A_1549 = arith.constant 3 : i32
      %dma_wait3A_1550 = arith.constant 0 : i32
      %dma_wait3A_1551 = arith.constant 0 : i32
      %dma_wait3A_1552 = tpu.memref_slice %arg6[%dma_wait3A_1548, %dma_wait3A_1550, %dma_wait3A_1551] : memref<4x80x128xf32, #tpu.memory_space<vmem>> -> memref<1x80x128xf32, #tpu.memory_space<vmem>>
      %dma_wait3A_1553 = tpu.memref_squeeze %dma_wait3A_1552 : memref<1x80x128xf32, #tpu.memory_space<vmem>> -> memref<80x128xf32, #tpu.memory_space<vmem>>
      %dma_wait3A_1554 = arith.constant 0 : i32
      %dma_wait3A_1555 = arith.constant 0 : i32
      %dma_wait3A_1556 = tpu.memref_slice %arg5[%rem3A_215, %dma_wait3A_1554, %dma_wait3A_1555] : memref<2x40x80xi32, #tpu.memory_space<vmem>> -> memref<1x40x80xi32, #tpu.memory_space<vmem>>
      %dma_wait3A_1557 = tpu.memref_squeeze %dma_wait3A_1556 : memref<1x40x80xi32, #tpu.memory_space<vmem>> -> memref<40x80xi32, #tpu.memory_space<vmem>>
      %dma_wait3A_1558 = arith.constant 0 : i32
      %dma_wait3A_1559 = tpu.memref_slice %dma_wait3A_1557[%dma_wait3A_1547, %dma_wait3A_1558] : memref<40x80xi32, #tpu.memory_space<vmem>> -> memref<1x80xi32, #tpu.memory_space<vmem>>
      %dma_wait3A_1560 = tpu.memref_squeeze %dma_wait3A_1559 : memref<1x80xi32, #tpu.memory_space<vmem>> -> memref<80xi32, #tpu.memory_space<vmem>>
      %dma_wait3A_1561 = arith.constant 0 : i32
      %dma_wait3A_1562 = arith.constant 0 : i32
      %dma_wait3A_1563 = tpu.memref_slice %arg7[%dma_wait3A_1561, %dma_wait3A_1562] : memref<8192x128xf32, #tpu.memory_space<vmem_shared>> -> memref<8192x128xf32, #tpu.memory_space<vmem_shared>>
      %dma_wait3A_1564 = tpu.memref_slice %arg8[%dma_wait3A_1549] : memref<4x!tpu.dma_semaphore, #tpu.memory_space<semaphore_mem>> -> memref<1x!tpu.dma_semaphore, #tpu.memory_space<semaphore_mem>>
      %dma_wait3A_1565 = tpu.memref_squeeze %dma_wait3A_1564 : memref<1x!tpu.dma_semaphore, #tpu.memory_space<semaphore_mem>> -> memref<!tpu.dma_semaphore, #tpu.memory_space<semaphore_mem>>
      tpu.wait_indirect_dma semaphore(%dma_wait3A_1565 : memref<!tpu.dma_semaphore, #tpu.memory_space<semaphore_mem>>) src(%dma_wait3A_1563 : memref<8192x128xf32, #tpu.memory_space<vmem_shared>>) dst(%dma_wait3A_1553 : memref<80x128xf32, #tpu.memory_space<vmem>>)
      %mul3A_1566 = arith.constant 80 : i32
      %mul3A_1567 = arith.muli %add3A_1546, %mul3A_1566 : i32
      %add3A_1568 = arith.addi %mul3A_2, %mul3A_1567 : i32
      %dma_start3A_1569 = arith.constant 3 : i32
      %dma_start3A_1570 = arith.constant 3 : i32
      %dma_start3A_1571 = arith.constant 0 : i32
      %dma_start3A_1572 = arith.constant 0 : i32
      %dma_start3A_1573 = tpu.memref_slice %arg6[%dma_start3A_1569, %dma_start3A_1571, %dma_start3A_1572] : memref<4x80x128xf32, #tpu.memory_space<vmem>> -> memref<1x80x128xf32, #tpu.memory_space<vmem>>
      %dma_start3A_1574 = tpu.memref_squeeze %dma_start3A_1573 : memref<1x80x128xf32, #tpu.memory_space<vmem>> -> memref<80x128xf32, #tpu.memory_space<vmem>>
      %dma_start3A_1575 = arith.constant 0 : i32
      %dma_start3A_1576 = tpu.memref_slice %arg4[%add3A_1568, %dma_start3A_1575] : memref<819200x128xf32, #tpu.memory_space<hbm>> -> memref<80x128xf32, #tpu.memory_space<hbm>>
      %dma_start3A_1577 = tpu.memref_slice %arg9[%dma_start3A_1570] : memref<4x!tpu.dma_semaphore, #tpu.memory_space<semaphore_mem>> -> memref<1x!tpu.dma_semaphore, #tpu.memory_space<semaphore_mem>>
      %dma_start3A_1578 = tpu.memref_squeeze %dma_start3A_1577 : memref<1x!tpu.dma_semaphore, #tpu.memory_space<semaphore_mem>> -> memref<!tpu.dma_semaphore, #tpu.memory_space<semaphore_mem>>
      %dma_start3A_1579 = arith.constant 0 : i32
      %dma_start3A_1580 = tpu.memref_slice %arg4[%add3A_1568, %dma_start3A_1579] : memref<819200x128xf32, #tpu.memory_space<hbm>> -> memref<80x128xf32, #tpu.memory_space<hbm>>
      %dma_start3A_1581 = arith.constant 0 : i32
      %dma_start3A_1582 = arith.constant 0 : i32
      %dma_start3A_1583 = tpu.memref_slice %arg6[%dma_start3A_1569, %dma_start3A_1581, %dma_start3A_1582] : memref<4x80x128xf32, #tpu.memory_space<vmem>> -> memref<1x80x128xf32, #tpu.memory_space<vmem>>
      %dma_start3A_1584 = tpu.memref_squeeze %dma_start3A_1583 : memref<1x80x128xf32, #tpu.memory_space<vmem>> -> memref<80x128xf32, #tpu.memory_space<vmem>>
      tpu.enqueue_dma source(%dma_start3A_1584 : memref<80x128xf32, #tpu.memory_space<vmem>>) target(%dma_start3A_1580 : memref<80x128xf32, #tpu.memory_space<hbm>>) target_semaphore(%dma_start3A_1578 : memref<!tpu.dma_semaphore, #tpu.memory_space<semaphore_mem>>)
      %add3A_1585 = arith.constant 4 : i32
      %add3A_1586 = arith.addi %add3A_1546, %add3A_1585 : i32
      %lt3A_1587 = arith.constant 320 : i32
      %lt3A_1588 = arith.cmpi slt, %add3A_1586, %lt3A_1587 : i32
      %convert_element_type3A_1589 = arith.extui %lt3A_1588 : i1 to i32
      %cond3A_1590 = arith.constant 0 : i32
      %cond3A_1591 = arith.cmpi ne, %convert_element_type3A_1589, %cond3A_1590 : i32
      scf.if %cond3A_1591 {
        %mul3A_2188 = arith.constant 80 : i32
        %mul3A_2189 = arith.muli %add3A_1546, %mul3A_2188 : i32
        %add3A_2190 = arith.addi %mul3A_2, %mul3A_2189 : i32
        %dma_wait3A_2191 = arith.constant 3 : i32
        %dma_wait3A_2192 = arith.constant 3 : i32
        %dma_wait3A_2193 = arith.constant 0 : i32
        %dma_wait3A_2194 = arith.constant 0 : i32
        %dma_wait3A_2195 = tpu.memref_slice %arg6[%dma_wait3A_2191, %dma_wait3A_2193, %dma_wait3A_2194] : memref<4x80x128xf32, #tpu.memory_space<vmem>> -> memref<1x80x128xf32, #tpu.memory_space<vmem>>
        %dma_wait3A_2196 = tpu.memref_squeeze %dma_wait3A_2195 : memref<1x80x128xf32, #tpu.memory_space<vmem>> -> memref<80x128xf32, #tpu.memory_space<vmem>>
        %dma_wait3A_2197 = arith.constant 0 : i32
        %dma_wait3A_2198 = tpu.memref_slice %arg4[%add3A_2190, %dma_wait3A_2197] : memref<819200x128xf32, #tpu.memory_space<hbm>> -> memref<80x128xf32, #tpu.memory_space<hbm>>
        %dma_wait3A_2199 = tpu.memref_slice %arg9[%dma_wait3A_2192] : memref<4x!tpu.dma_semaphore, #tpu.memory_space<semaphore_mem>> -> memref<1x!tpu.dma_semaphore, #tpu.memory_space<semaphore_mem>>
        %dma_wait3A_2200 = tpu.memref_squeeze %dma_wait3A_2199 : memref<1x!tpu.dma_semaphore, #tpu.memory_space<semaphore_mem>> -> memref<!tpu.dma_semaphore, #tpu.memory_space<semaphore_mem>>
        %dma_wait3A_2201 = arith.constant 0 : i32
        %dma_wait3A_2202 = tpu.memref_slice %arg4[%add3A_2190, %dma_wait3A_2201] : memref<819200x128xf32, #tpu.memory_space<hbm>> -> memref<80x128xf32, #tpu.memory_space<hbm>>
        %dma_wait3A_2203 = arith.constant 0 : i32
        %dma_wait3A_2204 = arith.constant 0 : i32
        %dma_wait3A_2205 = tpu.memref_slice %arg6[%dma_wait3A_2191, %dma_wait3A_2203, %dma_wait3A_2204] : memref<4x80x128xf32, #tpu.memory_space<vmem>> -> memref<1x80x128xf32, #tpu.memory_space<vmem>>
        %dma_wait3A_2206 = tpu.memref_squeeze %dma_wait3A_2205 : memref<1x80x128xf32, #tpu.memory_space<vmem>> -> memref<80x128xf32, #tpu.memory_space<vmem>>
        tpu.wait_dma2 semaphore(%dma_wait3A_2200 : memref<!tpu.dma_semaphore, #tpu.memory_space<semaphore_mem>>) src(%dma_wait3A_2206 : memref<80x128xf32, #tpu.memory_space<vmem>>) dst(%dma_wait3A_2202 : memref<80x128xf32, #tpu.memory_space<hbm>>)
        %dma_start3A_2207 = arith.constant 31 : i32
        %dma_start3A_2208 = arith.constant 3 : i32
        %dma_start3A_2209 = arith.constant 3 : i32
        %dma_start3A_2210 = arith.constant 0 : i32
        %dma_start3A_2211 = arith.constant 0 : i32
        %dma_start3A_2212 = tpu.memref_slice %arg6[%dma_start3A_2208, %dma_start3A_2210, %dma_start3A_2211] : memref<4x80x128xf32, #tpu.memory_space<vmem>> -> memref<1x80x128xf32, #tpu.memory_space<vmem>>
        %dma_start3A_2213 = tpu.memref_squeeze %dma_start3A_2212 : memref<1x80x128xf32, #tpu.memory_space<vmem>> -> memref<80x128xf32, #tpu.memory_space<vmem>>
        %dma_start3A_2214 = arith.constant 0 : i32
        %dma_start3A_2215 = arith.constant 0 : i32
        %dma_start3A_2216 = tpu.memref_slice %arg5[%rem3A_215, %dma_start3A_2214, %dma_start3A_2215] : memref<2x40x80xi32, #tpu.memory_space<vmem>> -> memref<1x40x80xi32, #tpu.memory_space<vmem>>
        %dma_start3A_2217 = tpu.memref_squeeze %dma_start3A_2216 : memref<1x40x80xi32, #tpu.memory_space<vmem>> -> memref<40x80xi32, #tpu.memory_space<vmem>>
        %dma_start3A_2218 = arith.constant 0 : i32
        %dma_start3A_2219 = tpu.memref_slice %dma_start3A_2217[%dma_start3A_2207, %dma_start3A_2218] : memref<40x80xi32, #tpu.memory_space<vmem>> -> memref<1x80xi32, #tpu.memory_space<vmem>>
        %dma_start3A_2220 = tpu.memref_squeeze %dma_start3A_2219 : memref<1x80xi32, #tpu.memory_space<vmem>> -> memref<80xi32, #tpu.memory_space<vmem>>
        %dma_start3A_2221 = arith.constant 0 : i32
        %dma_start3A_2222 = arith.constant 0 : i32
        %dma_start3A_2223 = tpu.memref_slice %arg7[%dma_start3A_2221, %dma_start3A_2222] : memref<8192x128xf32, #tpu.memory_space<vmem_shared>> -> memref<8192x128xf32, #tpu.memory_space<vmem_shared>>
        %dma_start3A_2224 = tpu.memref_slice %arg8[%dma_start3A_2209] : memref<4x!tpu.dma_semaphore, #tpu.memory_space<semaphore_mem>> -> memref<1x!tpu.dma_semaphore, #tpu.memory_space<semaphore_mem>>
        %dma_start3A_2225 = tpu.memref_squeeze %dma_start3A_2224 : memref<1x!tpu.dma_semaphore, #tpu.memory_space<semaphore_mem>> -> memref<!tpu.dma_semaphore, #tpu.memory_space<semaphore_mem>>
        tpu.enqueue_indirect_dma source(%dma_start3A_2223 : memref<8192x128xf32, #tpu.memory_space<vmem_shared>>) target(%dma_start3A_2213 : memref<80x128xf32, #tpu.memory_space<vmem>>) offsets(%dma_start3A_2220 : memref<80xi32, #tpu.memory_space<vmem>>) semaphore(%dma_start3A_2225 : memref<!tpu.dma_semaphore, #tpu.memory_space<semaphore_mem>>)
      } else {
      }
      %mul3A_1592 = arith.constant 40 : i32
      %mul3A_1593 = arith.muli %scan3A_213, %mul3A_1592 : i32
      %add3A_1594 = arith.constant 28 : i32
      %add3A_1595 = arith.addi %mul3A_1593, %add3A_1594 : i32
      %dma_wait3A_1596 = arith.constant 28 : i32
      %dma_wait3A_1597 = arith.constant 0 : i32
      %dma_wait3A_1598 = arith.constant 0 : i32
      %dma_wait3A_1599 = arith.constant 0 : i32
      %dma_wait3A_1600 = arith.constant 0 : i32
      %dma_wait3A_1601 = tpu.memref_slice %arg6[%dma_wait3A_1597, %dma_wait3A_1599, %dma_wait3A_1600] : memref<4x80x128xf32, #tpu.memory_space<vmem>> -> memref<1x80x128xf32, #tpu.memory_space<vmem>>
      %dma_wait3A_1602 = tpu.memref_squeeze %dma_wait3A_1601 : memref<1x80x128xf32, #tpu.memory_space<vmem>> -> memref<80x128xf32, #tpu.memory_space<vmem>>
      %dma_wait3A_1603 = arith.constant 0 : i32
      %dma_wait3A_1604 = arith.constant 0 : i32
      %dma_wait3A_1605 = tpu.memref_slice %arg5[%rem3A_215, %dma_wait3A_1603, %dma_wait3A_1604] : memref<2x40x80xi32, #tpu.memory_space<vmem>> -> memref<1x40x80xi32, #tpu.memory_space<vmem>>
      %dma_wait3A_1606 = tpu.memref_squeeze %dma_wait3A_1605 : memref<1x40x80xi32, #tpu.memory_space<vmem>> -> memref<40x80xi32, #tpu.memory_space<vmem>>
      %dma_wait3A_1607 = arith.constant 0 : i32
      %dma_wait3A_1608 = tpu.memref_slice %dma_wait3A_1606[%dma_wait3A_1596, %dma_wait3A_1607] : memref<40x80xi32, #tpu.memory_space<vmem>> -> memref<1x80xi32, #tpu.memory_space<vmem>>
      %dma_wait3A_1609 = tpu.memref_squeeze %dma_wait3A_1608 : memref<1x80xi32, #tpu.memory_space<vmem>> -> memref<80xi32, #tpu.memory_space<vmem>>
      %dma_wait3A_1610 = arith.constant 0 : i32
      %dma_wait3A_1611 = arith.constant 0 : i32
      %dma_wait3A_1612 = tpu.memref_slice %arg7[%dma_wait3A_1610, %dma_wait3A_1611] : memref<8192x128xf32, #tpu.memory_space<vmem_shared>> -> memref<8192x128xf32, #tpu.memory_space<vmem_shared>>
      %dma_wait3A_1613 = tpu.memref_slice %arg8[%dma_wait3A_1598] : memref<4x!tpu.dma_semaphore, #tpu.memory_space<semaphore_mem>> -> memref<1x!tpu.dma_semaphore, #tpu.memory_space<semaphore_mem>>
      %dma_wait3A_1614 = tpu.memref_squeeze %dma_wait3A_1613 : memref<1x!tpu.dma_semaphore, #tpu.memory_space<semaphore_mem>> -> memref<!tpu.dma_semaphore, #tpu.memory_space<semaphore_mem>>
      tpu.wait_indirect_dma semaphore(%dma_wait3A_1614 : memref<!tpu.dma_semaphore, #tpu.memory_space<semaphore_mem>>) src(%dma_wait3A_1612 : memref<8192x128xf32, #tpu.memory_space<vmem_shared>>) dst(%dma_wait3A_1602 : memref<80x128xf32, #tpu.memory_space<vmem>>)
      %mul3A_1615 = arith.constant 80 : i32
      %mul3A_1616 = arith.muli %add3A_1595, %mul3A_1615 : i32
      %add3A_1617 = arith.addi %mul3A_2, %mul3A_1616 : i32
      %dma_start3A_1618 = arith.constant 0 : i32
      %dma_start3A_1619 = arith.constant 0 : i32
      %dma_start3A_1620 = arith.constant 0 : i32
      %dma_start3A_1621 = arith.constant 0 : i32
      %dma_start3A_1622 = tpu.memref_slice %arg6[%dma_start3A_1618, %dma_start3A_1620, %dma_start3A_1621] : memref<4x80x128xf32, #tpu.memory_space<vmem>> -> memref<1x80x128xf32, #tpu.memory_space<vmem>>
      %dma_start3A_1623 = tpu.memref_squeeze %dma_start3A_1622 : memref<1x80x128xf32, #tpu.memory_space<vmem>> -> memref<80x128xf32, #tpu.memory_space<vmem>>
      %dma_start3A_1624 = arith.constant 0 : i32
      %dma_start3A_1625 = tpu.memref_slice %arg4[%add3A_1617, %dma_start3A_1624] : memref<819200x128xf32, #tpu.memory_space<hbm>> -> memref<80x128xf32, #tpu.memory_space<hbm>>
      %dma_start3A_1626 = tpu.memref_slice %arg9[%dma_start3A_1619] : memref<4x!tpu.dma_semaphore, #tpu.memory_space<semaphore_mem>> -> memref<1x!tpu.dma_semaphore, #tpu.memory_space<semaphore_mem>>
      %dma_start3A_1627 = tpu.memref_squeeze %dma_start3A_1626 : memref<1x!tpu.dma_semaphore, #tpu.memory_space<semaphore_mem>> -> memref<!tpu.dma_semaphore, #tpu.memory_space<semaphore_mem>>
      %dma_start3A_1628 = arith.constant 0 : i32
      %dma_start3A_1629 = tpu.memref_slice %arg4[%add3A_1617, %dma_start3A_1628] : memref<819200x128xf32, #tpu.memory_space<hbm>> -> memref<80x128xf32, #tpu.memory_space<hbm>>
      %dma_start3A_1630 = arith.constant 0 : i32
      %dma_start3A_1631 = arith.constant 0 : i32
      %dma_start3A_1632 = tpu.memref_slice %arg6[%dma_start3A_1618, %dma_start3A_1630, %dma_start3A_1631] : memref<4x80x128xf32, #tpu.memory_space<vmem>> -> memref<1x80x128xf32, #tpu.memory_space<vmem>>
      %dma_start3A_1633 = tpu.memref_squeeze %dma_start3A_1632 : memref<1x80x128xf32, #tpu.memory_space<vmem>> -> memref<80x128xf32, #tpu.memory_space<vmem>>
      tpu.enqueue_dma source(%dma_start3A_1633 : memref<80x128xf32, #tpu.memory_space<vmem>>) target(%dma_start3A_1629 : memref<80x128xf32, #tpu.memory_space<hbm>>) target_semaphore(%dma_start3A_1627 : memref<!tpu.dma_semaphore, #tpu.memory_space<semaphore_mem>>)
      %add3A_1634 = arith.constant 4 : i32
      %add3A_1635 = arith.addi %add3A_1595, %add3A_1634 : i32
      %lt3A_1636 = arith.constant 320 : i32
      %lt3A_1637 = arith.cmpi slt, %add3A_1635, %lt3A_1636 : i32
      %convert_element_type3A_1638 = arith.extui %lt3A_1637 : i1 to i32
      %cond3A_1639 = arith.constant 0 : i32
      %cond3A_1640 = arith.cmpi ne, %convert_element_type3A_1638, %cond3A_1639 : i32
      scf.if %cond3A_1640 {
        %mul3A_2188 = arith.constant 80 : i32
        %mul3A_2189 = arith.muli %add3A_1595, %mul3A_2188 : i32
        %add3A_2190 = arith.addi %mul3A_2, %mul3A_2189 : i32
        %dma_wait3A_2191 = arith.constant 0 : i32
        %dma_wait3A_2192 = arith.constant 0 : i32
        %dma_wait3A_2193 = arith.constant 0 : i32
        %dma_wait3A_2194 = arith.constant 0 : i32
        %dma_wait3A_2195 = tpu.memref_slice %arg6[%dma_wait3A_2191, %dma_wait3A_2193, %dma_wait3A_2194] : memref<4x80x128xf32, #tpu.memory_space<vmem>> -> memref<1x80x128xf32, #tpu.memory_space<vmem>>
        %dma_wait3A_2196 = tpu.memref_squeeze %dma_wait3A_2195 : memref<1x80x128xf32, #tpu.memory_space<vmem>> -> memref<80x128xf32, #tpu.memory_space<vmem>>
        %dma_wait3A_2197 = arith.constant 0 : i32
        %dma_wait3A_2198 = tpu.memref_slice %arg4[%add3A_2190, %dma_wait3A_2197] : memref<819200x128xf32, #tpu.memory_space<hbm>> -> memref<80x128xf32, #tpu.memory_space<hbm>>
        %dma_wait3A_2199 = tpu.memref_slice %arg9[%dma_wait3A_2192] : memref<4x!tpu.dma_semaphore, #tpu.memory_space<semaphore_mem>> -> memref<1x!tpu.dma_semaphore, #tpu.memory_space<semaphore_mem>>
        %dma_wait3A_2200 = tpu.memref_squeeze %dma_wait3A_2199 : memref<1x!tpu.dma_semaphore, #tpu.memory_space<semaphore_mem>> -> memref<!tpu.dma_semaphore, #tpu.memory_space<semaphore_mem>>
        %dma_wait3A_2201 = arith.constant 0 : i32
        %dma_wait3A_2202 = tpu.memref_slice %arg4[%add3A_2190, %dma_wait3A_2201] : memref<819200x128xf32, #tpu.memory_space<hbm>> -> memref<80x128xf32, #tpu.memory_space<hbm>>
        %dma_wait3A_2203 = arith.constant 0 : i32
        %dma_wait3A_2204 = arith.constant 0 : i32
        %dma_wait3A_2205 = tpu.memref_slice %arg6[%dma_wait3A_2191, %dma_wait3A_2203, %dma_wait3A_2204] : memref<4x80x128xf32, #tpu.memory_space<vmem>> -> memref<1x80x128xf32, #tpu.memory_space<vmem>>
        %dma_wait3A_2206 = tpu.memref_squeeze %dma_wait3A_2205 : memref<1x80x128xf32, #tpu.memory_space<vmem>> -> memref<80x128xf32, #tpu.memory_space<vmem>>
        tpu.wait_dma2 semaphore(%dma_wait3A_2200 : memref<!tpu.dma_semaphore, #tpu.memory_space<semaphore_mem>>) src(%dma_wait3A_2206 : memref<80x128xf32, #tpu.memory_space<vmem>>) dst(%dma_wait3A_2202 : memref<80x128xf32, #tpu.memory_space<hbm>>)
        %dma_start3A_2207 = arith.constant 32 : i32
        %dma_start3A_2208 = arith.constant 0 : i32
        %dma_start3A_2209 = arith.constant 0 : i32
        %dma_start3A_2210 = arith.constant 0 : i32
        %dma_start3A_2211 = arith.constant 0 : i32
        %dma_start3A_2212 = tpu.memref_slice %arg6[%dma_start3A_2208, %dma_start3A_2210, %dma_start3A_2211] : memref<4x80x128xf32, #tpu.memory_space<vmem>> -> memref<1x80x128xf32, #tpu.memory_space<vmem>>
        %dma_start3A_2213 = tpu.memref_squeeze %dma_start3A_2212 : memref<1x80x128xf32, #tpu.memory_space<vmem>> -> memref<80x128xf32, #tpu.memory_space<vmem>>
        %dma_start3A_2214 = arith.constant 0 : i32
        %dma_start3A_2215 = arith.constant 0 : i32
        %dma_start3A_2216 = tpu.memref_slice %arg5[%rem3A_215, %dma_start3A_2214, %dma_start3A_2215] : memref<2x40x80xi32, #tpu.memory_space<vmem>> -> memref<1x40x80xi32, #tpu.memory_space<vmem>>
        %dma_start3A_2217 = tpu.memref_squeeze %dma_start3A_2216 : memref<1x40x80xi32, #tpu.memory_space<vmem>> -> memref<40x80xi32, #tpu.memory_space<vmem>>
        %dma_start3A_2218 = arith.constant 0 : i32
        %dma_start3A_2219 = tpu.memref_slice %dma_start3A_2217[%dma_start3A_2207, %dma_start3A_2218] : memref<40x80xi32, #tpu.memory_space<vmem>> -> memref<1x80xi32, #tpu.memory_space<vmem>>
        %dma_start3A_2220 = tpu.memref_squeeze %dma_start3A_2219 : memref<1x80xi32, #tpu.memory_space<vmem>> -> memref<80xi32, #tpu.memory_space<vmem>>
        %dma_start3A_2221 = arith.constant 0 : i32
        %dma_start3A_2222 = arith.constant 0 : i32
        %dma_start3A_2223 = tpu.memref_slice %arg7[%dma_start3A_2221, %dma_start3A_2222] : memref<8192x128xf32, #tpu.memory_space<vmem_shared>> -> memref<8192x128xf32, #tpu.memory_space<vmem_shared>>
        %dma_start3A_2224 = tpu.memref_slice %arg8[%dma_start3A_2209] : memref<4x!tpu.dma_semaphore, #tpu.memory_space<semaphore_mem>> -> memref<1x!tpu.dma_semaphore, #tpu.memory_space<semaphore_mem>>
        %dma_start3A_2225 = tpu.memref_squeeze %dma_start3A_2224 : memref<1x!tpu.dma_semaphore, #tpu.memory_space<semaphore_mem>> -> memref<!tpu.dma_semaphore, #tpu.memory_space<semaphore_mem>>
        tpu.enqueue_indirect_dma source(%dma_start3A_2223 : memref<8192x128xf32, #tpu.memory_space<vmem_shared>>) target(%dma_start3A_2213 : memref<80x128xf32, #tpu.memory_space<vmem>>) offsets(%dma_start3A_2220 : memref<80xi32, #tpu.memory_space<vmem>>) semaphore(%dma_start3A_2225 : memref<!tpu.dma_semaphore, #tpu.memory_space<semaphore_mem>>)
      } else {
      }
      %mul3A_1641 = arith.constant 40 : i32
      %mul3A_1642 = arith.muli %scan3A_213, %mul3A_1641 : i32
      %add3A_1643 = arith.constant 29 : i32
      %add3A_1644 = arith.addi %mul3A_1642, %add3A_1643 : i32
      %dma_wait3A_1645 = arith.constant 29 : i32
      %dma_wait3A_1646 = arith.constant 1 : i32
      %dma_wait3A_1647 = arith.constant 1 : i32
      %dma_wait3A_1648 = arith.constant 0 : i32
      %dma_wait3A_1649 = arith.constant 0 : i32
      %dma_wait3A_1650 = tpu.memref_slice %arg6[%dma_wait3A_1646, %dma_wait3A_1648, %dma_wait3A_1649] : memref<4x80x128xf32, #tpu.memory_space<vmem>> -> memref<1x80x128xf32, #tpu.memory_space<vmem>>
      %dma_wait3A_1651 = tpu.memref_squeeze %dma_wait3A_1650 : memref<1x80x128xf32, #tpu.memory_space<vmem>> -> memref<80x128xf32, #tpu.memory_space<vmem>>
      %dma_wait3A_1652 = arith.constant 0 : i32
      %dma_wait3A_1653 = arith.constant 0 : i32
      %dma_wait3A_1654 = tpu.memref_slice %arg5[%rem3A_215, %dma_wait3A_1652, %dma_wait3A_1653] : memref<2x40x80xi32, #tpu.memory_space<vmem>> -> memref<1x40x80xi32, #tpu.memory_space<vmem>>
      %dma_wait3A_1655 = tpu.memref_squeeze %dma_wait3A_1654 : memref<1x40x80xi32, #tpu.memory_space<vmem>> -> memref<40x80xi32, #tpu.memory_space<vmem>>
      %dma_wait3A_1656 = arith.constant 0 : i32
      %dma_wait3A_1657 = tpu.memref_slice %dma_wait3A_1655[%dma_wait3A_1645, %dma_wait3A_1656] : memref<40x80xi32, #tpu.memory_space<vmem>> -> memref<1x80xi32, #tpu.memory_space<vmem>>
      %dma_wait3A_1658 = tpu.memref_squeeze %dma_wait3A_1657 : memref<1x80xi32, #tpu.memory_space<vmem>> -> memref<80xi32, #tpu.memory_space<vmem>>
      %dma_wait3A_1659 = arith.constant 0 : i32
      %dma_wait3A_1660 = arith.constant 0 : i32
      %dma_wait3A_1661 = tpu.memref_slice %arg7[%dma_wait3A_1659, %dma_wait3A_1660] : memref<8192x128xf32, #tpu.memory_space<vmem_shared>> -> memref<8192x128xf32, #tpu.memory_space<vmem_shared>>
      %dma_wait3A_1662 = tpu.memref_slice %arg8[%dma_wait3A_1647] : memref<4x!tpu.dma_semaphore, #tpu.memory_space<semaphore_mem>> -> memref<1x!tpu.dma_semaphore, #tpu.memory_space<semaphore_mem>>
      %dma_wait3A_1663 = tpu.memref_squeeze %dma_wait3A_1662 : memref<1x!tpu.dma_semaphore, #tpu.memory_space<semaphore_mem>> -> memref<!tpu.dma_semaphore, #tpu.memory_space<semaphore_mem>>
      tpu.wait_indirect_dma semaphore(%dma_wait3A_1663 : memref<!tpu.dma_semaphore, #tpu.memory_space<semaphore_mem>>) src(%dma_wait3A_1661 : memref<8192x128xf32, #tpu.memory_space<vmem_shared>>) dst(%dma_wait3A_1651 : memref<80x128xf32, #tpu.memory_space<vmem>>)
      %mul3A_1664 = arith.constant 80 : i32
      %mul3A_1665 = arith.muli %add3A_1644, %mul3A_1664 : i32
      %add3A_1666 = arith.addi %mul3A_2, %mul3A_1665 : i32
      %dma_start3A_1667 = arith.constant 1 : i32
      %dma_start3A_1668 = arith.constant 1 : i32
      %dma_start3A_1669 = arith.constant 0 : i32
      %dma_start3A_1670 = arith.constant 0 : i32
      %dma_start3A_1671 = tpu.memref_slice %arg6[%dma_start3A_1667, %dma_start3A_1669, %dma_start3A_1670] : memref<4x80x128xf32, #tpu.memory_space<vmem>> -> memref<1x80x128xf32, #tpu.memory_space<vmem>>
      %dma_start3A_1672 = tpu.memref_squeeze %dma_start3A_1671 : memref<1x80x128xf32, #tpu.memory_space<vmem>> -> memref<80x128xf32, #tpu.memory_space<vmem>>
      %dma_start3A_1673 = arith.constant 0 : i32
      %dma_start3A_1674 = tpu.memref_slice %arg4[%add3A_1666, %dma_start3A_1673] : memref<819200x128xf32, #tpu.memory_space<hbm>> -> memref<80x128xf32, #tpu.memory_space<hbm>>
      %dma_start3A_1675 = tpu.memref_slice %arg9[%dma_start3A_1668] : memref<4x!tpu.dma_semaphore, #tpu.memory_space<semaphore_mem>> -> memref<1x!tpu.dma_semaphore, #tpu.memory_space<semaphore_mem>>
      %dma_start3A_1676 = tpu.memref_squeeze %dma_start3A_1675 : memref<1x!tpu.dma_semaphore, #tpu.memory_space<semaphore_mem>> -> memref<!tpu.dma_semaphore, #tpu.memory_space<semaphore_mem>>
      %dma_start3A_1677 = arith.constant 0 : i32
      %dma_start3A_1678 = tpu.memref_slice %arg4[%add3A_1666, %dma_start3A_1677] : memref<819200x128xf32, #tpu.memory_space<hbm>> -> memref<80x128xf32, #tpu.memory_space<hbm>>
      %dma_start3A_1679 = arith.constant 0 : i32
      %dma_start3A_1680 = arith.constant 0 : i32
      %dma_start3A_1681 = tpu.memref_slice %arg6[%dma_start3A_1667, %dma_start3A_1679, %dma_start3A_1680] : memref<4x80x128xf32, #tpu.memory_space<vmem>> -> memref<1x80x128xf32, #tpu.memory_space<vmem>>
      %dma_start3A_1682 = tpu.memref_squeeze %dma_start3A_1681 : memref<1x80x128xf32, #tpu.memory_space<vmem>> -> memref<80x128xf32, #tpu.memory_space<vmem>>
      tpu.enqueue_dma source(%dma_start3A_1682 : memref<80x128xf32, #tpu.memory_space<vmem>>) target(%dma_start3A_1678 : memref<80x128xf32, #tpu.memory_space<hbm>>) target_semaphore(%dma_start3A_1676 : memref<!tpu.dma_semaphore, #tpu.memory_space<semaphore_mem>>)
      %add3A_1683 = arith.constant 4 : i32
      %add3A_1684 = arith.addi %add3A_1644, %add3A_1683 : i32
      %lt3A_1685 = arith.constant 320 : i32
      %lt3A_1686 = arith.cmpi slt, %add3A_1684, %lt3A_1685 : i32
      %convert_element_type3A_1687 = arith.extui %lt3A_1686 : i1 to i32
      %cond3A_1688 = arith.constant 0 : i32
      %cond3A_1689 = arith.cmpi ne, %convert_element_type3A_1687, %cond3A_1688 : i32
      scf.if %cond3A_1689 {
        %mul3A_2188 = arith.constant 80 : i32
        %mul3A_2189 = arith.muli %add3A_1644, %mul3A_2188 : i32
        %add3A_2190 = arith.addi %mul3A_2, %mul3A_2189 : i32
        %dma_wait3A_2191 = arith.constant 1 : i32
        %dma_wait3A_2192 = arith.constant 1 : i32
        %dma_wait3A_2193 = arith.constant 0 : i32
        %dma_wait3A_2194 = arith.constant 0 : i32
        %dma_wait3A_2195 = tpu.memref_slice %arg6[%dma_wait3A_2191, %dma_wait3A_2193, %dma_wait3A_2194] : memref<4x80x128xf32, #tpu.memory_space<vmem>> -> memref<1x80x128xf32, #tpu.memory_space<vmem>>
        %dma_wait3A_2196 = tpu.memref_squeeze %dma_wait3A_2195 : memref<1x80x128xf32, #tpu.memory_space<vmem>> -> memref<80x128xf32, #tpu.memory_space<vmem>>
        %dma_wait3A_2197 = arith.constant 0 : i32
        %dma_wait3A_2198 = tpu.memref_slice %arg4[%add3A_2190, %dma_wait3A_2197] : memref<819200x128xf32, #tpu.memory_space<hbm>> -> memref<80x128xf32, #tpu.memory_space<hbm>>
        %dma_wait3A_2199 = tpu.memref_slice %arg9[%dma_wait3A_2192] : memref<4x!tpu.dma_semaphore, #tpu.memory_space<semaphore_mem>> -> memref<1x!tpu.dma_semaphore, #tpu.memory_space<semaphore_mem>>
        %dma_wait3A_2200 = tpu.memref_squeeze %dma_wait3A_2199 : memref<1x!tpu.dma_semaphore, #tpu.memory_space<semaphore_mem>> -> memref<!tpu.dma_semaphore, #tpu.memory_space<semaphore_mem>>
        %dma_wait3A_2201 = arith.constant 0 : i32
        %dma_wait3A_2202 = tpu.memref_slice %arg4[%add3A_2190, %dma_wait3A_2201] : memref<819200x128xf32, #tpu.memory_space<hbm>> -> memref<80x128xf32, #tpu.memory_space<hbm>>
        %dma_wait3A_2203 = arith.constant 0 : i32
        %dma_wait3A_2204 = arith.constant 0 : i32
        %dma_wait3A_2205 = tpu.memref_slice %arg6[%dma_wait3A_2191, %dma_wait3A_2203, %dma_wait3A_2204] : memref<4x80x128xf32, #tpu.memory_space<vmem>> -> memref<1x80x128xf32, #tpu.memory_space<vmem>>
        %dma_wait3A_2206 = tpu.memref_squeeze %dma_wait3A_2205 : memref<1x80x128xf32, #tpu.memory_space<vmem>> -> memref<80x128xf32, #tpu.memory_space<vmem>>
        tpu.wait_dma2 semaphore(%dma_wait3A_2200 : memref<!tpu.dma_semaphore, #tpu.memory_space<semaphore_mem>>) src(%dma_wait3A_2206 : memref<80x128xf32, #tpu.memory_space<vmem>>) dst(%dma_wait3A_2202 : memref<80x128xf32, #tpu.memory_space<hbm>>)
        %dma_start3A_2207 = arith.constant 33 : i32
        %dma_start3A_2208 = arith.constant 1 : i32
        %dma_start3A_2209 = arith.constant 1 : i32
        %dma_start3A_2210 = arith.constant 0 : i32
        %dma_start3A_2211 = arith.constant 0 : i32
        %dma_start3A_2212 = tpu.memref_slice %arg6[%dma_start3A_2208, %dma_start3A_2210, %dma_start3A_2211] : memref<4x80x128xf32, #tpu.memory_space<vmem>> -> memref<1x80x128xf32, #tpu.memory_space<vmem>>
        %dma_start3A_2213 = tpu.memref_squeeze %dma_start3A_2212 : memref<1x80x128xf32, #tpu.memory_space<vmem>> -> memref<80x128xf32, #tpu.memory_space<vmem>>
        %dma_start3A_2214 = arith.constant 0 : i32
        %dma_start3A_2215 = arith.constant 0 : i32
        %dma_start3A_2216 = tpu.memref_slice %arg5[%rem3A_215, %dma_start3A_2214, %dma_start3A_2215] : memref<2x40x80xi32, #tpu.memory_space<vmem>> -> memref<1x40x80xi32, #tpu.memory_space<vmem>>
        %dma_start3A_2217 = tpu.memref_squeeze %dma_start3A_2216 : memref<1x40x80xi32, #tpu.memory_space<vmem>> -> memref<40x80xi32, #tpu.memory_space<vmem>>
        %dma_start3A_2218 = arith.constant 0 : i32
        %dma_start3A_2219 = tpu.memref_slice %dma_start3A_2217[%dma_start3A_2207, %dma_start3A_2218] : memref<40x80xi32, #tpu.memory_space<vmem>> -> memref<1x80xi32, #tpu.memory_space<vmem>>
        %dma_start3A_2220 = tpu.memref_squeeze %dma_start3A_2219 : memref<1x80xi32, #tpu.memory_space<vmem>> -> memref<80xi32, #tpu.memory_space<vmem>>
        %dma_start3A_2221 = arith.constant 0 : i32
        %dma_start3A_2222 = arith.constant 0 : i32
        %dma_start3A_2223 = tpu.memref_slice %arg7[%dma_start3A_2221, %dma_start3A_2222] : memref<8192x128xf32, #tpu.memory_space<vmem_shared>> -> memref<8192x128xf32, #tpu.memory_space<vmem_shared>>
        %dma_start3A_2224 = tpu.memref_slice %arg8[%dma_start3A_2209] : memref<4x!tpu.dma_semaphore, #tpu.memory_space<semaphore_mem>> -> memref<1x!tpu.dma_semaphore, #tpu.memory_space<semaphore_mem>>
        %dma_start3A_2225 = tpu.memref_squeeze %dma_start3A_2224 : memref<1x!tpu.dma_semaphore, #tpu.memory_space<semaphore_mem>> -> memref<!tpu.dma_semaphore, #tpu.memory_space<semaphore_mem>>
        tpu.enqueue_indirect_dma source(%dma_start3A_2223 : memref<8192x128xf32, #tpu.memory_space<vmem_shared>>) target(%dma_start3A_2213 : memref<80x128xf32, #tpu.memory_space<vmem>>) offsets(%dma_start3A_2220 : memref<80xi32, #tpu.memory_space<vmem>>) semaphore(%dma_start3A_2225 : memref<!tpu.dma_semaphore, #tpu.memory_space<semaphore_mem>>)
      } else {
      }
      %mul3A_1690 = arith.constant 40 : i32
      %mul3A_1691 = arith.muli %scan3A_213, %mul3A_1690 : i32
      %add3A_1692 = arith.constant 30 : i32
      %add3A_1693 = arith.addi %mul3A_1691, %add3A_1692 : i32
      %dma_wait3A_1694 = arith.constant 30 : i32
      %dma_wait3A_1695 = arith.constant 2 : i32
      %dma_wait3A_1696 = arith.constant 2 : i32
      %dma_wait3A_1697 = arith.constant 0 : i32
      %dma_wait3A_1698 = arith.constant 0 : i32
      %dma_wait3A_1699 = tpu.memref_slice %arg6[%dma_wait3A_1695, %dma_wait3A_1697, %dma_wait3A_1698] : memref<4x80x128xf32, #tpu.memory_space<vmem>> -> memref<1x80x128xf32, #tpu.memory_space<vmem>>
      %dma_wait3A_1700 = tpu.memref_squeeze %dma_wait3A_1699 : memref<1x80x128xf32, #tpu.memory_space<vmem>> -> memref<80x128xf32, #tpu.memory_space<vmem>>
      %dma_wait3A_1701 = arith.constant 0 : i32
      %dma_wait3A_1702 = arith.constant 0 : i32
      %dma_wait3A_1703 = tpu.memref_slice %arg5[%rem3A_215, %dma_wait3A_1701, %dma_wait3A_1702] : memref<2x40x80xi32, #tpu.memory_space<vmem>> -> memref<1x40x80xi32, #tpu.memory_space<vmem>>
      %dma_wait3A_1704 = tpu.memref_squeeze %dma_wait3A_1703 : memref<1x40x80xi32, #tpu.memory_space<vmem>> -> memref<40x80xi32, #tpu.memory_space<vmem>>
      %dma_wait3A_1705 = arith.constant 0 : i32
      %dma_wait3A_1706 = tpu.memref_slice %dma_wait3A_1704[%dma_wait3A_1694, %dma_wait3A_1705] : memref<40x80xi32, #tpu.memory_space<vmem>> -> memref<1x80xi32, #tpu.memory_space<vmem>>
      %dma_wait3A_1707 = tpu.memref_squeeze %dma_wait3A_1706 : memref<1x80xi32, #tpu.memory_space<vmem>> -> memref<80xi32, #tpu.memory_space<vmem>>
      %dma_wait3A_1708 = arith.constant 0 : i32
      %dma_wait3A_1709 = arith.constant 0 : i32
      %dma_wait3A_1710 = tpu.memref_slice %arg7[%dma_wait3A_1708, %dma_wait3A_1709] : memref<8192x128xf32, #tpu.memory_space<vmem_shared>> -> memref<8192x128xf32, #tpu.memory_space<vmem_shared>>
      %dma_wait3A_1711 = tpu.memref_slice %arg8[%dma_wait3A_1696] : memref<4x!tpu.dma_semaphore, #tpu.memory_space<semaphore_mem>> -> memref<1x!tpu.dma_semaphore, #tpu.memory_space<semaphore_mem>>
      %dma_wait3A_1712 = tpu.memref_squeeze %dma_wait3A_1711 : memref<1x!tpu.dma_semaphore, #tpu.memory_space<semaphore_mem>> -> memref<!tpu.dma_semaphore, #tpu.memory_space<semaphore_mem>>
      tpu.wait_indirect_dma semaphore(%dma_wait3A_1712 : memref<!tpu.dma_semaphore, #tpu.memory_space<semaphore_mem>>) src(%dma_wait3A_1710 : memref<8192x128xf32, #tpu.memory_space<vmem_shared>>) dst(%dma_wait3A_1700 : memref<80x128xf32, #tpu.memory_space<vmem>>)
      %mul3A_1713 = arith.constant 80 : i32
      %mul3A_1714 = arith.muli %add3A_1693, %mul3A_1713 : i32
      %add3A_1715 = arith.addi %mul3A_2, %mul3A_1714 : i32
      %dma_start3A_1716 = arith.constant 2 : i32
      %dma_start3A_1717 = arith.constant 2 : i32
      %dma_start3A_1718 = arith.constant 0 : i32
      %dma_start3A_1719 = arith.constant 0 : i32
      %dma_start3A_1720 = tpu.memref_slice %arg6[%dma_start3A_1716, %dma_start3A_1718, %dma_start3A_1719] : memref<4x80x128xf32, #tpu.memory_space<vmem>> -> memref<1x80x128xf32, #tpu.memory_space<vmem>>
      %dma_start3A_1721 = tpu.memref_squeeze %dma_start3A_1720 : memref<1x80x128xf32, #tpu.memory_space<vmem>> -> memref<80x128xf32, #tpu.memory_space<vmem>>
      %dma_start3A_1722 = arith.constant 0 : i32
      %dma_start3A_1723 = tpu.memref_slice %arg4[%add3A_1715, %dma_start3A_1722] : memref<819200x128xf32, #tpu.memory_space<hbm>> -> memref<80x128xf32, #tpu.memory_space<hbm>>
      %dma_start3A_1724 = tpu.memref_slice %arg9[%dma_start3A_1717] : memref<4x!tpu.dma_semaphore, #tpu.memory_space<semaphore_mem>> -> memref<1x!tpu.dma_semaphore, #tpu.memory_space<semaphore_mem>>
      %dma_start3A_1725 = tpu.memref_squeeze %dma_start3A_1724 : memref<1x!tpu.dma_semaphore, #tpu.memory_space<semaphore_mem>> -> memref<!tpu.dma_semaphore, #tpu.memory_space<semaphore_mem>>
      %dma_start3A_1726 = arith.constant 0 : i32
      %dma_start3A_1727 = tpu.memref_slice %arg4[%add3A_1715, %dma_start3A_1726] : memref<819200x128xf32, #tpu.memory_space<hbm>> -> memref<80x128xf32, #tpu.memory_space<hbm>>
      %dma_start3A_1728 = arith.constant 0 : i32
      %dma_start3A_1729 = arith.constant 0 : i32
      %dma_start3A_1730 = tpu.memref_slice %arg6[%dma_start3A_1716, %dma_start3A_1728, %dma_start3A_1729] : memref<4x80x128xf32, #tpu.memory_space<vmem>> -> memref<1x80x128xf32, #tpu.memory_space<vmem>>
      %dma_start3A_1731 = tpu.memref_squeeze %dma_start3A_1730 : memref<1x80x128xf32, #tpu.memory_space<vmem>> -> memref<80x128xf32, #tpu.memory_space<vmem>>
      tpu.enqueue_dma source(%dma_start3A_1731 : memref<80x128xf32, #tpu.memory_space<vmem>>) target(%dma_start3A_1727 : memref<80x128xf32, #tpu.memory_space<hbm>>) target_semaphore(%dma_start3A_1725 : memref<!tpu.dma_semaphore, #tpu.memory_space<semaphore_mem>>)
      %add3A_1732 = arith.constant 4 : i32
      %add3A_1733 = arith.addi %add3A_1693, %add3A_1732 : i32
      %lt3A_1734 = arith.constant 320 : i32
      %lt3A_1735 = arith.cmpi slt, %add3A_1733, %lt3A_1734 : i32
      %convert_element_type3A_1736 = arith.extui %lt3A_1735 : i1 to i32
      %cond3A_1737 = arith.constant 0 : i32
      %cond3A_1738 = arith.cmpi ne, %convert_element_type3A_1736, %cond3A_1737 : i32
      scf.if %cond3A_1738 {
        %mul3A_2188 = arith.constant 80 : i32
        %mul3A_2189 = arith.muli %add3A_1693, %mul3A_2188 : i32
        %add3A_2190 = arith.addi %mul3A_2, %mul3A_2189 : i32
        %dma_wait3A_2191 = arith.constant 2 : i32
        %dma_wait3A_2192 = arith.constant 2 : i32
        %dma_wait3A_2193 = arith.constant 0 : i32
        %dma_wait3A_2194 = arith.constant 0 : i32
        %dma_wait3A_2195 = tpu.memref_slice %arg6[%dma_wait3A_2191, %dma_wait3A_2193, %dma_wait3A_2194] : memref<4x80x128xf32, #tpu.memory_space<vmem>> -> memref<1x80x128xf32, #tpu.memory_space<vmem>>
        %dma_wait3A_2196 = tpu.memref_squeeze %dma_wait3A_2195 : memref<1x80x128xf32, #tpu.memory_space<vmem>> -> memref<80x128xf32, #tpu.memory_space<vmem>>
        %dma_wait3A_2197 = arith.constant 0 : i32
        %dma_wait3A_2198 = tpu.memref_slice %arg4[%add3A_2190, %dma_wait3A_2197] : memref<819200x128xf32, #tpu.memory_space<hbm>> -> memref<80x128xf32, #tpu.memory_space<hbm>>
        %dma_wait3A_2199 = tpu.memref_slice %arg9[%dma_wait3A_2192] : memref<4x!tpu.dma_semaphore, #tpu.memory_space<semaphore_mem>> -> memref<1x!tpu.dma_semaphore, #tpu.memory_space<semaphore_mem>>
        %dma_wait3A_2200 = tpu.memref_squeeze %dma_wait3A_2199 : memref<1x!tpu.dma_semaphore, #tpu.memory_space<semaphore_mem>> -> memref<!tpu.dma_semaphore, #tpu.memory_space<semaphore_mem>>
        %dma_wait3A_2201 = arith.constant 0 : i32
        %dma_wait3A_2202 = tpu.memref_slice %arg4[%add3A_2190, %dma_wait3A_2201] : memref<819200x128xf32, #tpu.memory_space<hbm>> -> memref<80x128xf32, #tpu.memory_space<hbm>>
        %dma_wait3A_2203 = arith.constant 0 : i32
        %dma_wait3A_2204 = arith.constant 0 : i32
        %dma_wait3A_2205 = tpu.memref_slice %arg6[%dma_wait3A_2191, %dma_wait3A_2203, %dma_wait3A_2204] : memref<4x80x128xf32, #tpu.memory_space<vmem>> -> memref<1x80x128xf32, #tpu.memory_space<vmem>>
        %dma_wait3A_2206 = tpu.memref_squeeze %dma_wait3A_2205 : memref<1x80x128xf32, #tpu.memory_space<vmem>> -> memref<80x128xf32, #tpu.memory_space<vmem>>
        tpu.wait_dma2 semaphore(%dma_wait3A_2200 : memref<!tpu.dma_semaphore, #tpu.memory_space<semaphore_mem>>) src(%dma_wait3A_2206 : memref<80x128xf32, #tpu.memory_space<vmem>>) dst(%dma_wait3A_2202 : memref<80x128xf32, #tpu.memory_space<hbm>>)
        %dma_start3A_2207 = arith.constant 34 : i32
        %dma_start3A_2208 = arith.constant 2 : i32
        %dma_start3A_2209 = arith.constant 2 : i32
        %dma_start3A_2210 = arith.constant 0 : i32
        %dma_start3A_2211 = arith.constant 0 : i32
        %dma_start3A_2212 = tpu.memref_slice %arg6[%dma_start3A_2208, %dma_start3A_2210, %dma_start3A_2211] : memref<4x80x128xf32, #tpu.memory_space<vmem>> -> memref<1x80x128xf32, #tpu.memory_space<vmem>>
        %dma_start3A_2213 = tpu.memref_squeeze %dma_start3A_2212 : memref<1x80x128xf32, #tpu.memory_space<vmem>> -> memref<80x128xf32, #tpu.memory_space<vmem>>
        %dma_start3A_2214 = arith.constant 0 : i32
        %dma_start3A_2215 = arith.constant 0 : i32
        %dma_start3A_2216 = tpu.memref_slice %arg5[%rem3A_215, %dma_start3A_2214, %dma_start3A_2215] : memref<2x40x80xi32, #tpu.memory_space<vmem>> -> memref<1x40x80xi32, #tpu.memory_space<vmem>>
        %dma_start3A_2217 = tpu.memref_squeeze %dma_start3A_2216 : memref<1x40x80xi32, #tpu.memory_space<vmem>> -> memref<40x80xi32, #tpu.memory_space<vmem>>
        %dma_start3A_2218 = arith.constant 0 : i32
        %dma_start3A_2219 = tpu.memref_slice %dma_start3A_2217[%dma_start3A_2207, %dma_start3A_2218] : memref<40x80xi32, #tpu.memory_space<vmem>> -> memref<1x80xi32, #tpu.memory_space<vmem>>
        %dma_start3A_2220 = tpu.memref_squeeze %dma_start3A_2219 : memref<1x80xi32, #tpu.memory_space<vmem>> -> memref<80xi32, #tpu.memory_space<vmem>>
        %dma_start3A_2221 = arith.constant 0 : i32
        %dma_start3A_2222 = arith.constant 0 : i32
        %dma_start3A_2223 = tpu.memref_slice %arg7[%dma_start3A_2221, %dma_start3A_2222] : memref<8192x128xf32, #tpu.memory_space<vmem_shared>> -> memref<8192x128xf32, #tpu.memory_space<vmem_shared>>
        %dma_start3A_2224 = tpu.memref_slice %arg8[%dma_start3A_2209] : memref<4x!tpu.dma_semaphore, #tpu.memory_space<semaphore_mem>> -> memref<1x!tpu.dma_semaphore, #tpu.memory_space<semaphore_mem>>
        %dma_start3A_2225 = tpu.memref_squeeze %dma_start3A_2224 : memref<1x!tpu.dma_semaphore, #tpu.memory_space<semaphore_mem>> -> memref<!tpu.dma_semaphore, #tpu.memory_space<semaphore_mem>>
        tpu.enqueue_indirect_dma source(%dma_start3A_2223 : memref<8192x128xf32, #tpu.memory_space<vmem_shared>>) target(%dma_start3A_2213 : memref<80x128xf32, #tpu.memory_space<vmem>>) offsets(%dma_start3A_2220 : memref<80xi32, #tpu.memory_space<vmem>>) semaphore(%dma_start3A_2225 : memref<!tpu.dma_semaphore, #tpu.memory_space<semaphore_mem>>)
      } else {
      }
      %mul3A_1739 = arith.constant 40 : i32
      %mul3A_1740 = arith.muli %scan3A_213, %mul3A_1739 : i32
      %add3A_1741 = arith.constant 31 : i32
      %add3A_1742 = arith.addi %mul3A_1740, %add3A_1741 : i32
      %dma_wait3A_1743 = arith.constant 31 : i32
      %dma_wait3A_1744 = arith.constant 3 : i32
      %dma_wait3A_1745 = arith.constant 3 : i32
      %dma_wait3A_1746 = arith.constant 0 : i32
      %dma_wait3A_1747 = arith.constant 0 : i32
      %dma_wait3A_1748 = tpu.memref_slice %arg6[%dma_wait3A_1744, %dma_wait3A_1746, %dma_wait3A_1747] : memref<4x80x128xf32, #tpu.memory_space<vmem>> -> memref<1x80x128xf32, #tpu.memory_space<vmem>>
      %dma_wait3A_1749 = tpu.memref_squeeze %dma_wait3A_1748 : memref<1x80x128xf32, #tpu.memory_space<vmem>> -> memref<80x128xf32, #tpu.memory_space<vmem>>
      %dma_wait3A_1750 = arith.constant 0 : i32
      %dma_wait3A_1751 = arith.constant 0 : i32
      %dma_wait3A_1752 = tpu.memref_slice %arg5[%rem3A_215, %dma_wait3A_1750, %dma_wait3A_1751] : memref<2x40x80xi32, #tpu.memory_space<vmem>> -> memref<1x40x80xi32, #tpu.memory_space<vmem>>
      %dma_wait3A_1753 = tpu.memref_squeeze %dma_wait3A_1752 : memref<1x40x80xi32, #tpu.memory_space<vmem>> -> memref<40x80xi32, #tpu.memory_space<vmem>>
      %dma_wait3A_1754 = arith.constant 0 : i32
      %dma_wait3A_1755 = tpu.memref_slice %dma_wait3A_1753[%dma_wait3A_1743, %dma_wait3A_1754] : memref<40x80xi32, #tpu.memory_space<vmem>> -> memref<1x80xi32, #tpu.memory_space<vmem>>
      %dma_wait3A_1756 = tpu.memref_squeeze %dma_wait3A_1755 : memref<1x80xi32, #tpu.memory_space<vmem>> -> memref<80xi32, #tpu.memory_space<vmem>>
      %dma_wait3A_1757 = arith.constant 0 : i32
      %dma_wait3A_1758 = arith.constant 0 : i32
      %dma_wait3A_1759 = tpu.memref_slice %arg7[%dma_wait3A_1757, %dma_wait3A_1758] : memref<8192x128xf32, #tpu.memory_space<vmem_shared>> -> memref<8192x128xf32, #tpu.memory_space<vmem_shared>>
      %dma_wait3A_1760 = tpu.memref_slice %arg8[%dma_wait3A_1745] : memref<4x!tpu.dma_semaphore, #tpu.memory_space<semaphore_mem>> -> memref<1x!tpu.dma_semaphore, #tpu.memory_space<semaphore_mem>>
      %dma_wait3A_1761 = tpu.memref_squeeze %dma_wait3A_1760 : memref<1x!tpu.dma_semaphore, #tpu.memory_space<semaphore_mem>> -> memref<!tpu.dma_semaphore, #tpu.memory_space<semaphore_mem>>
      tpu.wait_indirect_dma semaphore(%dma_wait3A_1761 : memref<!tpu.dma_semaphore, #tpu.memory_space<semaphore_mem>>) src(%dma_wait3A_1759 : memref<8192x128xf32, #tpu.memory_space<vmem_shared>>) dst(%dma_wait3A_1749 : memref<80x128xf32, #tpu.memory_space<vmem>>)
      %mul3A_1762 = arith.constant 80 : i32
      %mul3A_1763 = arith.muli %add3A_1742, %mul3A_1762 : i32
      %add3A_1764 = arith.addi %mul3A_2, %mul3A_1763 : i32
      %dma_start3A_1765 = arith.constant 3 : i32
      %dma_start3A_1766 = arith.constant 3 : i32
      %dma_start3A_1767 = arith.constant 0 : i32
      %dma_start3A_1768 = arith.constant 0 : i32
      %dma_start3A_1769 = tpu.memref_slice %arg6[%dma_start3A_1765, %dma_start3A_1767, %dma_start3A_1768] : memref<4x80x128xf32, #tpu.memory_space<vmem>> -> memref<1x80x128xf32, #tpu.memory_space<vmem>>
      %dma_start3A_1770 = tpu.memref_squeeze %dma_start3A_1769 : memref<1x80x128xf32, #tpu.memory_space<vmem>> -> memref<80x128xf32, #tpu.memory_space<vmem>>
      %dma_start3A_1771 = arith.constant 0 : i32
      %dma_start3A_1772 = tpu.memref_slice %arg4[%add3A_1764, %dma_start3A_1771] : memref<819200x128xf32, #tpu.memory_space<hbm>> -> memref<80x128xf32, #tpu.memory_space<hbm>>
      %dma_start3A_1773 = tpu.memref_slice %arg9[%dma_start3A_1766] : memref<4x!tpu.dma_semaphore, #tpu.memory_space<semaphore_mem>> -> memref<1x!tpu.dma_semaphore, #tpu.memory_space<semaphore_mem>>
      %dma_start3A_1774 = tpu.memref_squeeze %dma_start3A_1773 : memref<1x!tpu.dma_semaphore, #tpu.memory_space<semaphore_mem>> -> memref<!tpu.dma_semaphore, #tpu.memory_space<semaphore_mem>>
      %dma_start3A_1775 = arith.constant 0 : i32
      %dma_start3A_1776 = tpu.memref_slice %arg4[%add3A_1764, %dma_start3A_1775] : memref<819200x128xf32, #tpu.memory_space<hbm>> -> memref<80x128xf32, #tpu.memory_space<hbm>>
      %dma_start3A_1777 = arith.constant 0 : i32
      %dma_start3A_1778 = arith.constant 0 : i32
      %dma_start3A_1779 = tpu.memref_slice %arg6[%dma_start3A_1765, %dma_start3A_1777, %dma_start3A_1778] : memref<4x80x128xf32, #tpu.memory_space<vmem>> -> memref<1x80x128xf32, #tpu.memory_space<vmem>>
      %dma_start3A_1780 = tpu.memref_squeeze %dma_start3A_1779 : memref<1x80x128xf32, #tpu.memory_space<vmem>> -> memref<80x128xf32, #tpu.memory_space<vmem>>
      tpu.enqueue_dma source(%dma_start3A_1780 : memref<80x128xf32, #tpu.memory_space<vmem>>) target(%dma_start3A_1776 : memref<80x128xf32, #tpu.memory_space<hbm>>) target_semaphore(%dma_start3A_1774 : memref<!tpu.dma_semaphore, #tpu.memory_space<semaphore_mem>>)
      %add3A_1781 = arith.constant 4 : i32
      %add3A_1782 = arith.addi %add3A_1742, %add3A_1781 : i32
      %lt3A_1783 = arith.constant 320 : i32
      %lt3A_1784 = arith.cmpi slt, %add3A_1782, %lt3A_1783 : i32
      %convert_element_type3A_1785 = arith.extui %lt3A_1784 : i1 to i32
      %cond3A_1786 = arith.constant 0 : i32
      %cond3A_1787 = arith.cmpi ne, %convert_element_type3A_1785, %cond3A_1786 : i32
      scf.if %cond3A_1787 {
        %mul3A_2188 = arith.constant 80 : i32
        %mul3A_2189 = arith.muli %add3A_1742, %mul3A_2188 : i32
        %add3A_2190 = arith.addi %mul3A_2, %mul3A_2189 : i32
        %dma_wait3A_2191 = arith.constant 3 : i32
        %dma_wait3A_2192 = arith.constant 3 : i32
        %dma_wait3A_2193 = arith.constant 0 : i32
        %dma_wait3A_2194 = arith.constant 0 : i32
        %dma_wait3A_2195 = tpu.memref_slice %arg6[%dma_wait3A_2191, %dma_wait3A_2193, %dma_wait3A_2194] : memref<4x80x128xf32, #tpu.memory_space<vmem>> -> memref<1x80x128xf32, #tpu.memory_space<vmem>>
        %dma_wait3A_2196 = tpu.memref_squeeze %dma_wait3A_2195 : memref<1x80x128xf32, #tpu.memory_space<vmem>> -> memref<80x128xf32, #tpu.memory_space<vmem>>
        %dma_wait3A_2197 = arith.constant 0 : i32
        %dma_wait3A_2198 = tpu.memref_slice %arg4[%add3A_2190, %dma_wait3A_2197] : memref<819200x128xf32, #tpu.memory_space<hbm>> -> memref<80x128xf32, #tpu.memory_space<hbm>>
        %dma_wait3A_2199 = tpu.memref_slice %arg9[%dma_wait3A_2192] : memref<4x!tpu.dma_semaphore, #tpu.memory_space<semaphore_mem>> -> memref<1x!tpu.dma_semaphore, #tpu.memory_space<semaphore_mem>>
        %dma_wait3A_2200 = tpu.memref_squeeze %dma_wait3A_2199 : memref<1x!tpu.dma_semaphore, #tpu.memory_space<semaphore_mem>> -> memref<!tpu.dma_semaphore, #tpu.memory_space<semaphore_mem>>
        %dma_wait3A_2201 = arith.constant 0 : i32
        %dma_wait3A_2202 = tpu.memref_slice %arg4[%add3A_2190, %dma_wait3A_2201] : memref<819200x128xf32, #tpu.memory_space<hbm>> -> memref<80x128xf32, #tpu.memory_space<hbm>>
        %dma_wait3A_2203 = arith.constant 0 : i32
        %dma_wait3A_2204 = arith.constant 0 : i32
        %dma_wait3A_2205 = tpu.memref_slice %arg6[%dma_wait3A_2191, %dma_wait3A_2203, %dma_wait3A_2204] : memref<4x80x128xf32, #tpu.memory_space<vmem>> -> memref<1x80x128xf32, #tpu.memory_space<vmem>>
        %dma_wait3A_2206 = tpu.memref_squeeze %dma_wait3A_2205 : memref<1x80x128xf32, #tpu.memory_space<vmem>> -> memref<80x128xf32, #tpu.memory_space<vmem>>
        tpu.wait_dma2 semaphore(%dma_wait3A_2200 : memref<!tpu.dma_semaphore, #tpu.memory_space<semaphore_mem>>) src(%dma_wait3A_2206 : memref<80x128xf32, #tpu.memory_space<vmem>>) dst(%dma_wait3A_2202 : memref<80x128xf32, #tpu.memory_space<hbm>>)
        %dma_start3A_2207 = arith.constant 35 : i32
        %dma_start3A_2208 = arith.constant 3 : i32
        %dma_start3A_2209 = arith.constant 3 : i32
        %dma_start3A_2210 = arith.constant 0 : i32
        %dma_start3A_2211 = arith.constant 0 : i32
        %dma_start3A_2212 = tpu.memref_slice %arg6[%dma_start3A_2208, %dma_start3A_2210, %dma_start3A_2211] : memref<4x80x128xf32, #tpu.memory_space<vmem>> -> memref<1x80x128xf32, #tpu.memory_space<vmem>>
        %dma_start3A_2213 = tpu.memref_squeeze %dma_start3A_2212 : memref<1x80x128xf32, #tpu.memory_space<vmem>> -> memref<80x128xf32, #tpu.memory_space<vmem>>
        %dma_start3A_2214 = arith.constant 0 : i32
        %dma_start3A_2215 = arith.constant 0 : i32
        %dma_start3A_2216 = tpu.memref_slice %arg5[%rem3A_215, %dma_start3A_2214, %dma_start3A_2215] : memref<2x40x80xi32, #tpu.memory_space<vmem>> -> memref<1x40x80xi32, #tpu.memory_space<vmem>>
        %dma_start3A_2217 = tpu.memref_squeeze %dma_start3A_2216 : memref<1x40x80xi32, #tpu.memory_space<vmem>> -> memref<40x80xi32, #tpu.memory_space<vmem>>
        %dma_start3A_2218 = arith.constant 0 : i32
        %dma_start3A_2219 = tpu.memref_slice %dma_start3A_2217[%dma_start3A_2207, %dma_start3A_2218] : memref<40x80xi32, #tpu.memory_space<vmem>> -> memref<1x80xi32, #tpu.memory_space<vmem>>
        %dma_start3A_2220 = tpu.memref_squeeze %dma_start3A_2219 : memref<1x80xi32, #tpu.memory_space<vmem>> -> memref<80xi32, #tpu.memory_space<vmem>>
        %dma_start3A_2221 = arith.constant 0 : i32
        %dma_start3A_2222 = arith.constant 0 : i32
        %dma_start3A_2223 = tpu.memref_slice %arg7[%dma_start3A_2221, %dma_start3A_2222] : memref<8192x128xf32, #tpu.memory_space<vmem_shared>> -> memref<8192x128xf32, #tpu.memory_space<vmem_shared>>
        %dma_start3A_2224 = tpu.memref_slice %arg8[%dma_start3A_2209] : memref<4x!tpu.dma_semaphore, #tpu.memory_space<semaphore_mem>> -> memref<1x!tpu.dma_semaphore, #tpu.memory_space<semaphore_mem>>
        %dma_start3A_2225 = tpu.memref_squeeze %dma_start3A_2224 : memref<1x!tpu.dma_semaphore, #tpu.memory_space<semaphore_mem>> -> memref<!tpu.dma_semaphore, #tpu.memory_space<semaphore_mem>>
        tpu.enqueue_indirect_dma source(%dma_start3A_2223 : memref<8192x128xf32, #tpu.memory_space<vmem_shared>>) target(%dma_start3A_2213 : memref<80x128xf32, #tpu.memory_space<vmem>>) offsets(%dma_start3A_2220 : memref<80xi32, #tpu.memory_space<vmem>>) semaphore(%dma_start3A_2225 : memref<!tpu.dma_semaphore, #tpu.memory_space<semaphore_mem>>)
      } else {
      }
      %mul3A_1788 = arith.constant 40 : i32
      %mul3A_1789 = arith.muli %scan3A_213, %mul3A_1788 : i32
      %add3A_1790 = arith.constant 32 : i32
      %add3A_1791 = arith.addi %mul3A_1789, %add3A_1790 : i32
      %dma_wait3A_1792 = arith.constant 32 : i32
      %dma_wait3A_1793 = arith.constant 0 : i32
      %dma_wait3A_1794 = arith.constant 0 : i32
      %dma_wait3A_1795 = arith.constant 0 : i32
      %dma_wait3A_1796 = arith.constant 0 : i32
      %dma_wait3A_1797 = tpu.memref_slice %arg6[%dma_wait3A_1793, %dma_wait3A_1795, %dma_wait3A_1796] : memref<4x80x128xf32, #tpu.memory_space<vmem>> -> memref<1x80x128xf32, #tpu.memory_space<vmem>>
      %dma_wait3A_1798 = tpu.memref_squeeze %dma_wait3A_1797 : memref<1x80x128xf32, #tpu.memory_space<vmem>> -> memref<80x128xf32, #tpu.memory_space<vmem>>
      %dma_wait3A_1799 = arith.constant 0 : i32
      %dma_wait3A_1800 = arith.constant 0 : i32
      %dma_wait3A_1801 = tpu.memref_slice %arg5[%rem3A_215, %dma_wait3A_1799, %dma_wait3A_1800] : memref<2x40x80xi32, #tpu.memory_space<vmem>> -> memref<1x40x80xi32, #tpu.memory_space<vmem>>
      %dma_wait3A_1802 = tpu.memref_squeeze %dma_wait3A_1801 : memref<1x40x80xi32, #tpu.memory_space<vmem>> -> memref<40x80xi32, #tpu.memory_space<vmem>>
      %dma_wait3A_1803 = arith.constant 0 : i32
      %dma_wait3A_1804 = tpu.memref_slice %dma_wait3A_1802[%dma_wait3A_1792, %dma_wait3A_1803] : memref<40x80xi32, #tpu.memory_space<vmem>> -> memref<1x80xi32, #tpu.memory_space<vmem>>
      %dma_wait3A_1805 = tpu.memref_squeeze %dma_wait3A_1804 : memref<1x80xi32, #tpu.memory_space<vmem>> -> memref<80xi32, #tpu.memory_space<vmem>>
      %dma_wait3A_1806 = arith.constant 0 : i32
      %dma_wait3A_1807 = arith.constant 0 : i32
      %dma_wait3A_1808 = tpu.memref_slice %arg7[%dma_wait3A_1806, %dma_wait3A_1807] : memref<8192x128xf32, #tpu.memory_space<vmem_shared>> -> memref<8192x128xf32, #tpu.memory_space<vmem_shared>>
      %dma_wait3A_1809 = tpu.memref_slice %arg8[%dma_wait3A_1794] : memref<4x!tpu.dma_semaphore, #tpu.memory_space<semaphore_mem>> -> memref<1x!tpu.dma_semaphore, #tpu.memory_space<semaphore_mem>>
      %dma_wait3A_1810 = tpu.memref_squeeze %dma_wait3A_1809 : memref<1x!tpu.dma_semaphore, #tpu.memory_space<semaphore_mem>> -> memref<!tpu.dma_semaphore, #tpu.memory_space<semaphore_mem>>
      tpu.wait_indirect_dma semaphore(%dma_wait3A_1810 : memref<!tpu.dma_semaphore, #tpu.memory_space<semaphore_mem>>) src(%dma_wait3A_1808 : memref<8192x128xf32, #tpu.memory_space<vmem_shared>>) dst(%dma_wait3A_1798 : memref<80x128xf32, #tpu.memory_space<vmem>>)
      %mul3A_1811 = arith.constant 80 : i32
      %mul3A_1812 = arith.muli %add3A_1791, %mul3A_1811 : i32
      %add3A_1813 = arith.addi %mul3A_2, %mul3A_1812 : i32
      %dma_start3A_1814 = arith.constant 0 : i32
      %dma_start3A_1815 = arith.constant 0 : i32
      %dma_start3A_1816 = arith.constant 0 : i32
      %dma_start3A_1817 = arith.constant 0 : i32
      %dma_start3A_1818 = tpu.memref_slice %arg6[%dma_start3A_1814, %dma_start3A_1816, %dma_start3A_1817] : memref<4x80x128xf32, #tpu.memory_space<vmem>> -> memref<1x80x128xf32, #tpu.memory_space<vmem>>
      %dma_start3A_1819 = tpu.memref_squeeze %dma_start3A_1818 : memref<1x80x128xf32, #tpu.memory_space<vmem>> -> memref<80x128xf32, #tpu.memory_space<vmem>>
      %dma_start3A_1820 = arith.constant 0 : i32
      %dma_start3A_1821 = tpu.memref_slice %arg4[%add3A_1813, %dma_start3A_1820] : memref<819200x128xf32, #tpu.memory_space<hbm>> -> memref<80x128xf32, #tpu.memory_space<hbm>>
      %dma_start3A_1822 = tpu.memref_slice %arg9[%dma_start3A_1815] : memref<4x!tpu.dma_semaphore, #tpu.memory_space<semaphore_mem>> -> memref<1x!tpu.dma_semaphore, #tpu.memory_space<semaphore_mem>>
      %dma_start3A_1823 = tpu.memref_squeeze %dma_start3A_1822 : memref<1x!tpu.dma_semaphore, #tpu.memory_space<semaphore_mem>> -> memref<!tpu.dma_semaphore, #tpu.memory_space<semaphore_mem>>
      %dma_start3A_1824 = arith.constant 0 : i32
      %dma_start3A_1825 = tpu.memref_slice %arg4[%add3A_1813, %dma_start3A_1824] : memref<819200x128xf32, #tpu.memory_space<hbm>> -> memref<80x128xf32, #tpu.memory_space<hbm>>
      %dma_start3A_1826 = arith.constant 0 : i32
      %dma_start3A_1827 = arith.constant 0 : i32
      %dma_start3A_1828 = tpu.memref_slice %arg6[%dma_start3A_1814, %dma_start3A_1826, %dma_start3A_1827] : memref<4x80x128xf32, #tpu.memory_space<vmem>> -> memref<1x80x128xf32, #tpu.memory_space<vmem>>
      %dma_start3A_1829 = tpu.memref_squeeze %dma_start3A_1828 : memref<1x80x128xf32, #tpu.memory_space<vmem>> -> memref<80x128xf32, #tpu.memory_space<vmem>>
      tpu.enqueue_dma source(%dma_start3A_1829 : memref<80x128xf32, #tpu.memory_space<vmem>>) target(%dma_start3A_1825 : memref<80x128xf32, #tpu.memory_space<hbm>>) target_semaphore(%dma_start3A_1823 : memref<!tpu.dma_semaphore, #tpu.memory_space<semaphore_mem>>)
      %add3A_1830 = arith.constant 4 : i32
      %add3A_1831 = arith.addi %add3A_1791, %add3A_1830 : i32
      %lt3A_1832 = arith.constant 320 : i32
      %lt3A_1833 = arith.cmpi slt, %add3A_1831, %lt3A_1832 : i32
      %convert_element_type3A_1834 = arith.extui %lt3A_1833 : i1 to i32
      %cond3A_1835 = arith.constant 0 : i32
      %cond3A_1836 = arith.cmpi ne, %convert_element_type3A_1834, %cond3A_1835 : i32
      scf.if %cond3A_1836 {
        %mul3A_2188 = arith.constant 80 : i32
        %mul3A_2189 = arith.muli %add3A_1791, %mul3A_2188 : i32
        %add3A_2190 = arith.addi %mul3A_2, %mul3A_2189 : i32
        %dma_wait3A_2191 = arith.constant 0 : i32
        %dma_wait3A_2192 = arith.constant 0 : i32
        %dma_wait3A_2193 = arith.constant 0 : i32
        %dma_wait3A_2194 = arith.constant 0 : i32
        %dma_wait3A_2195 = tpu.memref_slice %arg6[%dma_wait3A_2191, %dma_wait3A_2193, %dma_wait3A_2194] : memref<4x80x128xf32, #tpu.memory_space<vmem>> -> memref<1x80x128xf32, #tpu.memory_space<vmem>>
        %dma_wait3A_2196 = tpu.memref_squeeze %dma_wait3A_2195 : memref<1x80x128xf32, #tpu.memory_space<vmem>> -> memref<80x128xf32, #tpu.memory_space<vmem>>
        %dma_wait3A_2197 = arith.constant 0 : i32
        %dma_wait3A_2198 = tpu.memref_slice %arg4[%add3A_2190, %dma_wait3A_2197] : memref<819200x128xf32, #tpu.memory_space<hbm>> -> memref<80x128xf32, #tpu.memory_space<hbm>>
        %dma_wait3A_2199 = tpu.memref_slice %arg9[%dma_wait3A_2192] : memref<4x!tpu.dma_semaphore, #tpu.memory_space<semaphore_mem>> -> memref<1x!tpu.dma_semaphore, #tpu.memory_space<semaphore_mem>>
        %dma_wait3A_2200 = tpu.memref_squeeze %dma_wait3A_2199 : memref<1x!tpu.dma_semaphore, #tpu.memory_space<semaphore_mem>> -> memref<!tpu.dma_semaphore, #tpu.memory_space<semaphore_mem>>
        %dma_wait3A_2201 = arith.constant 0 : i32
        %dma_wait3A_2202 = tpu.memref_slice %arg4[%add3A_2190, %dma_wait3A_2201] : memref<819200x128xf32, #tpu.memory_space<hbm>> -> memref<80x128xf32, #tpu.memory_space<hbm>>
        %dma_wait3A_2203 = arith.constant 0 : i32
        %dma_wait3A_2204 = arith.constant 0 : i32
        %dma_wait3A_2205 = tpu.memref_slice %arg6[%dma_wait3A_2191, %dma_wait3A_2203, %dma_wait3A_2204] : memref<4x80x128xf32, #tpu.memory_space<vmem>> -> memref<1x80x128xf32, #tpu.memory_space<vmem>>
        %dma_wait3A_2206 = tpu.memref_squeeze %dma_wait3A_2205 : memref<1x80x128xf32, #tpu.memory_space<vmem>> -> memref<80x128xf32, #tpu.memory_space<vmem>>
        tpu.wait_dma2 semaphore(%dma_wait3A_2200 : memref<!tpu.dma_semaphore, #tpu.memory_space<semaphore_mem>>) src(%dma_wait3A_2206 : memref<80x128xf32, #tpu.memory_space<vmem>>) dst(%dma_wait3A_2202 : memref<80x128xf32, #tpu.memory_space<hbm>>)
        %dma_start3A_2207 = arith.constant 36 : i32
        %dma_start3A_2208 = arith.constant 0 : i32
        %dma_start3A_2209 = arith.constant 0 : i32
        %dma_start3A_2210 = arith.constant 0 : i32
        %dma_start3A_2211 = arith.constant 0 : i32
        %dma_start3A_2212 = tpu.memref_slice %arg6[%dma_start3A_2208, %dma_start3A_2210, %dma_start3A_2211] : memref<4x80x128xf32, #tpu.memory_space<vmem>> -> memref<1x80x128xf32, #tpu.memory_space<vmem>>
        %dma_start3A_2213 = tpu.memref_squeeze %dma_start3A_2212 : memref<1x80x128xf32, #tpu.memory_space<vmem>> -> memref<80x128xf32, #tpu.memory_space<vmem>>
        %dma_start3A_2214 = arith.constant 0 : i32
        %dma_start3A_2215 = arith.constant 0 : i32
        %dma_start3A_2216 = tpu.memref_slice %arg5[%rem3A_215, %dma_start3A_2214, %dma_start3A_2215] : memref<2x40x80xi32, #tpu.memory_space<vmem>> -> memref<1x40x80xi32, #tpu.memory_space<vmem>>
        %dma_start3A_2217 = tpu.memref_squeeze %dma_start3A_2216 : memref<1x40x80xi32, #tpu.memory_space<vmem>> -> memref<40x80xi32, #tpu.memory_space<vmem>>
        %dma_start3A_2218 = arith.constant 0 : i32
        %dma_start3A_2219 = tpu.memref_slice %dma_start3A_2217[%dma_start3A_2207, %dma_start3A_2218] : memref<40x80xi32, #tpu.memory_space<vmem>> -> memref<1x80xi32, #tpu.memory_space<vmem>>
        %dma_start3A_2220 = tpu.memref_squeeze %dma_start3A_2219 : memref<1x80xi32, #tpu.memory_space<vmem>> -> memref<80xi32, #tpu.memory_space<vmem>>
        %dma_start3A_2221 = arith.constant 0 : i32
        %dma_start3A_2222 = arith.constant 0 : i32
        %dma_start3A_2223 = tpu.memref_slice %arg7[%dma_start3A_2221, %dma_start3A_2222] : memref<8192x128xf32, #tpu.memory_space<vmem_shared>> -> memref<8192x128xf32, #tpu.memory_space<vmem_shared>>
        %dma_start3A_2224 = tpu.memref_slice %arg8[%dma_start3A_2209] : memref<4x!tpu.dma_semaphore, #tpu.memory_space<semaphore_mem>> -> memref<1x!tpu.dma_semaphore, #tpu.memory_space<semaphore_mem>>
        %dma_start3A_2225 = tpu.memref_squeeze %dma_start3A_2224 : memref<1x!tpu.dma_semaphore, #tpu.memory_space<semaphore_mem>> -> memref<!tpu.dma_semaphore, #tpu.memory_space<semaphore_mem>>
        tpu.enqueue_indirect_dma source(%dma_start3A_2223 : memref<8192x128xf32, #tpu.memory_space<vmem_shared>>) target(%dma_start3A_2213 : memref<80x128xf32, #tpu.memory_space<vmem>>) offsets(%dma_start3A_2220 : memref<80xi32, #tpu.memory_space<vmem>>) semaphore(%dma_start3A_2225 : memref<!tpu.dma_semaphore, #tpu.memory_space<semaphore_mem>>)
      } else {
      }
      %mul3A_1837 = arith.constant 40 : i32
      %mul3A_1838 = arith.muli %scan3A_213, %mul3A_1837 : i32
      %add3A_1839 = arith.constant 33 : i32
      %add3A_1840 = arith.addi %mul3A_1838, %add3A_1839 : i32
      %dma_wait3A_1841 = arith.constant 33 : i32
      %dma_wait3A_1842 = arith.constant 1 : i32
      %dma_wait3A_1843 = arith.constant 1 : i32
      %dma_wait3A_1844 = arith.constant 0 : i32
      %dma_wait3A_1845 = arith.constant 0 : i32
      %dma_wait3A_1846 = tpu.memref_slice %arg6[%dma_wait3A_1842, %dma_wait3A_1844, %dma_wait3A_1845] : memref<4x80x128xf32, #tpu.memory_space<vmem>> -> memref<1x80x128xf32, #tpu.memory_space<vmem>>
      %dma_wait3A_1847 = tpu.memref_squeeze %dma_wait3A_1846 : memref<1x80x128xf32, #tpu.memory_space<vmem>> -> memref<80x128xf32, #tpu.memory_space<vmem>>
      %dma_wait3A_1848 = arith.constant 0 : i32
      %dma_wait3A_1849 = arith.constant 0 : i32
      %dma_wait3A_1850 = tpu.memref_slice %arg5[%rem3A_215, %dma_wait3A_1848, %dma_wait3A_1849] : memref<2x40x80xi32, #tpu.memory_space<vmem>> -> memref<1x40x80xi32, #tpu.memory_space<vmem>>
      %dma_wait3A_1851 = tpu.memref_squeeze %dma_wait3A_1850 : memref<1x40x80xi32, #tpu.memory_space<vmem>> -> memref<40x80xi32, #tpu.memory_space<vmem>>
      %dma_wait3A_1852 = arith.constant 0 : i32
      %dma_wait3A_1853 = tpu.memref_slice %dma_wait3A_1851[%dma_wait3A_1841, %dma_wait3A_1852] : memref<40x80xi32, #tpu.memory_space<vmem>> -> memref<1x80xi32, #tpu.memory_space<vmem>>
      %dma_wait3A_1854 = tpu.memref_squeeze %dma_wait3A_1853 : memref<1x80xi32, #tpu.memory_space<vmem>> -> memref<80xi32, #tpu.memory_space<vmem>>
      %dma_wait3A_1855 = arith.constant 0 : i32
      %dma_wait3A_1856 = arith.constant 0 : i32
      %dma_wait3A_1857 = tpu.memref_slice %arg7[%dma_wait3A_1855, %dma_wait3A_1856] : memref<8192x128xf32, #tpu.memory_space<vmem_shared>> -> memref<8192x128xf32, #tpu.memory_space<vmem_shared>>
      %dma_wait3A_1858 = tpu.memref_slice %arg8[%dma_wait3A_1843] : memref<4x!tpu.dma_semaphore, #tpu.memory_space<semaphore_mem>> -> memref<1x!tpu.dma_semaphore, #tpu.memory_space<semaphore_mem>>
      %dma_wait3A_1859 = tpu.memref_squeeze %dma_wait3A_1858 : memref<1x!tpu.dma_semaphore, #tpu.memory_space<semaphore_mem>> -> memref<!tpu.dma_semaphore, #tpu.memory_space<semaphore_mem>>
      tpu.wait_indirect_dma semaphore(%dma_wait3A_1859 : memref<!tpu.dma_semaphore, #tpu.memory_space<semaphore_mem>>) src(%dma_wait3A_1857 : memref<8192x128xf32, #tpu.memory_space<vmem_shared>>) dst(%dma_wait3A_1847 : memref<80x128xf32, #tpu.memory_space<vmem>>)
      %mul3A_1860 = arith.constant 80 : i32
      %mul3A_1861 = arith.muli %add3A_1840, %mul3A_1860 : i32
      %add3A_1862 = arith.addi %mul3A_2, %mul3A_1861 : i32
      %dma_start3A_1863 = arith.constant 1 : i32
      %dma_start3A_1864 = arith.constant 1 : i32
      %dma_start3A_1865 = arith.constant 0 : i32
      %dma_start3A_1866 = arith.constant 0 : i32
      %dma_start3A_1867 = tpu.memref_slice %arg6[%dma_start3A_1863, %dma_start3A_1865, %dma_start3A_1866] : memref<4x80x128xf32, #tpu.memory_space<vmem>> -> memref<1x80x128xf32, #tpu.memory_space<vmem>>
      %dma_start3A_1868 = tpu.memref_squeeze %dma_start3A_1867 : memref<1x80x128xf32, #tpu.memory_space<vmem>> -> memref<80x128xf32, #tpu.memory_space<vmem>>
      %dma_start3A_1869 = arith.constant 0 : i32
      %dma_start3A_1870 = tpu.memref_slice %arg4[%add3A_1862, %dma_start3A_1869] : memref<819200x128xf32, #tpu.memory_space<hbm>> -> memref<80x128xf32, #tpu.memory_space<hbm>>
      %dma_start3A_1871 = tpu.memref_slice %arg9[%dma_start3A_1864] : memref<4x!tpu.dma_semaphore, #tpu.memory_space<semaphore_mem>> -> memref<1x!tpu.dma_semaphore, #tpu.memory_space<semaphore_mem>>
      %dma_start3A_1872 = tpu.memref_squeeze %dma_start3A_1871 : memref<1x!tpu.dma_semaphore, #tpu.memory_space<semaphore_mem>> -> memref<!tpu.dma_semaphore, #tpu.memory_space<semaphore_mem>>
      %dma_start3A_1873 = arith.constant 0 : i32
      %dma_start3A_1874 = tpu.memref_slice %arg4[%add3A_1862, %dma_start3A_1873] : memref<819200x128xf32, #tpu.memory_space<hbm>> -> memref<80x128xf32, #tpu.memory_space<hbm>>
      %dma_start3A_1875 = arith.constant 0 : i32
      %dma_start3A_1876 = arith.constant 0 : i32
      %dma_start3A_1877 = tpu.memref_slice %arg6[%dma_start3A_1863, %dma_start3A_1875, %dma_start3A_1876] : memref<4x80x128xf32, #tpu.memory_space<vmem>> -> memref<1x80x128xf32, #tpu.memory_space<vmem>>
      %dma_start3A_1878 = tpu.memref_squeeze %dma_start3A_1877 : memref<1x80x128xf32, #tpu.memory_space<vmem>> -> memref<80x128xf32, #tpu.memory_space<vmem>>
      tpu.enqueue_dma source(%dma_start3A_1878 : memref<80x128xf32, #tpu.memory_space<vmem>>) target(%dma_start3A_1874 : memref<80x128xf32, #tpu.memory_space<hbm>>) target_semaphore(%dma_start3A_1872 : memref<!tpu.dma_semaphore, #tpu.memory_space<semaphore_mem>>)
      %add3A_1879 = arith.constant 4 : i32
      %add3A_1880 = arith.addi %add3A_1840, %add3A_1879 : i32
      %lt3A_1881 = arith.constant 320 : i32
      %lt3A_1882 = arith.cmpi slt, %add3A_1880, %lt3A_1881 : i32
      %convert_element_type3A_1883 = arith.extui %lt3A_1882 : i1 to i32
      %cond3A_1884 = arith.constant 0 : i32
      %cond3A_1885 = arith.cmpi ne, %convert_element_type3A_1883, %cond3A_1884 : i32
      scf.if %cond3A_1885 {
        %mul3A_2188 = arith.constant 80 : i32
        %mul3A_2189 = arith.muli %add3A_1840, %mul3A_2188 : i32
        %add3A_2190 = arith.addi %mul3A_2, %mul3A_2189 : i32
        %dma_wait3A_2191 = arith.constant 1 : i32
        %dma_wait3A_2192 = arith.constant 1 : i32
        %dma_wait3A_2193 = arith.constant 0 : i32
        %dma_wait3A_2194 = arith.constant 0 : i32
        %dma_wait3A_2195 = tpu.memref_slice %arg6[%dma_wait3A_2191, %dma_wait3A_2193, %dma_wait3A_2194] : memref<4x80x128xf32, #tpu.memory_space<vmem>> -> memref<1x80x128xf32, #tpu.memory_space<vmem>>
        %dma_wait3A_2196 = tpu.memref_squeeze %dma_wait3A_2195 : memref<1x80x128xf32, #tpu.memory_space<vmem>> -> memref<80x128xf32, #tpu.memory_space<vmem>>
        %dma_wait3A_2197 = arith.constant 0 : i32
        %dma_wait3A_2198 = tpu.memref_slice %arg4[%add3A_2190, %dma_wait3A_2197] : memref<819200x128xf32, #tpu.memory_space<hbm>> -> memref<80x128xf32, #tpu.memory_space<hbm>>
        %dma_wait3A_2199 = tpu.memref_slice %arg9[%dma_wait3A_2192] : memref<4x!tpu.dma_semaphore, #tpu.memory_space<semaphore_mem>> -> memref<1x!tpu.dma_semaphore, #tpu.memory_space<semaphore_mem>>
        %dma_wait3A_2200 = tpu.memref_squeeze %dma_wait3A_2199 : memref<1x!tpu.dma_semaphore, #tpu.memory_space<semaphore_mem>> -> memref<!tpu.dma_semaphore, #tpu.memory_space<semaphore_mem>>
        %dma_wait3A_2201 = arith.constant 0 : i32
        %dma_wait3A_2202 = tpu.memref_slice %arg4[%add3A_2190, %dma_wait3A_2201] : memref<819200x128xf32, #tpu.memory_space<hbm>> -> memref<80x128xf32, #tpu.memory_space<hbm>>
        %dma_wait3A_2203 = arith.constant 0 : i32
        %dma_wait3A_2204 = arith.constant 0 : i32
        %dma_wait3A_2205 = tpu.memref_slice %arg6[%dma_wait3A_2191, %dma_wait3A_2203, %dma_wait3A_2204] : memref<4x80x128xf32, #tpu.memory_space<vmem>> -> memref<1x80x128xf32, #tpu.memory_space<vmem>>
        %dma_wait3A_2206 = tpu.memref_squeeze %dma_wait3A_2205 : memref<1x80x128xf32, #tpu.memory_space<vmem>> -> memref<80x128xf32, #tpu.memory_space<vmem>>
        tpu.wait_dma2 semaphore(%dma_wait3A_2200 : memref<!tpu.dma_semaphore, #tpu.memory_space<semaphore_mem>>) src(%dma_wait3A_2206 : memref<80x128xf32, #tpu.memory_space<vmem>>) dst(%dma_wait3A_2202 : memref<80x128xf32, #tpu.memory_space<hbm>>)
        %dma_start3A_2207 = arith.constant 37 : i32
        %dma_start3A_2208 = arith.constant 1 : i32
        %dma_start3A_2209 = arith.constant 1 : i32
        %dma_start3A_2210 = arith.constant 0 : i32
        %dma_start3A_2211 = arith.constant 0 : i32
        %dma_start3A_2212 = tpu.memref_slice %arg6[%dma_start3A_2208, %dma_start3A_2210, %dma_start3A_2211] : memref<4x80x128xf32, #tpu.memory_space<vmem>> -> memref<1x80x128xf32, #tpu.memory_space<vmem>>
        %dma_start3A_2213 = tpu.memref_squeeze %dma_start3A_2212 : memref<1x80x128xf32, #tpu.memory_space<vmem>> -> memref<80x128xf32, #tpu.memory_space<vmem>>
        %dma_start3A_2214 = arith.constant 0 : i32
        %dma_start3A_2215 = arith.constant 0 : i32
        %dma_start3A_2216 = tpu.memref_slice %arg5[%rem3A_215, %dma_start3A_2214, %dma_start3A_2215] : memref<2x40x80xi32, #tpu.memory_space<vmem>> -> memref<1x40x80xi32, #tpu.memory_space<vmem>>
        %dma_start3A_2217 = tpu.memref_squeeze %dma_start3A_2216 : memref<1x40x80xi32, #tpu.memory_space<vmem>> -> memref<40x80xi32, #tpu.memory_space<vmem>>
        %dma_start3A_2218 = arith.constant 0 : i32
        %dma_start3A_2219 = tpu.memref_slice %dma_start3A_2217[%dma_start3A_2207, %dma_start3A_2218] : memref<40x80xi32, #tpu.memory_space<vmem>> -> memref<1x80xi32, #tpu.memory_space<vmem>>
        %dma_start3A_2220 = tpu.memref_squeeze %dma_start3A_2219 : memref<1x80xi32, #tpu.memory_space<vmem>> -> memref<80xi32, #tpu.memory_space<vmem>>
        %dma_start3A_2221 = arith.constant 0 : i32
        %dma_start3A_2222 = arith.constant 0 : i32
        %dma_start3A_2223 = tpu.memref_slice %arg7[%dma_start3A_2221, %dma_start3A_2222] : memref<8192x128xf32, #tpu.memory_space<vmem_shared>> -> memref<8192x128xf32, #tpu.memory_space<vmem_shared>>
        %dma_start3A_2224 = tpu.memref_slice %arg8[%dma_start3A_2209] : memref<4x!tpu.dma_semaphore, #tpu.memory_space<semaphore_mem>> -> memref<1x!tpu.dma_semaphore, #tpu.memory_space<semaphore_mem>>
        %dma_start3A_2225 = tpu.memref_squeeze %dma_start3A_2224 : memref<1x!tpu.dma_semaphore, #tpu.memory_space<semaphore_mem>> -> memref<!tpu.dma_semaphore, #tpu.memory_space<semaphore_mem>>
        tpu.enqueue_indirect_dma source(%dma_start3A_2223 : memref<8192x128xf32, #tpu.memory_space<vmem_shared>>) target(%dma_start3A_2213 : memref<80x128xf32, #tpu.memory_space<vmem>>) offsets(%dma_start3A_2220 : memref<80xi32, #tpu.memory_space<vmem>>) semaphore(%dma_start3A_2225 : memref<!tpu.dma_semaphore, #tpu.memory_space<semaphore_mem>>)
      } else {
      }
      %mul3A_1886 = arith.constant 40 : i32
      %mul3A_1887 = arith.muli %scan3A_213, %mul3A_1886 : i32
      %add3A_1888 = arith.constant 34 : i32
      %add3A_1889 = arith.addi %mul3A_1887, %add3A_1888 : i32
      %dma_wait3A_1890 = arith.constant 34 : i32
      %dma_wait3A_1891 = arith.constant 2 : i32
      %dma_wait3A_1892 = arith.constant 2 : i32
      %dma_wait3A_1893 = arith.constant 0 : i32
      %dma_wait3A_1894 = arith.constant 0 : i32
      %dma_wait3A_1895 = tpu.memref_slice %arg6[%dma_wait3A_1891, %dma_wait3A_1893, %dma_wait3A_1894] : memref<4x80x128xf32, #tpu.memory_space<vmem>> -> memref<1x80x128xf32, #tpu.memory_space<vmem>>
      %dma_wait3A_1896 = tpu.memref_squeeze %dma_wait3A_1895 : memref<1x80x128xf32, #tpu.memory_space<vmem>> -> memref<80x128xf32, #tpu.memory_space<vmem>>
      %dma_wait3A_1897 = arith.constant 0 : i32
      %dma_wait3A_1898 = arith.constant 0 : i32
      %dma_wait3A_1899 = tpu.memref_slice %arg5[%rem3A_215, %dma_wait3A_1897, %dma_wait3A_1898] : memref<2x40x80xi32, #tpu.memory_space<vmem>> -> memref<1x40x80xi32, #tpu.memory_space<vmem>>
      %dma_wait3A_1900 = tpu.memref_squeeze %dma_wait3A_1899 : memref<1x40x80xi32, #tpu.memory_space<vmem>> -> memref<40x80xi32, #tpu.memory_space<vmem>>
      %dma_wait3A_1901 = arith.constant 0 : i32
      %dma_wait3A_1902 = tpu.memref_slice %dma_wait3A_1900[%dma_wait3A_1890, %dma_wait3A_1901] : memref<40x80xi32, #tpu.memory_space<vmem>> -> memref<1x80xi32, #tpu.memory_space<vmem>>
      %dma_wait3A_1903 = tpu.memref_squeeze %dma_wait3A_1902 : memref<1x80xi32, #tpu.memory_space<vmem>> -> memref<80xi32, #tpu.memory_space<vmem>>
      %dma_wait3A_1904 = arith.constant 0 : i32
      %dma_wait3A_1905 = arith.constant 0 : i32
      %dma_wait3A_1906 = tpu.memref_slice %arg7[%dma_wait3A_1904, %dma_wait3A_1905] : memref<8192x128xf32, #tpu.memory_space<vmem_shared>> -> memref<8192x128xf32, #tpu.memory_space<vmem_shared>>
      %dma_wait3A_1907 = tpu.memref_slice %arg8[%dma_wait3A_1892] : memref<4x!tpu.dma_semaphore, #tpu.memory_space<semaphore_mem>> -> memref<1x!tpu.dma_semaphore, #tpu.memory_space<semaphore_mem>>
      %dma_wait3A_1908 = tpu.memref_squeeze %dma_wait3A_1907 : memref<1x!tpu.dma_semaphore, #tpu.memory_space<semaphore_mem>> -> memref<!tpu.dma_semaphore, #tpu.memory_space<semaphore_mem>>
      tpu.wait_indirect_dma semaphore(%dma_wait3A_1908 : memref<!tpu.dma_semaphore, #tpu.memory_space<semaphore_mem>>) src(%dma_wait3A_1906 : memref<8192x128xf32, #tpu.memory_space<vmem_shared>>) dst(%dma_wait3A_1896 : memref<80x128xf32, #tpu.memory_space<vmem>>)
      %mul3A_1909 = arith.constant 80 : i32
      %mul3A_1910 = arith.muli %add3A_1889, %mul3A_1909 : i32
      %add3A_1911 = arith.addi %mul3A_2, %mul3A_1910 : i32
      %dma_start3A_1912 = arith.constant 2 : i32
      %dma_start3A_1913 = arith.constant 2 : i32
      %dma_start3A_1914 = arith.constant 0 : i32
      %dma_start3A_1915 = arith.constant 0 : i32
      %dma_start3A_1916 = tpu.memref_slice %arg6[%dma_start3A_1912, %dma_start3A_1914, %dma_start3A_1915] : memref<4x80x128xf32, #tpu.memory_space<vmem>> -> memref<1x80x128xf32, #tpu.memory_space<vmem>>
      %dma_start3A_1917 = tpu.memref_squeeze %dma_start3A_1916 : memref<1x80x128xf32, #tpu.memory_space<vmem>> -> memref<80x128xf32, #tpu.memory_space<vmem>>
      %dma_start3A_1918 = arith.constant 0 : i32
      %dma_start3A_1919 = tpu.memref_slice %arg4[%add3A_1911, %dma_start3A_1918] : memref<819200x128xf32, #tpu.memory_space<hbm>> -> memref<80x128xf32, #tpu.memory_space<hbm>>
      %dma_start3A_1920 = tpu.memref_slice %arg9[%dma_start3A_1913] : memref<4x!tpu.dma_semaphore, #tpu.memory_space<semaphore_mem>> -> memref<1x!tpu.dma_semaphore, #tpu.memory_space<semaphore_mem>>
      %dma_start3A_1921 = tpu.memref_squeeze %dma_start3A_1920 : memref<1x!tpu.dma_semaphore, #tpu.memory_space<semaphore_mem>> -> memref<!tpu.dma_semaphore, #tpu.memory_space<semaphore_mem>>
      %dma_start3A_1922 = arith.constant 0 : i32
      %dma_start3A_1923 = tpu.memref_slice %arg4[%add3A_1911, %dma_start3A_1922] : memref<819200x128xf32, #tpu.memory_space<hbm>> -> memref<80x128xf32, #tpu.memory_space<hbm>>
      %dma_start3A_1924 = arith.constant 0 : i32
      %dma_start3A_1925 = arith.constant 0 : i32
      %dma_start3A_1926 = tpu.memref_slice %arg6[%dma_start3A_1912, %dma_start3A_1924, %dma_start3A_1925] : memref<4x80x128xf32, #tpu.memory_space<vmem>> -> memref<1x80x128xf32, #tpu.memory_space<vmem>>
      %dma_start3A_1927 = tpu.memref_squeeze %dma_start3A_1926 : memref<1x80x128xf32, #tpu.memory_space<vmem>> -> memref<80x128xf32, #tpu.memory_space<vmem>>
      tpu.enqueue_dma source(%dma_start3A_1927 : memref<80x128xf32, #tpu.memory_space<vmem>>) target(%dma_start3A_1923 : memref<80x128xf32, #tpu.memory_space<hbm>>) target_semaphore(%dma_start3A_1921 : memref<!tpu.dma_semaphore, #tpu.memory_space<semaphore_mem>>)
      %add3A_1928 = arith.constant 4 : i32
      %add3A_1929 = arith.addi %add3A_1889, %add3A_1928 : i32
      %lt3A_1930 = arith.constant 320 : i32
      %lt3A_1931 = arith.cmpi slt, %add3A_1929, %lt3A_1930 : i32
      %convert_element_type3A_1932 = arith.extui %lt3A_1931 : i1 to i32
      %cond3A_1933 = arith.constant 0 : i32
      %cond3A_1934 = arith.cmpi ne, %convert_element_type3A_1932, %cond3A_1933 : i32
      scf.if %cond3A_1934 {
        %mul3A_2188 = arith.constant 80 : i32
        %mul3A_2189 = arith.muli %add3A_1889, %mul3A_2188 : i32
        %add3A_2190 = arith.addi %mul3A_2, %mul3A_2189 : i32
        %dma_wait3A_2191 = arith.constant 2 : i32
        %dma_wait3A_2192 = arith.constant 2 : i32
        %dma_wait3A_2193 = arith.constant 0 : i32
        %dma_wait3A_2194 = arith.constant 0 : i32
        %dma_wait3A_2195 = tpu.memref_slice %arg6[%dma_wait3A_2191, %dma_wait3A_2193, %dma_wait3A_2194] : memref<4x80x128xf32, #tpu.memory_space<vmem>> -> memref<1x80x128xf32, #tpu.memory_space<vmem>>
        %dma_wait3A_2196 = tpu.memref_squeeze %dma_wait3A_2195 : memref<1x80x128xf32, #tpu.memory_space<vmem>> -> memref<80x128xf32, #tpu.memory_space<vmem>>
        %dma_wait3A_2197 = arith.constant 0 : i32
        %dma_wait3A_2198 = tpu.memref_slice %arg4[%add3A_2190, %dma_wait3A_2197] : memref<819200x128xf32, #tpu.memory_space<hbm>> -> memref<80x128xf32, #tpu.memory_space<hbm>>
        %dma_wait3A_2199 = tpu.memref_slice %arg9[%dma_wait3A_2192] : memref<4x!tpu.dma_semaphore, #tpu.memory_space<semaphore_mem>> -> memref<1x!tpu.dma_semaphore, #tpu.memory_space<semaphore_mem>>
        %dma_wait3A_2200 = tpu.memref_squeeze %dma_wait3A_2199 : memref<1x!tpu.dma_semaphore, #tpu.memory_space<semaphore_mem>> -> memref<!tpu.dma_semaphore, #tpu.memory_space<semaphore_mem>>
        %dma_wait3A_2201 = arith.constant 0 : i32
        %dma_wait3A_2202 = tpu.memref_slice %arg4[%add3A_2190, %dma_wait3A_2201] : memref<819200x128xf32, #tpu.memory_space<hbm>> -> memref<80x128xf32, #tpu.memory_space<hbm>>
        %dma_wait3A_2203 = arith.constant 0 : i32
        %dma_wait3A_2204 = arith.constant 0 : i32
        %dma_wait3A_2205 = tpu.memref_slice %arg6[%dma_wait3A_2191, %dma_wait3A_2203, %dma_wait3A_2204] : memref<4x80x128xf32, #tpu.memory_space<vmem>> -> memref<1x80x128xf32, #tpu.memory_space<vmem>>
        %dma_wait3A_2206 = tpu.memref_squeeze %dma_wait3A_2205 : memref<1x80x128xf32, #tpu.memory_space<vmem>> -> memref<80x128xf32, #tpu.memory_space<vmem>>
        tpu.wait_dma2 semaphore(%dma_wait3A_2200 : memref<!tpu.dma_semaphore, #tpu.memory_space<semaphore_mem>>) src(%dma_wait3A_2206 : memref<80x128xf32, #tpu.memory_space<vmem>>) dst(%dma_wait3A_2202 : memref<80x128xf32, #tpu.memory_space<hbm>>)
        %dma_start3A_2207 = arith.constant 38 : i32
        %dma_start3A_2208 = arith.constant 2 : i32
        %dma_start3A_2209 = arith.constant 2 : i32
        %dma_start3A_2210 = arith.constant 0 : i32
        %dma_start3A_2211 = arith.constant 0 : i32
        %dma_start3A_2212 = tpu.memref_slice %arg6[%dma_start3A_2208, %dma_start3A_2210, %dma_start3A_2211] : memref<4x80x128xf32, #tpu.memory_space<vmem>> -> memref<1x80x128xf32, #tpu.memory_space<vmem>>
        %dma_start3A_2213 = tpu.memref_squeeze %dma_start3A_2212 : memref<1x80x128xf32, #tpu.memory_space<vmem>> -> memref<80x128xf32, #tpu.memory_space<vmem>>
        %dma_start3A_2214 = arith.constant 0 : i32
        %dma_start3A_2215 = arith.constant 0 : i32
        %dma_start3A_2216 = tpu.memref_slice %arg5[%rem3A_215, %dma_start3A_2214, %dma_start3A_2215] : memref<2x40x80xi32, #tpu.memory_space<vmem>> -> memref<1x40x80xi32, #tpu.memory_space<vmem>>
        %dma_start3A_2217 = tpu.memref_squeeze %dma_start3A_2216 : memref<1x40x80xi32, #tpu.memory_space<vmem>> -> memref<40x80xi32, #tpu.memory_space<vmem>>
        %dma_start3A_2218 = arith.constant 0 : i32
        %dma_start3A_2219 = tpu.memref_slice %dma_start3A_2217[%dma_start3A_2207, %dma_start3A_2218] : memref<40x80xi32, #tpu.memory_space<vmem>> -> memref<1x80xi32, #tpu.memory_space<vmem>>
        %dma_start3A_2220 = tpu.memref_squeeze %dma_start3A_2219 : memref<1x80xi32, #tpu.memory_space<vmem>> -> memref<80xi32, #tpu.memory_space<vmem>>
        %dma_start3A_2221 = arith.constant 0 : i32
        %dma_start3A_2222 = arith.constant 0 : i32
        %dma_start3A_2223 = tpu.memref_slice %arg7[%dma_start3A_2221, %dma_start3A_2222] : memref<8192x128xf32, #tpu.memory_space<vmem_shared>> -> memref<8192x128xf32, #tpu.memory_space<vmem_shared>>
        %dma_start3A_2224 = tpu.memref_slice %arg8[%dma_start3A_2209] : memref<4x!tpu.dma_semaphore, #tpu.memory_space<semaphore_mem>> -> memref<1x!tpu.dma_semaphore, #tpu.memory_space<semaphore_mem>>
        %dma_start3A_2225 = tpu.memref_squeeze %dma_start3A_2224 : memref<1x!tpu.dma_semaphore, #tpu.memory_space<semaphore_mem>> -> memref<!tpu.dma_semaphore, #tpu.memory_space<semaphore_mem>>
        tpu.enqueue_indirect_dma source(%dma_start3A_2223 : memref<8192x128xf32, #tpu.memory_space<vmem_shared>>) target(%dma_start3A_2213 : memref<80x128xf32, #tpu.memory_space<vmem>>) offsets(%dma_start3A_2220 : memref<80xi32, #tpu.memory_space<vmem>>) semaphore(%dma_start3A_2225 : memref<!tpu.dma_semaphore, #tpu.memory_space<semaphore_mem>>)
      } else {
      }
      %mul3A_1935 = arith.constant 40 : i32
      %mul3A_1936 = arith.muli %scan3A_213, %mul3A_1935 : i32
      %add3A_1937 = arith.constant 35 : i32
      %add3A_1938 = arith.addi %mul3A_1936, %add3A_1937 : i32
      %dma_wait3A_1939 = arith.constant 35 : i32
      %dma_wait3A_1940 = arith.constant 3 : i32
      %dma_wait3A_1941 = arith.constant 3 : i32
      %dma_wait3A_1942 = arith.constant 0 : i32
      %dma_wait3A_1943 = arith.constant 0 : i32
      %dma_wait3A_1944 = tpu.memref_slice %arg6[%dma_wait3A_1940, %dma_wait3A_1942, %dma_wait3A_1943] : memref<4x80x128xf32, #tpu.memory_space<vmem>> -> memref<1x80x128xf32, #tpu.memory_space<vmem>>
      %dma_wait3A_1945 = tpu.memref_squeeze %dma_wait3A_1944 : memref<1x80x128xf32, #tpu.memory_space<vmem>> -> memref<80x128xf32, #tpu.memory_space<vmem>>
      %dma_wait3A_1946 = arith.constant 0 : i32
      %dma_wait3A_1947 = arith.constant 0 : i32
      %dma_wait3A_1948 = tpu.memref_slice %arg5[%rem3A_215, %dma_wait3A_1946, %dma_wait3A_1947] : memref<2x40x80xi32, #tpu.memory_space<vmem>> -> memref<1x40x80xi32, #tpu.memory_space<vmem>>
      %dma_wait3A_1949 = tpu.memref_squeeze %dma_wait3A_1948 : memref<1x40x80xi32, #tpu.memory_space<vmem>> -> memref<40x80xi32, #tpu.memory_space<vmem>>
      %dma_wait3A_1950 = arith.constant 0 : i32
      %dma_wait3A_1951 = tpu.memref_slice %dma_wait3A_1949[%dma_wait3A_1939, %dma_wait3A_1950] : memref<40x80xi32, #tpu.memory_space<vmem>> -> memref<1x80xi32, #tpu.memory_space<vmem>>
      %dma_wait3A_1952 = tpu.memref_squeeze %dma_wait3A_1951 : memref<1x80xi32, #tpu.memory_space<vmem>> -> memref<80xi32, #tpu.memory_space<vmem>>
      %dma_wait3A_1953 = arith.constant 0 : i32
      %dma_wait3A_1954 = arith.constant 0 : i32
      %dma_wait3A_1955 = tpu.memref_slice %arg7[%dma_wait3A_1953, %dma_wait3A_1954] : memref<8192x128xf32, #tpu.memory_space<vmem_shared>> -> memref<8192x128xf32, #tpu.memory_space<vmem_shared>>
      %dma_wait3A_1956 = tpu.memref_slice %arg8[%dma_wait3A_1941] : memref<4x!tpu.dma_semaphore, #tpu.memory_space<semaphore_mem>> -> memref<1x!tpu.dma_semaphore, #tpu.memory_space<semaphore_mem>>
      %dma_wait3A_1957 = tpu.memref_squeeze %dma_wait3A_1956 : memref<1x!tpu.dma_semaphore, #tpu.memory_space<semaphore_mem>> -> memref<!tpu.dma_semaphore, #tpu.memory_space<semaphore_mem>>
      tpu.wait_indirect_dma semaphore(%dma_wait3A_1957 : memref<!tpu.dma_semaphore, #tpu.memory_space<semaphore_mem>>) src(%dma_wait3A_1955 : memref<8192x128xf32, #tpu.memory_space<vmem_shared>>) dst(%dma_wait3A_1945 : memref<80x128xf32, #tpu.memory_space<vmem>>)
      %mul3A_1958 = arith.constant 80 : i32
      %mul3A_1959 = arith.muli %add3A_1938, %mul3A_1958 : i32
      %add3A_1960 = arith.addi %mul3A_2, %mul3A_1959 : i32
      %dma_start3A_1961 = arith.constant 3 : i32
      %dma_start3A_1962 = arith.constant 3 : i32
      %dma_start3A_1963 = arith.constant 0 : i32
      %dma_start3A_1964 = arith.constant 0 : i32
      %dma_start3A_1965 = tpu.memref_slice %arg6[%dma_start3A_1961, %dma_start3A_1963, %dma_start3A_1964] : memref<4x80x128xf32, #tpu.memory_space<vmem>> -> memref<1x80x128xf32, #tpu.memory_space<vmem>>
      %dma_start3A_1966 = tpu.memref_squeeze %dma_start3A_1965 : memref<1x80x128xf32, #tpu.memory_space<vmem>> -> memref<80x128xf32, #tpu.memory_space<vmem>>
      %dma_start3A_1967 = arith.constant 0 : i32
      %dma_start3A_1968 = tpu.memref_slice %arg4[%add3A_1960, %dma_start3A_1967] : memref<819200x128xf32, #tpu.memory_space<hbm>> -> memref<80x128xf32, #tpu.memory_space<hbm>>
      %dma_start3A_1969 = tpu.memref_slice %arg9[%dma_start3A_1962] : memref<4x!tpu.dma_semaphore, #tpu.memory_space<semaphore_mem>> -> memref<1x!tpu.dma_semaphore, #tpu.memory_space<semaphore_mem>>
      %dma_start3A_1970 = tpu.memref_squeeze %dma_start3A_1969 : memref<1x!tpu.dma_semaphore, #tpu.memory_space<semaphore_mem>> -> memref<!tpu.dma_semaphore, #tpu.memory_space<semaphore_mem>>
      %dma_start3A_1971 = arith.constant 0 : i32
      %dma_start3A_1972 = tpu.memref_slice %arg4[%add3A_1960, %dma_start3A_1971] : memref<819200x128xf32, #tpu.memory_space<hbm>> -> memref<80x128xf32, #tpu.memory_space<hbm>>
      %dma_start3A_1973 = arith.constant 0 : i32
      %dma_start3A_1974 = arith.constant 0 : i32
      %dma_start3A_1975 = tpu.memref_slice %arg6[%dma_start3A_1961, %dma_start3A_1973, %dma_start3A_1974] : memref<4x80x128xf32, #tpu.memory_space<vmem>> -> memref<1x80x128xf32, #tpu.memory_space<vmem>>
      %dma_start3A_1976 = tpu.memref_squeeze %dma_start3A_1975 : memref<1x80x128xf32, #tpu.memory_space<vmem>> -> memref<80x128xf32, #tpu.memory_space<vmem>>
      tpu.enqueue_dma source(%dma_start3A_1976 : memref<80x128xf32, #tpu.memory_space<vmem>>) target(%dma_start3A_1972 : memref<80x128xf32, #tpu.memory_space<hbm>>) target_semaphore(%dma_start3A_1970 : memref<!tpu.dma_semaphore, #tpu.memory_space<semaphore_mem>>)
      %add3A_1977 = arith.constant 4 : i32
      %add3A_1978 = arith.addi %add3A_1938, %add3A_1977 : i32
      %lt3A_1979 = arith.constant 320 : i32
      %lt3A_1980 = arith.cmpi slt, %add3A_1978, %lt3A_1979 : i32
      %convert_element_type3A_1981 = arith.extui %lt3A_1980 : i1 to i32
      %cond3A_1982 = arith.constant 0 : i32
      %cond3A_1983 = arith.cmpi ne, %convert_element_type3A_1981, %cond3A_1982 : i32
      scf.if %cond3A_1983 {
        %mul3A_2188 = arith.constant 80 : i32
        %mul3A_2189 = arith.muli %add3A_1938, %mul3A_2188 : i32
        %add3A_2190 = arith.addi %mul3A_2, %mul3A_2189 : i32
        %dma_wait3A_2191 = arith.constant 3 : i32
        %dma_wait3A_2192 = arith.constant 3 : i32
        %dma_wait3A_2193 = arith.constant 0 : i32
        %dma_wait3A_2194 = arith.constant 0 : i32
        %dma_wait3A_2195 = tpu.memref_slice %arg6[%dma_wait3A_2191, %dma_wait3A_2193, %dma_wait3A_2194] : memref<4x80x128xf32, #tpu.memory_space<vmem>> -> memref<1x80x128xf32, #tpu.memory_space<vmem>>
        %dma_wait3A_2196 = tpu.memref_squeeze %dma_wait3A_2195 : memref<1x80x128xf32, #tpu.memory_space<vmem>> -> memref<80x128xf32, #tpu.memory_space<vmem>>
        %dma_wait3A_2197 = arith.constant 0 : i32
        %dma_wait3A_2198 = tpu.memref_slice %arg4[%add3A_2190, %dma_wait3A_2197] : memref<819200x128xf32, #tpu.memory_space<hbm>> -> memref<80x128xf32, #tpu.memory_space<hbm>>
        %dma_wait3A_2199 = tpu.memref_slice %arg9[%dma_wait3A_2192] : memref<4x!tpu.dma_semaphore, #tpu.memory_space<semaphore_mem>> -> memref<1x!tpu.dma_semaphore, #tpu.memory_space<semaphore_mem>>
        %dma_wait3A_2200 = tpu.memref_squeeze %dma_wait3A_2199 : memref<1x!tpu.dma_semaphore, #tpu.memory_space<semaphore_mem>> -> memref<!tpu.dma_semaphore, #tpu.memory_space<semaphore_mem>>
        %dma_wait3A_2201 = arith.constant 0 : i32
        %dma_wait3A_2202 = tpu.memref_slice %arg4[%add3A_2190, %dma_wait3A_2201] : memref<819200x128xf32, #tpu.memory_space<hbm>> -> memref<80x128xf32, #tpu.memory_space<hbm>>
        %dma_wait3A_2203 = arith.constant 0 : i32
        %dma_wait3A_2204 = arith.constant 0 : i32
        %dma_wait3A_2205 = tpu.memref_slice %arg6[%dma_wait3A_2191, %dma_wait3A_2203, %dma_wait3A_2204] : memref<4x80x128xf32, #tpu.memory_space<vmem>> -> memref<1x80x128xf32, #tpu.memory_space<vmem>>
        %dma_wait3A_2206 = tpu.memref_squeeze %dma_wait3A_2205 : memref<1x80x128xf32, #tpu.memory_space<vmem>> -> memref<80x128xf32, #tpu.memory_space<vmem>>
        tpu.wait_dma2 semaphore(%dma_wait3A_2200 : memref<!tpu.dma_semaphore, #tpu.memory_space<semaphore_mem>>) src(%dma_wait3A_2206 : memref<80x128xf32, #tpu.memory_space<vmem>>) dst(%dma_wait3A_2202 : memref<80x128xf32, #tpu.memory_space<hbm>>)
        %dma_start3A_2207 = arith.constant 39 : i32
        %dma_start3A_2208 = arith.constant 3 : i32
        %dma_start3A_2209 = arith.constant 3 : i32
        %dma_start3A_2210 = arith.constant 0 : i32
        %dma_start3A_2211 = arith.constant 0 : i32
        %dma_start3A_2212 = tpu.memref_slice %arg6[%dma_start3A_2208, %dma_start3A_2210, %dma_start3A_2211] : memref<4x80x128xf32, #tpu.memory_space<vmem>> -> memref<1x80x128xf32, #tpu.memory_space<vmem>>
        %dma_start3A_2213 = tpu.memref_squeeze %dma_start3A_2212 : memref<1x80x128xf32, #tpu.memory_space<vmem>> -> memref<80x128xf32, #tpu.memory_space<vmem>>
        %dma_start3A_2214 = arith.constant 0 : i32
        %dma_start3A_2215 = arith.constant 0 : i32
        %dma_start3A_2216 = tpu.memref_slice %arg5[%rem3A_215, %dma_start3A_2214, %dma_start3A_2215] : memref<2x40x80xi32, #tpu.memory_space<vmem>> -> memref<1x40x80xi32, #tpu.memory_space<vmem>>
        %dma_start3A_2217 = tpu.memref_squeeze %dma_start3A_2216 : memref<1x40x80xi32, #tpu.memory_space<vmem>> -> memref<40x80xi32, #tpu.memory_space<vmem>>
        %dma_start3A_2218 = arith.constant 0 : i32
        %dma_start3A_2219 = tpu.memref_slice %dma_start3A_2217[%dma_start3A_2207, %dma_start3A_2218] : memref<40x80xi32, #tpu.memory_space<vmem>> -> memref<1x80xi32, #tpu.memory_space<vmem>>
        %dma_start3A_2220 = tpu.memref_squeeze %dma_start3A_2219 : memref<1x80xi32, #tpu.memory_space<vmem>> -> memref<80xi32, #tpu.memory_space<vmem>>
        %dma_start3A_2221 = arith.constant 0 : i32
        %dma_start3A_2222 = arith.constant 0 : i32
        %dma_start3A_2223 = tpu.memref_slice %arg7[%dma_start3A_2221, %dma_start3A_2222] : memref<8192x128xf32, #tpu.memory_space<vmem_shared>> -> memref<8192x128xf32, #tpu.memory_space<vmem_shared>>
        %dma_start3A_2224 = tpu.memref_slice %arg8[%dma_start3A_2209] : memref<4x!tpu.dma_semaphore, #tpu.memory_space<semaphore_mem>> -> memref<1x!tpu.dma_semaphore, #tpu.memory_space<semaphore_mem>>
        %dma_start3A_2225 = tpu.memref_squeeze %dma_start3A_2224 : memref<1x!tpu.dma_semaphore, #tpu.memory_space<semaphore_mem>> -> memref<!tpu.dma_semaphore, #tpu.memory_space<semaphore_mem>>
        tpu.enqueue_indirect_dma source(%dma_start3A_2223 : memref<8192x128xf32, #tpu.memory_space<vmem_shared>>) target(%dma_start3A_2213 : memref<80x128xf32, #tpu.memory_space<vmem>>) offsets(%dma_start3A_2220 : memref<80xi32, #tpu.memory_space<vmem>>) semaphore(%dma_start3A_2225 : memref<!tpu.dma_semaphore, #tpu.memory_space<semaphore_mem>>)
      } else {
      }
      %mul3A_1984 = arith.constant 40 : i32
      %mul3A_1985 = arith.muli %scan3A_213, %mul3A_1984 : i32
      %add3A_1986 = arith.constant 36 : i32
      %add3A_1987 = arith.addi %mul3A_1985, %add3A_1986 : i32
      %dma_wait3A_1988 = arith.constant 36 : i32
      %dma_wait3A_1989 = arith.constant 0 : i32
      %dma_wait3A_1990 = arith.constant 0 : i32
      %dma_wait3A_1991 = arith.constant 0 : i32
      %dma_wait3A_1992 = arith.constant 0 : i32
      %dma_wait3A_1993 = tpu.memref_slice %arg6[%dma_wait3A_1989, %dma_wait3A_1991, %dma_wait3A_1992] : memref<4x80x128xf32, #tpu.memory_space<vmem>> -> memref<1x80x128xf32, #tpu.memory_space<vmem>>
      %dma_wait3A_1994 = tpu.memref_squeeze %dma_wait3A_1993 : memref<1x80x128xf32, #tpu.memory_space<vmem>> -> memref<80x128xf32, #tpu.memory_space<vmem>>
      %dma_wait3A_1995 = arith.constant 0 : i32
      %dma_wait3A_1996 = arith.constant 0 : i32
      %dma_wait3A_1997 = tpu.memref_slice %arg5[%rem3A_215, %dma_wait3A_1995, %dma_wait3A_1996] : memref<2x40x80xi32, #tpu.memory_space<vmem>> -> memref<1x40x80xi32, #tpu.memory_space<vmem>>
      %dma_wait3A_1998 = tpu.memref_squeeze %dma_wait3A_1997 : memref<1x40x80xi32, #tpu.memory_space<vmem>> -> memref<40x80xi32, #tpu.memory_space<vmem>>
      %dma_wait3A_1999 = arith.constant 0 : i32
      %dma_wait3A_2000 = tpu.memref_slice %dma_wait3A_1998[%dma_wait3A_1988, %dma_wait3A_1999] : memref<40x80xi32, #tpu.memory_space<vmem>> -> memref<1x80xi32, #tpu.memory_space<vmem>>
      %dma_wait3A_2001 = tpu.memref_squeeze %dma_wait3A_2000 : memref<1x80xi32, #tpu.memory_space<vmem>> -> memref<80xi32, #tpu.memory_space<vmem>>
      %dma_wait3A_2002 = arith.constant 0 : i32
      %dma_wait3A_2003 = arith.constant 0 : i32
      %dma_wait3A_2004 = tpu.memref_slice %arg7[%dma_wait3A_2002, %dma_wait3A_2003] : memref<8192x128xf32, #tpu.memory_space<vmem_shared>> -> memref<8192x128xf32, #tpu.memory_space<vmem_shared>>
      %dma_wait3A_2005 = tpu.memref_slice %arg8[%dma_wait3A_1990] : memref<4x!tpu.dma_semaphore, #tpu.memory_space<semaphore_mem>> -> memref<1x!tpu.dma_semaphore, #tpu.memory_space<semaphore_mem>>
      %dma_wait3A_2006 = tpu.memref_squeeze %dma_wait3A_2005 : memref<1x!tpu.dma_semaphore, #tpu.memory_space<semaphore_mem>> -> memref<!tpu.dma_semaphore, #tpu.memory_space<semaphore_mem>>
      tpu.wait_indirect_dma semaphore(%dma_wait3A_2006 : memref<!tpu.dma_semaphore, #tpu.memory_space<semaphore_mem>>) src(%dma_wait3A_2004 : memref<8192x128xf32, #tpu.memory_space<vmem_shared>>) dst(%dma_wait3A_1994 : memref<80x128xf32, #tpu.memory_space<vmem>>)
      %mul3A_2007 = arith.constant 80 : i32
      %mul3A_2008 = arith.muli %add3A_1987, %mul3A_2007 : i32
      %add3A_2009 = arith.addi %mul3A_2, %mul3A_2008 : i32
      %dma_start3A_2010 = arith.constant 0 : i32
      %dma_start3A_2011 = arith.constant 0 : i32
      %dma_start3A_2012 = arith.constant 0 : i32
      %dma_start3A_2013 = arith.constant 0 : i32
      %dma_start3A_2014 = tpu.memref_slice %arg6[%dma_start3A_2010, %dma_start3A_2012, %dma_start3A_2013] : memref<4x80x128xf32, #tpu.memory_space<vmem>> -> memref<1x80x128xf32, #tpu.memory_space<vmem>>
      %dma_start3A_2015 = tpu.memref_squeeze %dma_start3A_2014 : memref<1x80x128xf32, #tpu.memory_space<vmem>> -> memref<80x128xf32, #tpu.memory_space<vmem>>
      %dma_start3A_2016 = arith.constant 0 : i32
      %dma_start3A_2017 = tpu.memref_slice %arg4[%add3A_2009, %dma_start3A_2016] : memref<819200x128xf32, #tpu.memory_space<hbm>> -> memref<80x128xf32, #tpu.memory_space<hbm>>
      %dma_start3A_2018 = tpu.memref_slice %arg9[%dma_start3A_2011] : memref<4x!tpu.dma_semaphore, #tpu.memory_space<semaphore_mem>> -> memref<1x!tpu.dma_semaphore, #tpu.memory_space<semaphore_mem>>
      %dma_start3A_2019 = tpu.memref_squeeze %dma_start3A_2018 : memref<1x!tpu.dma_semaphore, #tpu.memory_space<semaphore_mem>> -> memref<!tpu.dma_semaphore, #tpu.memory_space<semaphore_mem>>
      %dma_start3A_2020 = arith.constant 0 : i32
      %dma_start3A_2021 = tpu.memref_slice %arg4[%add3A_2009, %dma_start3A_2020] : memref<819200x128xf32, #tpu.memory_space<hbm>> -> memref<80x128xf32, #tpu.memory_space<hbm>>
      %dma_start3A_2022 = arith.constant 0 : i32
      %dma_start3A_2023 = arith.constant 0 : i32
      %dma_start3A_2024 = tpu.memref_slice %arg6[%dma_start3A_2010, %dma_start3A_2022, %dma_start3A_2023] : memref<4x80x128xf32, #tpu.memory_space<vmem>> -> memref<1x80x128xf32, #tpu.memory_space<vmem>>
      %dma_start3A_2025 = tpu.memref_squeeze %dma_start3A_2024 : memref<1x80x128xf32, #tpu.memory_space<vmem>> -> memref<80x128xf32, #tpu.memory_space<vmem>>
      tpu.enqueue_dma source(%dma_start3A_2025 : memref<80x128xf32, #tpu.memory_space<vmem>>) target(%dma_start3A_2021 : memref<80x128xf32, #tpu.memory_space<hbm>>) target_semaphore(%dma_start3A_2019 : memref<!tpu.dma_semaphore, #tpu.memory_space<semaphore_mem>>)
      %add3A_2026 = arith.constant 1 : i32
      %add3A_2027 = arith.addi %scan3A_213, %add3A_2026 : i32
      %lt3A_2028 = arith.constant 8 : i32
      %lt3A_2029 = arith.cmpi slt, %add3A_2027, %lt3A_2028 : i32
      %convert_element_type3A_2030 = arith.extui %lt3A_2029 : i1 to i32
      %cond3A_2031 = arith.constant 0 : i32
      %cond3A_2032 = arith.cmpi ne, %convert_element_type3A_2030, %cond3A_2031 : i32
      scf.if %cond3A_2032 {
        %add3A_2188 = arith.constant 1 : i32
        %add3A_2189 = arith.addi %scan3A_213, %add3A_2188 : i32
        %sub3A = arith.constant 1 : i32
        %sub3A_2190 = arith.subi %sub3A, %rem3A_215 : i32
        %dma_wait3A_2191 = arith.constant 0 : i32
        %dma_wait3A_2192 = arith.constant 0 : i32
        %dma_wait3A_2193 = tpu.memref_slice %arg5[%sub3A_2190, %dma_wait3A_2191, %dma_wait3A_2192] : memref<2x40x80xi32, #tpu.memory_space<vmem>> -> memref<1x40x80xi32, #tpu.memory_space<vmem>>
        %dma_wait3A_2194 = tpu.memref_squeeze %dma_wait3A_2193 : memref<1x40x80xi32, #tpu.memory_space<vmem>> -> memref<40x80xi32, #tpu.memory_space<vmem>>
        %dma_wait3A_2195 = arith.constant 0 : i32
        %dma_wait3A_2196 = arith.constant 0 : i32
        %dma_wait3A_2197 = tpu.memref_slice %arg2[%add3A, %add3A_2189, %dma_wait3A_2195, %dma_wait3A_2196] : memref<32x8x40x80xi32, #tpu.memory_space<hbm>> -> memref<1x1x40x80xi32, #tpu.memory_space<hbm>>
        %dma_wait3A_2198 = tpu.memref_squeeze %dma_wait3A_2197 : memref<1x1x40x80xi32, #tpu.memory_space<hbm>> -> memref<40x80xi32, #tpu.memory_space<hbm>>
        %dma_wait3A_2199 = tpu.memref_slice %arg10[%sub3A_2190] : memref<2x!tpu.dma_semaphore, #tpu.memory_space<semaphore_mem>> -> memref<1x!tpu.dma_semaphore, #tpu.memory_space<semaphore_mem>>
        %dma_wait3A_2200 = tpu.memref_squeeze %dma_wait3A_2199 : memref<1x!tpu.dma_semaphore, #tpu.memory_space<semaphore_mem>> -> memref<!tpu.dma_semaphore, #tpu.memory_space<semaphore_mem>>
        %dma_wait3A_2201 = arith.constant 0 : i32
        %dma_wait3A_2202 = arith.constant 0 : i32
        %dma_wait3A_2203 = tpu.memref_slice %arg5[%sub3A_2190, %dma_wait3A_2201, %dma_wait3A_2202] : memref<2x40x80xi32, #tpu.memory_space<vmem>> -> memref<1x40x80xi32, #tpu.memory_space<vmem>>
        %dma_wait3A_2204 = tpu.memref_squeeze %dma_wait3A_2203 : memref<1x40x80xi32, #tpu.memory_space<vmem>> -> memref<40x80xi32, #tpu.memory_space<vmem>>
        %dma_wait3A_2205 = arith.constant 0 : i32
        %dma_wait3A_2206 = arith.constant 0 : i32
        %dma_wait3A_2207 = tpu.memref_slice %arg2[%add3A, %add3A_2189, %dma_wait3A_2205, %dma_wait3A_2206] : memref<32x8x40x80xi32, #tpu.memory_space<hbm>> -> memref<1x1x40x80xi32, #tpu.memory_space<hbm>>
        %dma_wait3A_2208 = tpu.memref_squeeze %dma_wait3A_2207 : memref<1x1x40x80xi32, #tpu.memory_space<hbm>> -> memref<40x80xi32, #tpu.memory_space<hbm>>
        tpu.wait_dma2 semaphore(%dma_wait3A_2200 : memref<!tpu.dma_semaphore, #tpu.memory_space<semaphore_mem>>) src(%dma_wait3A_2208 : memref<40x80xi32, #tpu.memory_space<hbm>>) dst(%dma_wait3A_2204 : memref<40x80xi32, #tpu.memory_space<vmem>>)
      } else {
      }
      %add3A_2033 = arith.constant 4 : i32
      %add3A_2034 = arith.addi %add3A_1987, %add3A_2033 : i32
      %lt3A_2035 = arith.constant 320 : i32
      %lt3A_2036 = arith.cmpi slt, %add3A_2034, %lt3A_2035 : i32
      %convert_element_type3A_2037 = arith.extui %lt3A_2036 : i1 to i32
      %cond3A_2038 = arith.constant 0 : i32
      %cond3A_2039 = arith.cmpi ne, %convert_element_type3A_2037, %cond3A_2038 : i32
      scf.if %cond3A_2039 {
        %mul3A_2188 = arith.constant 80 : i32
        %mul3A_2189 = arith.muli %add3A_1987, %mul3A_2188 : i32
        %add3A_2190 = arith.addi %mul3A_2, %mul3A_2189 : i32
        %dma_wait3A_2191 = arith.constant 0 : i32
        %dma_wait3A_2192 = arith.constant 0 : i32
        %dma_wait3A_2193 = arith.constant 0 : i32
        %dma_wait3A_2194 = arith.constant 0 : i32
        %dma_wait3A_2195 = tpu.memref_slice %arg6[%dma_wait3A_2191, %dma_wait3A_2193, %dma_wait3A_2194] : memref<4x80x128xf32, #tpu.memory_space<vmem>> -> memref<1x80x128xf32, #tpu.memory_space<vmem>>
        %dma_wait3A_2196 = tpu.memref_squeeze %dma_wait3A_2195 : memref<1x80x128xf32, #tpu.memory_space<vmem>> -> memref<80x128xf32, #tpu.memory_space<vmem>>
        %dma_wait3A_2197 = arith.constant 0 : i32
        %dma_wait3A_2198 = tpu.memref_slice %arg4[%add3A_2190, %dma_wait3A_2197] : memref<819200x128xf32, #tpu.memory_space<hbm>> -> memref<80x128xf32, #tpu.memory_space<hbm>>
        %dma_wait3A_2199 = tpu.memref_slice %arg9[%dma_wait3A_2192] : memref<4x!tpu.dma_semaphore, #tpu.memory_space<semaphore_mem>> -> memref<1x!tpu.dma_semaphore, #tpu.memory_space<semaphore_mem>>
        %dma_wait3A_2200 = tpu.memref_squeeze %dma_wait3A_2199 : memref<1x!tpu.dma_semaphore, #tpu.memory_space<semaphore_mem>> -> memref<!tpu.dma_semaphore, #tpu.memory_space<semaphore_mem>>
        %dma_wait3A_2201 = arith.constant 0 : i32
        %dma_wait3A_2202 = tpu.memref_slice %arg4[%add3A_2190, %dma_wait3A_2201] : memref<819200x128xf32, #tpu.memory_space<hbm>> -> memref<80x128xf32, #tpu.memory_space<hbm>>
        %dma_wait3A_2203 = arith.constant 0 : i32
        %dma_wait3A_2204 = arith.constant 0 : i32
        %dma_wait3A_2205 = tpu.memref_slice %arg6[%dma_wait3A_2191, %dma_wait3A_2203, %dma_wait3A_2204] : memref<4x80x128xf32, #tpu.memory_space<vmem>> -> memref<1x80x128xf32, #tpu.memory_space<vmem>>
        %dma_wait3A_2206 = tpu.memref_squeeze %dma_wait3A_2205 : memref<1x80x128xf32, #tpu.memory_space<vmem>> -> memref<80x128xf32, #tpu.memory_space<vmem>>
        tpu.wait_dma2 semaphore(%dma_wait3A_2200 : memref<!tpu.dma_semaphore, #tpu.memory_space<semaphore_mem>>) src(%dma_wait3A_2206 : memref<80x128xf32, #tpu.memory_space<vmem>>) dst(%dma_wait3A_2202 : memref<80x128xf32, #tpu.memory_space<hbm>>)
        %sub3A = arith.constant 1 : i32
        %sub3A_2207 = arith.subi %sub3A, %rem3A_215 : i32
        %dma_start3A_2208 = arith.constant 0 : i32
        %dma_start3A_2209 = arith.constant 0 : i32
        %dma_start3A_2210 = arith.constant 0 : i32
        %dma_start3A_2211 = arith.constant 0 : i32
        %dma_start3A_2212 = arith.constant 0 : i32
        %dma_start3A_2213 = tpu.memref_slice %arg6[%dma_start3A_2209, %dma_start3A_2211, %dma_start3A_2212] : memref<4x80x128xf32, #tpu.memory_space<vmem>> -> memref<1x80x128xf32, #tpu.memory_space<vmem>>
        %dma_start3A_2214 = tpu.memref_squeeze %dma_start3A_2213 : memref<1x80x128xf32, #tpu.memory_space<vmem>> -> memref<80x128xf32, #tpu.memory_space<vmem>>
        %dma_start3A_2215 = arith.constant 0 : i32
        %dma_start3A_2216 = arith.constant 0 : i32
        %dma_start3A_2217 = tpu.memref_slice %arg5[%sub3A_2207, %dma_start3A_2215, %dma_start3A_2216] : memref<2x40x80xi32, #tpu.memory_space<vmem>> -> memref<1x40x80xi32, #tpu.memory_space<vmem>>
        %dma_start3A_2218 = tpu.memref_squeeze %dma_start3A_2217 : memref<1x40x80xi32, #tpu.memory_space<vmem>> -> memref<40x80xi32, #tpu.memory_space<vmem>>
        %dma_start3A_2219 = arith.constant 0 : i32
        %dma_start3A_2220 = tpu.memref_slice %dma_start3A_2218[%dma_start3A_2208, %dma_start3A_2219] : memref<40x80xi32, #tpu.memory_space<vmem>> -> memref<1x80xi32, #tpu.memory_space<vmem>>
        %dma_start3A_2221 = tpu.memref_squeeze %dma_start3A_2220 : memref<1x80xi32, #tpu.memory_space<vmem>> -> memref<80xi32, #tpu.memory_space<vmem>>
        %dma_start3A_2222 = arith.constant 0 : i32
        %dma_start3A_2223 = arith.constant 0 : i32
        %dma_start3A_2224 = tpu.memref_slice %arg7[%dma_start3A_2222, %dma_start3A_2223] : memref<8192x128xf32, #tpu.memory_space<vmem_shared>> -> memref<8192x128xf32, #tpu.memory_space<vmem_shared>>
        %dma_start3A_2225 = tpu.memref_slice %arg8[%dma_start3A_2210] : memref<4x!tpu.dma_semaphore, #tpu.memory_space<semaphore_mem>> -> memref<1x!tpu.dma_semaphore, #tpu.memory_space<semaphore_mem>>
        %dma_start3A_2226 = tpu.memref_squeeze %dma_start3A_2225 : memref<1x!tpu.dma_semaphore, #tpu.memory_space<semaphore_mem>> -> memref<!tpu.dma_semaphore, #tpu.memory_space<semaphore_mem>>
        tpu.enqueue_indirect_dma source(%dma_start3A_2224 : memref<8192x128xf32, #tpu.memory_space<vmem_shared>>) target(%dma_start3A_2214 : memref<80x128xf32, #tpu.memory_space<vmem>>) offsets(%dma_start3A_2221 : memref<80xi32, #tpu.memory_space<vmem>>) semaphore(%dma_start3A_2226 : memref<!tpu.dma_semaphore, #tpu.memory_space<semaphore_mem>>)
      } else {
      }
      %mul3A_2040 = arith.constant 40 : i32
      %mul3A_2041 = arith.muli %scan3A_213, %mul3A_2040 : i32
      %add3A_2042 = arith.constant 37 : i32
      %add3A_2043 = arith.addi %mul3A_2041, %add3A_2042 : i32
      %dma_wait3A_2044 = arith.constant 37 : i32
      %dma_wait3A_2045 = arith.constant 1 : i32
      %dma_wait3A_2046 = arith.constant 1 : i32
      %dma_wait3A_2047 = arith.constant 0 : i32
      %dma_wait3A_2048 = arith.constant 0 : i32
      %dma_wait3A_2049 = tpu.memref_slice %arg6[%dma_wait3A_2045, %dma_wait3A_2047, %dma_wait3A_2048] : memref<4x80x128xf32, #tpu.memory_space<vmem>> -> memref<1x80x128xf32, #tpu.memory_space<vmem>>
      %dma_wait3A_2050 = tpu.memref_squeeze %dma_wait3A_2049 : memref<1x80x128xf32, #tpu.memory_space<vmem>> -> memref<80x128xf32, #tpu.memory_space<vmem>>
      %dma_wait3A_2051 = arith.constant 0 : i32
      %dma_wait3A_2052 = arith.constant 0 : i32
      %dma_wait3A_2053 = tpu.memref_slice %arg5[%rem3A_215, %dma_wait3A_2051, %dma_wait3A_2052] : memref<2x40x80xi32, #tpu.memory_space<vmem>> -> memref<1x40x80xi32, #tpu.memory_space<vmem>>
      %dma_wait3A_2054 = tpu.memref_squeeze %dma_wait3A_2053 : memref<1x40x80xi32, #tpu.memory_space<vmem>> -> memref<40x80xi32, #tpu.memory_space<vmem>>
      %dma_wait3A_2055 = arith.constant 0 : i32
      %dma_wait3A_2056 = tpu.memref_slice %dma_wait3A_2054[%dma_wait3A_2044, %dma_wait3A_2055] : memref<40x80xi32, #tpu.memory_space<vmem>> -> memref<1x80xi32, #tpu.memory_space<vmem>>
      %dma_wait3A_2057 = tpu.memref_squeeze %dma_wait3A_2056 : memref<1x80xi32, #tpu.memory_space<vmem>> -> memref<80xi32, #tpu.memory_space<vmem>>
      %dma_wait3A_2058 = arith.constant 0 : i32
      %dma_wait3A_2059 = arith.constant 0 : i32
      %dma_wait3A_2060 = tpu.memref_slice %arg7[%dma_wait3A_2058, %dma_wait3A_2059] : memref<8192x128xf32, #tpu.memory_space<vmem_shared>> -> memref<8192x128xf32, #tpu.memory_space<vmem_shared>>
      %dma_wait3A_2061 = tpu.memref_slice %arg8[%dma_wait3A_2046] : memref<4x!tpu.dma_semaphore, #tpu.memory_space<semaphore_mem>> -> memref<1x!tpu.dma_semaphore, #tpu.memory_space<semaphore_mem>>
      %dma_wait3A_2062 = tpu.memref_squeeze %dma_wait3A_2061 : memref<1x!tpu.dma_semaphore, #tpu.memory_space<semaphore_mem>> -> memref<!tpu.dma_semaphore, #tpu.memory_space<semaphore_mem>>
      tpu.wait_indirect_dma semaphore(%dma_wait3A_2062 : memref<!tpu.dma_semaphore, #tpu.memory_space<semaphore_mem>>) src(%dma_wait3A_2060 : memref<8192x128xf32, #tpu.memory_space<vmem_shared>>) dst(%dma_wait3A_2050 : memref<80x128xf32, #tpu.memory_space<vmem>>)
      %mul3A_2063 = arith.constant 80 : i32
      %mul3A_2064 = arith.muli %add3A_2043, %mul3A_2063 : i32
      %add3A_2065 = arith.addi %mul3A_2, %mul3A_2064 : i32
      %dma_start3A_2066 = arith.constant 1 : i32
      %dma_start3A_2067 = arith.constant 1 : i32
      %dma_start3A_2068 = arith.constant 0 : i32
      %dma_start3A_2069 = arith.constant 0 : i32
      %dma_start3A_2070 = tpu.memref_slice %arg6[%dma_start3A_2066, %dma_start3A_2068, %dma_start3A_2069] : memref<4x80x128xf32, #tpu.memory_space<vmem>> -> memref<1x80x128xf32, #tpu.memory_space<vmem>>
      %dma_start3A_2071 = tpu.memref_squeeze %dma_start3A_2070 : memref<1x80x128xf32, #tpu.memory_space<vmem>> -> memref<80x128xf32, #tpu.memory_space<vmem>>
      %dma_start3A_2072 = arith.constant 0 : i32
      %dma_start3A_2073 = tpu.memref_slice %arg4[%add3A_2065, %dma_start3A_2072] : memref<819200x128xf32, #tpu.memory_space<hbm>> -> memref<80x128xf32, #tpu.memory_space<hbm>>
      %dma_start3A_2074 = tpu.memref_slice %arg9[%dma_start3A_2067] : memref<4x!tpu.dma_semaphore, #tpu.memory_space<semaphore_mem>> -> memref<1x!tpu.dma_semaphore, #tpu.memory_space<semaphore_mem>>
      %dma_start3A_2075 = tpu.memref_squeeze %dma_start3A_2074 : memref<1x!tpu.dma_semaphore, #tpu.memory_space<semaphore_mem>> -> memref<!tpu.dma_semaphore, #tpu.memory_space<semaphore_mem>>
      %dma_start3A_2076 = arith.constant 0 : i32
      %dma_start3A_2077 = tpu.memref_slice %arg4[%add3A_2065, %dma_start3A_2076] : memref<819200x128xf32, #tpu.memory_space<hbm>> -> memref<80x128xf32, #tpu.memory_space<hbm>>
      %dma_start3A_2078 = arith.constant 0 : i32
      %dma_start3A_2079 = arith.constant 0 : i32
      %dma_start3A_2080 = tpu.memref_slice %arg6[%dma_start3A_2066, %dma_start3A_2078, %dma_start3A_2079] : memref<4x80x128xf32, #tpu.memory_space<vmem>> -> memref<1x80x128xf32, #tpu.memory_space<vmem>>
      %dma_start3A_2081 = tpu.memref_squeeze %dma_start3A_2080 : memref<1x80x128xf32, #tpu.memory_space<vmem>> -> memref<80x128xf32, #tpu.memory_space<vmem>>
      tpu.enqueue_dma source(%dma_start3A_2081 : memref<80x128xf32, #tpu.memory_space<vmem>>) target(%dma_start3A_2077 : memref<80x128xf32, #tpu.memory_space<hbm>>) target_semaphore(%dma_start3A_2075 : memref<!tpu.dma_semaphore, #tpu.memory_space<semaphore_mem>>)
      %add3A_2082 = arith.constant 4 : i32
      %add3A_2083 = arith.addi %add3A_2043, %add3A_2082 : i32
      %lt3A_2084 = arith.constant 320 : i32
      %lt3A_2085 = arith.cmpi slt, %add3A_2083, %lt3A_2084 : i32
      %convert_element_type3A_2086 = arith.extui %lt3A_2085 : i1 to i32
      %cond3A_2087 = arith.constant 0 : i32
      %cond3A_2088 = arith.cmpi ne, %convert_element_type3A_2086, %cond3A_2087 : i32
      scf.if %cond3A_2088 {
        %mul3A_2188 = arith.constant 80 : i32
        %mul3A_2189 = arith.muli %add3A_2043, %mul3A_2188 : i32
        %add3A_2190 = arith.addi %mul3A_2, %mul3A_2189 : i32
        %dma_wait3A_2191 = arith.constant 1 : i32
        %dma_wait3A_2192 = arith.constant 1 : i32
        %dma_wait3A_2193 = arith.constant 0 : i32
        %dma_wait3A_2194 = arith.constant 0 : i32
        %dma_wait3A_2195 = tpu.memref_slice %arg6[%dma_wait3A_2191, %dma_wait3A_2193, %dma_wait3A_2194] : memref<4x80x128xf32, #tpu.memory_space<vmem>> -> memref<1x80x128xf32, #tpu.memory_space<vmem>>
        %dma_wait3A_2196 = tpu.memref_squeeze %dma_wait3A_2195 : memref<1x80x128xf32, #tpu.memory_space<vmem>> -> memref<80x128xf32, #tpu.memory_space<vmem>>
        %dma_wait3A_2197 = arith.constant 0 : i32
        %dma_wait3A_2198 = tpu.memref_slice %arg4[%add3A_2190, %dma_wait3A_2197] : memref<819200x128xf32, #tpu.memory_space<hbm>> -> memref<80x128xf32, #tpu.memory_space<hbm>>
        %dma_wait3A_2199 = tpu.memref_slice %arg9[%dma_wait3A_2192] : memref<4x!tpu.dma_semaphore, #tpu.memory_space<semaphore_mem>> -> memref<1x!tpu.dma_semaphore, #tpu.memory_space<semaphore_mem>>
        %dma_wait3A_2200 = tpu.memref_squeeze %dma_wait3A_2199 : memref<1x!tpu.dma_semaphore, #tpu.memory_space<semaphore_mem>> -> memref<!tpu.dma_semaphore, #tpu.memory_space<semaphore_mem>>
        %dma_wait3A_2201 = arith.constant 0 : i32
        %dma_wait3A_2202 = tpu.memref_slice %arg4[%add3A_2190, %dma_wait3A_2201] : memref<819200x128xf32, #tpu.memory_space<hbm>> -> memref<80x128xf32, #tpu.memory_space<hbm>>
        %dma_wait3A_2203 = arith.constant 0 : i32
        %dma_wait3A_2204 = arith.constant 0 : i32
        %dma_wait3A_2205 = tpu.memref_slice %arg6[%dma_wait3A_2191, %dma_wait3A_2203, %dma_wait3A_2204] : memref<4x80x128xf32, #tpu.memory_space<vmem>> -> memref<1x80x128xf32, #tpu.memory_space<vmem>>
        %dma_wait3A_2206 = tpu.memref_squeeze %dma_wait3A_2205 : memref<1x80x128xf32, #tpu.memory_space<vmem>> -> memref<80x128xf32, #tpu.memory_space<vmem>>
        tpu.wait_dma2 semaphore(%dma_wait3A_2200 : memref<!tpu.dma_semaphore, #tpu.memory_space<semaphore_mem>>) src(%dma_wait3A_2206 : memref<80x128xf32, #tpu.memory_space<vmem>>) dst(%dma_wait3A_2202 : memref<80x128xf32, #tpu.memory_space<hbm>>)
        %sub3A = arith.constant 1 : i32
        %sub3A_2207 = arith.subi %sub3A, %rem3A_215 : i32
        %dma_start3A_2208 = arith.constant 1 : i32
        %dma_start3A_2209 = arith.constant 1 : i32
        %dma_start3A_2210 = arith.constant 1 : i32
        %dma_start3A_2211 = arith.constant 0 : i32
        %dma_start3A_2212 = arith.constant 0 : i32
        %dma_start3A_2213 = tpu.memref_slice %arg6[%dma_start3A_2209, %dma_start3A_2211, %dma_start3A_2212] : memref<4x80x128xf32, #tpu.memory_space<vmem>> -> memref<1x80x128xf32, #tpu.memory_space<vmem>>
        %dma_start3A_2214 = tpu.memref_squeeze %dma_start3A_2213 : memref<1x80x128xf32, #tpu.memory_space<vmem>> -> memref<80x128xf32, #tpu.memory_space<vmem>>
        %dma_start3A_2215 = arith.constant 0 : i32
        %dma_start3A_2216 = arith.constant 0 : i32
        %dma_start3A_2217 = tpu.memref_slice %arg5[%sub3A_2207, %dma_start3A_2215, %dma_start3A_2216] : memref<2x40x80xi32, #tpu.memory_space<vmem>> -> memref<1x40x80xi32, #tpu.memory_space<vmem>>
        %dma_start3A_2218 = tpu.memref_squeeze %dma_start3A_2217 : memref<1x40x80xi32, #tpu.memory_space<vmem>> -> memref<40x80xi32, #tpu.memory_space<vmem>>
        %dma_start3A_2219 = arith.constant 0 : i32
        %dma_start3A_2220 = tpu.memref_slice %dma_start3A_2218[%dma_start3A_2208, %dma_start3A_2219] : memref<40x80xi32, #tpu.memory_space<vmem>> -> memref<1x80xi32, #tpu.memory_space<vmem>>
        %dma_start3A_2221 = tpu.memref_squeeze %dma_start3A_2220 : memref<1x80xi32, #tpu.memory_space<vmem>> -> memref<80xi32, #tpu.memory_space<vmem>>
        %dma_start3A_2222 = arith.constant 0 : i32
        %dma_start3A_2223 = arith.constant 0 : i32
        %dma_start3A_2224 = tpu.memref_slice %arg7[%dma_start3A_2222, %dma_start3A_2223] : memref<8192x128xf32, #tpu.memory_space<vmem_shared>> -> memref<8192x128xf32, #tpu.memory_space<vmem_shared>>
        %dma_start3A_2225 = tpu.memref_slice %arg8[%dma_start3A_2210] : memref<4x!tpu.dma_semaphore, #tpu.memory_space<semaphore_mem>> -> memref<1x!tpu.dma_semaphore, #tpu.memory_space<semaphore_mem>>
        %dma_start3A_2226 = tpu.memref_squeeze %dma_start3A_2225 : memref<1x!tpu.dma_semaphore, #tpu.memory_space<semaphore_mem>> -> memref<!tpu.dma_semaphore, #tpu.memory_space<semaphore_mem>>
        tpu.enqueue_indirect_dma source(%dma_start3A_2224 : memref<8192x128xf32, #tpu.memory_space<vmem_shared>>) target(%dma_start3A_2214 : memref<80x128xf32, #tpu.memory_space<vmem>>) offsets(%dma_start3A_2221 : memref<80xi32, #tpu.memory_space<vmem>>) semaphore(%dma_start3A_2226 : memref<!tpu.dma_semaphore, #tpu.memory_space<semaphore_mem>>)
      } else {
      }
      %mul3A_2089 = arith.constant 40 : i32
      %mul3A_2090 = arith.muli %scan3A_213, %mul3A_2089 : i32
      %add3A_2091 = arith.constant 38 : i32
      %add3A_2092 = arith.addi %mul3A_2090, %add3A_2091 : i32
      %dma_wait3A_2093 = arith.constant 38 : i32
      %dma_wait3A_2094 = arith.constant 2 : i32
      %dma_wait3A_2095 = arith.constant 2 : i32
      %dma_wait3A_2096 = arith.constant 0 : i32
      %dma_wait3A_2097 = arith.constant 0 : i32
      %dma_wait3A_2098 = tpu.memref_slice %arg6[%dma_wait3A_2094, %dma_wait3A_2096, %dma_wait3A_2097] : memref<4x80x128xf32, #tpu.memory_space<vmem>> -> memref<1x80x128xf32, #tpu.memory_space<vmem>>
      %dma_wait3A_2099 = tpu.memref_squeeze %dma_wait3A_2098 : memref<1x80x128xf32, #tpu.memory_space<vmem>> -> memref<80x128xf32, #tpu.memory_space<vmem>>
      %dma_wait3A_2100 = arith.constant 0 : i32
      %dma_wait3A_2101 = arith.constant 0 : i32
      %dma_wait3A_2102 = tpu.memref_slice %arg5[%rem3A_215, %dma_wait3A_2100, %dma_wait3A_2101] : memref<2x40x80xi32, #tpu.memory_space<vmem>> -> memref<1x40x80xi32, #tpu.memory_space<vmem>>
      %dma_wait3A_2103 = tpu.memref_squeeze %dma_wait3A_2102 : memref<1x40x80xi32, #tpu.memory_space<vmem>> -> memref<40x80xi32, #tpu.memory_space<vmem>>
      %dma_wait3A_2104 = arith.constant 0 : i32
      %dma_wait3A_2105 = tpu.memref_slice %dma_wait3A_2103[%dma_wait3A_2093, %dma_wait3A_2104] : memref<40x80xi32, #tpu.memory_space<vmem>> -> memref<1x80xi32, #tpu.memory_space<vmem>>
      %dma_wait3A_2106 = tpu.memref_squeeze %dma_wait3A_2105 : memref<1x80xi32, #tpu.memory_space<vmem>> -> memref<80xi32, #tpu.memory_space<vmem>>
      %dma_wait3A_2107 = arith.constant 0 : i32
      %dma_wait3A_2108 = arith.constant 0 : i32
      %dma_wait3A_2109 = tpu.memref_slice %arg7[%dma_wait3A_2107, %dma_wait3A_2108] : memref<8192x128xf32, #tpu.memory_space<vmem_shared>> -> memref<8192x128xf32, #tpu.memory_space<vmem_shared>>
      %dma_wait3A_2110 = tpu.memref_slice %arg8[%dma_wait3A_2095] : memref<4x!tpu.dma_semaphore, #tpu.memory_space<semaphore_mem>> -> memref<1x!tpu.dma_semaphore, #tpu.memory_space<semaphore_mem>>
      %dma_wait3A_2111 = tpu.memref_squeeze %dma_wait3A_2110 : memref<1x!tpu.dma_semaphore, #tpu.memory_space<semaphore_mem>> -> memref<!tpu.dma_semaphore, #tpu.memory_space<semaphore_mem>>
      tpu.wait_indirect_dma semaphore(%dma_wait3A_2111 : memref<!tpu.dma_semaphore, #tpu.memory_space<semaphore_mem>>) src(%dma_wait3A_2109 : memref<8192x128xf32, #tpu.memory_space<vmem_shared>>) dst(%dma_wait3A_2099 : memref<80x128xf32, #tpu.memory_space<vmem>>)
      %mul3A_2112 = arith.constant 80 : i32
      %mul3A_2113 = arith.muli %add3A_2092, %mul3A_2112 : i32
      %add3A_2114 = arith.addi %mul3A_2, %mul3A_2113 : i32
      %dma_start3A_2115 = arith.constant 2 : i32
      %dma_start3A_2116 = arith.constant 2 : i32
      %dma_start3A_2117 = arith.constant 0 : i32
      %dma_start3A_2118 = arith.constant 0 : i32
      %dma_start3A_2119 = tpu.memref_slice %arg6[%dma_start3A_2115, %dma_start3A_2117, %dma_start3A_2118] : memref<4x80x128xf32, #tpu.memory_space<vmem>> -> memref<1x80x128xf32, #tpu.memory_space<vmem>>
      %dma_start3A_2120 = tpu.memref_squeeze %dma_start3A_2119 : memref<1x80x128xf32, #tpu.memory_space<vmem>> -> memref<80x128xf32, #tpu.memory_space<vmem>>
      %dma_start3A_2121 = arith.constant 0 : i32
      %dma_start3A_2122 = tpu.memref_slice %arg4[%add3A_2114, %dma_start3A_2121] : memref<819200x128xf32, #tpu.memory_space<hbm>> -> memref<80x128xf32, #tpu.memory_space<hbm>>
      %dma_start3A_2123 = tpu.memref_slice %arg9[%dma_start3A_2116] : memref<4x!tpu.dma_semaphore, #tpu.memory_space<semaphore_mem>> -> memref<1x!tpu.dma_semaphore, #tpu.memory_space<semaphore_mem>>
      %dma_start3A_2124 = tpu.memref_squeeze %dma_start3A_2123 : memref<1x!tpu.dma_semaphore, #tpu.memory_space<semaphore_mem>> -> memref<!tpu.dma_semaphore, #tpu.memory_space<semaphore_mem>>
      %dma_start3A_2125 = arith.constant 0 : i32
      %dma_start3A_2126 = tpu.memref_slice %arg4[%add3A_2114, %dma_start3A_2125] : memref<819200x128xf32, #tpu.memory_space<hbm>> -> memref<80x128xf32, #tpu.memory_space<hbm>>
      %dma_start3A_2127 = arith.constant 0 : i32
      %dma_start3A_2128 = arith.constant 0 : i32
      %dma_start3A_2129 = tpu.memref_slice %arg6[%dma_start3A_2115, %dma_start3A_2127, %dma_start3A_2128] : memref<4x80x128xf32, #tpu.memory_space<vmem>> -> memref<1x80x128xf32, #tpu.memory_space<vmem>>
      %dma_start3A_2130 = tpu.memref_squeeze %dma_start3A_2129 : memref<1x80x128xf32, #tpu.memory_space<vmem>> -> memref<80x128xf32, #tpu.memory_space<vmem>>
      tpu.enqueue_dma source(%dma_start3A_2130 : memref<80x128xf32, #tpu.memory_space<vmem>>) target(%dma_start3A_2126 : memref<80x128xf32, #tpu.memory_space<hbm>>) target_semaphore(%dma_start3A_2124 : memref<!tpu.dma_semaphore, #tpu.memory_space<semaphore_mem>>)
      %add3A_2131 = arith.constant 4 : i32
      %add3A_2132 = arith.addi %add3A_2092, %add3A_2131 : i32
      %lt3A_2133 = arith.constant 320 : i32
      %lt3A_2134 = arith.cmpi slt, %add3A_2132, %lt3A_2133 : i32
      %convert_element_type3A_2135 = arith.extui %lt3A_2134 : i1 to i32
      %cond3A_2136 = arith.constant 0 : i32
      %cond3A_2137 = arith.cmpi ne, %convert_element_type3A_2135, %cond3A_2136 : i32
      scf.if %cond3A_2137 {
        %mul3A_2188 = arith.constant 80 : i32
        %mul3A_2189 = arith.muli %add3A_2092, %mul3A_2188 : i32
        %add3A_2190 = arith.addi %mul3A_2, %mul3A_2189 : i32
        %dma_wait3A_2191 = arith.constant 2 : i32
        %dma_wait3A_2192 = arith.constant 2 : i32
        %dma_wait3A_2193 = arith.constant 0 : i32
        %dma_wait3A_2194 = arith.constant 0 : i32
        %dma_wait3A_2195 = tpu.memref_slice %arg6[%dma_wait3A_2191, %dma_wait3A_2193, %dma_wait3A_2194] : memref<4x80x128xf32, #tpu.memory_space<vmem>> -> memref<1x80x128xf32, #tpu.memory_space<vmem>>
        %dma_wait3A_2196 = tpu.memref_squeeze %dma_wait3A_2195 : memref<1x80x128xf32, #tpu.memory_space<vmem>> -> memref<80x128xf32, #tpu.memory_space<vmem>>
        %dma_wait3A_2197 = arith.constant 0 : i32
        %dma_wait3A_2198 = tpu.memref_slice %arg4[%add3A_2190, %dma_wait3A_2197] : memref<819200x128xf32, #tpu.memory_space<hbm>> -> memref<80x128xf32, #tpu.memory_space<hbm>>
        %dma_wait3A_2199 = tpu.memref_slice %arg9[%dma_wait3A_2192] : memref<4x!tpu.dma_semaphore, #tpu.memory_space<semaphore_mem>> -> memref<1x!tpu.dma_semaphore, #tpu.memory_space<semaphore_mem>>
        %dma_wait3A_2200 = tpu.memref_squeeze %dma_wait3A_2199 : memref<1x!tpu.dma_semaphore, #tpu.memory_space<semaphore_mem>> -> memref<!tpu.dma_semaphore, #tpu.memory_space<semaphore_mem>>
        %dma_wait3A_2201 = arith.constant 0 : i32
        %dma_wait3A_2202 = tpu.memref_slice %arg4[%add3A_2190, %dma_wait3A_2201] : memref<819200x128xf32, #tpu.memory_space<hbm>> -> memref<80x128xf32, #tpu.memory_space<hbm>>
        %dma_wait3A_2203 = arith.constant 0 : i32
        %dma_wait3A_2204 = arith.constant 0 : i32
        %dma_wait3A_2205 = tpu.memref_slice %arg6[%dma_wait3A_2191, %dma_wait3A_2203, %dma_wait3A_2204] : memref<4x80x128xf32, #tpu.memory_space<vmem>> -> memref<1x80x128xf32, #tpu.memory_space<vmem>>
        %dma_wait3A_2206 = tpu.memref_squeeze %dma_wait3A_2205 : memref<1x80x128xf32, #tpu.memory_space<vmem>> -> memref<80x128xf32, #tpu.memory_space<vmem>>
        tpu.wait_dma2 semaphore(%dma_wait3A_2200 : memref<!tpu.dma_semaphore, #tpu.memory_space<semaphore_mem>>) src(%dma_wait3A_2206 : memref<80x128xf32, #tpu.memory_space<vmem>>) dst(%dma_wait3A_2202 : memref<80x128xf32, #tpu.memory_space<hbm>>)
        %sub3A = arith.constant 1 : i32
        %sub3A_2207 = arith.subi %sub3A, %rem3A_215 : i32
        %dma_start3A_2208 = arith.constant 2 : i32
        %dma_start3A_2209 = arith.constant 2 : i32
        %dma_start3A_2210 = arith.constant 2 : i32
        %dma_start3A_2211 = arith.constant 0 : i32
        %dma_start3A_2212 = arith.constant 0 : i32
        %dma_start3A_2213 = tpu.memref_slice %arg6[%dma_start3A_2209, %dma_start3A_2211, %dma_start3A_2212] : memref<4x80x128xf32, #tpu.memory_space<vmem>> -> memref<1x80x128xf32, #tpu.memory_space<vmem>>
        %dma_start3A_2214 = tpu.memref_squeeze %dma_start3A_2213 : memref<1x80x128xf32, #tpu.memory_space<vmem>> -> memref<80x128xf32, #tpu.memory_space<vmem>>
        %dma_start3A_2215 = arith.constant 0 : i32
        %dma_start3A_2216 = arith.constant 0 : i32
        %dma_start3A_2217 = tpu.memref_slice %arg5[%sub3A_2207, %dma_start3A_2215, %dma_start3A_2216] : memref<2x40x80xi32, #tpu.memory_space<vmem>> -> memref<1x40x80xi32, #tpu.memory_space<vmem>>
        %dma_start3A_2218 = tpu.memref_squeeze %dma_start3A_2217 : memref<1x40x80xi32, #tpu.memory_space<vmem>> -> memref<40x80xi32, #tpu.memory_space<vmem>>
        %dma_start3A_2219 = arith.constant 0 : i32
        %dma_start3A_2220 = tpu.memref_slice %dma_start3A_2218[%dma_start3A_2208, %dma_start3A_2219] : memref<40x80xi32, #tpu.memory_space<vmem>> -> memref<1x80xi32, #tpu.memory_space<vmem>>
        %dma_start3A_2221 = tpu.memref_squeeze %dma_start3A_2220 : memref<1x80xi32, #tpu.memory_space<vmem>> -> memref<80xi32, #tpu.memory_space<vmem>>
        %dma_start3A_2222 = arith.constant 0 : i32
        %dma_start3A_2223 = arith.constant 0 : i32
        %dma_start3A_2224 = tpu.memref_slice %arg7[%dma_start3A_2222, %dma_start3A_2223] : memref<8192x128xf32, #tpu.memory_space<vmem_shared>> -> memref<8192x128xf32, #tpu.memory_space<vmem_shared>>
        %dma_start3A_2225 = tpu.memref_slice %arg8[%dma_start3A_2210] : memref<4x!tpu.dma_semaphore, #tpu.memory_space<semaphore_mem>> -> memref<1x!tpu.dma_semaphore, #tpu.memory_space<semaphore_mem>>
        %dma_start3A_2226 = tpu.memref_squeeze %dma_start3A_2225 : memref<1x!tpu.dma_semaphore, #tpu.memory_space<semaphore_mem>> -> memref<!tpu.dma_semaphore, #tpu.memory_space<semaphore_mem>>
        tpu.enqueue_indirect_dma source(%dma_start3A_2224 : memref<8192x128xf32, #tpu.memory_space<vmem_shared>>) target(%dma_start3A_2214 : memref<80x128xf32, #tpu.memory_space<vmem>>) offsets(%dma_start3A_2221 : memref<80xi32, #tpu.memory_space<vmem>>) semaphore(%dma_start3A_2226 : memref<!tpu.dma_semaphore, #tpu.memory_space<semaphore_mem>>)
      } else {
      }
      %mul3A_2138 = arith.constant 40 : i32
      %mul3A_2139 = arith.muli %scan3A_213, %mul3A_2138 : i32
      %add3A_2140 = arith.constant 39 : i32
      %add3A_2141 = arith.addi %mul3A_2139, %add3A_2140 : i32
      %dma_wait3A_2142 = arith.constant 39 : i32
      %dma_wait3A_2143 = arith.constant 3 : i32
      %dma_wait3A_2144 = arith.constant 3 : i32
      %dma_wait3A_2145 = arith.constant 0 : i32
      %dma_wait3A_2146 = arith.constant 0 : i32
      %dma_wait3A_2147 = tpu.memref_slice %arg6[%dma_wait3A_2143, %dma_wait3A_2145, %dma_wait3A_2146] : memref<4x80x128xf32, #tpu.memory_space<vmem>> -> memref<1x80x128xf32, #tpu.memory_space<vmem>>
      %dma_wait3A_2148 = tpu.memref_squeeze %dma_wait3A_2147 : memref<1x80x128xf32, #tpu.memory_space<vmem>> -> memref<80x128xf32, #tpu.memory_space<vmem>>
      %dma_wait3A_2149 = arith.constant 0 : i32
      %dma_wait3A_2150 = arith.constant 0 : i32
      %dma_wait3A_2151 = tpu.memref_slice %arg5[%rem3A_215, %dma_wait3A_2149, %dma_wait3A_2150] : memref<2x40x80xi32, #tpu.memory_space<vmem>> -> memref<1x40x80xi32, #tpu.memory_space<vmem>>
      %dma_wait3A_2152 = tpu.memref_squeeze %dma_wait3A_2151 : memref<1x40x80xi32, #tpu.memory_space<vmem>> -> memref<40x80xi32, #tpu.memory_space<vmem>>
      %dma_wait3A_2153 = arith.constant 0 : i32
      %dma_wait3A_2154 = tpu.memref_slice %dma_wait3A_2152[%dma_wait3A_2142, %dma_wait3A_2153] : memref<40x80xi32, #tpu.memory_space<vmem>> -> memref<1x80xi32, #tpu.memory_space<vmem>>
      %dma_wait3A_2155 = tpu.memref_squeeze %dma_wait3A_2154 : memref<1x80xi32, #tpu.memory_space<vmem>> -> memref<80xi32, #tpu.memory_space<vmem>>
      %dma_wait3A_2156 = arith.constant 0 : i32
      %dma_wait3A_2157 = arith.constant 0 : i32
      %dma_wait3A_2158 = tpu.memref_slice %arg7[%dma_wait3A_2156, %dma_wait3A_2157] : memref<8192x128xf32, #tpu.memory_space<vmem_shared>> -> memref<8192x128xf32, #tpu.memory_space<vmem_shared>>
      %dma_wait3A_2159 = tpu.memref_slice %arg8[%dma_wait3A_2144] : memref<4x!tpu.dma_semaphore, #tpu.memory_space<semaphore_mem>> -> memref<1x!tpu.dma_semaphore, #tpu.memory_space<semaphore_mem>>
      %dma_wait3A_2160 = tpu.memref_squeeze %dma_wait3A_2159 : memref<1x!tpu.dma_semaphore, #tpu.memory_space<semaphore_mem>> -> memref<!tpu.dma_semaphore, #tpu.memory_space<semaphore_mem>>
      tpu.wait_indirect_dma semaphore(%dma_wait3A_2160 : memref<!tpu.dma_semaphore, #tpu.memory_space<semaphore_mem>>) src(%dma_wait3A_2158 : memref<8192x128xf32, #tpu.memory_space<vmem_shared>>) dst(%dma_wait3A_2148 : memref<80x128xf32, #tpu.memory_space<vmem>>)
      %mul3A_2161 = arith.constant 80 : i32
      %mul3A_2162 = arith.muli %add3A_2141, %mul3A_2161 : i32
      %add3A_2163 = arith.addi %mul3A_2, %mul3A_2162 : i32
      %dma_start3A_2164 = arith.constant 3 : i32
      %dma_start3A_2165 = arith.constant 3 : i32
      %dma_start3A_2166 = arith.constant 0 : i32
      %dma_start3A_2167 = arith.constant 0 : i32
      %dma_start3A_2168 = tpu.memref_slice %arg6[%dma_start3A_2164, %dma_start3A_2166, %dma_start3A_2167] : memref<4x80x128xf32, #tpu.memory_space<vmem>> -> memref<1x80x128xf32, #tpu.memory_space<vmem>>
      %dma_start3A_2169 = tpu.memref_squeeze %dma_start3A_2168 : memref<1x80x128xf32, #tpu.memory_space<vmem>> -> memref<80x128xf32, #tpu.memory_space<vmem>>
      %dma_start3A_2170 = arith.constant 0 : i32
      %dma_start3A_2171 = tpu.memref_slice %arg4[%add3A_2163, %dma_start3A_2170] : memref<819200x128xf32, #tpu.memory_space<hbm>> -> memref<80x128xf32, #tpu.memory_space<hbm>>
      %dma_start3A_2172 = tpu.memref_slice %arg9[%dma_start3A_2165] : memref<4x!tpu.dma_semaphore, #tpu.memory_space<semaphore_mem>> -> memref<1x!tpu.dma_semaphore, #tpu.memory_space<semaphore_mem>>
      %dma_start3A_2173 = tpu.memref_squeeze %dma_start3A_2172 : memref<1x!tpu.dma_semaphore, #tpu.memory_space<semaphore_mem>> -> memref<!tpu.dma_semaphore, #tpu.memory_space<semaphore_mem>>
      %dma_start3A_2174 = arith.constant 0 : i32
      %dma_start3A_2175 = tpu.memref_slice %arg4[%add3A_2163, %dma_start3A_2174] : memref<819200x128xf32, #tpu.memory_space<hbm>> -> memref<80x128xf32, #tpu.memory_space<hbm>>
      %dma_start3A_2176 = arith.constant 0 : i32
      %dma_start3A_2177 = arith.constant 0 : i32
      %dma_start3A_2178 = tpu.memref_slice %arg6[%dma_start3A_2164, %dma_start3A_2176, %dma_start3A_2177] : memref<4x80x128xf32, #tpu.memory_space<vmem>> -> memref<1x80x128xf32, #tpu.memory_space<vmem>>
      %dma_start3A_2179 = tpu.memref_squeeze %dma_start3A_2178 : memref<1x80x128xf32, #tpu.memory_space<vmem>> -> memref<80x128xf32, #tpu.memory_space<vmem>>
      tpu.enqueue_dma source(%dma_start3A_2179 : memref<80x128xf32, #tpu.memory_space<vmem>>) target(%dma_start3A_2175 : memref<80x128xf32, #tpu.memory_space<hbm>>) target_semaphore(%dma_start3A_2173 : memref<!tpu.dma_semaphore, #tpu.memory_space<semaphore_mem>>)
      %add3A_2180 = arith.constant 4 : i32
      %add3A_2181 = arith.addi %add3A_2141, %add3A_2180 : i32
      %lt3A_2182 = arith.constant 320 : i32
      %lt3A_2183 = arith.cmpi slt, %add3A_2181, %lt3A_2182 : i32
      %convert_element_type3A_2184 = arith.extui %lt3A_2183 : i1 to i32
      %cond3A_2185 = arith.constant 0 : i32
      %cond3A_2186 = arith.cmpi ne, %convert_element_type3A_2184, %cond3A_2185 : i32
      scf.if %cond3A_2186 {
        %mul3A_2188 = arith.constant 80 : i32
        %mul3A_2189 = arith.muli %add3A_2141, %mul3A_2188 : i32
        %add3A_2190 = arith.addi %mul3A_2, %mul3A_2189 : i32
        %dma_wait3A_2191 = arith.constant 3 : i32
        %dma_wait3A_2192 = arith.constant 3 : i32
        %dma_wait3A_2193 = arith.constant 0 : i32
        %dma_wait3A_2194 = arith.constant 0 : i32
        %dma_wait3A_2195 = tpu.memref_slice %arg6[%dma_wait3A_2191, %dma_wait3A_2193, %dma_wait3A_2194] : memref<4x80x128xf32, #tpu.memory_space<vmem>> -> memref<1x80x128xf32, #tpu.memory_space<vmem>>
        %dma_wait3A_2196 = tpu.memref_squeeze %dma_wait3A_2195 : memref<1x80x128xf32, #tpu.memory_space<vmem>> -> memref<80x128xf32, #tpu.memory_space<vmem>>
        %dma_wait3A_2197 = arith.constant 0 : i32
        %dma_wait3A_2198 = tpu.memref_slice %arg4[%add3A_2190, %dma_wait3A_2197] : memref<819200x128xf32, #tpu.memory_space<hbm>> -> memref<80x128xf32, #tpu.memory_space<hbm>>
        %dma_wait3A_2199 = tpu.memref_slice %arg9[%dma_wait3A_2192] : memref<4x!tpu.dma_semaphore, #tpu.memory_space<semaphore_mem>> -> memref<1x!tpu.dma_semaphore, #tpu.memory_space<semaphore_mem>>
        %dma_wait3A_2200 = tpu.memref_squeeze %dma_wait3A_2199 : memref<1x!tpu.dma_semaphore, #tpu.memory_space<semaphore_mem>> -> memref<!tpu.dma_semaphore, #tpu.memory_space<semaphore_mem>>
        %dma_wait3A_2201 = arith.constant 0 : i32
        %dma_wait3A_2202 = tpu.memref_slice %arg4[%add3A_2190, %dma_wait3A_2201] : memref<819200x128xf32, #tpu.memory_space<hbm>> -> memref<80x128xf32, #tpu.memory_space<hbm>>
        %dma_wait3A_2203 = arith.constant 0 : i32
        %dma_wait3A_2204 = arith.constant 0 : i32
        %dma_wait3A_2205 = tpu.memref_slice %arg6[%dma_wait3A_2191, %dma_wait3A_2203, %dma_wait3A_2204] : memref<4x80x128xf32, #tpu.memory_space<vmem>> -> memref<1x80x128xf32, #tpu.memory_space<vmem>>
        %dma_wait3A_2206 = tpu.memref_squeeze %dma_wait3A_2205 : memref<1x80x128xf32, #tpu.memory_space<vmem>> -> memref<80x128xf32, #tpu.memory_space<vmem>>
        tpu.wait_dma2 semaphore(%dma_wait3A_2200 : memref<!tpu.dma_semaphore, #tpu.memory_space<semaphore_mem>>) src(%dma_wait3A_2206 : memref<80x128xf32, #tpu.memory_space<vmem>>) dst(%dma_wait3A_2202 : memref<80x128xf32, #tpu.memory_space<hbm>>)
        %sub3A = arith.constant 1 : i32
        %sub3A_2207 = arith.subi %sub3A, %rem3A_215 : i32
        %dma_start3A_2208 = arith.constant 3 : i32
        %dma_start3A_2209 = arith.constant 3 : i32
        %dma_start3A_2210 = arith.constant 3 : i32
        %dma_start3A_2211 = arith.constant 0 : i32
        %dma_start3A_2212 = arith.constant 0 : i32
        %dma_start3A_2213 = tpu.memref_slice %arg6[%dma_start3A_2209, %dma_start3A_2211, %dma_start3A_2212] : memref<4x80x128xf32, #tpu.memory_space<vmem>> -> memref<1x80x128xf32, #tpu.memory_space<vmem>>
        %dma_start3A_2214 = tpu.memref_squeeze %dma_start3A_2213 : memref<1x80x128xf32, #tpu.memory_space<vmem>> -> memref<80x128xf32, #tpu.memory_space<vmem>>
        %dma_start3A_2215 = arith.constant 0 : i32
        %dma_start3A_2216 = arith.constant 0 : i32
        %dma_start3A_2217 = tpu.memref_slice %arg5[%sub3A_2207, %dma_start3A_2215, %dma_start3A_2216] : memref<2x40x80xi32, #tpu.memory_space<vmem>> -> memref<1x40x80xi32, #tpu.memory_space<vmem>>
        %dma_start3A_2218 = tpu.memref_squeeze %dma_start3A_2217 : memref<1x40x80xi32, #tpu.memory_space<vmem>> -> memref<40x80xi32, #tpu.memory_space<vmem>>
        %dma_start3A_2219 = arith.constant 0 : i32
        %dma_start3A_2220 = tpu.memref_slice %dma_start3A_2218[%dma_start3A_2208, %dma_start3A_2219] : memref<40x80xi32, #tpu.memory_space<vmem>> -> memref<1x80xi32, #tpu.memory_space<vmem>>
        %dma_start3A_2221 = tpu.memref_squeeze %dma_start3A_2220 : memref<1x80xi32, #tpu.memory_space<vmem>> -> memref<80xi32, #tpu.memory_space<vmem>>
        %dma_start3A_2222 = arith.constant 0 : i32
        %dma_start3A_2223 = arith.constant 0 : i32
        %dma_start3A_2224 = tpu.memref_slice %arg7[%dma_start3A_2222, %dma_start3A_2223] : memref<8192x128xf32, #tpu.memory_space<vmem_shared>> -> memref<8192x128xf32, #tpu.memory_space<vmem_shared>>
        %dma_start3A_2225 = tpu.memref_slice %arg8[%dma_start3A_2210] : memref<4x!tpu.dma_semaphore, #tpu.memory_space<semaphore_mem>> -> memref<1x!tpu.dma_semaphore, #tpu.memory_space<semaphore_mem>>
        %dma_start3A_2226 = tpu.memref_squeeze %dma_start3A_2225 : memref<1x!tpu.dma_semaphore, #tpu.memory_space<semaphore_mem>> -> memref<!tpu.dma_semaphore, #tpu.memory_space<semaphore_mem>>
        tpu.enqueue_indirect_dma source(%dma_start3A_2224 : memref<8192x128xf32, #tpu.memory_space<vmem_shared>>) target(%dma_start3A_2214 : memref<80x128xf32, #tpu.memory_space<vmem>>) offsets(%dma_start3A_2221 : memref<80xi32, #tpu.memory_space<vmem>>) semaphore(%dma_start3A_2226 : memref<!tpu.dma_semaphore, #tpu.memory_space<semaphore_mem>>)
      } else {
      }
      %scan3A_2187 = arith.constant 0 : i32
      scf.yield %scan3A_2187 : i32
    }
    %scan3A_140 = arith.constant 8 : i32
    %add3A_141 = arith.constant 25280 : i32
    %add3A_142 = arith.addi %mul3A_2, %add3A_141 : i32
    %dma_wait3A_143 = arith.constant 0 : i32
    %dma_wait3A_144 = arith.constant 0 : i32
    %dma_wait3A_145 = arith.constant 0 : i32
    %dma_wait3A_146 = arith.constant 0 : i32
    %dma_wait3A_147 = tpu.memref_slice %arg6[%dma_wait3A_143, %dma_wait3A_145, %dma_wait3A_146] : memref<4x80x128xf32, #tpu.memory_space<vmem>> -> memref<1x80x128xf32, #tpu.memory_space<vmem>>
    %dma_wait3A_148 = tpu.memref_squeeze %dma_wait3A_147 : memref<1x80x128xf32, #tpu.memory_space<vmem>> -> memref<80x128xf32, #tpu.memory_space<vmem>>
    %dma_wait3A_149 = arith.constant 0 : i32
    %dma_wait3A_150 = tpu.memref_slice %arg4[%add3A_142, %dma_wait3A_149] : memref<819200x128xf32, #tpu.memory_space<hbm>> -> memref<80x128xf32, #tpu.memory_space<hbm>>
    %dma_wait3A_151 = tpu.memref_slice %arg9[%dma_wait3A_144] : memref<4x!tpu.dma_semaphore, #tpu.memory_space<semaphore_mem>> -> memref<1x!tpu.dma_semaphore, #tpu.memory_space<semaphore_mem>>
    %dma_wait3A_152 = tpu.memref_squeeze %dma_wait3A_151 : memref<1x!tpu.dma_semaphore, #tpu.memory_space<semaphore_mem>> -> memref<!tpu.dma_semaphore, #tpu.memory_space<semaphore_mem>>
    %dma_wait3A_153 = arith.constant 0 : i32
    %dma_wait3A_154 = tpu.memref_slice %arg4[%add3A_142, %dma_wait3A_153] : memref<819200x128xf32, #tpu.memory_space<hbm>> -> memref<80x128xf32, #tpu.memory_space<hbm>>
    %dma_wait3A_155 = arith.constant 0 : i32
    %dma_wait3A_156 = arith.constant 0 : i32
    %dma_wait3A_157 = tpu.memref_slice %arg6[%dma_wait3A_143, %dma_wait3A_155, %dma_wait3A_156] : memref<4x80x128xf32, #tpu.memory_space<vmem>> -> memref<1x80x128xf32, #tpu.memory_space<vmem>>
    %dma_wait3A_158 = tpu.memref_squeeze %dma_wait3A_157 : memref<1x80x128xf32, #tpu.memory_space<vmem>> -> memref<80x128xf32, #tpu.memory_space<vmem>>
    tpu.wait_dma2 semaphore(%dma_wait3A_152 : memref<!tpu.dma_semaphore, #tpu.memory_space<semaphore_mem>>) src(%dma_wait3A_158 : memref<80x128xf32, #tpu.memory_space<vmem>>) dst(%dma_wait3A_154 : memref<80x128xf32, #tpu.memory_space<hbm>>)
    %add3A_159 = arith.constant 25360 : i32
    %add3A_160 = arith.addi %mul3A_2, %add3A_159 : i32
    %dma_wait3A_161 = arith.constant 1 : i32
    %dma_wait3A_162 = arith.constant 1 : i32
    %dma_wait3A_163 = arith.constant 0 : i32
    %dma_wait3A_164 = arith.constant 0 : i32
    %dma_wait3A_165 = tpu.memref_slice %arg6[%dma_wait3A_161, %dma_wait3A_163, %dma_wait3A_164] : memref<4x80x128xf32, #tpu.memory_space<vmem>> -> memref<1x80x128xf32, #tpu.memory_space<vmem>>
    %dma_wait3A_166 = tpu.memref_squeeze %dma_wait3A_165 : memref<1x80x128xf32, #tpu.memory_space<vmem>> -> memref<80x128xf32, #tpu.memory_space<vmem>>
    %dma_wait3A_167 = arith.constant 0 : i32
    %dma_wait3A_168 = tpu.memref_slice %arg4[%add3A_160, %dma_wait3A_167] : memref<819200x128xf32, #tpu.memory_space<hbm>> -> memref<80x128xf32, #tpu.memory_space<hbm>>
    %dma_wait3A_169 = tpu.memref_slice %arg9[%dma_wait3A_162] : memref<4x!tpu.dma_semaphore, #tpu.memory_space<semaphore_mem>> -> memref<1x!tpu.dma_semaphore, #tpu.memory_space<semaphore_mem>>
    %dma_wait3A_170 = tpu.memref_squeeze %dma_wait3A_169 : memref<1x!tpu.dma_semaphore, #tpu.memory_space<semaphore_mem>> -> memref<!tpu.dma_semaphore, #tpu.memory_space<semaphore_mem>>
    %dma_wait3A_171 = arith.constant 0 : i32
    %dma_wait3A_172 = tpu.memref_slice %arg4[%add3A_160, %dma_wait3A_171] : memref<819200x128xf32, #tpu.memory_space<hbm>> -> memref<80x128xf32, #tpu.memory_space<hbm>>
    %dma_wait3A_173 = arith.constant 0 : i32
    %dma_wait3A_174 = arith.constant 0 : i32
    %dma_wait3A_175 = tpu.memref_slice %arg6[%dma_wait3A_161, %dma_wait3A_173, %dma_wait3A_174] : memref<4x80x128xf32, #tpu.memory_space<vmem>> -> memref<1x80x128xf32, #tpu.memory_space<vmem>>
    %dma_wait3A_176 = tpu.memref_squeeze %dma_wait3A_175 : memref<1x80x128xf32, #tpu.memory_space<vmem>> -> memref<80x128xf32, #tpu.memory_space<vmem>>
    tpu.wait_dma2 semaphore(%dma_wait3A_170 : memref<!tpu.dma_semaphore, #tpu.memory_space<semaphore_mem>>) src(%dma_wait3A_176 : memref<80x128xf32, #tpu.memory_space<vmem>>) dst(%dma_wait3A_172 : memref<80x128xf32, #tpu.memory_space<hbm>>)
    %add3A_177 = arith.constant 25440 : i32
    %add3A_178 = arith.addi %mul3A_2, %add3A_177 : i32
    %dma_wait3A_179 = arith.constant 2 : i32
    %dma_wait3A_180 = arith.constant 2 : i32
    %dma_wait3A_181 = arith.constant 0 : i32
    %dma_wait3A_182 = arith.constant 0 : i32
    %dma_wait3A_183 = tpu.memref_slice %arg6[%dma_wait3A_179, %dma_wait3A_181, %dma_wait3A_182] : memref<4x80x128xf32, #tpu.memory_space<vmem>> -> memref<1x80x128xf32, #tpu.memory_space<vmem>>
    %dma_wait3A_184 = tpu.memref_squeeze %dma_wait3A_183 : memref<1x80x128xf32, #tpu.memory_space<vmem>> -> memref<80x128xf32, #tpu.memory_space<vmem>>
    %dma_wait3A_185 = arith.constant 0 : i32
    %dma_wait3A_186 = tpu.memref_slice %arg4[%add3A_178, %dma_wait3A_185] : memref<819200x128xf32, #tpu.memory_space<hbm>> -> memref<80x128xf32, #tpu.memory_space<hbm>>
    %dma_wait3A_187 = tpu.memref_slice %arg9[%dma_wait3A_180] : memref<4x!tpu.dma_semaphore, #tpu.memory_space<semaphore_mem>> -> memref<1x!tpu.dma_semaphore, #tpu.memory_space<semaphore_mem>>
    %dma_wait3A_188 = tpu.memref_squeeze %dma_wait3A_187 : memref<1x!tpu.dma_semaphore, #tpu.memory_space<semaphore_mem>> -> memref<!tpu.dma_semaphore, #tpu.memory_space<semaphore_mem>>
    %dma_wait3A_189 = arith.constant 0 : i32
    %dma_wait3A_190 = tpu.memref_slice %arg4[%add3A_178, %dma_wait3A_189] : memref<819200x128xf32, #tpu.memory_space<hbm>> -> memref<80x128xf32, #tpu.memory_space<hbm>>
    %dma_wait3A_191 = arith.constant 0 : i32
    %dma_wait3A_192 = arith.constant 0 : i32
    %dma_wait3A_193 = tpu.memref_slice %arg6[%dma_wait3A_179, %dma_wait3A_191, %dma_wait3A_192] : memref<4x80x128xf32, #tpu.memory_space<vmem>> -> memref<1x80x128xf32, #tpu.memory_space<vmem>>
    %dma_wait3A_194 = tpu.memref_squeeze %dma_wait3A_193 : memref<1x80x128xf32, #tpu.memory_space<vmem>> -> memref<80x128xf32, #tpu.memory_space<vmem>>
    tpu.wait_dma2 semaphore(%dma_wait3A_188 : memref<!tpu.dma_semaphore, #tpu.memory_space<semaphore_mem>>) src(%dma_wait3A_194 : memref<80x128xf32, #tpu.memory_space<vmem>>) dst(%dma_wait3A_190 : memref<80x128xf32, #tpu.memory_space<hbm>>)
    %add3A_195 = arith.constant 25520 : i32
    %add3A_196 = arith.addi %mul3A_2, %add3A_195 : i32
    %dma_wait3A_197 = arith.constant 3 : i32
    %dma_wait3A_198 = arith.constant 3 : i32
    %dma_wait3A_199 = arith.constant 0 : i32
    %dma_wait3A_200 = arith.constant 0 : i32
    %dma_wait3A_201 = tpu.memref_slice %arg6[%dma_wait3A_197, %dma_wait3A_199, %dma_wait3A_200] : memref<4x80x128xf32, #tpu.memory_space<vmem>> -> memref<1x80x128xf32, #tpu.memory_space<vmem>>
    %dma_wait3A_202 = tpu.memref_squeeze %dma_wait3A_201 : memref<1x80x128xf32, #tpu.memory_space<vmem>> -> memref<80x128xf32, #tpu.memory_space<vmem>>
    %dma_wait3A_203 = arith.constant 0 : i32
    %dma_wait3A_204 = tpu.memref_slice %arg4[%add3A_196, %dma_wait3A_203] : memref<819200x128xf32, #tpu.memory_space<hbm>> -> memref<80x128xf32, #tpu.memory_space<hbm>>
    %dma_wait3A_205 = tpu.memref_slice %arg9[%dma_wait3A_198] : memref<4x!tpu.dma_semaphore, #tpu.memory_space<semaphore_mem>> -> memref<1x!tpu.dma_semaphore, #tpu.memory_space<semaphore_mem>>
    %dma_wait3A_206 = tpu.memref_squeeze %dma_wait3A_205 : memref<1x!tpu.dma_semaphore, #tpu.memory_space<semaphore_mem>> -> memref<!tpu.dma_semaphore, #tpu.memory_space<semaphore_mem>>
    %dma_wait3A_207 = arith.constant 0 : i32
    %dma_wait3A_208 = tpu.memref_slice %arg4[%add3A_196, %dma_wait3A_207] : memref<819200x128xf32, #tpu.memory_space<hbm>> -> memref<80x128xf32, #tpu.memory_space<hbm>>
    %dma_wait3A_209 = arith.constant 0 : i32
    %dma_wait3A_210 = arith.constant 0 : i32
    %dma_wait3A_211 = tpu.memref_slice %arg6[%dma_wait3A_197, %dma_wait3A_209, %dma_wait3A_210] : memref<4x80x128xf32, #tpu.memory_space<vmem>> -> memref<1x80x128xf32, #tpu.memory_space<vmem>>
    %dma_wait3A_212 = tpu.memref_squeeze %dma_wait3A_211 : memref<1x80x128xf32, #tpu.memory_space<vmem>> -> memref<80x128xf32, #tpu.memory_space<vmem>>
    tpu.wait_dma2 semaphore(%dma_wait3A_206 : memref<!tpu.dma_semaphore, #tpu.memory_space<semaphore_mem>>) src(%dma_wait3A_212 : memref<80x128xf32, #tpu.memory_space<vmem>>) dst(%dma_wait3A_208 : memref<80x128xf32, #tpu.memory_space<hbm>>)
    return
  }
}

</mosaic_0001>

<sc_bundles>
// kernel: _sc_gather.3.cloned.1.call-start
scs
__scs_entry_jumppad:
0x0: {  	(pc) =	sbr.rel $0x88, $3  }
0x1: {  	(tag) =	ssettag $0x0;
	lr =	simm.s32 $0x1  }
0x2: {  	[smem:$0x3F9F] =	sst lr;
	_ =	strace $0xD0000000  }
0x3: {  	_ = 	snop  }
0x4: {  	_ = 	snop  }
0x5: {  	_ = 	snop  }
0x6: {  	_ = 	snop  }
0x7: {  	_ = 	snop  }
__scs_overlays_trampoline_lowered:
0x8: {  	[smem:$0x3FAE] =	sst s0  }
0x9: {  	[smem:$0x3FAF] =	sst s1  }
0xa: {  	[smem:$0x3FB0] =	sst s2  }
0xb: {  	[smem:$0x3FB1] =	sst s3  }
0xc: {  	[smem:$0x3FB2] =	sst s4  }
0xd: {  	[smem:$0x3FB3] =	sst s5  }
0xe: {  	[smem:$0x3FB4] =	sst s6  }
0xf: {  	[smem:$0x3FB5] =	sst s7  }
0x10: {  	[smem:$0x3FB6] =	sst s8  }
0x11: {  	[smem:$0x3FB7] =	sst s9;
	s0 =	simm.s32 @!p0 $0x0  }
0x12: {  	s1 =	sld [smem:$0x3F9D];
	s0 =	simm.s32 @p0 $0x1  }
0x13: {  	[smem:$0x3FB8] =	sst s0;
	s0 =	simm.s32 @!p1 $0x0  }
0x14: {  	s2 =	sld [smem:$0x3F9C];
	s0 =	simm.s32 @p1 $0x1  }
0x15: {  	[smem:$0x3FB9] =	sst s0;
	s0 =	simm.s32 @!p2 $0x0  }
0x16: {  	s3 =	sld [smem:$0x3FDB];
	s0 =	simm.s32 @p2 $0x1  }
0x17: {  	s4 =	simm.s32 $0x1BF5;
	[smem:$0x3FBB] =	sst s0  }
0x18: {  	s0 =	sld [smem:$0x3F9E];
	_ =	swait.ge [sflag:s4], $0x0  }
0x19: {  	s7 =	sld [smem:$0x3F9F]  }
0x1a: {  	s8 =	sadd.s32 $0xFFFFE003, lr  }
0x1b: {  	s9 =	sadd.s32 $0xFFFFFEF7, lr;
	s5 =	simm.s32 $0xFFFFFFFF;
	p2 =	slt.u32 s8, $0xFFFFF086  }
0x1c: {  	p1 =	slt.u32 s9, $0xF7A;
	s5 =	simm.s32 @!p2 $0x0  }
0x1d: {  	s5 =	simm.s32 @p1 $0x1;
	p0 =	seq.s32 s7, s2  }
0x1e: {  	s7 =	smul.u32 @!p0 $0xF7A, s2;
	p2 =	seq.s32 @!p0 s5, $0x0  }
0x1f: {  	s9 =	smul.u32 $0xF7A, s1;
	s8 =	simm.s32 @!p0 $0x1BF5;
	p2 =	por !p2, p0  }
0x20: {  	[sflag:s8] =	ssyncset.s32 @!p0 $0xFFFFF086;
	s6 =	sadd.s32 @!p0 s3, s7;
	s7 =	simm.s32 @!p0 $0x108  }
0x21: {  	s3 =	sadd.s32 s3, s9;
	s6 =	sadd.s32 @!p0 $0x88, s6;
	s7 =	simm.s32 @p2 $0x1082  }
0x22: {  	[simem:s7], [sflag:s8] =	dma.local @!p0 [hbm:s6], $0xF7A  }
0x23: {  	s9 =	sor.u32 $0xD0000000, s2;
	s6 =	simm.s32 $0x108;
	_ =	swait.ge @!p0 [sflag:s8], $0x0  }
0x24: {  	s3 =	sadd.s32 $0x88, s3;
	s6 =	simm.s32 @!p1 $0x1082;
	[sflag:s4] =	ssyncset.s32 $0xFFFFF086  }
0x25: {  	[simem:s6], [sflag:s4] =	dma.local [hbm:s3], $0xF7A  }
0x26: {  	[smem:$0x3F9F] =	sst s1;
	(tag) =	ssettag s2;
	_ =	strace s9  }
0x27: {  	s1 =	sld [smem:$0x3FAF]  }
0x28: {  	s2 =	sld [smem:$0x3FB0]  }
0x29: {  	s4 =	sld [smem:$0x3FB2]  }
0x2a: {  	p0 =	seq.s32 s5, $0x0;
	s5 =	sld [smem:$0x3FB3]  }
0x2b: {  	s6 =	sld [smem:$0x3FB4]  }
0x2c: {  	s7 =	sld [smem:$0x3FB5]  }
0x2d: {  	s3 =	simm.s32 $0x108;
	s8 =	sld [smem:$0x3FB6]  }
0x2e: {  	s3 =	simm.s32 @!p0 $0x1082;
	s9 =	sld [smem:$0x3FB7]  }
0x2f: {  	lr =	sadd.s32 s0, s3;
	s0 =	sld [smem:$0x3FAE]  }
0x30: {  	s3 =	sld [smem:$0x3FB1]  }
0x31: {  	[smem:$0x3FBA] =	sst s10  }
0x32: {  	s10 =	sld [smem:$0x3FB8];
	_ =	sdelay $0x3  }
0x33: {  	p0 =	seq.s32 s10, $0x1;
	s10 =	sld [smem:$0x3FBA];
	_ =	sdelay $0x3  }
0x34: {  	[smem:$0x3FBA] =	sst s10  }
0x35: {  	s10 =	sld [smem:$0x3FB9];
	_ =	sdelay $0x3  }
0x36: {  	p1 =	seq.s32 s10, $0x1;
	s10 =	sld [smem:$0x3FBA];
	_ =	sdelay $0x3  }
0x37: {  	[smem:$0x3FBA] =	sst s10  }
0x38: {  	s10 =	sld [smem:$0x3FBB]  }
0x39: {  	_ = 	snop;
	(pc) =	sbr.ind lr, $3  }
0x3a: {  	_ = 	snop  }
0x3b: {  	_ = 	snop  }
0x3c: {  	p2 =	seq.s32 s10, $0x1;
	s10 =	sld [smem:$0x3FBA]  }
0x3d: {  	_ =	shalt  }
0x3e: {  	_ =	shalt  }
0x3f: {  	_ =	shalt  }
0x40: {  	_ =	shalt  }
0x41: {  	_ =	shalt  }
0x42: {  	_ =	shalt  }
0x43: {  	_ =	shalt  }
0x44: {  	_ =	shalt  }
0x45: {  	_ =	shalt  }
0x46: {  	_ =	shalt  }
0x47: {  	_ =	shalt  }
0x48: {  	_ =	shalt  }
0x49: {  	_ =	shalt  }
0x4a: {  	_ =	shalt  }
0x4b: {  	_ =	shalt  }
0x4c: {  	_ =	shalt  }
0x4d: {  	_ =	shalt  }
0x4e: {  	_ =	shalt  }
0x4f: {  	_ =	shalt  }
0x50: {  	_ =	shalt  }
0x51: {  	_ =	shalt  }
0x52: {  	_ =	shalt  }
0x53: {  	_ =	shalt  }
0x54: {  	_ =	shalt  }
0x55: {  	_ =	shalt  }
0x56: {  	_ =	shalt  }
0x57: {  	_ =	shalt  }
0x58: {  	_ =	shalt  }
0x59: {  	_ =	shalt  }
0x5a: {  	_ =	shalt  }
0x5b: {  	_ =	shalt  }
0x5c: {  	_ =	shalt  }
0x5d: {  	_ =	shalt  }
0x5e: {  	_ =	shalt  }
0x5f: {  	_ =	shalt  }
0x60: {  	_ =	shalt  }
0x61: {  	_ =	shalt  }
0x62: {  	_ =	shalt  }
0x63: {  	_ =	shalt  }
0x64: {  	_ =	shalt  }
0x65: {  	_ =	shalt  }
0x66: {  	_ =	shalt  }
0x67: {  	_ =	shalt  }
0x68: {  	_ =	shalt  }
0x69: {  	_ =	shalt  }
0x6a: {  	_ =	shalt  }
0x6b: {  	_ =	shalt  }
0x6c: {  	_ =	shalt  }
0x6d: {  	_ =	shalt  }
0x6e: {  	_ =	shalt  }
0x6f: {  	_ =	shalt  }
0x70: {  	_ =	shalt  }
0x71: {  	_ =	shalt  }
0x72: {  	_ =	shalt  }
0x73: {  	_ =	shalt  }
0x74: {  	_ =	shalt  }
0x75: {  	_ =	shalt  }
0x76: {  	_ =	shalt  }
0x77: {  	_ =	shalt  }
0x78: {  	_ =	shalt  }
0x79: {  	_ =	shalt  }
0x7a: {  	_ =	shalt  }
0x7b: {  	_ =	shalt  }
0x7c: {  	_ =	shalt  }
0x7d: {  	_ =	shalt  }
0x7e: {  	_ =	shalt  }
0x7f: {  	_ =	shalt  }
0x80: {  	_ =	shalt  }
0x81: {  	_ =	shalt  }
0x82: {  	_ =	shalt  }
0x83: {  	_ =	shalt  }
0x84: {  	_ =	shalt  }
0x85: {  	_ =	shalt  }
0x86: {  	_ =	shalt  }
0x87: {  	_ =	shalt  }
.Lfunc_end0:
.L_simem_size_0:
called_computation_lowered:
.L_overlay_start_0:
0x88: {  	s2 =	sld [smem:$0x3FD9]  }
0x89: {  	s3 =	sld [smem:$0x3FFE];
	_ =	sdelay $0x1  }
0x8a: {  	s1 =	srdreg.scid  }
0x8b: {  	s0 =	sand.u32 $0x1, s1  }
0x8c: {  	s18 =	sshll.u32 s0, $0xA;
	s2 =	sadd.s32 s3, s2  }
0x8d: {  	s2 =	sadd.s32 s2, s18  }
0x8e: {  	[smem:$0x3FC6] =	sst s2  }
0x8f: {  	_ = 	snop  }
0x90: {  	s2 =	sld [smem:$0x3FC9]  }
0x91: {  	s19 =	sld [smem:$0x3FC8]  }
0x92: {  	s4 =	sld [smem:$0x3FD0];
	(tm) =	ssettm $0x1  }
0x93: {  	s5 =	sld [smem:$0x3FFB];
	_ =	sdelay $0x3  }
0x94: {  	_ =	strace s5  }
0x95: {  	s5 =	sld [smem:$0x3FFC];
	_ =	sdelay $0x3  }
0x96: {  	_ =	strace s5  }
0x97: {  	s5 =	sld [smem:$0x3FFD];
	_ =	sdelay $0x3  }
0x98: {  	_ =	strace s5  }
0x99: {  	_ =	strace $0x8FFFFFFF  }
0x9a: {  	s20 =	sld [smem:$0x3FDB];
	_ =	sdelay $0x1  }
0x9b: {  	s6 =	simm.s32 $_scs_section_size  }
0x9c: {  	s7 =	simm.s32 $_size__tile_overlayer_lowered;
	s8 =	simm.s32 $_tile_overlayer_lowered  }
0x9d: {  	s23 =	simm.s32 $0x1BFF;
	s22 =	sshll.u32 s8, $0x1;
	s5 =	sadd.s32 s6, s20  }
0x9e: {  	s9 =	simm.s32 $0x0;
	s21 =	sshll.u32 s7, $0x1;
	s7 =	sadd.s32 s22, s5  }
0x9f: {  	[timem:s9], [sflag:s23] =	dma.local [hbm:s7], s21  }
0xa0: {  	_ =	swait.ge [sflag:s23], s21  }
0xa1: {  	s6 =	ssub.s32 $0x0, s21;
	[sflag:s23] =	ssyncset.done $0x0  }
0xa2: {  	[sflag:s23] =	ssyncadd.s32 s6;
	_ =	sdelay $0x1  }
0xa3: {  	s24 =	simm.s32 $0x1B8B  }
0xa4: {  	_ =	swait.ge [sflag:s24], $0x1  }
0xa5: {  	[sflag:s24] =	ssyncset.done $0x0  }
0xa6: {  	s25 =	simm.s32 $0x1B8E;
	[sflag:s24] =	ssyncadd.s32 $0xFFFFFFFF  }
0xa7: {  	s26 =	simm.s32 $execute0_lowered;
	[smem:$0x3FD2] =	sst s25  }
0xa8: {  	s6 =	sshll.u32 s26, $0x1;
	_ =	strace $0x80000046;
	[dreg:$0x1] =	wrdreg $0xFFFFFFFF  }
0xa9: {  	s28 =	simm.s32 $_size_execute0_lowered;
	s5 =	sadd.s32 s5, s6;
	[dreg:$0x0] =	wrdreg $0x0  }
0xaa: {  	s6 =	sshll.u32 s28, $0x1;
	[dreg:$0x2] =	wrdreg s5  }
0xab: {  	[dreg:$0x3] =	wrdreg s6  }
0xac: {  	[dreg:$0x4] =	wrdreg $0xC0  }
0xad: {  	_ =	task [dreg:s9], $0x5FFFF  }
0xae: {  	[dreg:$0x1] =	wrdreg $0xFFFFFFFF  }
0xaf: {  	[dreg:$0x0] =	wrdreg $0x60  }
0xb0: {  	[dreg:$0x2] =	wrdreg s2  }
0xb1: {  	[dreg:$0x3] =	wrdreg s19  }
0xb2: {  	[dreg:$0x4] =	wrdreg s4  }
0xb3: {  	[dreg:$0x5] =	wrdreg $0xC8000  }
0xb4: {  	[dreg:$0x6] =	wrdreg $0x9  }
0xb5: {  	_ =	task.clear_ibuf [dreg:s9], $0x7FFFF;
	_ =	strace $0x90000046  }
0xb6: {  	s29 =	simm.s32 $0x9;
	_ =	strace $0x80000048  }
0xb7: {  	_ =	swait.ge [sflag:s29], $0x1  }
0xb8: {  	[sflag:s29] =	ssyncadd.s32 $0xFFFFFFFF  }
0xb9: {  	_ =	strace $0x90000048  }
0xba: {  	_ =	sfence  }
0xbb: {  	s30 =	sld [smem:$0x0];
	_ =	sdelay $0x2  }
0xbc: {  	s31 =	sshll.u32 s1, $0xD;
	s1 =	sshrl.u32 s1, $0x2  }
0xbd: {  	s3 =	sand.u32 $0x4000, s31;
	s1 =	sadd.s32 s1, s30  }
0xbe: {  	s0 =	sor.u32 s3, s0;
	s1 =	sshll.u32 s1, $0x11  }
0xbf: {  	s0 =	sor.u32 s1, s0  }
0xc0: {  	s0 =	sadd.s32 $0x8F2B, s0  }
0xc1: {  	[sflag:s0] =	ssyncadd.remote.s32 $0x1  }
0xc2: {  	_ =	sfence.sel $0xFFFF  }
0xc3: {  	[dreg:$0x0] =	wrdreg $0xFFFFFFFF;
	(pc) =	sbr.abs _section_cstart, $3  }
0xc4: {  	[dreg:$0x1] =	wrdreg $0xFFFFFFFF  }
0xc5: {  	_ =	task.clear_ibuf [dreg:s9], $0x2FFFF;
	_ =	strace $0x9FFFFFFF  }
0xc6: {  	(tm) =	ssettm $0x7FFFFFFF  }
0xc7: {  	_ =	shalt  }
tec
execute0_lowered:
.L_overlay_start_1:
0x0: {  	(tag) =	ssettag $0x1  }
0x1: {  	s0 =	rddreg [dreg:$0x0]  }
0x2: {  	s1 =	rddreg [dreg:$0x1]  }
0x3: {  	s4 =	rddreg [dreg:$0x2]  }
0x4: {  	s2 =	rddreg [dreg:$0x3];
	s5 =	srdreg.scid;
	s3 =	simm.s32 $0x0  }
0x5: {  	s10 =	stileid.u32;
	s13 =	simm.s32 $0xB;
	s28 =	simm.s32 $0x3  }
0x6: {  	s29 =	simm.s32 $0x7;
	s30 =	simm.s32 $0x4;
	s31 =	simm.s32 $0x8  }
0x7: {  	s5 =	sand.u32 $0x1, s5;
	[smem:$0x7FF] =	sst s3;
	s7 =	sshll.u32 s10, $0x1  }
0x8: {  	s14 =	sshll.u32 s10, $0x10;
	s15 =	sshll.u32 s10, $0xD;
	s17 =	smul.u32 $0x14000, s10  }
0x9: {  	s16 =	sshll.u32 s10, $0x6;
	s21 =	smul.u32 $0xC8000, s10;
	s6 =	ssub.s32 $0x2, s5  }
0xa: {  	_ =	strace $0x80000047;
	s7 =	sor.u32 s5, s7;
	s19 =	smul.u32 $0xA000, s5  }
0xb: {  	s11 =	sadd.s32 s14, s2;
	s1 =	sadd.s32 s1, s15;
	s5 =	smul.u32 $0x64000, s5  }
0xc: {  	s14 =	simm.s32 $0x9;
	s15 =	simm.s32 $0x50;
	s9 =	smul.u32 $0xA000, s7  }
0xd: {  	s8 =	sshrl.u32 s6, $0x1;
	s7 =	smul.u32 $0x64000, s7;
	[dreg:$0x5] =	wrdreg s1  }
0xe: {  	s1 =	sor.u32 $0x1C0B, s16;
	s26 =	sshrl.u32 s11, $0x3;
	s16 =	simm.s32 $0x2800  }
0xf: {  	s6 =	ssub.s32 s6, s8;
	[dreg:$0x6] =	wrdreg s1;
	s23 =	sadd.s32 s19, s17  }
0x10: {  	[dreg:$0xa] =	wrdreg s26;
	s26 =	simm.s32 $0x6;
	s18 =	sshrl.u32 s9, $0x3  }
0x11: {  	s20 =	smax.u32 s6, $0x1;
	s22 =	sadd.s32 s4, s7;
	s24 =	sor.u32 $0x1400, s23  }
0x12: {  	s23 =	simm.s32 $0x1;
	s1 =	sadd.s32 s0, s18;
	[dreg:$0x8] =	wrdreg s20  }
.Ltmp0:
0x13: {  	s8 =	sadd.s32 $0x63100, s22;
	s6 =	sadd.s32 $0x63B00, s22;
	(pc) =	sbr.rel .LBB2_1-.Ltmp0, $4  }
0x14: {  	s25 =	sshrl.u32 s24, $0x3;
	s18 =	simm.s32 $0x5000;
	s20 =	simm.s32 $0x7800  }
0x15: {  	s22 =	simm.s32 $0xA000;
	[dreg:$0x7] =	wrdreg s1;
	s1 =	sadd.s32 s21, s4  }
0x16: {  	s24 =	simm.s32 $0x5;
	[dreg:$0x9] =	wrdreg s6;
	s10 =	sadd.s32 s5, s1  }
0x17: {  	s1 =	sadd.s32 s25, s0;
	s25 =	simm.s32 $0x2;
	s0 =	simm.s32 $0x0  }
.LBB2_3:
0x18: {  	_ =	swait.ge [sflag:s30], $0x2800  }
0x19: {  	[sflag:s30] =	ssyncset.done $0x0  }
0x1a: {  	s4 =	rddreg [dreg:$0x9];
	[sflag:s30] =	ssyncadd.s32 $0xFFFFD800  }
0x1b: {  	[hbm4b:s4+s3] =	stream.linear.scatter [tilespmem:s22], [sflag:$0x8], $0x2800, $0x38;
	[tilespmem:$0x1C800] =	vst v63  }
.LBB2_5:
0x1c: {  	_ =	swait.ge [sflag:s24], $0x2800  }
0x1d: {  	[sflag:s24] =	ssyncset.done $0x0  }
0x1e: {  	[sflag:s24] =	ssyncadd.s32 $0xFFFFD800  }
0x1f: {  	_ =	swait.ge [sflag:s26], $0x2800  }
0x20: {  	[sflag:s26] =	ssyncset.done $0x0  }
0x21: {  	[sflag:s26] =	ssyncadd.s32 $0xFFFFD800  }
0x22: {  	_ =	swait.ge [sflag:s29], $0x2800  }
0x23: {  	[sflag:s29] =	ssyncset.done $0x0  }
0x24: {  	[sflag:s29] =	ssyncadd.s32 $0xFFFFD800  }
0x25: {  	_ =	swait.ge [sflag:s31], $0x2800  }
0x26: {  	s0 =	sadd.s32 $0x1, s0;
	s4 =	rddreg [dreg:$0x8]  }
0x27: {  	p0 =	sne.s32 s0, s4  }
.Ltmp1:
0x28: {  	_ = 	snop;
	(pc) =	sbr.rel @!p0 .LBB2_6-.Ltmp1, $3  }
0x29: {  	_ =	sdelay $0x1  }
0x2a: {  	[sflag:s31] =	ssyncset.done $0x0  }
0x2b: {  	[sflag:s31] =	ssyncadd.s32 $0xFFFFD800  }
.LBB2_1:
0x2c: {  	s4 =	rddreg [dreg:$0x5]  }
0x2d: {  	s5 =	rddreg [dreg:$0x6]  }
0x2e: {  	s6 =	rddreg [dreg:$0xa]  }
0x2f: {  	[spmem:s6], [sflag:s5] =	dma.local [hbm:s4], $0x2000  }
0x30: {  	s4 =	rddreg [dreg:$0x7]  }
0x31: {  	[tilespmem:s3], [sflag:$0x9] =	stream.linear.gather [hbm4b:s4+s3], $0x1400, $0x38;
	[tilespmem:$0x1C800] =	vst v63  }
0x32: {  	_ =	swait.ge [sflag:s13], $0x2000  }
0x33: {  	[sflag:s13] =	ssyncset.done $0x0  }
0x34: {  	[sflag:s13] =	ssyncadd.s32 $0xFFFFE000  }
0x35: {  	[bflag:$0x0] =	sbarrier.arrive $0xFFFF  }
0x36: {  	_ =	swait.ge [sflag:s14], $0x1400  }
0x37: {  	[sflag:s14] =	ssyncset.done $0x0  }
0x38: {  	[sflag:s14] =	ssyncadd.s32 $0xFFFFEC00  }
0x39: {  	[tilespmem:s16], [sflag:$0x1] =	stream.indirect.gather [spmem:s2], $0x80, s3, s15, $0xb8;
	[tilespmem:$0x1C800] =	vst v63  }
0x3a: {  	s17 =	simm.s32 $0x80  }
0x3b: {  	[tilespmem:s18], [sflag:$0x2] =	stream.indirect.gather [spmem:s2], $0x80, s17, s15, $0xb8;
	[tilespmem:$0x1C800] =	vst v63  }
0x3c: {  	s19 =	simm.s32 $0x100;
	s21 =	simm.s32 $0x180  }
0x3d: {  	[tilespmem:s20], [sflag:$0x3] =	stream.indirect.gather [spmem:s2], $0x80, s19, s15, $0xb8;
	[tilespmem:$0x1C800] =	vst v63  }
0x3e: {  	s11 =	smov.u32 s1;
	s17 =	simm.s32 $0x0;
	s19 =	simm.s32 $0x0  }
0x3f: {  	[tilespmem:s22], [sflag:$0x4] =	stream.indirect.gather [spmem:s2], $0x80, s21, s15, $0xb8;
	[tilespmem:$0x1C800] =	vst v63  }
.LBB2_2:
0x40: {  	s21 =	sand.u32 $0x1, s19;
	p0 =	seq.s32 s17, $0x57800  }
0x41: {  	s5 =	sxor.u32 @!p0 $0x1, s21  }
0x42: {  	s4 =	smul.u32 @!p0 $0x5000, s5;
	_ =	sdelay $0x1  }
0x43: {  	s6 =	sadd.s32 @!p0 $0x9, s5;
	s5 =	simm.s32 @!p0 $0x0;
	s4 =	sshrl.u32 @!p0 s4, $0x2  }
0x44: {  	[tilespmem:s4], [sflag:s6] =	stream.linear.gather @!p0 [hbm4b:s11+s5], $0x1400, $0x38;
	[tilespmem:$0x1C800] =	vst v63  }
0x45: {  	_ =	swait.ge [sflag:s23], $0x2800  }
0x46: {  	[sflag:s23] =	ssyncset.done $0x0  }
0x47: {  	s9 =	sadd.s32 s17, s10;
	s7 =	smul.u32 $0x5000, s21;
	[sflag:s23] =	ssyncadd.s32 $0xFFFFD800  }
0x48: {  	[hbm4b:s9+s3] =	stream.linear.scatter [tilespmem:s16], [sflag:$0x5], $0x2800, $0x38;
	[tilespmem:$0x1C800] =	vst v63  }
0x49: {  	_ =	swait.ge [sflag:s24], $0x2800  }
0x4a: {  	s7 =	sshrl.u32 s7, $0x2;
	[sflag:s24] =	ssyncset.done $0x0  }
0x4b: {  	s12 =	sor.u32 $0x200, s7;
	[sflag:s24] =	ssyncadd.s32 $0xFFFFD800  }
0x4c: {  	[tilespmem:s16], [sflag:$0x1] =	stream.indirect.gather [spmem:s2], $0x80, s12, s15, $0xb8;
	[tilespmem:$0x1C800] =	vst v63  }
0x4d: {  	_ =	swait.ge [sflag:s25], $0x2800  }
0x4e: {  	[sflag:s25] =	ssyncset.done $0x0  }
0x4f: {  	s12 =	sadd.s32 $0x500, s9;
	[sflag:s25] =	ssyncadd.s32 $0xFFFFD800  }
0x50: {  	[hbm4b:s12+s3] =	stream.linear.scatter [tilespmem:s18], [sflag:$0x6], $0x2800, $0x38;
	[tilespmem:$0x1C800] =	vst v63  }
0x51: {  	_ =	swait.ge [sflag:s26], $0x2800  }
0x52: {  	[sflag:s26] =	ssyncset.done $0x0  }
0x53: {  	s12 =	sor.u32 $0x280, s7;
	[sflag:s26] =	ssyncadd.s32 $0xFFFFD800  }
0x54: {  	[tilespmem:s18], [sflag:$0x2] =	stream.indirect.gather [spmem:s2], $0x80, s12, s15, $0xb8;
	[tilespmem:$0x1C800] =	vst v63  }
0x55: {  	_ =	swait.ge [sflag:s28], $0x2800  }
0x56: {  	[sflag:s28] =	ssyncset.done $0x0  }
0x57: {  	s12 =	sadd.s32 $0xA00, s9;
	[sflag:s28] =	ssyncadd.s32 $0xFFFFD800  }
0x58: {  	[hbm4b:s12+s3] =	stream.linear.scatter [tilespmem:s20], [sflag:$0x7], $0x2800, $0x38;
	[tilespmem:$0x1C800] =	vst v63  }
0x59: {  	_ =	swait.ge [sflag:s29], $0x2800  }
0x5a: {  	[sflag:s29] =	ssyncset.done $0x0  }
0x5b: {  	s12 =	sor.u32 $0x300, s7;
	[sflag:s29] =	ssyncadd.s32 $0xFFFFD800  }
0x5c: {  	[tilespmem:s20], [sflag:$0x3] =	stream.indirect.gather [spmem:s2], $0x80, s12, s15, $0xb8;
	[tilespmem:$0x1C800] =	vst v63  }
0x5d: {  	_ =	swait.ge [sflag:s30], $0x2800  }
0x5e: {  	[sflag:s30] =	ssyncset.done $0x0  }
0x5f: {  	s12 =	sadd.s32 $0xF00, s9;
	[sflag:s30] =	ssyncadd.s32 $0xFFFFD800  }
0x60: {  	[hbm4b:s12+s3] =	stream.linear.scatter [tilespmem:s22], [sflag:$0x8], $0x2800, $0x38;
	[tilespmem:$0x1C800] =	vst v63  }
0x61: {  	_ =	swait.ge [sflag:s31], $0x2800  }
0x62: {  	[sflag:s31] =	ssyncset.done $0x0  }
0x63: {  	s12 =	sor.u32 $0x380, s7;
	[sflag:s31] =	ssyncadd.s32 $0xFFFFD800  }
0x64: {  	[tilespmem:s22], [sflag:$0x4] =	stream.indirect.gather [spmem:s2], $0x80, s12, s15, $0xb8;
	[tilespmem:$0x1C800] =	vst v63  }
0x65: {  	_ =	swait.ge [sflag:s23], $0x2800  }
0x66: {  	[sflag:s23] =	ssyncset.done $0x0  }
0x67: {  	s12 =	sadd.s32 $0x1400, s9;
	[sflag:s23] =	ssyncadd.s32 $0xFFFFD800  }
0x68: {  	[hbm4b:s12+s3] =	stream.linear.scatter [tilespmem:s16], [sflag:$0x5], $0x2800, $0x38;
	[tilespmem:$0x1C800] =	vst v63  }
0x69: {  	_ =	swait.ge [sflag:s24], $0x2800  }
0x6a: {  	[sflag:s24] =	ssyncset.done $0x0  }
0x6b: {  	s12 =	sadd.s32 $0x400, s7;
	[sflag:s24] =	ssyncadd.s32 $0xFFFFD800  }
0x6c: {  	[tilespmem:s16], [sflag:$0x1] =	stream.indirect.gather [spmem:s2], $0x80, s12, s15, $0xb8;
	[tilespmem:$0x1C800] =	vst v63  }
0x6d: {  	_ =	swait.ge [sflag:s25], $0x2800  }
0x6e: {  	[sflag:s25] =	ssyncset.done $0x0  }
0x6f: {  	s12 =	sadd.s32 $0x1900, s9;
	[sflag:s25] =	ssyncadd.s32 $0xFFFFD800  }
0x70: {  	[hbm4b:s12+s3] =	stream.linear.scatter [tilespmem:s18], [sflag:$0x6], $0x2800, $0x38;
	[tilespmem:$0x1C800] =	vst v63  }
0x71: {  	_ =	swait.ge [sflag:s26], $0x2800  }
0x72: {  	[sflag:s26] =	ssyncset.done $0x0  }
0x73: {  	s12 =	sadd.s32 $0x480, s7;
	[sflag:s26] =	ssyncadd.s32 $0xFFFFD800  }
0x74: {  	[tilespmem:s18], [sflag:$0x2] =	stream.indirect.gather [spmem:s2], $0x80, s12, s15, $0xb8;
	[tilespmem:$0x1C800] =	vst v63  }
0x75: {  	_ =	swait.ge [sflag:s28], $0x2800  }
0x76: {  	[sflag:s28] =	ssyncset.done $0x0  }
0x77: {  	s12 =	sadd.s32 $0x1E00, s9;
	[sflag:s28] =	ssyncadd.s32 $0xFFFFD800  }
0x78: {  	[hbm4b:s12+s3] =	stream.linear.scatter [tilespmem:s20], [sflag:$0x7], $0x2800, $0x38;
	[tilespmem:$0x1C800] =	vst v63  }
0x79: {  	_ =	swait.ge [sflag:s29], $0x2800  }
0x7a: {  	[sflag:s29] =	ssyncset.done $0x0  }
0x7b: {  	s12 =	sadd.s32 $0x500, s7;
	[sflag:s29] =	ssyncadd.s32 $0xFFFFD800  }
0x7c: {  	[tilespmem:s20], [sflag:$0x3] =	stream.indirect.gather [spmem:s2], $0x80, s12, s15, $0xb8;
	[tilespmem:$0x1C800] =	vst v63  }
0x7d: {  	_ =	swait.ge [sflag:s30], $0x2800  }
0x7e: {  	[sflag:s30] =	ssyncset.done $0x0  }
0x7f: {  	s12 =	sadd.s32 $0x2300, s9;
	[sflag:s30] =	ssyncadd.s32 $0xFFFFD800  }
0x80: {  	[hbm4b:s12+s3] =	stream.linear.scatter [tilespmem:s22], [sflag:$0x8], $0x2800, $0x38;
	[tilespmem:$0x1C800] =	vst v63  }
0x81: {  	_ =	swait.ge [sflag:s31], $0x2800  }
0x82: {  	[sflag:s31] =	ssyncset.done $0x0  }
0x83: {  	s12 =	sadd.s32 $0x580, s7;
	[sflag:s31] =	ssyncadd.s32 $0xFFFFD800  }
0x84: {  	[tilespmem:s22], [sflag:$0x4] =	stream.indirect.gather [spmem:s2], $0x80, s12, s15, $0xb8;
	[tilespmem:$0x1C800] =	vst v63  }
0x85: {  	_ =	swait.ge [sflag:s23], $0x2800  }
0x86: {  	[sflag:s23] =	ssyncset.done $0x0  }
0x87: {  	s12 =	sadd.s32 $0x2800, s9;
	[sflag:s23] =	ssyncadd.s32 $0xFFFFD800  }
0x88: {  	[hbm4b:s12+s3] =	stream.linear.scatter [tilespmem:s16], [sflag:$0x5], $0x2800, $0x38;
	[tilespmem:$0x1C800] =	vst v63  }
0x89: {  	_ =	swait.ge [sflag:s24], $0x2800  }
0x8a: {  	[sflag:s24] =	ssyncset.done $0x0  }
0x8b: {  	s12 =	sadd.s32 $0x600, s7;
	[sflag:s24] =	ssyncadd.s32 $0xFFFFD800  }
0x8c: {  	[tilespmem:s16], [sflag:$0x1] =	stream.indirect.gather [spmem:s2], $0x80, s12, s15, $0xb8;
	[tilespmem:$0x1C800] =	vst v63  }
0x8d: {  	_ =	swait.ge [sflag:s25], $0x2800  }
0x8e: {  	[sflag:s25] =	ssyncset.done $0x0  }
0x8f: {  	s12 =	sadd.s32 $0x2D00, s9;
	[sflag:s25] =	ssyncadd.s32 $0xFFFFD800  }
0x90: {  	[hbm4b:s12+s3] =	stream.linear.scatter [tilespmem:s18], [sflag:$0x6], $0x2800, $0x38;
	[tilespmem:$0x1C800] =	vst v63  }
0x91: {  	_ =	swait.ge [sflag:s26], $0x2800  }
0x92: {  	[sflag:s26] =	ssyncset.done $0x0  }
0x93: {  	s12 =	sadd.s32 $0x680, s7;
	[sflag:s26] =	ssyncadd.s32 $0xFFFFD800  }
0x94: {  	[tilespmem:s18], [sflag:$0x2] =	stream.indirect.gather [spmem:s2], $0x80, s12, s15, $0xb8;
	[tilespmem:$0x1C800] =	vst v63  }
0x95: {  	_ =	swait.ge [sflag:s28], $0x2800  }
0x96: {  	[sflag:s28] =	ssyncset.done $0x0  }
0x97: {  	s12 =	sadd.s32 $0x3200, s9;
	[sflag:s28] =	ssyncadd.s32 $0xFFFFD800  }
0x98: {  	[hbm4b:s12+s3] =	stream.linear.scatter [tilespmem:s20], [sflag:$0x7], $0x2800, $0x38;
	[tilespmem:$0x1C800] =	vst v63  }
0x99: {  	_ =	swait.ge [sflag:s29], $0x2800  }
0x9a: {  	[sflag:s29] =	ssyncset.done $0x0  }
0x9b: {  	s12 =	sadd.s32 $0x700, s7;
	[sflag:s29] =	ssyncadd.s32 $0xFFFFD800  }
0x9c: {  	[tilespmem:s20], [sflag:$0x3] =	stream.indirect.gather [spmem:s2], $0x80, s12, s15, $0xb8;
	[tilespmem:$0x1C800] =	vst v63  }
0x9d: {  	_ =	swait.ge [sflag:s30], $0x2800  }
0x9e: {  	[sflag:s30] =	ssyncset.done $0x0  }
0x9f: {  	s12 =	sadd.s32 $0x3700, s9;
	[sflag:s30] =	ssyncadd.s32 $0xFFFFD800  }
0xa0: {  	[hbm4b:s12+s3] =	stream.linear.scatter [tilespmem:s22], [sflag:$0x8], $0x2800, $0x38;
	[tilespmem:$0x1C800] =	vst v63  }
0xa1: {  	_ =	swait.ge [sflag:s31], $0x2800  }
0xa2: {  	[sflag:s31] =	ssyncset.done $0x0  }
0xa3: {  	s12 =	sadd.s32 $0x780, s7;
	[sflag:s31] =	ssyncadd.s32 $0xFFFFD800  }
0xa4: {  	[tilespmem:s22], [sflag:$0x4] =	stream.indirect.gather [spmem:s2], $0x80, s12, s15, $0xb8;
	[tilespmem:$0x1C800] =	vst v63  }
0xa5: {  	_ =	swait.ge [sflag:s23], $0x2800  }
0xa6: {  	[sflag:s23] =	ssyncset.done $0x0  }
0xa7: {  	s12 =	sadd.s32 $0x3C00, s9;
	[sflag:s23] =	ssyncadd.s32 $0xFFFFD800  }
0xa8: {  	[hbm4b:s12+s3] =	stream.linear.scatter [tilespmem:s16], [sflag:$0x5], $0x2800, $0x38;
	[tilespmem:$0x1C800] =	vst v63  }
0xa9: {  	_ =	swait.ge [sflag:s24], $0x2800  }
0xaa: {  	[sflag:s24] =	ssyncset.done $0x0  }
0xab: {  	s12 =	sadd.s32 $0x800, s7;
	[sflag:s24] =	ssyncadd.s32 $0xFFFFD800  }
0xac: {  	[tilespmem:s16], [sflag:$0x1] =	stream.indirect.gather [spmem:s2], $0x80, s12, s15, $0xb8;
	[tilespmem:$0x1C800] =	vst v63  }
0xad: {  	_ =	swait.ge [sflag:s25], $0x2800  }
0xae: {  	[sflag:s25] =	ssyncset.done $0x0  }
0xaf: {  	s12 =	sadd.s32 $0x4100, s9;
	[sflag:s25] =	ssyncadd.s32 $0xFFFFD800  }
0xb0: {  	[hbm4b:s12+s3] =	stream.linear.scatter [tilespmem:s18], [sflag:$0x6], $0x2800, $0x38;
	[tilespmem:$0x1C800] =	vst v63  }
0xb1: {  	_ =	swait.ge [sflag:s26], $0x2800  }
0xb2: {  	[sflag:s26] =	ssyncset.done $0x0  }
0xb3: {  	s12 =	sadd.s32 $0x880, s7;
	[sflag:s26] =	ssyncadd.s32 $0xFFFFD800  }
0xb4: {  	[tilespmem:s18], [sflag:$0x2] =	stream.indirect.gather [spmem:s2], $0x80, s12, s15, $0xb8;
	[tilespmem:$0x1C800] =	vst v63  }
0xb5: {  	_ =	swait.ge [sflag:s28], $0x2800  }
0xb6: {  	[sflag:s28] =	ssyncset.done $0x0  }
0xb7: {  	s12 =	sadd.s32 $0x4600, s9;
	[sflag:s28] =	ssyncadd.s32 $0xFFFFD800  }
0xb8: {  	[hbm4b:s12+s3] =	stream.linear.scatter [tilespmem:s20], [sflag:$0x7], $0x2800, $0x38;
	[tilespmem:$0x1C800] =	vst v63  }
0xb9: {  	_ =	swait.ge [sflag:s29], $0x2800  }
0xba: {  	[sflag:s29] =	ssyncset.done $0x0  }
0xbb: {  	s12 =	sadd.s32 $0x900, s7;
	[sflag:s29] =	ssyncadd.s32 $0xFFFFD800  }
0xbc: {  	[tilespmem:s20], [sflag:$0x3] =	stream.indirect.gather [spmem:s2], $0x80, s12, s15, $0xb8;
	[tilespmem:$0x1C800] =	vst v63  }
0xbd: {  	_ =	swait.ge [sflag:s30], $0x2800  }
0xbe: {  	[sflag:s30] =	ssyncset.done $0x0  }
0xbf: {  	s12 =	sadd.s32 $0x4B00, s9;
	[sflag:s30] =	ssyncadd.s32 $0xFFFFD800  }
0xc0: {  	[hbm4b:s12+s3] =	stream.linear.scatter [tilespmem:s22], [sflag:$0x8], $0x2800, $0x38;
	[tilespmem:$0x1C800] =	vst v63  }
0xc1: {  	_ =	swait.ge [sflag:s31], $0x2800  }
0xc2: {  	[sflag:s31] =	ssyncset.done $0x0  }
0xc3: {  	s12 =	sadd.s32 $0x980, s7;
	[sflag:s31] =	ssyncadd.s32 $0xFFFFD800  }
0xc4: {  	[tilespmem:s22], [sflag:$0x4] =	stream.indirect.gather [spmem:s2], $0x80, s12, s15, $0xb8;
	[tilespmem:$0x1C800] =	vst v63  }
0xc5: {  	_ =	swait.ge [sflag:s23], $0x2800  }
0xc6: {  	[sflag:s23] =	ssyncset.done $0x0  }
0xc7: {  	s12 =	sadd.s32 $0x5000, s9;
	[sflag:s23] =	ssyncadd.s32 $0xFFFFD800  }
0xc8: {  	[hbm4b:s12+s3] =	stream.linear.scatter [tilespmem:s16], [sflag:$0x5], $0x2800, $0x38;
	[tilespmem:$0x1C800] =	vst v63  }
0xc9: {  	_ =	swait.ge [sflag:s24], $0x2800  }
0xca: {  	[sflag:s24] =	ssyncset.done $0x0  }
0xcb: {  	s12 =	sadd.s32 $0xA00, s7;
	[sflag:s24] =	ssyncadd.s32 $0xFFFFD800  }
0xcc: {  	[tilespmem:s16], [sflag:$0x1] =	stream.indirect.gather [spmem:s2], $0x80, s12, s15, $0xb8;
	[tilespmem:$0x1C800] =	vst v63  }
0xcd: {  	_ =	swait.ge [sflag:s25], $0x2800  }
0xce: {  	[sflag:s25] =	ssyncset.done $0x0  }
0xcf: {  	s12 =	sadd.s32 $0x5500, s9;
	[sflag:s25] =	ssyncadd.s32 $0xFFFFD800  }
0xd0: {  	[hbm4b:s12+s3] =	stream.linear.scatter [tilespmem:s18], [sflag:$0x6], $0x2800, $0x38;
	[tilespmem:$0x1C800] =	vst v63  }
0xd1: {  	_ =	swait.ge [sflag:s26], $0x2800  }
0xd2: {  	[sflag:s26] =	ssyncset.done $0x0  }
0xd3: {  	s12 =	sadd.s32 $0xA80, s7;
	[sflag:s26] =	ssyncadd.s32 $0xFFFFD800  }
0xd4: {  	[tilespmem:s18], [sflag:$0x2] =	stream.indirect.gather [spmem:s2], $0x80, s12, s15, $0xb8;
	[tilespmem:$0x1C800] =	vst v63  }
0xd5: {  	_ =	swait.ge [sflag:s28], $0x2800  }
0xd6: {  	[sflag:s28] =	ssyncset.done $0x0  }
0xd7: {  	s12 =	sadd.s32 $0x5A00, s9;
	[sflag:s28] =	ssyncadd.s32 $0xFFFFD800  }
0xd8: {  	[hbm4b:s12+s3] =	stream.linear.scatter [tilespmem:s20], [sflag:$0x7], $0x2800, $0x38;
	[tilespmem:$0x1C800] =	vst v63  }
0xd9: {  	_ =	swait.ge [sflag:s29], $0x2800  }
0xda: {  	[sflag:s29] =	ssyncset.done $0x0  }
0xdb: {  	s12 =	sadd.s32 $0xB00, s7;
	[sflag:s29] =	ssyncadd.s32 $0xFFFFD800  }
0xdc: {  	[tilespmem:s20], [sflag:$0x3] =	stream.indirect.gather [spmem:s2], $0x80, s12, s15, $0xb8;
	[tilespmem:$0x1C800] =	vst v63  }
0xdd: {  	_ =	swait.ge [sflag:s30], $0x2800  }
0xde: {  	[sflag:s30] =	ssyncset.done $0x0  }
0xdf: {  	s12 =	sadd.s32 $0x5F00, s9;
	[sflag:s30] =	ssyncadd.s32 $0xFFFFD800  }
0xe0: {  	[hbm4b:s12+s3] =	stream.linear.scatter [tilespmem:s22], [sflag:$0x8], $0x2800, $0x38;
	[tilespmem:$0x1C800] =	vst v63  }
0xe1: {  	_ =	swait.ge [sflag:s31], $0x2800  }
0xe2: {  	[sflag:s31] =	ssyncset.done $0x0  }
0xe3: {  	s12 =	sadd.s32 $0xB80, s7;
	[sflag:s31] =	ssyncadd.s32 $0xFFFFD800  }
0xe4: {  	[tilespmem:s22], [sflag:$0x4] =	stream.indirect.gather [spmem:s2], $0x80, s12, s15, $0xb8;
	[tilespmem:$0x1C800] =	vst v63  }
0xe5: {  	_ =	swait.ge [sflag:s23], $0x2800  }
0xe6: {  	[sflag:s23] =	ssyncset.done $0x0  }
0xe7: {  	s12 =	sadd.s32 $0x6400, s9;
	[sflag:s23] =	ssyncadd.s32 $0xFFFFD800  }
0xe8: {  	[hbm4b:s12+s3] =	stream.linear.scatter [tilespmem:s16], [sflag:$0x5], $0x2800, $0x38;
	[tilespmem:$0x1C800] =	vst v63  }
0xe9: {  	_ =	swait.ge [sflag:s24], $0x2800  }
0xea: {  	[sflag:s24] =	ssyncset.done $0x0  }
0xeb: {  	s12 =	sadd.s32 $0xC00, s7;
	[sflag:s24] =	ssyncadd.s32 $0xFFFFD800  }
0xec: {  	[tilespmem:s16], [sflag:$0x1] =	stream.indirect.gather [spmem:s2], $0x80, s12, s15, $0xb8;
	[tilespmem:$0x1C800] =	vst v63  }
0xed: {  	_ =	swait.ge [sflag:s25], $0x2800  }
0xee: {  	[sflag:s25] =	ssyncset.done $0x0  }
0xef: {  	s12 =	sadd.s32 $0x6900, s9;
	[sflag:s25] =	ssyncadd.s32 $0xFFFFD800  }
0xf0: {  	[hbm4b:s12+s3] =	stream.linear.scatter [tilespmem:s18], [sflag:$0x6], $0x2800, $0x38;
	[tilespmem:$0x1C800] =	vst v63  }
0xf1: {  	_ =	swait.ge [sflag:s26], $0x2800  }
0xf2: {  	[sflag:s26] =	ssyncset.done $0x0  }
0xf3: {  	s12 =	sadd.s32 $0xC80, s7;
	[sflag:s26] =	ssyncadd.s32 $0xFFFFD800  }
0xf4: {  	[tilespmem:s18], [sflag:$0x2] =	stream.indirect.gather [spmem:s2], $0x80, s12, s15, $0xb8;
	[tilespmem:$0x1C800] =	vst v63  }
0xf5: {  	_ =	swait.ge [sflag:s28], $0x2800  }
0xf6: {  	[sflag:s28] =	ssyncset.done $0x0  }
0xf7: {  	s12 =	sadd.s32 $0x6E00, s9;
	[sflag:s28] =	ssyncadd.s32 $0xFFFFD800  }
0xf8: {  	[hbm4b:s12+s3] =	stream.linear.scatter [tilespmem:s20], [sflag:$0x7], $0x2800, $0x38;
	[tilespmem:$0x1C800] =	vst v63  }
0xf9: {  	_ =	swait.ge [sflag:s29], $0x2800  }
0xfa: {  	[sflag:s29] =	ssyncset.done $0x0  }
0xfb: {  	s12 =	sadd.s32 $0xD00, s7;
	[sflag:s29] =	ssyncadd.s32 $0xFFFFD800  }
0xfc: {  	[tilespmem:s20], [sflag:$0x3] =	stream.indirect.gather [spmem:s2], $0x80, s12, s15, $0xb8;
	[tilespmem:$0x1C800] =	vst v63  }
0xfd: {  	_ =	swait.ge [sflag:s30], $0x2800  }
0xfe: {  	[sflag:s30] =	ssyncset.done $0x0  }
0xff: {  	s12 =	sadd.s32 $0x7300, s9;
	[sflag:s30] =	ssyncadd.s32 $0xFFFFD800  }
0x100: {  	[hbm4b:s12+s3] =	stream.linear.scatter [tilespmem:s22], [sflag:$0x8], $0x2800, $0x38;
	[tilespmem:$0x1C800] =	vst v63  }
0x101: {  	_ =	swait.ge [sflag:s31], $0x2800  }
0x102: {  	[sflag:s31] =	ssyncset.done $0x0  }
0x103: {  	s12 =	sadd.s32 $0xD80, s7;
	[sflag:s31] =	ssyncadd.s32 $0xFFFFD800  }
0x104: {  	[tilespmem:s22], [sflag:$0x4] =	stream.indirect.gather [spmem:s2], $0x80, s12, s15, $0xb8;
	[tilespmem:$0x1C800] =	vst v63  }
0x105: {  	_ =	swait.ge [sflag:s23], $0x2800  }
0x106: {  	[sflag:s23] =	ssyncset.done $0x0  }
0x107: {  	s12 =	sadd.s32 $0x7800, s9;
	[sflag:s23] =	ssyncadd.s32 $0xFFFFD800  }
0x108: {  	[hbm4b:s12+s3] =	stream.linear.scatter [tilespmem:s16], [sflag:$0x5], $0x2800, $0x38;
	[tilespmem:$0x1C800] =	vst v63  }
0x109: {  	_ =	swait.ge [sflag:s24], $0x2800  }
0x10a: {  	[sflag:s24] =	ssyncset.done $0x0  }
0x10b: {  	s12 =	sadd.s32 $0xE00, s7;
	[sflag:s24] =	ssyncadd.s32 $0xFFFFD800  }
0x10c: {  	[tilespmem:s16], [sflag:$0x1] =	stream.indirect.gather [spmem:s2], $0x80, s12, s15, $0xb8;
	[tilespmem:$0x1C800] =	vst v63  }
0x10d: {  	_ =	swait.ge [sflag:s25], $0x2800  }
0x10e: {  	[sflag:s25] =	ssyncset.done $0x0  }
0x10f: {  	s12 =	sadd.s32 $0x7D00, s9;
	[sflag:s25] =	ssyncadd.s32 $0xFFFFD800  }
0x110: {  	[hbm4b:s12+s3] =	stream.linear.scatter [tilespmem:s18], [sflag:$0x6], $0x2800, $0x38;
	[tilespmem:$0x1C800] =	vst v63  }
0x111: {  	_ =	swait.ge [sflag:s26], $0x2800  }
0x112: {  	[sflag:s26] =	ssyncset.done $0x0  }
0x113: {  	s12 =	sadd.s32 $0xE80, s7;
	[sflag:s26] =	ssyncadd.s32 $0xFFFFD800  }
0x114: {  	[tilespmem:s18], [sflag:$0x2] =	stream.indirect.gather [spmem:s2], $0x80, s12, s15, $0xb8;
	[tilespmem:$0x1C800] =	vst v63  }
0x115: {  	_ =	swait.ge [sflag:s28], $0x2800  }
0x116: {  	[sflag:s28] =	ssyncset.done $0x0  }
0x117: {  	s12 =	sadd.s32 $0x8200, s9;
	[sflag:s28] =	ssyncadd.s32 $0xFFFFD800  }
0x118: {  	[hbm4b:s12+s3] =	stream.linear.scatter [tilespmem:s20], [sflag:$0x7], $0x2800, $0x38;
	[tilespmem:$0x1C800] =	vst v63  }
0x119: {  	_ =	swait.ge [sflag:s29], $0x2800  }
0x11a: {  	[sflag:s29] =	ssyncset.done $0x0  }
0x11b: {  	s12 =	sadd.s32 $0xF00, s7;
	[sflag:s29] =	ssyncadd.s32 $0xFFFFD800  }
0x11c: {  	[tilespmem:s20], [sflag:$0x3] =	stream.indirect.gather [spmem:s2], $0x80, s12, s15, $0xb8;
	[tilespmem:$0x1C800] =	vst v63  }
0x11d: {  	_ =	swait.ge [sflag:s30], $0x2800  }
0x11e: {  	[sflag:s30] =	ssyncset.done $0x0  }
0x11f: {  	s12 =	sadd.s32 $0x8700, s9;
	[sflag:s30] =	ssyncadd.s32 $0xFFFFD800  }
0x120: {  	[hbm4b:s12+s3] =	stream.linear.scatter [tilespmem:s22], [sflag:$0x8], $0x2800, $0x38;
	[tilespmem:$0x1C800] =	vst v63  }
0x121: {  	_ =	swait.ge [sflag:s31], $0x2800  }
0x122: {  	[sflag:s31] =	ssyncset.done $0x0  }
0x123: {  	s12 =	sadd.s32 $0xF80, s7;
	[sflag:s31] =	ssyncadd.s32 $0xFFFFD800  }
0x124: {  	[tilespmem:s22], [sflag:$0x4] =	stream.indirect.gather [spmem:s2], $0x80, s12, s15, $0xb8;
	[tilespmem:$0x1C800] =	vst v63  }
0x125: {  	_ =	swait.ge [sflag:s23], $0x2800  }
0x126: {  	[sflag:s23] =	ssyncset.done $0x0  }
0x127: {  	s12 =	sadd.s32 $0x8C00, s9;
	[sflag:s23] =	ssyncadd.s32 $0xFFFFD800  }
0x128: {  	[hbm4b:s12+s3] =	stream.linear.scatter [tilespmem:s16], [sflag:$0x5], $0x2800, $0x38;
	[tilespmem:$0x1C800] =	vst v63  }
0x129: {  	_ =	swait.ge [sflag:s24], $0x2800  }
0x12a: {  	[sflag:s24] =	ssyncset.done $0x0  }
0x12b: {  	s12 =	sadd.s32 $0x1000, s7;
	[sflag:s24] =	ssyncadd.s32 $0xFFFFD800  }
0x12c: {  	[tilespmem:s16], [sflag:$0x1] =	stream.indirect.gather [spmem:s2], $0x80, s12, s15, $0xb8;
	[tilespmem:$0x1C800] =	vst v63  }
0x12d: {  	_ =	swait.ge [sflag:s25], $0x2800  }
0x12e: {  	[sflag:s25] =	ssyncset.done $0x0  }
0x12f: {  	s12 =	sadd.s32 $0x9100, s9;
	[sflag:s25] =	ssyncadd.s32 $0xFFFFD800  }
0x130: {  	[hbm4b:s12+s3] =	stream.linear.scatter [tilespmem:s18], [sflag:$0x6], $0x2800, $0x38;
	[tilespmem:$0x1C800] =	vst v63  }
0x131: {  	_ =	swait.ge [sflag:s26], $0x2800  }
0x132: {  	[sflag:s26] =	ssyncset.done $0x0  }
0x133: {  	s12 =	sadd.s32 $0x1080, s7;
	[sflag:s26] =	ssyncadd.s32 $0xFFFFD800  }
0x134: {  	[tilespmem:s18], [sflag:$0x2] =	stream.indirect.gather [spmem:s2], $0x80, s12, s15, $0xb8;
	[tilespmem:$0x1C800] =	vst v63  }
0x135: {  	_ =	swait.ge [sflag:s28], $0x2800  }
0x136: {  	[sflag:s28] =	ssyncset.done $0x0  }
0x137: {  	s12 =	sadd.s32 $0x9600, s9;
	[sflag:s28] =	ssyncadd.s32 $0xFFFFD800  }
0x138: {  	[hbm4b:s12+s3] =	stream.linear.scatter [tilespmem:s20], [sflag:$0x7], $0x2800, $0x38;
	[tilespmem:$0x1C800] =	vst v63  }
0x139: {  	_ =	swait.ge [sflag:s29], $0x2800  }
0x13a: {  	[sflag:s29] =	ssyncset.done $0x0  }
0x13b: {  	s12 =	sadd.s32 $0x1100, s7;
	[sflag:s29] =	ssyncadd.s32 $0xFFFFD800  }
0x13c: {  	[tilespmem:s20], [sflag:$0x3] =	stream.indirect.gather [spmem:s2], $0x80, s12, s15, $0xb8;
	[tilespmem:$0x1C800] =	vst v63  }
0x13d: {  	_ =	swait.ge [sflag:s30], $0x2800  }
0x13e: {  	[sflag:s30] =	ssyncset.done $0x0  }
0x13f: {  	s12 =	sadd.s32 $0x9B00, s9;
	[sflag:s30] =	ssyncadd.s32 $0xFFFFD800  }
0x140: {  	[hbm4b:s12+s3] =	stream.linear.scatter [tilespmem:s22], [sflag:$0x8], $0x2800, $0x38;
	[tilespmem:$0x1C800] =	vst v63  }
0x141: {  	_ =	swait.ge [sflag:s31], $0x2800  }
0x142: {  	[sflag:s31] =	ssyncset.done $0x0  }
0x143: {  	s12 =	sadd.s32 $0x1180, s7;
	[sflag:s31] =	ssyncadd.s32 $0xFFFFD800  }
0x144: {  	[tilespmem:s22], [sflag:$0x4] =	stream.indirect.gather [spmem:s2], $0x80, s12, s15, $0xb8;
	[tilespmem:$0x1C800] =	vst v63  }
0x145: {  	_ =	swait.ge [sflag:s23], $0x2800  }
0x146: {  	[sflag:s23] =	ssyncset.done $0x0  }
0x147: {  	s12 =	sadd.s32 $0xA000, s9;
	[sflag:s23] =	ssyncadd.s32 $0xFFFFD800  }
0x148: {  	[hbm4b:s12+s3] =	stream.linear.scatter [tilespmem:s16], [sflag:$0x5], $0x2800, $0x38;
	[tilespmem:$0x1C800] =	vst v63  }
0x149: {  	_ =	swait.ge [sflag:s24], $0x2800  }
0x14a: {  	[sflag:s24] =	ssyncset.done $0x0  }
0x14b: {  	s12 =	sadd.s32 $0x1200, s7;
	[sflag:s24] =	ssyncadd.s32 $0xFFFFD800  }
0x14c: {  	[tilespmem:s16], [sflag:$0x1] =	stream.indirect.gather [spmem:s2], $0x80, s12, s15, $0xb8;
	[tilespmem:$0x1C800] =	vst v63  }
0x14d: {  	_ =	swait.ge [sflag:s25], $0x2800  }
0x14e: {  	[sflag:s25] =	ssyncset.done $0x0  }
0x14f: {  	s12 =	sadd.s32 $0xA500, s9;
	[sflag:s25] =	ssyncadd.s32 $0xFFFFD800  }
0x150: {  	[hbm4b:s12+s3] =	stream.linear.scatter [tilespmem:s18], [sflag:$0x6], $0x2800, $0x38;
	[tilespmem:$0x1C800] =	vst v63  }
0x151: {  	_ =	swait.ge [sflag:s26], $0x2800  }
0x152: {  	[sflag:s26] =	ssyncset.done $0x0  }
0x153: {  	s12 =	sadd.s32 $0x1280, s7;
	[sflag:s26] =	ssyncadd.s32 $0xFFFFD800  }
0x154: {  	[tilespmem:s18], [sflag:$0x2] =	stream.indirect.gather [spmem:s2], $0x80, s12, s15, $0xb8;
	[tilespmem:$0x1C800] =	vst v63  }
0x155: {  	_ =	swait.ge [sflag:s28], $0x2800  }
0x156: {  	[sflag:s28] =	ssyncset.done $0x0  }
0x157: {  	s12 =	sadd.s32 $0xAA00, s9;
	[sflag:s28] =	ssyncadd.s32 $0xFFFFD800  }
0x158: {  	[hbm4b:s12+s3] =	stream.linear.scatter [tilespmem:s20], [sflag:$0x7], $0x2800, $0x38;
	[tilespmem:$0x1C800] =	vst v63  }
0x159: {  	_ =	swait.ge [sflag:s29], $0x2800  }
0x15a: {  	[sflag:s29] =	ssyncset.done $0x0  }
0x15b: {  	s12 =	sadd.s32 $0x1300, s7;
	[sflag:s29] =	ssyncadd.s32 $0xFFFFD800  }
0x15c: {  	[tilespmem:s20], [sflag:$0x3] =	stream.indirect.gather [spmem:s2], $0x80, s12, s15, $0xb8;
	[tilespmem:$0x1C800] =	vst v63  }
0x15d: {  	_ =	swait.ge [sflag:s30], $0x2800  }
0x15e: {  	[sflag:s30] =	ssyncset.done $0x0  }
0x15f: {  	s12 =	sadd.s32 $0xAF00, s9;
	[sflag:s30] =	ssyncadd.s32 $0xFFFFD800  }
0x160: {  	[hbm4b:s12+s3] =	stream.linear.scatter [tilespmem:s22], [sflag:$0x8], $0x2800, $0x38;
	[tilespmem:$0x1C800] =	vst v63  }
0x161: {  	_ =	swait.ge [sflag:s31], $0x2800  }
0x162: {  	[sflag:s31] =	ssyncset.done $0x0  }
0x163: {  	s7 =	sadd.s32 $0x1380, s7;
	[sflag:s31] =	ssyncadd.s32 $0xFFFFD800  }
0x164: {  	[tilespmem:s22], [sflag:$0x4] =	stream.indirect.gather [spmem:s2], $0x80, s7, s15, $0xb8;
	[tilespmem:$0x1C800] =	vst v63  }
0x165: {  	_ =	swait.ge [sflag:s23], $0x2800  }
0x166: {  	[sflag:s23] =	ssyncset.done $0x0  }
0x167: {  	s12 =	sadd.s32 $0xB400, s9;
	s7 =	simm.s32 @p0 $0x2;
	[sflag:s23] =	ssyncadd.s32 $0xFFFFD800  }
0x168: {  	[hbm4b:s12+s3] =	stream.linear.scatter [tilespmem:s16], [sflag:$0x5], $0x2800, $0x38;
	[tilespmem:$0x1C800] =	vst v63  }
0x169: {  	_ =	swait.ge @p0 [sflag:s7], $0x2800  }
0x16a: {  	[sflag:s7] =	ssyncset.done @p0 $0x0  }
0x16b: {  	s12 =	simm.s32 @p0 $0x5000;
	[sflag:s7] =	ssyncadd.s32 @p0 $0xFFFFD800;
	s7 =	simm.s32 @p0 $0x0  }
0x16c: {  	[hbm4b:s8+s7] =	stream.linear.scatter @p0 [tilespmem:s12], [sflag:$0x6], $0x2800, $0x38;
	[tilespmem:$0x1C800] =	vst v63  }
0x16d: {  	_ =	swait.ge @!p0 [sflag:s6], $0x1400  }
0x16e: {  	[sflag:s6] =	ssyncset.done @!p0 $0x0  }
0x16f: {  	[sflag:s6] =	ssyncadd.s32 @!p0 $0xFFFFEC00;
	s6 =	simm.s32 @!p0 $0x5  }
0x170: {  	_ =	swait.ge @!p0 [sflag:s6], $0x2800  }
0x171: {  	[sflag:s6] =	ssyncset.done @!p0 $0x0  }
0x172: {  	s7 =	simm.s32 @!p0 $0x2800;
	[sflag:s6] =	ssyncadd.s32 @!p0 $0xFFFFD800;
	s6 =	simm.s32 @!p0 $0x50  }
0x173: {  	[tilespmem:s7], [sflag:$0x1] =	stream.indirect.gather @!p0 [spmem:s2], $0x80, s4, s6, $0xb8;
	[tilespmem:$0x1C800] =	vst v63  }
0x174: {  	s7 =	simm.s32 @!p0 $0x2  }
0x175: {  	_ =	swait.ge @!p0 [sflag:s7], $0x2800  }
0x176: {  	s12 =	sadd.s32 @!p0 s17, s10;
	[sflag:s7] =	ssyncset.done @!p0 $0x0  }
0x177: {  	[sflag:s7] =	ssyncadd.s32 @!p0 $0xFFFFD800;
	s7 =	sadd.s32 @!p0 $0xB900, s12;
	s12 =	simm.s32 @!p0 $0x5000  }
0x178: {  	[hbm4b:s7+s5] =	stream.linear.scatter @!p0 [tilespmem:s12], [sflag:$0x6], $0x2800, $0x38;
	[tilespmem:$0x1C800] =	vst v63  }
0x179: {  	s5 =	simm.s32 @!p0 $0x6  }
0x17a: {  	_ =	swait.ge @!p0 [sflag:s5], $0x2800  }
0x17b: {  	[sflag:s5] =	ssyncset.done @!p0 $0x0  }
0x17c: {  	s4 =	sor.u32 @!p0 $0x80, s4;
	[sflag:s5] =	ssyncadd.s32 @!p0 $0xFFFFD800  }
0x17d: {  	[tilespmem:s12], [sflag:$0x2] =	stream.indirect.gather @!p0 [spmem:s2], $0x80, s4, s6, $0xb8;
	[tilespmem:$0x1C800] =	vst v63  }
0x17e: {  	p0 =	sne.s32 s17, $0x57800  }
.Ltmp2:
0x17f: {  	_ = 	snop;
	(pc) =	sbr.rel @!p0 .LBB2_3-.Ltmp2, $4  }
0x180: {  	_ =	swait.ge [sflag:s28], $0x2800  }
0x181: {  	[sflag:s28] =	ssyncset.done $0x0  }
0x182: {  	s12 =	sadd.s32 $0xBE00, s9;
	[sflag:s28] =	ssyncadd.s32 $0xFFFFD800  }
0x183: {  	[hbm4b:s12+s3] =	stream.linear.scatter [tilespmem:s20], [sflag:$0x7], $0x2800, $0x38;
	[tilespmem:$0x1C800] =	vst v63  }
0x184: {  	s4 =	sxor.u32 $0x1, s21  }
0x185: {  	s4 =	smul.u32 $0x5000, s4  }
0x186: {  	_ =	swait.ge [sflag:s29], $0x2800  }
0x187: {  	[sflag:s29] =	ssyncset.done $0x0;
	s4 =	sshrl.u32 s4, $0x2  }
0x188: {  	[sflag:s29] =	ssyncadd.s32 $0xFFFFD800;
	s5 =	sor.u32 $0x100, s4  }
0x189: {  	[tilespmem:s20], [sflag:$0x3] =	stream.indirect.gather [spmem:s2], $0x80, s5, s15, $0xb8;
	[tilespmem:$0x1C800] =	vst v63  }
0x18a: {  	_ =	swait.ge [sflag:s30], $0x2800  }
0x18b: {  	s17 =	sadd.s32 $0xC800, s17;
	[sflag:s30] =	ssyncset.done $0x0  }
0x18c: {  	s21 =	sadd.s32 $0xC300, s9;
	p0 =	sne.s32 s17, $0x64000;
	[sflag:s30] =	ssyncadd.s32 $0xFFFFD800  }
0x18d: {  	[hbm4b:s21+s3] =	stream.linear.scatter [tilespmem:s22], [sflag:$0x8], $0x2800, $0x38;
	[tilespmem:$0x1C800] =	vst v63  }
.Ltmp3:
0x18e: {  	_ = 	snop;
	(pc) =	sbr.rel @p0 .LBB2_2-.Ltmp3, $4  }
.Ltmp4:
0x18f: {  	_ =	swait.ge [sflag:s31], $0x2800;
	(pc) =	sbr.rel @!p0 .LBB2_5-.Ltmp4, $4  }
0x190: {  	s11 =	sadd.s32 $0x280, s11;
	[sflag:s31] =	ssyncset.done $0x0  }
0x191: {  	s19 =	sadd.s32 $0x1, s19;
	s4 =	sor.u32 $0x180, s4;
	[sflag:s31] =	ssyncadd.s32 $0xFFFFD800  }
0x192: {  	[tilespmem:s22], [sflag:$0x4] =	stream.indirect.gather [spmem:s2], $0x80, s4, s15, $0xb8;
	[tilespmem:$0x1C800] =	vst v63  }
0x193: {  	_ = 	snop  }
.LBB2_6:
0x194: {  	_ =	sfence.sel $0x180000  }
0x195: {  	[bflag:$0x0] =	sbarrier.arrive $0xFFFF  }
0x196: {  	_ =	strace $0x90000047  }
0x197: {  	s0 =	stileid.u32;
	[bflag:$0x2] =	sbarrier.arrive $0xFFFF  }
0x198: {  	p0 =	sne.s32 s0, $0x0;
	s0 =	rddreg [dreg:$0x4]  }
0x199: {  	s0 =	sadd.s32 @!p0 $0x100000, s0  }
0x19a: {  	[sflag:s0] =	ssyncadd.tile.s32 @!p0 $0x1;
	_ =	shalt  }
.Lfunc_end2:
_tile_overlayer_lowered:
.L_overlay_start_2:
0x19b: {  	(tag) =	ssettag $0x2  }
0x19c: {  	s0 =	rddreg [dreg:$0x0];
	s2 =	stileid.u32  }
0x19d: {  	s1 =	rddreg [dreg:$0x1];
	p0 =	sne.s32 s2, $0x0  }
0x19e: {  	s3 =	rddreg [dreg:$0x2];
	[bflag:$0x3] =	sbarrier.arrive $0xFFFF;
	s2 =	simm.s32 @!p0 $0x1C0C  }
0x19f: {  	[timem:s3], [sflag:s2] =	dma.local @!p0 [hbm:s0], s1  }
0x1a0: {  	s0 =	simm.s32 @!p0 $0xC  }
0x1a1: {  	_ =	swait.ge @!p0 [sflag:s0], s1  }
0x1a2: {  	s1 =	ssub.s32 @!p0 $0x0, s1;
	[sflag:s0] =	ssyncset.done @!p0 $0x0  }
0x1a3: {  	[sflag:s0] =	ssyncadd.s32 @!p0 s1  }
0x1a4: {  	[bflag:$0x3] =	sbarrier.arrive $0xFFFF  }
0x1a5: {  	_ =	shalt  }

</sc_bundles>
